<compile_context>
chip_gen: v7x
topology: tpu7x:2x2x1
jax: 0.10.2.dev20260603
libtpu: 0.0.44.dev20260713+nightly
codegen_flags: <defaults>
</compile_context>

<pallas_src>
import functools

import jax
import jax.numpy as jnp
from jax import lax
from jax.experimental import pallas as pl
from jax.experimental.pallas import tpu as pltpu
from jax.experimental.pallas import tpu_sc as plsc

B = 16384
NS = 26
ND = 13
D = 32
NF = NS + ND

NC = 2
NSUB = 16
NW = NC * NSUB

SP_TOT = B * NS
BW = B // NW
CB = 32
CH = CB * NS
NQ = BW // CB

VOCAB = 1000000
CHV = 8192
QV = CHV // 4
VGRID = (VOCAB + CHV - 1) // CHV
VPAD = VGRID * CHV

FT = NF * 4
FTS = NS * 4


def _pack_body(xt_ref, o_ref):
    x = xt_ref[...]
    acc = None
    for a in range(4):
        xa = x[:, a * QV:(a + 1) * QV]
        rr = jax.lax.broadcasted_iota(jnp.int32, (D, 128), 0)
        cc = jax.lax.broadcasted_iota(jnp.int32, (D, 128), 1)
        ea = (cc == rr + a * D).astype(jnp.float32)
        ta = jax.lax.dot_general(xa, ea, (((0,), (0,)), ((), ())),
                                 preferred_element_type=jnp.float32)
        acc = ta if acc is None else acc + ta
    o_ref[...] = acc


def _pack_table(emb_table):
    packed = pl.pallas_call(
        _pack_body,
        grid=(VGRID,),
        in_specs=[pl.BlockSpec((D, CHV), lambda i: (0, i))],
        out_specs=pl.BlockSpec((CHV // 4, 128), lambda i: (i, 0)),
        out_shape=jax.ShapeDtypeStruct((VPAD // 4, 128), jnp.float32),
    )(emb_table.T)
    return packed.reshape(VPAD, D)


DGC = 8


def _dense_body(xt_ref, wt_ref, _, o_ref):
    w = wt_ref[...]
    for j in range(DGC):
        prod = jax.lax.dot_general(
            w, xt_ref[:, j * 128:(j + 1) * 128], (((1,), (0,)), ((), ())),
            preferred_element_type=jnp.float32)
        o_ref[:, j, :, :] = prod.reshape(ND * 4, 8, 128)


def _dense_into(dense_inputs, w_dense, sc_out):
    return pl.pallas_call(
        _dense_body,
        grid=(128 // DGC,),
        in_specs=[
            pl.BlockSpec((ND, DGC * 128), lambda i: (0, i)),
            pl.BlockSpec((ND * D, ND), lambda i: (0, 0)),
            pl.BlockSpec(memory_space=pltpu.MemorySpace.HBM),
        ],
        out_specs=pl.BlockSpec((ND * 4, DGC, 8, 128), lambda i: (2, i, 0, 0)),
        out_shape=jax.ShapeDtypeStruct((FT, 128, 8, 128), jnp.float32),
        input_output_aliases={2: 0},
    )(dense_inputs.T, w_dense.T, sc_out)


_mesh = plsc.VectorSubcoreMesh(core_axis_name="c", subcore_axis_name="s")


@functools.partial(
    pl.kernel,
    out_type=jax.ShapeDtypeStruct((FT, 128, 8, 128), jnp.float32),
    mesh=_mesh,
    scratch_types=(
        [pltpu.VMEM((BW * NS,), jnp.int32)]
        + [pltpu.VMEM((CH, D), jnp.float32) for _ in range(2)]
        + [pltpu.VMEM((FTS, 8, CB), jnp.float32) for _ in range(2)]
        + [pltpu.SemaphoreType.DMA for _ in range(5)]
    ),
    compiler_params=pltpu.CompilerParams(use_tc_tiling_on_sc=False,
                                         needs_layout_passes=False),
)
def _sc_sparse(idx_hbm, table_hbm, out_hbm,
               idx_all, rows0, rows1, asm0, asm1,
               isem, gsem0, gsem1, wsem0, wsem1):
    rows = (rows0, rows1)
    asms = (asm0, asm1)
    gsems = (gsem0, gsem1)
    wsems = (wsem0, wsem1)

    wid = lax.axis_index("s") * NC + lax.axis_index("c")
    c_base = wid * 4

    ii = jnp.arange(16, dtype=jnp.int32) * NS

    def gather(q, b):
        src = table_hbm.at[idx_all.at[pl.ds(q * CH, CH)]]
        return pltpu.async_copy(src, rows[b], gsems[b])

    def write(q, b):
        c_abs = c_base + q // 4
        l0 = (q % 4) * CB
        dst = out_hbm.at[pl.ds(0, FTS), c_abs, :, pl.ds(l0, CB)]
        return pltpu.async_copy(asms[b], dst, wsems[b])

    def transpose(b):
        rbuf = rows[b]
        abuf = asms[b]

        @plsc.parallel_loop(0, NS, unroll=2)
        def fbody(f):
            for g in range(CB // 16):
                ridx = ii + (g * 16 * NS + f)
                for t in range(4):
                    for s in range(8):
                        cidx = jnp.full((16,), 8 * t + s, jnp.int32)
                        vec = plsc.load_gather(rbuf, [ridx, cidx])
                        abuf[4 * f + t, s, pl.ds(g * 16, 16)] = vec

    pltpu.sync_copy(idx_hbm.at[pl.ds(wid * BW * NS, BW * NS)], idx_all)
    gather(0, 0)

    def pair(p, _):
        for a in range(2):
            b = a
            q = 2 * p + a
            nxt = 1 - b
            if a == 0:
                pltpu.make_async_copy(
                    table_hbm.at[idx_all.at[pl.ds(0, CH)]], rows[b], gsems[b]
                ).wait()
                gather(q + 1, nxt)
            else:
                @pl.when(p < NQ // 2 - 1)
                def _():
                    gather(q + 1, nxt)
                pltpu.make_async_copy(
                    table_hbm.at[idx_all.at[pl.ds(0, CH)]], rows[b], gsems[b]
                ).wait()

            @pl.when(p > 0)
            def _():
                dst = out_hbm.at[pl.ds(0, FTS), 0, :, pl.ds(0, CB)]
                pltpu.make_async_copy(asms[b], dst, wsems[b]).wait()

            transpose(b)
            write(q, b)
        return 0

    lax.fori_loop(0, NQ // 2, pair, 0)
    for b in range(2):
        dst = out_hbm.at[pl.ds(0, FTS), 0, :, pl.ds(0, CB)]
        pltpu.make_async_copy(asms[b], dst, wsems[b]).wait()


def kernel(sparse_inputs, dense_inputs, emb_table, W_dense):
    v = sparse_inputs.astype(jnp.int32).reshape(SP_TOT)
    flat_idx = ((v & ~(CHV - 1)) | ((v & (QV - 1)) << 2)
                | ((v & (CHV - 1)) >> (QV.bit_length() - 1)))
    sc_out = _sc_sparse(flat_idx, _pack_table(emb_table))
    full = _dense_into(dense_inputs, W_dense, sc_out)
    x5 = full.reshape(NF, 4, 128, 8, 128)
    return x5.transpose(2, 4, 0, 1, 3).reshape(B, NF, D)

# --- scband reference (transcript-rebuilt; emitter-appended) ---
"""Pipeline reference for scband-multi-input-embedding-4054449128228 (READ-ONLY COPY).

The authoritative reference and input builder live on the scoring server;
editing this copy changes nothing except your own understanding.
"""

import jax, jax.numpy as jnp
import numpy as np

VOCAB = 1000000
DIM_EMB = 32
BATCH = 16384
N_SPARSE = 26
DIM_DENSE = 13

def setup_inputs(seed: int = 0) -> dict:
    key = jax.random.key(seed)
    k1, k2, k3, k4 = jax.random.split(key, 4)
    sparse_inputs = jax.random.randint(k1, (BATCH, N_SPARSE), 0, VOCAB, dtype=jnp.int64 if jax.config.jax_enable_x64 else jnp.int32)
    dense_inputs = jax.random.normal(k2, (BATCH, DIM_DENSE), dtype=jnp.float32)
    emb_table = jax.random.normal(k3, (VOCAB, DIM_EMB), dtype=jnp.float32) * 0.05
    W_dense = jax.random.normal(k4, (DIM_DENSE, DIM_DENSE * DIM_EMB), dtype=jnp.float32) * 0.05
    return {"sparse_inputs": sparse_inputs, "dense_inputs": dense_inputs, "emb_table": emb_table, "W_dense": W_dense}

def reference(sparse_inputs, dense_inputs, emb_table, W_dense):
    # sparse embedding lookup: [B, N_SPARSE, DIM_EMB]
    sparse_outputs = jnp.take(emb_table, sparse_inputs, axis=0)
    # dense projection (no bias): [B, DIM_DENSE * DIM_EMB] -> [B, DIM_DENSE, DIM_EMB]
    dense_proj = jnp.dot(dense_inputs, W_dense)
    dense_outputs = jnp.reshape(dense_proj, (-1, DIM_DENSE, DIM_EMB))
    # concat along field axis: [B, N_SPARSE + DIM_DENSE, DIM_EMB]
    return jnp.concatenate([sparse_outputs, dense_outputs], axis=1)

if __name__ == "__main__":
    import jax
    _d = setup_inputs()
    print(jax.jit(kernel)(*tuple(_d.values())))

</pallas_src>

<mosaic_0001>
#map = affine_map<(d0, d1) -> (0)>
#map1 = affine_map<(d0, d1) -> (0, 0)>
#map2 = affine_map<(d0, d1) -> (0, 0, 0, 0)>
module attributes {stable_mosaic.version = 14 : i64} {
  func.func @_sc_sparse(%arg0: i32, %arg1: i32, %arg2: memref<425984xi32, #tpu.memory_space<hbm>>, %arg3: memref<1007616x32xf32, #tpu.memory_space<hbm>>, %arg4: memref<156x128x8x128xf32, #tpu.memory_space<hbm>>, %arg5: memref<13312xi32, #tpu.memory_space<vmem>>, %arg6: memref<832x32xf32, #tpu.memory_space<vmem>>, %arg7: memref<832x32xf32, #tpu.memory_space<vmem>>, %arg8: memref<104x8x32xf32, #tpu.memory_space<vmem>>, %arg9: memref<104x8x32xf32, #tpu.memory_space<vmem>>, %arg10: memref<!tpu.dma_semaphore, #tpu.memory_space<semaphore_mem>>, %arg11: memref<!tpu.dma_semaphore, #tpu.memory_space<semaphore_mem>>, %arg12: memref<!tpu.dma_semaphore, #tpu.memory_space<semaphore_mem>>, %arg13: memref<!tpu.dma_semaphore, #tpu.memory_space<semaphore_mem>>, %arg14: memref<!tpu.dma_semaphore, #tpu.memory_space<semaphore_mem>>) attributes {dimension_semantics = [#tpu.dimension_semantics<core_parallel>, #tpu.dimension_semantics<subcore_parallel>], iteration_bounds = array<i64: 2, 16>, scalar_prefetch = 0 : i64, scratch_operands = 10 : i64, tpu.core_type = #tpu.core_type<sc_vector_subcore>, window_params = [{transform_indices = #map}, {transform_indices = #map1}, {transform_indices = #map2}]} {
    %mul3A = arith.constant 2 : i32
    %mul3A_0 = arith.muli %arg1, %mul3A : i32
    %add3A = arith.addi %mul3A_0, %arg0 : i32
    %mul3A_1 = arith.constant 4 : i32
    %mul3A_2 = arith.muli %add3A, %mul3A_1 : i32
    %iota3A = tpu.iota {dimensions = array<i32: 0>} : vector<16xi32>
    %mul3A_3 = arith.constant 26 : i32
    %mul3A_4 = vector.broadcast %mul3A_3 : i32 to vector<16xi32>
    %mul3A_5 = arith.muli %iota3A, %mul3A_4 : vector<16xi32>
    %mul3A_6 = arith.constant 512 : i32
    %mul3A_7 = arith.muli %add3A, %mul3A_6 : i32
    %mul3A_8 = arith.constant 26 : i32
    %mul3A_9 = arith.muli %mul3A_7, %mul3A_8 : i32
    "tpu.region"() ({
      %run_scoped3A = tpu.sem_alloc : memref<!tpu.dma_semaphore, #tpu.memory_space<semaphore_mem>>
      %dma_start3A_41 = tpu.memref_slice %arg2[%mul3A_9] : memref<425984xi32, #tpu.memory_space<hbm>> -> memref<13312xi32, #tpu.memory_space<hbm>>
      %dma_start3A_42 = tpu.memref_slice %arg2[%mul3A_9] : memref<425984xi32, #tpu.memory_space<hbm>> -> memref<13312xi32, #tpu.memory_space<hbm>>
      tpu.enqueue_dma source(%dma_start3A_42 : memref<13312xi32, #tpu.memory_space<hbm>>) target(%arg5 : memref<13312xi32, #tpu.memory_space<vmem>>) target_semaphore(%run_scoped3A : memref<!tpu.dma_semaphore, #tpu.memory_space<semaphore_mem>>)
      %dma_wait3A_43 = tpu.memref_slice %arg2[%mul3A_9] : memref<425984xi32, #tpu.memory_space<hbm>> -> memref<13312xi32, #tpu.memory_space<hbm>>
      %dma_wait3A_44 = tpu.memref_slice %arg2[%mul3A_9] : memref<425984xi32, #tpu.memory_space<hbm>> -> memref<13312xi32, #tpu.memory_space<hbm>>
      tpu.wait_dma2 semaphore(%run_scoped3A : memref<!tpu.dma_semaphore, #tpu.memory_space<semaphore_mem>>) src(%dma_wait3A_44 : memref<13312xi32, #tpu.memory_space<hbm>>) dst(%arg5 : memref<13312xi32, #tpu.memory_space<vmem>>)
      tpu.yield
    }) : () -> ()
    %dma_start3A = arith.constant 0 : i32
    %dma_start3A_10 = tpu.memref_slice %arg5[%dma_start3A] : memref<13312xi32, #tpu.memory_space<vmem>> -> memref<832xi32, #tpu.memory_space<vmem>>
    %dma_start3A_11 = arith.constant 0 : i32
    %dma_start3A_12 = arith.constant 0 : i32
    %dma_start3A_13 = tpu.memref_slice %arg3[%dma_start3A_11, %dma_start3A_12] : memref<1007616x32xf32, #tpu.memory_space<hbm>> -> memref<1007616x32xf32, #tpu.memory_space<hbm>>
    tpu.enqueue_indirect_dma source(%dma_start3A_13 : memref<1007616x32xf32, #tpu.memory_space<hbm>>) target(%arg6 : memref<832x32xf32, #tpu.memory_space<vmem>>) offsets(%dma_start3A_10 : memref<832xi32, #tpu.memory_space<vmem>>) semaphore(%arg11 : memref<!tpu.dma_semaphore, #tpu.memory_space<semaphore_mem>>)
    %scan3A = arith.constant 0 : i32
    %scan3A_14 = arith.constant 0 : i32
    %scan3A_15 = arith.constant 8 : i32
    %scan3A_16 = arith.addi %scan3A_14, %scan3A_15 : i32
    %scan3A_17 = arith.constant 1 : i32
    %scan3A_18 = scf.for %scan3A_41 = %scan3A_14 to %scan3A_16 step %scan3A_17 iter_args(%scan3A_42 = %scan3A) -> (i32)  : i32 {
      %mul3A_43 = arith.constant 2 : i32
      %mul3A_44 = arith.muli %mul3A_43, %scan3A_41 : i32
      %add3A_45 = arith.constant 0 : i32
      %add3A_46 = arith.addi %mul3A_44, %add3A_45 : i32
      %dma_wait3A_47 = arith.constant 0 : i32
      %dma_wait3A_48 = tpu.memref_slice %arg5[%dma_wait3A_47] : memref<13312xi32, #tpu.memory_space<vmem>> -> memref<832xi32, #tpu.memory_space<vmem>>
      %dma_wait3A_49 = arith.constant 0 : i32
      %dma_wait3A_50 = arith.constant 0 : i32
      %dma_wait3A_51 = tpu.memref_slice %arg3[%dma_wait3A_49, %dma_wait3A_50] : memref<1007616x32xf32, #tpu.memory_space<hbm>> -> memref<1007616x32xf32, #tpu.memory_space<hbm>>
      tpu.wait_indirect_dma semaphore(%arg11 : memref<!tpu.dma_semaphore, #tpu.memory_space<semaphore_mem>>) src(%dma_wait3A_51 : memref<1007616x32xf32, #tpu.memory_space<hbm>>) dst(%arg6 : memref<832x32xf32, #tpu.memory_space<vmem>>)
      %add3A_52 = arith.constant 1 : i32
      %add3A_53 = arith.addi %add3A_46, %add3A_52 : i32
      %mul3A_54 = arith.constant 832 : i32
      %mul3A_55 = arith.muli %add3A_53, %mul3A_54 : i32
      %dma_start3A_56 = tpu.memref_slice %arg5[%mul3A_55] : memref<13312xi32, #tpu.memory_space<vmem>> -> memref<832xi32, #tpu.memory_space<vmem>>
      %dma_start3A_57 = arith.constant 0 : i32
      %dma_start3A_58 = arith.constant 0 : i32
      %dma_start3A_59 = tpu.memref_slice %arg3[%dma_start3A_57, %dma_start3A_58] : memref<1007616x32xf32, #tpu.memory_space<hbm>> -> memref<1007616x32xf32, #tpu.memory_space<hbm>>
      tpu.enqueue_indirect_dma source(%dma_start3A_59 : memref<1007616x32xf32, #tpu.memory_space<hbm>>) target(%arg7 : memref<832x32xf32, #tpu.memory_space<vmem>>) offsets(%dma_start3A_56 : memref<832xi32, #tpu.memory_space<vmem>>) semaphore(%arg12 : memref<!tpu.dma_semaphore, #tpu.memory_space<semaphore_mem>>)
      %gt3A = arith.constant 0 : i32
      %gt3A_60 = arith.cmpi sgt, %scan3A_41, %gt3A : i32
      %convert_element_type3A = arith.extui %gt3A_60 : i1 to i32
      %cond3A = arith.constant 0 : i32
      %cond3A_61 = arith.cmpi ne, %convert_element_type3A, %cond3A : i32
      scf.if %cond3A_61 {
        %dma_wait3A_179 = arith.constant 0 : i32
        %dma_wait3A_180 = arith.constant 0 : i32
        %dma_wait3A_181 = arith.constant 0 : i32
        %dma_wait3A_182 = arith.constant 0 : i32
        %dma_wait3A_183 = tpu.memref_slice %arg4[%dma_wait3A_180, %dma_wait3A_179, %dma_wait3A_181, %dma_wait3A_182] : memref<156x128x8x128xf32, #tpu.memory_space<hbm>> -> memref<104x1x8x32xf32, #tpu.memory_space<hbm>>
        %dma_wait3A_184 = tpu.memref_squeeze %dma_wait3A_183 : memref<104x1x8x32xf32, #tpu.memory_space<hbm>> -> memref<104x8x32xf32, #tpu.memory_space<hbm>>
        %dma_wait3A_185 = arith.constant 0 : i32
        %dma_wait3A_186 = arith.constant 0 : i32
        %dma_wait3A_187 = arith.constant 0 : i32
        %dma_wait3A_188 = tpu.memref_slice %arg4[%dma_wait3A_185, %dma_wait3A_179, %dma_wait3A_186, %dma_wait3A_187] : memref<156x128x8x128xf32, #tpu.memory_space<hbm>> -> memref<104x1x8x32xf32, #tpu.memory_space<hbm>>
        %dma_wait3A_189 = tpu.memref_squeeze %dma_wait3A_188 : memref<104x1x8x32xf32, #tpu.memory_space<hbm>> -> memref<104x8x32xf32, #tpu.memory_space<hbm>>
        tpu.wait_dma2 semaphore(%arg13 : memref<!tpu.dma_semaphore, #tpu.memory_space<semaphore_mem>>) src(%arg8 : memref<104x8x32xf32, #tpu.memory_space<vmem>>) dst(%dma_wait3A_189 : memref<104x8x32xf32, #tpu.memory_space<hbm>>)
      } else {
      }
      %parallel_loop3A = arith.constant 0 : i32
      %parallel_loop3A_62 = arith.constant 26 : i32
      %parallel_loop3A_63 = arith.constant 1 : i32
      scf.for %parallel_loop3A_179 = %parallel_loop3A to %parallel_loop3A_62 step %parallel_loop3A_63  : i32 {
        %parallel_loop3A_180 = arith.constant 0 : i32
        %parallel_loop3A_181 = arith.addi %parallel_loop3A_180, %parallel_loop3A_179 : i32
        %parallel_loop3A_182 = vector.broadcast %parallel_loop3A_181 : i32 to vector<16xi32>
        %parallel_loop3A_183 = arith.addi %mul3A_5, %parallel_loop3A_182 : vector<16xi32>
        %parallel_loop3A_184 = arith.constant 0 : i32
        %parallel_loop3A_185 = vector.broadcast %parallel_loop3A_184 : i32 to vector<16xi32>
        %parallel_loop3A_186 = tpu.vector_load_idx %arg6[%parallel_loop3A_183, %parallel_loop3A_185] : memref<832x32xf32, #tpu.memory_space<vmem>>[vector<16xi32>, vector<16xi32>], vector<16xf32>,
        %parallel_loop3A_187 = arith.constant 4 : i32
        %parallel_loop3A_188 = arith.muli %parallel_loop3A_187, %parallel_loop3A_179 : i32
        %parallel_loop3A_189 = arith.constant 0 : i32
        %parallel_loop3A_190 = arith.addi %parallel_loop3A_188, %parallel_loop3A_189 : i32
        %parallel_loop3A_191 = arith.constant 0 : i32
        %parallel_loop3A_192 = arith.index_cast %parallel_loop3A_190 : i32 to index
        %parallel_loop3A_193 = arith.index_cast %parallel_loop3A_191 : i32 to index
        %parallel_loop3A_194 = arith.constant 0 : index
        %parallel_loop3A_195 = tpu.vector_load %arg8[%parallel_loop3A_192, %parallel_loop3A_193, %parallel_loop3A_194] {strides = array<i32>} : memref<104x8x32xf32, #tpu.memory_space<vmem>>, vector<16xf32>,
        tpu.vector_store %arg8[%parallel_loop3A_192, %parallel_loop3A_193, %parallel_loop3A_194], %parallel_loop3A_186 {strides = array<i32>} : memref<104x8x32xf32, #tpu.memory_space<vmem>>, vector<16xf32>,
        %parallel_loop3A_196 = arith.constant 1 : i32
        %parallel_loop3A_197 = vector.broadcast %parallel_loop3A_196 : i32 to vector<16xi32>
        %parallel_loop3A_198 = tpu.vector_load_idx %arg6[%parallel_loop3A_183, %parallel_loop3A_197] : memref<832x32xf32, #tpu.memory_space<vmem>>[vector<16xi32>, vector<16xi32>], vector<16xf32>,
        %parallel_loop3A_199 = arith.constant 4 : i32
        %parallel_loop3A_200 = arith.muli %parallel_loop3A_199, %parallel_loop3A_179 : i32
        %parallel_loop3A_201 = arith.constant 0 : i32
        %parallel_loop3A_202 = arith.addi %parallel_loop3A_200, %parallel_loop3A_201 : i32
        %parallel_loop3A_203 = arith.constant 1 : i32
        %parallel_loop3A_204 = arith.index_cast %parallel_loop3A_202 : i32 to index
        %parallel_loop3A_205 = arith.index_cast %parallel_loop3A_203 : i32 to index
        %parallel_loop3A_206 = arith.constant 0 : index
        %parallel_loop3A_207 = tpu.vector_load %arg8[%parallel_loop3A_204, %parallel_loop3A_205, %parallel_loop3A_206] {strides = array<i32>} : memref<104x8x32xf32, #tpu.memory_space<vmem>>, vector<16xf32>,
        tpu.vector_store %arg8[%parallel_loop3A_204, %parallel_loop3A_205, %parallel_loop3A_206], %parallel_loop3A_198 {strides = array<i32>} : memref<104x8x32xf32, #tpu.memory_space<vmem>>, vector<16xf32>,
        %parallel_loop3A_208 = arith.constant 2 : i32
        %parallel_loop3A_209 = vector.broadcast %parallel_loop3A_208 : i32 to vector<16xi32>
        %parallel_loop3A_210 = tpu.vector_load_idx %arg6[%parallel_loop3A_183, %parallel_loop3A_209] : memref<832x32xf32, #tpu.memory_space<vmem>>[vector<16xi32>, vector<16xi32>], vector<16xf32>,
        %parallel_loop3A_211 = arith.constant 4 : i32
        %parallel_loop3A_212 = arith.muli %parallel_loop3A_211, %parallel_loop3A_179 : i32
        %parallel_loop3A_213 = arith.constant 0 : i32
        %parallel_loop3A_214 = arith.addi %parallel_loop3A_212, %parallel_loop3A_213 : i32
        %parallel_loop3A_215 = arith.constant 2 : i32
        %parallel_loop3A_216 = arith.index_cast %parallel_loop3A_214 : i32 to index
        %parallel_loop3A_217 = arith.index_cast %parallel_loop3A_215 : i32 to index
        %parallel_loop3A_218 = arith.constant 0 : index
        %parallel_loop3A_219 = tpu.vector_load %arg8[%parallel_loop3A_216, %parallel_loop3A_217, %parallel_loop3A_218] {strides = array<i32>} : memref<104x8x32xf32, #tpu.memory_space<vmem>>, vector<16xf32>,
        tpu.vector_store %arg8[%parallel_loop3A_216, %parallel_loop3A_217, %parallel_loop3A_218], %parallel_loop3A_210 {strides = array<i32>} : memref<104x8x32xf32, #tpu.memory_space<vmem>>, vector<16xf32>,
        %parallel_loop3A_220 = arith.constant 3 : i32
        %parallel_loop3A_221 = vector.broadcast %parallel_loop3A_220 : i32 to vector<16xi32>
        %parallel_loop3A_222 = tpu.vector_load_idx %arg6[%parallel_loop3A_183, %parallel_loop3A_221] : memref<832x32xf32, #tpu.memory_space<vmem>>[vector<16xi32>, vector<16xi32>], vector<16xf32>,
        %parallel_loop3A_223 = arith.constant 4 : i32
        %parallel_loop3A_224 = arith.muli %parallel_loop3A_223, %parallel_loop3A_179 : i32
        %parallel_loop3A_225 = arith.constant 0 : i32
        %parallel_loop3A_226 = arith.addi %parallel_loop3A_224, %parallel_loop3A_225 : i32
        %parallel_loop3A_227 = arith.constant 3 : i32
        %parallel_loop3A_228 = arith.index_cast %parallel_loop3A_226 : i32 to index
        %parallel_loop3A_229 = arith.index_cast %parallel_loop3A_227 : i32 to index
        %parallel_loop3A_230 = arith.constant 0 : index
        %parallel_loop3A_231 = tpu.vector_load %arg8[%parallel_loop3A_228, %parallel_loop3A_229, %parallel_loop3A_230] {strides = array<i32>} : memref<104x8x32xf32, #tpu.memory_space<vmem>>, vector<16xf32>,
        tpu.vector_store %arg8[%parallel_loop3A_228, %parallel_loop3A_229, %parallel_loop3A_230], %parallel_loop3A_222 {strides = array<i32>} : memref<104x8x32xf32, #tpu.memory_space<vmem>>, vector<16xf32>,
        %parallel_loop3A_232 = arith.constant 4 : i32
        %parallel_loop3A_233 = vector.broadcast %parallel_loop3A_232 : i32 to vector<16xi32>
        %parallel_loop3A_234 = tpu.vector_load_idx %arg6[%parallel_loop3A_183, %parallel_loop3A_233] : memref<832x32xf32, #tpu.memory_space<vmem>>[vector<16xi32>, vector<16xi32>], vector<16xf32>,
        %parallel_loop3A_235 = arith.constant 4 : i32
        %parallel_loop3A_236 = arith.muli %parallel_loop3A_235, %parallel_loop3A_179 : i32
        %parallel_loop3A_237 = arith.constant 0 : i32
        %parallel_loop3A_238 = arith.addi %parallel_loop3A_236, %parallel_loop3A_237 : i32
        %parallel_loop3A_239 = arith.constant 4 : i32
        %parallel_loop3A_240 = arith.index_cast %parallel_loop3A_238 : i32 to index
        %parallel_loop3A_241 = arith.index_cast %parallel_loop3A_239 : i32 to index
        %parallel_loop3A_242 = arith.constant 0 : index
        %parallel_loop3A_243 = tpu.vector_load %arg8[%parallel_loop3A_240, %parallel_loop3A_241, %parallel_loop3A_242] {strides = array<i32>} : memref<104x8x32xf32, #tpu.memory_space<vmem>>, vector<16xf32>,
        tpu.vector_store %arg8[%parallel_loop3A_240, %parallel_loop3A_241, %parallel_loop3A_242], %parallel_loop3A_234 {strides = array<i32>} : memref<104x8x32xf32, #tpu.memory_space<vmem>>, vector<16xf32>,
        %parallel_loop3A_244 = arith.constant 5 : i32
        %parallel_loop3A_245 = vector.broadcast %parallel_loop3A_244 : i32 to vector<16xi32>
        %parallel_loop3A_246 = tpu.vector_load_idx %arg6[%parallel_loop3A_183, %parallel_loop3A_245] : memref<832x32xf32, #tpu.memory_space<vmem>>[vector<16xi32>, vector<16xi32>], vector<16xf32>,
        %parallel_loop3A_247 = arith.constant 4 : i32
        %parallel_loop3A_248 = arith.muli %parallel_loop3A_247, %parallel_loop3A_179 : i32
        %parallel_loop3A_249 = arith.constant 0 : i32
        %parallel_loop3A_250 = arith.addi %parallel_loop3A_248, %parallel_loop3A_249 : i32
        %parallel_loop3A_251 = arith.constant 5 : i32
        %parallel_loop3A_252 = arith.index_cast %parallel_loop3A_250 : i32 to index
        %parallel_loop3A_253 = arith.index_cast %parallel_loop3A_251 : i32 to index
        %parallel_loop3A_254 = arith.constant 0 : index
        %parallel_loop3A_255 = tpu.vector_load %arg8[%parallel_loop3A_252, %parallel_loop3A_253, %parallel_loop3A_254] {strides = array<i32>} : memref<104x8x32xf32, #tpu.memory_space<vmem>>, vector<16xf32>,
        tpu.vector_store %arg8[%parallel_loop3A_252, %parallel_loop3A_253, %parallel_loop3A_254], %parallel_loop3A_246 {strides = array<i32>} : memref<104x8x32xf32, #tpu.memory_space<vmem>>, vector<16xf32>,
        %parallel_loop3A_256 = arith.constant 6 : i32
        %parallel_loop3A_257 = vector.broadcast %parallel_loop3A_256 : i32 to vector<16xi32>
        %parallel_loop3A_258 = tpu.vector_load_idx %arg6[%parallel_loop3A_183, %parallel_loop3A_257] : memref<832x32xf32, #tpu.memory_space<vmem>>[vector<16xi32>, vector<16xi32>], vector<16xf32>,
        %parallel_loop3A_259 = arith.constant 4 : i32
        %parallel_loop3A_260 = arith.muli %parallel_loop3A_259, %parallel_loop3A_179 : i32
        %parallel_loop3A_261 = arith.constant 0 : i32
        %parallel_loop3A_262 = arith.addi %parallel_loop3A_260, %parallel_loop3A_261 : i32
        %parallel_loop3A_263 = arith.constant 6 : i32
        %parallel_loop3A_264 = arith.index_cast %parallel_loop3A_262 : i32 to index
        %parallel_loop3A_265 = arith.index_cast %parallel_loop3A_263 : i32 to index
        %parallel_loop3A_266 = arith.constant 0 : index
        %parallel_loop3A_267 = tpu.vector_load %arg8[%parallel_loop3A_264, %parallel_loop3A_265, %parallel_loop3A_266] {strides = array<i32>} : memref<104x8x32xf32, #tpu.memory_space<vmem>>, vector<16xf32>,
        tpu.vector_store %arg8[%parallel_loop3A_264, %parallel_loop3A_265, %parallel_loop3A_266], %parallel_loop3A_258 {strides = array<i32>} : memref<104x8x32xf32, #tpu.memory_space<vmem>>, vector<16xf32>,
        %parallel_loop3A_268 = arith.constant 7 : i32
        %parallel_loop3A_269 = vector.broadcast %parallel_loop3A_268 : i32 to vector<16xi32>
        %parallel_loop3A_270 = tpu.vector_load_idx %arg6[%parallel_loop3A_183, %parallel_loop3A_269] : memref<832x32xf32, #tpu.memory_space<vmem>>[vector<16xi32>, vector<16xi32>], vector<16xf32>,
        %parallel_loop3A_271 = arith.constant 4 : i32
        %parallel_loop3A_272 = arith.muli %parallel_loop3A_271, %parallel_loop3A_179 : i32
        %parallel_loop3A_273 = arith.constant 0 : i32
        %parallel_loop3A_274 = arith.addi %parallel_loop3A_272, %parallel_loop3A_273 : i32
        %parallel_loop3A_275 = arith.constant 7 : i32
        %parallel_loop3A_276 = arith.index_cast %parallel_loop3A_274 : i32 to index
        %parallel_loop3A_277 = arith.index_cast %parallel_loop3A_275 : i32 to index
        %parallel_loop3A_278 = arith.constant 0 : index
        %parallel_loop3A_279 = tpu.vector_load %arg8[%parallel_loop3A_276, %parallel_loop3A_277, %parallel_loop3A_278] {strides = array<i32>} : memref<104x8x32xf32, #tpu.memory_space<vmem>>, vector<16xf32>,
        tpu.vector_store %arg8[%parallel_loop3A_276, %parallel_loop3A_277, %parallel_loop3A_278], %parallel_loop3A_270 {strides = array<i32>} : memref<104x8x32xf32, #tpu.memory_space<vmem>>, vector<16xf32>,
        %parallel_loop3A_280 = arith.constant 8 : i32
        %parallel_loop3A_281 = vector.broadcast %parallel_loop3A_280 : i32 to vector<16xi32>
        %parallel_loop3A_282 = tpu.vector_load_idx %arg6[%parallel_loop3A_183, %parallel_loop3A_281] : memref<832x32xf32, #tpu.memory_space<vmem>>[vector<16xi32>, vector<16xi32>], vector<16xf32>,
        %parallel_loop3A_283 = arith.constant 4 : i32
        %parallel_loop3A_284 = arith.muli %parallel_loop3A_283, %parallel_loop3A_179 : i32
        %parallel_loop3A_285 = arith.constant 1 : i32
        %parallel_loop3A_286 = arith.addi %parallel_loop3A_284, %parallel_loop3A_285 : i32
        %parallel_loop3A_287 = arith.constant 0 : i32
        %parallel_loop3A_288 = arith.index_cast %parallel_loop3A_286 : i32 to index
        %parallel_loop3A_289 = arith.index_cast %parallel_loop3A_287 : i32 to index
        %parallel_loop3A_290 = arith.constant 0 : index
        %parallel_loop3A_291 = tpu.vector_load %arg8[%parallel_loop3A_288, %parallel_loop3A_289, %parallel_loop3A_290] {strides = array<i32>} : memref<104x8x32xf32, #tpu.memory_space<vmem>>, vector<16xf32>,
        tpu.vector_store %arg8[%parallel_loop3A_288, %parallel_loop3A_289, %parallel_loop3A_290], %parallel_loop3A_282 {strides = array<i32>} : memref<104x8x32xf32, #tpu.memory_space<vmem>>, vector<16xf32>,
        %parallel_loop3A_292 = arith.constant 9 : i32
        %parallel_loop3A_293 = vector.broadcast %parallel_loop3A_292 : i32 to vector<16xi32>
        %parallel_loop3A_294 = tpu.vector_load_idx %arg6[%parallel_loop3A_183, %parallel_loop3A_293] : memref<832x32xf32, #tpu.memory_space<vmem>>[vector<16xi32>, vector<16xi32>], vector<16xf32>,
        %parallel_loop3A_295 = arith.constant 4 : i32
        %parallel_loop3A_296 = arith.muli %parallel_loop3A_295, %parallel_loop3A_179 : i32
        %parallel_loop3A_297 = arith.constant 1 : i32
        %parallel_loop3A_298 = arith.addi %parallel_loop3A_296, %parallel_loop3A_297 : i32
        %parallel_loop3A_299 = arith.constant 1 : i32
        %parallel_loop3A_300 = arith.index_cast %parallel_loop3A_298 : i32 to index
        %parallel_loop3A_301 = arith.index_cast %parallel_loop3A_299 : i32 to index
        %parallel_loop3A_302 = arith.constant 0 : index
        %parallel_loop3A_303 = tpu.vector_load %arg8[%parallel_loop3A_300, %parallel_loop3A_301, %parallel_loop3A_302] {strides = array<i32>} : memref<104x8x32xf32, #tpu.memory_space<vmem>>, vector<16xf32>,
        tpu.vector_store %arg8[%parallel_loop3A_300, %parallel_loop3A_301, %parallel_loop3A_302], %parallel_loop3A_294 {strides = array<i32>} : memref<104x8x32xf32, #tpu.memory_space<vmem>>, vector<16xf32>,
        %parallel_loop3A_304 = arith.constant 10 : i32
        %parallel_loop3A_305 = vector.broadcast %parallel_loop3A_304 : i32 to vector<16xi32>
        %parallel_loop3A_306 = tpu.vector_load_idx %arg6[%parallel_loop3A_183, %parallel_loop3A_305] : memref<832x32xf32, #tpu.memory_space<vmem>>[vector<16xi32>, vector<16xi32>], vector<16xf32>,
        %parallel_loop3A_307 = arith.constant 4 : i32
        %parallel_loop3A_308 = arith.muli %parallel_loop3A_307, %parallel_loop3A_179 : i32
        %parallel_loop3A_309 = arith.constant 1 : i32
        %parallel_loop3A_310 = arith.addi %parallel_loop3A_308, %parallel_loop3A_309 : i32
        %parallel_loop3A_311 = arith.constant 2 : i32
        %parallel_loop3A_312 = arith.index_cast %parallel_loop3A_310 : i32 to index
        %parallel_loop3A_313 = arith.index_cast %parallel_loop3A_311 : i32 to index
        %parallel_loop3A_314 = arith.constant 0 : index
        %parallel_loop3A_315 = tpu.vector_load %arg8[%parallel_loop3A_312, %parallel_loop3A_313, %parallel_loop3A_314] {strides = array<i32>} : memref<104x8x32xf32, #tpu.memory_space<vmem>>, vector<16xf32>,
        tpu.vector_store %arg8[%parallel_loop3A_312, %parallel_loop3A_313, %parallel_loop3A_314], %parallel_loop3A_306 {strides = array<i32>} : memref<104x8x32xf32, #tpu.memory_space<vmem>>, vector<16xf32>,
        %parallel_loop3A_316 = arith.constant 11 : i32
        %parallel_loop3A_317 = vector.broadcast %parallel_loop3A_316 : i32 to vector<16xi32>
        %parallel_loop3A_318 = tpu.vector_load_idx %arg6[%parallel_loop3A_183, %parallel_loop3A_317] : memref<832x32xf32, #tpu.memory_space<vmem>>[vector<16xi32>, vector<16xi32>], vector<16xf32>,
        %parallel_loop3A_319 = arith.constant 4 : i32
        %parallel_loop3A_320 = arith.muli %parallel_loop3A_319, %parallel_loop3A_179 : i32
        %parallel_loop3A_321 = arith.constant 1 : i32
        %parallel_loop3A_322 = arith.addi %parallel_loop3A_320, %parallel_loop3A_321 : i32
        %parallel_loop3A_323 = arith.constant 3 : i32
        %parallel_loop3A_324 = arith.index_cast %parallel_loop3A_322 : i32 to index
        %parallel_loop3A_325 = arith.index_cast %parallel_loop3A_323 : i32 to index
        %parallel_loop3A_326 = arith.constant 0 : index
        %parallel_loop3A_327 = tpu.vector_load %arg8[%parallel_loop3A_324, %parallel_loop3A_325, %parallel_loop3A_326] {strides = array<i32>} : memref<104x8x32xf32, #tpu.memory_space<vmem>>, vector<16xf32>,
        tpu.vector_store %arg8[%parallel_loop3A_324, %parallel_loop3A_325, %parallel_loop3A_326], %parallel_loop3A_318 {strides = array<i32>} : memref<104x8x32xf32, #tpu.memory_space<vmem>>, vector<16xf32>,
        %parallel_loop3A_328 = arith.constant 12 : i32
        %parallel_loop3A_329 = vector.broadcast %parallel_loop3A_328 : i32 to vector<16xi32>
        %parallel_loop3A_330 = tpu.vector_load_idx %arg6[%parallel_loop3A_183, %parallel_loop3A_329] : memref<832x32xf32, #tpu.memory_space<vmem>>[vector<16xi32>, vector<16xi32>], vector<16xf32>,
        %parallel_loop3A_331 = arith.constant 4 : i32
        %parallel_loop3A_332 = arith.muli %parallel_loop3A_331, %parallel_loop3A_179 : i32
        %parallel_loop3A_333 = arith.constant 1 : i32
        %parallel_loop3A_334 = arith.addi %parallel_loop3A_332, %parallel_loop3A_333 : i32
        %parallel_loop3A_335 = arith.constant 4 : i32
        %parallel_loop3A_336 = arith.index_cast %parallel_loop3A_334 : i32 to index
        %parallel_loop3A_337 = arith.index_cast %parallel_loop3A_335 : i32 to index
        %parallel_loop3A_338 = arith.constant 0 : index
        %parallel_loop3A_339 = tpu.vector_load %arg8[%parallel_loop3A_336, %parallel_loop3A_337, %parallel_loop3A_338] {strides = array<i32>} : memref<104x8x32xf32, #tpu.memory_space<vmem>>, vector<16xf32>,
        tpu.vector_store %arg8[%parallel_loop3A_336, %parallel_loop3A_337, %parallel_loop3A_338], %parallel_loop3A_330 {strides = array<i32>} : memref<104x8x32xf32, #tpu.memory_space<vmem>>, vector<16xf32>,
        %parallel_loop3A_340 = arith.constant 13 : i32
        %parallel_loop3A_341 = vector.broadcast %parallel_loop3A_340 : i32 to vector<16xi32>
        %parallel_loop3A_342 = tpu.vector_load_idx %arg6[%parallel_loop3A_183, %parallel_loop3A_341] : memref<832x32xf32, #tpu.memory_space<vmem>>[vector<16xi32>, vector<16xi32>], vector<16xf32>,
        %parallel_loop3A_343 = arith.constant 4 : i32
        %parallel_loop3A_344 = arith.muli %parallel_loop3A_343, %parallel_loop3A_179 : i32
        %parallel_loop3A_345 = arith.constant 1 : i32
        %parallel_loop3A_346 = arith.addi %parallel_loop3A_344, %parallel_loop3A_345 : i32
        %parallel_loop3A_347 = arith.constant 5 : i32
        %parallel_loop3A_348 = arith.index_cast %parallel_loop3A_346 : i32 to index
        %parallel_loop3A_349 = arith.index_cast %parallel_loop3A_347 : i32 to index
        %parallel_loop3A_350 = arith.constant 0 : index
        %parallel_loop3A_351 = tpu.vector_load %arg8[%parallel_loop3A_348, %parallel_loop3A_349, %parallel_loop3A_350] {strides = array<i32>} : memref<104x8x32xf32, #tpu.memory_space<vmem>>, vector<16xf32>,
        tpu.vector_store %arg8[%parallel_loop3A_348, %parallel_loop3A_349, %parallel_loop3A_350], %parallel_loop3A_342 {strides = array<i32>} : memref<104x8x32xf32, #tpu.memory_space<vmem>>, vector<16xf32>,
        %parallel_loop3A_352 = arith.constant 14 : i32
        %parallel_loop3A_353 = vector.broadcast %parallel_loop3A_352 : i32 to vector<16xi32>
        %parallel_loop3A_354 = tpu.vector_load_idx %arg6[%parallel_loop3A_183, %parallel_loop3A_353] : memref<832x32xf32, #tpu.memory_space<vmem>>[vector<16xi32>, vector<16xi32>], vector<16xf32>,
        %parallel_loop3A_355 = arith.constant 4 : i32
        %parallel_loop3A_356 = arith.muli %parallel_loop3A_355, %parallel_loop3A_179 : i32
        %parallel_loop3A_357 = arith.constant 1 : i32
        %parallel_loop3A_358 = arith.addi %parallel_loop3A_356, %parallel_loop3A_357 : i32
        %parallel_loop3A_359 = arith.constant 6 : i32
        %parallel_loop3A_360 = arith.index_cast %parallel_loop3A_358 : i32 to index
        %parallel_loop3A_361 = arith.index_cast %parallel_loop3A_359 : i32 to index
        %parallel_loop3A_362 = arith.constant 0 : index
        %parallel_loop3A_363 = tpu.vector_load %arg8[%parallel_loop3A_360, %parallel_loop3A_361, %parallel_loop3A_362] {strides = array<i32>} : memref<104x8x32xf32, #tpu.memory_space<vmem>>, vector<16xf32>,
        tpu.vector_store %arg8[%parallel_loop3A_360, %parallel_loop3A_361, %parallel_loop3A_362], %parallel_loop3A_354 {strides = array<i32>} : memref<104x8x32xf32, #tpu.memory_space<vmem>>, vector<16xf32>,
        %parallel_loop3A_364 = arith.constant 15 : i32
        %parallel_loop3A_365 = vector.broadcast %parallel_loop3A_364 : i32 to vector<16xi32>
        %parallel_loop3A_366 = tpu.vector_load_idx %arg6[%parallel_loop3A_183, %parallel_loop3A_365] : memref<832x32xf32, #tpu.memory_space<vmem>>[vector<16xi32>, vector<16xi32>], vector<16xf32>,
        %parallel_loop3A_367 = arith.constant 4 : i32
        %parallel_loop3A_368 = arith.muli %parallel_loop3A_367, %parallel_loop3A_179 : i32
        %parallel_loop3A_369 = arith.constant 1 : i32
        %parallel_loop3A_370 = arith.addi %parallel_loop3A_368, %parallel_loop3A_369 : i32
        %parallel_loop3A_371 = arith.constant 7 : i32
        %parallel_loop3A_372 = arith.index_cast %parallel_loop3A_370 : i32 to index
        %parallel_loop3A_373 = arith.index_cast %parallel_loop3A_371 : i32 to index
        %parallel_loop3A_374 = arith.constant 0 : index
        %parallel_loop3A_375 = tpu.vector_load %arg8[%parallel_loop3A_372, %parallel_loop3A_373, %parallel_loop3A_374] {strides = array<i32>} : memref<104x8x32xf32, #tpu.memory_space<vmem>>, vector<16xf32>,
        tpu.vector_store %arg8[%parallel_loop3A_372, %parallel_loop3A_373, %parallel_loop3A_374], %parallel_loop3A_366 {strides = array<i32>} : memref<104x8x32xf32, #tpu.memory_space<vmem>>, vector<16xf32>,
        %parallel_loop3A_376 = arith.constant 16 : i32
        %parallel_loop3A_377 = vector.broadcast %parallel_loop3A_376 : i32 to vector<16xi32>
        %parallel_loop3A_378 = tpu.vector_load_idx %arg6[%parallel_loop3A_183, %parallel_loop3A_377] : memref<832x32xf32, #tpu.memory_space<vmem>>[vector<16xi32>, vector<16xi32>], vector<16xf32>,
        %parallel_loop3A_379 = arith.constant 4 : i32
        %parallel_loop3A_380 = arith.muli %parallel_loop3A_379, %parallel_loop3A_179 : i32
        %parallel_loop3A_381 = arith.constant 2 : i32
        %parallel_loop3A_382 = arith.addi %parallel_loop3A_380, %parallel_loop3A_381 : i32
        %parallel_loop3A_383 = arith.constant 0 : i32
        %parallel_loop3A_384 = arith.index_cast %parallel_loop3A_382 : i32 to index
        %parallel_loop3A_385 = arith.index_cast %parallel_loop3A_383 : i32 to index
        %parallel_loop3A_386 = arith.constant 0 : index
        %parallel_loop3A_387 = tpu.vector_load %arg8[%parallel_loop3A_384, %parallel_loop3A_385, %parallel_loop3A_386] {strides = array<i32>} : memref<104x8x32xf32, #tpu.memory_space<vmem>>, vector<16xf32>,
        tpu.vector_store %arg8[%parallel_loop3A_384, %parallel_loop3A_385, %parallel_loop3A_386], %parallel_loop3A_378 {strides = array<i32>} : memref<104x8x32xf32, #tpu.memory_space<vmem>>, vector<16xf32>,
        %parallel_loop3A_388 = arith.constant 17 : i32
        %parallel_loop3A_389 = vector.broadcast %parallel_loop3A_388 : i32 to vector<16xi32>
        %parallel_loop3A_390 = tpu.vector_load_idx %arg6[%parallel_loop3A_183, %parallel_loop3A_389] : memref<832x32xf32, #tpu.memory_space<vmem>>[vector<16xi32>, vector<16xi32>], vector<16xf32>,
        %parallel_loop3A_391 = arith.constant 4 : i32
        %parallel_loop3A_392 = arith.muli %parallel_loop3A_391, %parallel_loop3A_179 : i32
        %parallel_loop3A_393 = arith.constant 2 : i32
        %parallel_loop3A_394 = arith.addi %parallel_loop3A_392, %parallel_loop3A_393 : i32
        %parallel_loop3A_395 = arith.constant 1 : i32
        %parallel_loop3A_396 = arith.index_cast %parallel_loop3A_394 : i32 to index
        %parallel_loop3A_397 = arith.index_cast %parallel_loop3A_395 : i32 to index
        %parallel_loop3A_398 = arith.constant 0 : index
        %parallel_loop3A_399 = tpu.vector_load %arg8[%parallel_loop3A_396, %parallel_loop3A_397, %parallel_loop3A_398] {strides = array<i32>} : memref<104x8x32xf32, #tpu.memory_space<vmem>>, vector<16xf32>,
        tpu.vector_store %arg8[%parallel_loop3A_396, %parallel_loop3A_397, %parallel_loop3A_398], %parallel_loop3A_390 {strides = array<i32>} : memref<104x8x32xf32, #tpu.memory_space<vmem>>, vector<16xf32>,
        %parallel_loop3A_400 = arith.constant 18 : i32
        %parallel_loop3A_401 = vector.broadcast %parallel_loop3A_400 : i32 to vector<16xi32>
        %parallel_loop3A_402 = tpu.vector_load_idx %arg6[%parallel_loop3A_183, %parallel_loop3A_401] : memref<832x32xf32, #tpu.memory_space<vmem>>[vector<16xi32>, vector<16xi32>], vector<16xf32>,
        %parallel_loop3A_403 = arith.constant 4 : i32
        %parallel_loop3A_404 = arith.muli %parallel_loop3A_403, %parallel_loop3A_179 : i32
        %parallel_loop3A_405 = arith.constant 2 : i32
        %parallel_loop3A_406 = arith.addi %parallel_loop3A_404, %parallel_loop3A_405 : i32
        %parallel_loop3A_407 = arith.constant 2 : i32
        %parallel_loop3A_408 = arith.index_cast %parallel_loop3A_406 : i32 to index
        %parallel_loop3A_409 = arith.index_cast %parallel_loop3A_407 : i32 to index
        %parallel_loop3A_410 = arith.constant 0 : index
        %parallel_loop3A_411 = tpu.vector_load %arg8[%parallel_loop3A_408, %parallel_loop3A_409, %parallel_loop3A_410] {strides = array<i32>} : memref<104x8x32xf32, #tpu.memory_space<vmem>>, vector<16xf32>,
        tpu.vector_store %arg8[%parallel_loop3A_408, %parallel_loop3A_409, %parallel_loop3A_410], %parallel_loop3A_402 {strides = array<i32>} : memref<104x8x32xf32, #tpu.memory_space<vmem>>, vector<16xf32>,
        %parallel_loop3A_412 = arith.constant 19 : i32
        %parallel_loop3A_413 = vector.broadcast %parallel_loop3A_412 : i32 to vector<16xi32>
        %parallel_loop3A_414 = tpu.vector_load_idx %arg6[%parallel_loop3A_183, %parallel_loop3A_413] : memref<832x32xf32, #tpu.memory_space<vmem>>[vector<16xi32>, vector<16xi32>], vector<16xf32>,
        %parallel_loop3A_415 = arith.constant 4 : i32
        %parallel_loop3A_416 = arith.muli %parallel_loop3A_415, %parallel_loop3A_179 : i32
        %parallel_loop3A_417 = arith.constant 2 : i32
        %parallel_loop3A_418 = arith.addi %parallel_loop3A_416, %parallel_loop3A_417 : i32
        %parallel_loop3A_419 = arith.constant 3 : i32
        %parallel_loop3A_420 = arith.index_cast %parallel_loop3A_418 : i32 to index
        %parallel_loop3A_421 = arith.index_cast %parallel_loop3A_419 : i32 to index
        %parallel_loop3A_422 = arith.constant 0 : index
        %parallel_loop3A_423 = tpu.vector_load %arg8[%parallel_loop3A_420, %parallel_loop3A_421, %parallel_loop3A_422] {strides = array<i32>} : memref<104x8x32xf32, #tpu.memory_space<vmem>>, vector<16xf32>,
        tpu.vector_store %arg8[%parallel_loop3A_420, %parallel_loop3A_421, %parallel_loop3A_422], %parallel_loop3A_414 {strides = array<i32>} : memref<104x8x32xf32, #tpu.memory_space<vmem>>, vector<16xf32>,
        %parallel_loop3A_424 = arith.constant 20 : i32
        %parallel_loop3A_425 = vector.broadcast %parallel_loop3A_424 : i32 to vector<16xi32>
        %parallel_loop3A_426 = tpu.vector_load_idx %arg6[%parallel_loop3A_183, %parallel_loop3A_425] : memref<832x32xf32, #tpu.memory_space<vmem>>[vector<16xi32>, vector<16xi32>], vector<16xf32>,
        %parallel_loop3A_427 = arith.constant 4 : i32
        %parallel_loop3A_428 = arith.muli %parallel_loop3A_427, %parallel_loop3A_179 : i32
        %parallel_loop3A_429 = arith.constant 2 : i32
        %parallel_loop3A_430 = arith.addi %parallel_loop3A_428, %parallel_loop3A_429 : i32
        %parallel_loop3A_431 = arith.constant 4 : i32
        %parallel_loop3A_432 = arith.index_cast %parallel_loop3A_430 : i32 to index
        %parallel_loop3A_433 = arith.index_cast %parallel_loop3A_431 : i32 to index
        %parallel_loop3A_434 = arith.constant 0 : index
        %parallel_loop3A_435 = tpu.vector_load %arg8[%parallel_loop3A_432, %parallel_loop3A_433, %parallel_loop3A_434] {strides = array<i32>} : memref<104x8x32xf32, #tpu.memory_space<vmem>>, vector<16xf32>,
        tpu.vector_store %arg8[%parallel_loop3A_432, %parallel_loop3A_433, %parallel_loop3A_434], %parallel_loop3A_426 {strides = array<i32>} : memref<104x8x32xf32, #tpu.memory_space<vmem>>, vector<16xf32>,
        %parallel_loop3A_436 = arith.constant 21 : i32
        %parallel_loop3A_437 = vector.broadcast %parallel_loop3A_436 : i32 to vector<16xi32>
        %parallel_loop3A_438 = tpu.vector_load_idx %arg6[%parallel_loop3A_183, %parallel_loop3A_437] : memref<832x32xf32, #tpu.memory_space<vmem>>[vector<16xi32>, vector<16xi32>], vector<16xf32>,
        %parallel_loop3A_439 = arith.constant 4 : i32
        %parallel_loop3A_440 = arith.muli %parallel_loop3A_439, %parallel_loop3A_179 : i32
        %parallel_loop3A_441 = arith.constant 2 : i32
        %parallel_loop3A_442 = arith.addi %parallel_loop3A_440, %parallel_loop3A_441 : i32
        %parallel_loop3A_443 = arith.constant 5 : i32
        %parallel_loop3A_444 = arith.index_cast %parallel_loop3A_442 : i32 to index
        %parallel_loop3A_445 = arith.index_cast %parallel_loop3A_443 : i32 to index
        %parallel_loop3A_446 = arith.constant 0 : index
        %parallel_loop3A_447 = tpu.vector_load %arg8[%parallel_loop3A_444, %parallel_loop3A_445, %parallel_loop3A_446] {strides = array<i32>} : memref<104x8x32xf32, #tpu.memory_space<vmem>>, vector<16xf32>,
        tpu.vector_store %arg8[%parallel_loop3A_444, %parallel_loop3A_445, %parallel_loop3A_446], %parallel_loop3A_438 {strides = array<i32>} : memref<104x8x32xf32, #tpu.memory_space<vmem>>, vector<16xf32>,
        %parallel_loop3A_448 = arith.constant 22 : i32
        %parallel_loop3A_449 = vector.broadcast %parallel_loop3A_448 : i32 to vector<16xi32>
        %parallel_loop3A_450 = tpu.vector_load_idx %arg6[%parallel_loop3A_183, %parallel_loop3A_449] : memref<832x32xf32, #tpu.memory_space<vmem>>[vector<16xi32>, vector<16xi32>], vector<16xf32>,
        %parallel_loop3A_451 = arith.constant 4 : i32
        %parallel_loop3A_452 = arith.muli %parallel_loop3A_451, %parallel_loop3A_179 : i32
        %parallel_loop3A_453 = arith.constant 2 : i32
        %parallel_loop3A_454 = arith.addi %parallel_loop3A_452, %parallel_loop3A_453 : i32
        %parallel_loop3A_455 = arith.constant 6 : i32
        %parallel_loop3A_456 = arith.index_cast %parallel_loop3A_454 : i32 to index
        %parallel_loop3A_457 = arith.index_cast %parallel_loop3A_455 : i32 to index
        %parallel_loop3A_458 = arith.constant 0 : index
        %parallel_loop3A_459 = tpu.vector_load %arg8[%parallel_loop3A_456, %parallel_loop3A_457, %parallel_loop3A_458] {strides = array<i32>} : memref<104x8x32xf32, #tpu.memory_space<vmem>>, vector<16xf32>,
        tpu.vector_store %arg8[%parallel_loop3A_456, %parallel_loop3A_457, %parallel_loop3A_458], %parallel_loop3A_450 {strides = array<i32>} : memref<104x8x32xf32, #tpu.memory_space<vmem>>, vector<16xf32>,
        %parallel_loop3A_460 = arith.constant 23 : i32
        %parallel_loop3A_461 = vector.broadcast %parallel_loop3A_460 : i32 to vector<16xi32>
        %parallel_loop3A_462 = tpu.vector_load_idx %arg6[%parallel_loop3A_183, %parallel_loop3A_461] : memref<832x32xf32, #tpu.memory_space<vmem>>[vector<16xi32>, vector<16xi32>], vector<16xf32>,
        %parallel_loop3A_463 = arith.constant 4 : i32
        %parallel_loop3A_464 = arith.muli %parallel_loop3A_463, %parallel_loop3A_179 : i32
        %parallel_loop3A_465 = arith.constant 2 : i32
        %parallel_loop3A_466 = arith.addi %parallel_loop3A_464, %parallel_loop3A_465 : i32
        %parallel_loop3A_467 = arith.constant 7 : i32
        %parallel_loop3A_468 = arith.index_cast %parallel_loop3A_466 : i32 to index
        %parallel_loop3A_469 = arith.index_cast %parallel_loop3A_467 : i32 to index
        %parallel_loop3A_470 = arith.constant 0 : index
        %parallel_loop3A_471 = tpu.vector_load %arg8[%parallel_loop3A_468, %parallel_loop3A_469, %parallel_loop3A_470] {strides = array<i32>} : memref<104x8x32xf32, #tpu.memory_space<vmem>>, vector<16xf32>,
        tpu.vector_store %arg8[%parallel_loop3A_468, %parallel_loop3A_469, %parallel_loop3A_470], %parallel_loop3A_462 {strides = array<i32>} : memref<104x8x32xf32, #tpu.memory_space<vmem>>, vector<16xf32>,
        %parallel_loop3A_472 = arith.constant 24 : i32
        %parallel_loop3A_473 = vector.broadcast %parallel_loop3A_472 : i32 to vector<16xi32>
        %parallel_loop3A_474 = tpu.vector_load_idx %arg6[%parallel_loop3A_183, %parallel_loop3A_473] : memref<832x32xf32, #tpu.memory_space<vmem>>[vector<16xi32>, vector<16xi32>], vector<16xf32>,
        %parallel_loop3A_475 = arith.constant 4 : i32
        %parallel_loop3A_476 = arith.muli %parallel_loop3A_475, %parallel_loop3A_179 : i32
        %parallel_loop3A_477 = arith.constant 3 : i32
        %parallel_loop3A_478 = arith.addi %parallel_loop3A_476, %parallel_loop3A_477 : i32
        %parallel_loop3A_479 = arith.constant 0 : i32
        %parallel_loop3A_480 = arith.index_cast %parallel_loop3A_478 : i32 to index
        %parallel_loop3A_481 = arith.index_cast %parallel_loop3A_479 : i32 to index
        %parallel_loop3A_482 = arith.constant 0 : index
        %parallel_loop3A_483 = tpu.vector_load %arg8[%parallel_loop3A_480, %parallel_loop3A_481, %parallel_loop3A_482] {strides = array<i32>} : memref<104x8x32xf32, #tpu.memory_space<vmem>>, vector<16xf32>,
        tpu.vector_store %arg8[%parallel_loop3A_480, %parallel_loop3A_481, %parallel_loop3A_482], %parallel_loop3A_474 {strides = array<i32>} : memref<104x8x32xf32, #tpu.memory_space<vmem>>, vector<16xf32>,
        %parallel_loop3A_484 = arith.constant 25 : i32
        %parallel_loop3A_485 = vector.broadcast %parallel_loop3A_484 : i32 to vector<16xi32>
        %parallel_loop3A_486 = tpu.vector_load_idx %arg6[%parallel_loop3A_183, %parallel_loop3A_485] : memref<832x32xf32, #tpu.memory_space<vmem>>[vector<16xi32>, vector<16xi32>], vector<16xf32>,
        %parallel_loop3A_487 = arith.constant 4 : i32
        %parallel_loop3A_488 = arith.muli %parallel_loop3A_487, %parallel_loop3A_179 : i32
        %parallel_loop3A_489 = arith.constant 3 : i32
        %parallel_loop3A_490 = arith.addi %parallel_loop3A_488, %parallel_loop3A_489 : i32
        %parallel_loop3A_491 = arith.constant 1 : i32
        %parallel_loop3A_492 = arith.index_cast %parallel_loop3A_490 : i32 to index
        %parallel_loop3A_493 = arith.index_cast %parallel_loop3A_491 : i32 to index
        %parallel_loop3A_494 = arith.constant 0 : index
        %parallel_loop3A_495 = tpu.vector_load %arg8[%parallel_loop3A_492, %parallel_loop3A_493, %parallel_loop3A_494] {strides = array<i32>} : memref<104x8x32xf32, #tpu.memory_space<vmem>>, vector<16xf32>,
        tpu.vector_store %arg8[%parallel_loop3A_492, %parallel_loop3A_493, %parallel_loop3A_494], %parallel_loop3A_486 {strides = array<i32>} : memref<104x8x32xf32, #tpu.memory_space<vmem>>, vector<16xf32>,
        %parallel_loop3A_496 = arith.constant 26 : i32
        %parallel_loop3A_497 = vector.broadcast %parallel_loop3A_496 : i32 to vector<16xi32>
        %parallel_loop3A_498 = tpu.vector_load_idx %arg6[%parallel_loop3A_183, %parallel_loop3A_497] : memref<832x32xf32, #tpu.memory_space<vmem>>[vector<16xi32>, vector<16xi32>], vector<16xf32>,
        %parallel_loop3A_499 = arith.constant 4 : i32
        %parallel_loop3A_500 = arith.muli %parallel_loop3A_499, %parallel_loop3A_179 : i32
        %parallel_loop3A_501 = arith.constant 3 : i32
        %parallel_loop3A_502 = arith.addi %parallel_loop3A_500, %parallel_loop3A_501 : i32
        %parallel_loop3A_503 = arith.constant 2 : i32
        %parallel_loop3A_504 = arith.index_cast %parallel_loop3A_502 : i32 to index
        %parallel_loop3A_505 = arith.index_cast %parallel_loop3A_503 : i32 to index
        %parallel_loop3A_506 = arith.constant 0 : index
        %parallel_loop3A_507 = tpu.vector_load %arg8[%parallel_loop3A_504, %parallel_loop3A_505, %parallel_loop3A_506] {strides = array<i32>} : memref<104x8x32xf32, #tpu.memory_space<vmem>>, vector<16xf32>,
        tpu.vector_store %arg8[%parallel_loop3A_504, %parallel_loop3A_505, %parallel_loop3A_506], %parallel_loop3A_498 {strides = array<i32>} : memref<104x8x32xf32, #tpu.memory_space<vmem>>, vector<16xf32>,
        %parallel_loop3A_508 = arith.constant 27 : i32
        %parallel_loop3A_509 = vector.broadcast %parallel_loop3A_508 : i32 to vector<16xi32>
        %parallel_loop3A_510 = tpu.vector_load_idx %arg6[%parallel_loop3A_183, %parallel_loop3A_509] : memref<832x32xf32, #tpu.memory_space<vmem>>[vector<16xi32>, vector<16xi32>], vector<16xf32>,
        %parallel_loop3A_511 = arith.constant 4 : i32
        %parallel_loop3A_512 = arith.muli %parallel_loop3A_511, %parallel_loop3A_179 : i32
        %parallel_loop3A_513 = arith.constant 3 : i32
        %parallel_loop3A_514 = arith.addi %parallel_loop3A_512, %parallel_loop3A_513 : i32
        %parallel_loop3A_515 = arith.constant 3 : i32
        %parallel_loop3A_516 = arith.index_cast %parallel_loop3A_514 : i32 to index
        %parallel_loop3A_517 = arith.index_cast %parallel_loop3A_515 : i32 to index
        %parallel_loop3A_518 = arith.constant 0 : index
        %parallel_loop3A_519 = tpu.vector_load %arg8[%parallel_loop3A_516, %parallel_loop3A_517, %parallel_loop3A_518] {strides = array<i32>} : memref<104x8x32xf32, #tpu.memory_space<vmem>>, vector<16xf32>,
        tpu.vector_store %arg8[%parallel_loop3A_516, %parallel_loop3A_517, %parallel_loop3A_518], %parallel_loop3A_510 {strides = array<i32>} : memref<104x8x32xf32, #tpu.memory_space<vmem>>, vector<16xf32>,
        %parallel_loop3A_520 = arith.constant 28 : i32
        %parallel_loop3A_521 = vector.broadcast %parallel_loop3A_520 : i32 to vector<16xi32>
        %parallel_loop3A_522 = tpu.vector_load_idx %arg6[%parallel_loop3A_183, %parallel_loop3A_521] : memref<832x32xf32, #tpu.memory_space<vmem>>[vector<16xi32>, vector<16xi32>], vector<16xf32>,
        %parallel_loop3A_523 = arith.constant 4 : i32
        %parallel_loop3A_524 = arith.muli %parallel_loop3A_523, %parallel_loop3A_179 : i32
        %parallel_loop3A_525 = arith.constant 3 : i32
        %parallel_loop3A_526 = arith.addi %parallel_loop3A_524, %parallel_loop3A_525 : i32
        %parallel_loop3A_527 = arith.constant 4 : i32
        %parallel_loop3A_528 = arith.index_cast %parallel_loop3A_526 : i32 to index
        %parallel_loop3A_529 = arith.index_cast %parallel_loop3A_527 : i32 to index
        %parallel_loop3A_530 = arith.constant 0 : index
        %parallel_loop3A_531 = tpu.vector_load %arg8[%parallel_loop3A_528, %parallel_loop3A_529, %parallel_loop3A_530] {strides = array<i32>} : memref<104x8x32xf32, #tpu.memory_space<vmem>>, vector<16xf32>,
        tpu.vector_store %arg8[%parallel_loop3A_528, %parallel_loop3A_529, %parallel_loop3A_530], %parallel_loop3A_522 {strides = array<i32>} : memref<104x8x32xf32, #tpu.memory_space<vmem>>, vector<16xf32>,
        %parallel_loop3A_532 = arith.constant 29 : i32
        %parallel_loop3A_533 = vector.broadcast %parallel_loop3A_532 : i32 to vector<16xi32>
        %parallel_loop3A_534 = tpu.vector_load_idx %arg6[%parallel_loop3A_183, %parallel_loop3A_533] : memref<832x32xf32, #tpu.memory_space<vmem>>[vector<16xi32>, vector<16xi32>], vector<16xf32>,
        %parallel_loop3A_535 = arith.constant 4 : i32
        %parallel_loop3A_536 = arith.muli %parallel_loop3A_535, %parallel_loop3A_179 : i32
        %parallel_loop3A_537 = arith.constant 3 : i32
        %parallel_loop3A_538 = arith.addi %parallel_loop3A_536, %parallel_loop3A_537 : i32
        %parallel_loop3A_539 = arith.constant 5 : i32
        %parallel_loop3A_540 = arith.index_cast %parallel_loop3A_538 : i32 to index
        %parallel_loop3A_541 = arith.index_cast %parallel_loop3A_539 : i32 to index
        %parallel_loop3A_542 = arith.constant 0 : index
        %parallel_loop3A_543 = tpu.vector_load %arg8[%parallel_loop3A_540, %parallel_loop3A_541, %parallel_loop3A_542] {strides = array<i32>} : memref<104x8x32xf32, #tpu.memory_space<vmem>>, vector<16xf32>,
        tpu.vector_store %arg8[%parallel_loop3A_540, %parallel_loop3A_541, %parallel_loop3A_542], %parallel_loop3A_534 {strides = array<i32>} : memref<104x8x32xf32, #tpu.memory_space<vmem>>, vector<16xf32>,
        %parallel_loop3A_544 = arith.constant 30 : i32
        %parallel_loop3A_545 = vector.broadcast %parallel_loop3A_544 : i32 to vector<16xi32>
        %parallel_loop3A_546 = tpu.vector_load_idx %arg6[%parallel_loop3A_183, %parallel_loop3A_545] : memref<832x32xf32, #tpu.memory_space<vmem>>[vector<16xi32>, vector<16xi32>], vector<16xf32>,
        %parallel_loop3A_547 = arith.constant 4 : i32
        %parallel_loop3A_548 = arith.muli %parallel_loop3A_547, %parallel_loop3A_179 : i32
        %parallel_loop3A_549 = arith.constant 3 : i32
        %parallel_loop3A_550 = arith.addi %parallel_loop3A_548, %parallel_loop3A_549 : i32
        %parallel_loop3A_551 = arith.constant 6 : i32
        %parallel_loop3A_552 = arith.index_cast %parallel_loop3A_550 : i32 to index
        %parallel_loop3A_553 = arith.index_cast %parallel_loop3A_551 : i32 to index
        %parallel_loop3A_554 = arith.constant 0 : index
        %parallel_loop3A_555 = tpu.vector_load %arg8[%parallel_loop3A_552, %parallel_loop3A_553, %parallel_loop3A_554] {strides = array<i32>} : memref<104x8x32xf32, #tpu.memory_space<vmem>>, vector<16xf32>,
        tpu.vector_store %arg8[%parallel_loop3A_552, %parallel_loop3A_553, %parallel_loop3A_554], %parallel_loop3A_546 {strides = array<i32>} : memref<104x8x32xf32, #tpu.memory_space<vmem>>, vector<16xf32>,
        %parallel_loop3A_556 = arith.constant 31 : i32
        %parallel_loop3A_557 = vector.broadcast %parallel_loop3A_556 : i32 to vector<16xi32>
        %parallel_loop3A_558 = tpu.vector_load_idx %arg6[%parallel_loop3A_183, %parallel_loop3A_557] : memref<832x32xf32, #tpu.memory_space<vmem>>[vector<16xi32>, vector<16xi32>], vector<16xf32>,
        %parallel_loop3A_559 = arith.constant 4 : i32
        %parallel_loop3A_560 = arith.muli %parallel_loop3A_559, %parallel_loop3A_179 : i32
        %parallel_loop3A_561 = arith.constant 3 : i32
        %parallel_loop3A_562 = arith.addi %parallel_loop3A_560, %parallel_loop3A_561 : i32
        %parallel_loop3A_563 = arith.constant 7 : i32
        %parallel_loop3A_564 = arith.index_cast %parallel_loop3A_562 : i32 to index
        %parallel_loop3A_565 = arith.index_cast %parallel_loop3A_563 : i32 to index
        %parallel_loop3A_566 = arith.constant 0 : index
        %parallel_loop3A_567 = tpu.vector_load %arg8[%parallel_loop3A_564, %parallel_loop3A_565, %parallel_loop3A_566] {strides = array<i32>} : memref<104x8x32xf32, #tpu.memory_space<vmem>>, vector<16xf32>,
        tpu.vector_store %arg8[%parallel_loop3A_564, %parallel_loop3A_565, %parallel_loop3A_566], %parallel_loop3A_558 {strides = array<i32>} : memref<104x8x32xf32, #tpu.memory_space<vmem>>, vector<16xf32>,
        %parallel_loop3A_568 = arith.constant 416 : i32
        %parallel_loop3A_569 = arith.addi %parallel_loop3A_568, %parallel_loop3A_179 : i32
        %parallel_loop3A_570 = vector.broadcast %parallel_loop3A_569 : i32 to vector<16xi32>
        %parallel_loop3A_571 = arith.addi %mul3A_5, %parallel_loop3A_570 : vector<16xi32>
        %parallel_loop3A_572 = arith.constant 0 : i32
        %parallel_loop3A_573 = vector.broadcast %parallel_loop3A_572 : i32 to vector<16xi32>
        %parallel_loop3A_574 = tpu.vector_load_idx %arg6[%parallel_loop3A_571, %parallel_loop3A_573] : memref<832x32xf32, #tpu.memory_space<vmem>>[vector<16xi32>, vector<16xi32>], vector<16xf32>,
        %parallel_loop3A_575 = arith.constant 4 : i32
        %parallel_loop3A_576 = arith.muli %parallel_loop3A_575, %parallel_loop3A_179 : i32
        %parallel_loop3A_577 = arith.constant 0 : i32
        %parallel_loop3A_578 = arith.addi %parallel_loop3A_576, %parallel_loop3A_577 : i32
        %parallel_loop3A_579 = arith.constant 0 : i32
        %parallel_loop3A_580 = arith.index_cast %parallel_loop3A_578 : i32 to index
        %parallel_loop3A_581 = arith.index_cast %parallel_loop3A_579 : i32 to index
        %parallel_loop3A_582 = arith.constant 16 : index
        %parallel_loop3A_583 = tpu.vector_load %arg8[%parallel_loop3A_580, %parallel_loop3A_581, %parallel_loop3A_582] {strides = array<i32>} : memref<104x8x32xf32, #tpu.memory_space<vmem>>, vector<16xf32>,
        tpu.vector_store %arg8[%parallel_loop3A_580, %parallel_loop3A_581, %parallel_loop3A_582], %parallel_loop3A_574 {strides = array<i32>} : memref<104x8x32xf32, #tpu.memory_space<vmem>>, vector<16xf32>,
        %parallel_loop3A_584 = arith.constant 1 : i32
        %parallel_loop3A_585 = vector.broadcast %parallel_loop3A_584 : i32 to vector<16xi32>
        %parallel_loop3A_586 = tpu.vector_load_idx %arg6[%parallel_loop3A_571, %parallel_loop3A_585] : memref<832x32xf32, #tpu.memory_space<vmem>>[vector<16xi32>, vector<16xi32>], vector<16xf32>,
        %parallel_loop3A_587 = arith.constant 4 : i32
        %parallel_loop3A_588 = arith.muli %parallel_loop3A_587, %parallel_loop3A_179 : i32
        %parallel_loop3A_589 = arith.constant 0 : i32
        %parallel_loop3A_590 = arith.addi %parallel_loop3A_588, %parallel_loop3A_589 : i32
        %parallel_loop3A_591 = arith.constant 1 : i32
        %parallel_loop3A_592 = arith.index_cast %parallel_loop3A_590 : i32 to index
        %parallel_loop3A_593 = arith.index_cast %parallel_loop3A_591 : i32 to index
        %parallel_loop3A_594 = arith.constant 16 : index
        %parallel_loop3A_595 = tpu.vector_load %arg8[%parallel_loop3A_592, %parallel_loop3A_593, %parallel_loop3A_594] {strides = array<i32>} : memref<104x8x32xf32, #tpu.memory_space<vmem>>, vector<16xf32>,
        tpu.vector_store %arg8[%parallel_loop3A_592, %parallel_loop3A_593, %parallel_loop3A_594], %parallel_loop3A_586 {strides = array<i32>} : memref<104x8x32xf32, #tpu.memory_space<vmem>>, vector<16xf32>,
        %parallel_loop3A_596 = arith.constant 2 : i32
        %parallel_loop3A_597 = vector.broadcast %parallel_loop3A_596 : i32 to vector<16xi32>
        %parallel_loop3A_598 = tpu.vector_load_idx %arg6[%parallel_loop3A_571, %parallel_loop3A_597] : memref<832x32xf32, #tpu.memory_space<vmem>>[vector<16xi32>, vector<16xi32>], vector<16xf32>,
        %parallel_loop3A_599 = arith.constant 4 : i32
        %parallel_loop3A_600 = arith.muli %parallel_loop3A_599, %parallel_loop3A_179 : i32
        %parallel_loop3A_601 = arith.constant 0 : i32
        %parallel_loop3A_602 = arith.addi %parallel_loop3A_600, %parallel_loop3A_601 : i32
        %parallel_loop3A_603 = arith.constant 2 : i32
        %parallel_loop3A_604 = arith.index_cast %parallel_loop3A_602 : i32 to index
        %parallel_loop3A_605 = arith.index_cast %parallel_loop3A_603 : i32 to index
        %parallel_loop3A_606 = arith.constant 16 : index
        %parallel_loop3A_607 = tpu.vector_load %arg8[%parallel_loop3A_604, %parallel_loop3A_605, %parallel_loop3A_606] {strides = array<i32>} : memref<104x8x32xf32, #tpu.memory_space<vmem>>, vector<16xf32>,
        tpu.vector_store %arg8[%parallel_loop3A_604, %parallel_loop3A_605, %parallel_loop3A_606], %parallel_loop3A_598 {strides = array<i32>} : memref<104x8x32xf32, #tpu.memory_space<vmem>>, vector<16xf32>,
        %parallel_loop3A_608 = arith.constant 3 : i32
        %parallel_loop3A_609 = vector.broadcast %parallel_loop3A_608 : i32 to vector<16xi32>
        %parallel_loop3A_610 = tpu.vector_load_idx %arg6[%parallel_loop3A_571, %parallel_loop3A_609] : memref<832x32xf32, #tpu.memory_space<vmem>>[vector<16xi32>, vector<16xi32>], vector<16xf32>,
        %parallel_loop3A_611 = arith.constant 4 : i32
        %parallel_loop3A_612 = arith.muli %parallel_loop3A_611, %parallel_loop3A_179 : i32
        %parallel_loop3A_613 = arith.constant 0 : i32
        %parallel_loop3A_614 = arith.addi %parallel_loop3A_612, %parallel_loop3A_613 : i32
        %parallel_loop3A_615 = arith.constant 3 : i32
        %parallel_loop3A_616 = arith.index_cast %parallel_loop3A_614 : i32 to index
        %parallel_loop3A_617 = arith.index_cast %parallel_loop3A_615 : i32 to index
        %parallel_loop3A_618 = arith.constant 16 : index
        %parallel_loop3A_619 = tpu.vector_load %arg8[%parallel_loop3A_616, %parallel_loop3A_617, %parallel_loop3A_618] {strides = array<i32>} : memref<104x8x32xf32, #tpu.memory_space<vmem>>, vector<16xf32>,
        tpu.vector_store %arg8[%parallel_loop3A_616, %parallel_loop3A_617, %parallel_loop3A_618], %parallel_loop3A_610 {strides = array<i32>} : memref<104x8x32xf32, #tpu.memory_space<vmem>>, vector<16xf32>,
        %parallel_loop3A_620 = arith.constant 4 : i32
        %parallel_loop3A_621 = vector.broadcast %parallel_loop3A_620 : i32 to vector<16xi32>
        %parallel_loop3A_622 = tpu.vector_load_idx %arg6[%parallel_loop3A_571, %parallel_loop3A_621] : memref<832x32xf32, #tpu.memory_space<vmem>>[vector<16xi32>, vector<16xi32>], vector<16xf32>,
        %parallel_loop3A_623 = arith.constant 4 : i32
        %parallel_loop3A_624 = arith.muli %parallel_loop3A_623, %parallel_loop3A_179 : i32
        %parallel_loop3A_625 = arith.constant 0 : i32
        %parallel_loop3A_626 = arith.addi %parallel_loop3A_624, %parallel_loop3A_625 : i32
        %parallel_loop3A_627 = arith.constant 4 : i32
        %parallel_loop3A_628 = arith.index_cast %parallel_loop3A_626 : i32 to index
        %parallel_loop3A_629 = arith.index_cast %parallel_loop3A_627 : i32 to index
        %parallel_loop3A_630 = arith.constant 16 : index
        %parallel_loop3A_631 = tpu.vector_load %arg8[%parallel_loop3A_628, %parallel_loop3A_629, %parallel_loop3A_630] {strides = array<i32>} : memref<104x8x32xf32, #tpu.memory_space<vmem>>, vector<16xf32>,
        tpu.vector_store %arg8[%parallel_loop3A_628, %parallel_loop3A_629, %parallel_loop3A_630], %parallel_loop3A_622 {strides = array<i32>} : memref<104x8x32xf32, #tpu.memory_space<vmem>>, vector<16xf32>,
        %parallel_loop3A_632 = arith.constant 5 : i32
        %parallel_loop3A_633 = vector.broadcast %parallel_loop3A_632 : i32 to vector<16xi32>
        %parallel_loop3A_634 = tpu.vector_load_idx %arg6[%parallel_loop3A_571, %parallel_loop3A_633] : memref<832x32xf32, #tpu.memory_space<vmem>>[vector<16xi32>, vector<16xi32>], vector<16xf32>,
        %parallel_loop3A_635 = arith.constant 4 : i32
        %parallel_loop3A_636 = arith.muli %parallel_loop3A_635, %parallel_loop3A_179 : i32
        %parallel_loop3A_637 = arith.constant 0 : i32
        %parallel_loop3A_638 = arith.addi %parallel_loop3A_636, %parallel_loop3A_637 : i32
        %parallel_loop3A_639 = arith.constant 5 : i32
        %parallel_loop3A_640 = arith.index_cast %parallel_loop3A_638 : i32 to index
        %parallel_loop3A_641 = arith.index_cast %parallel_loop3A_639 : i32 to index
        %parallel_loop3A_642 = arith.constant 16 : index
        %parallel_loop3A_643 = tpu.vector_load %arg8[%parallel_loop3A_640, %parallel_loop3A_641, %parallel_loop3A_642] {strides = array<i32>} : memref<104x8x32xf32, #tpu.memory_space<vmem>>, vector<16xf32>,
        tpu.vector_store %arg8[%parallel_loop3A_640, %parallel_loop3A_641, %parallel_loop3A_642], %parallel_loop3A_634 {strides = array<i32>} : memref<104x8x32xf32, #tpu.memory_space<vmem>>, vector<16xf32>,
        %parallel_loop3A_644 = arith.constant 6 : i32
        %parallel_loop3A_645 = vector.broadcast %parallel_loop3A_644 : i32 to vector<16xi32>
        %parallel_loop3A_646 = tpu.vector_load_idx %arg6[%parallel_loop3A_571, %parallel_loop3A_645] : memref<832x32xf32, #tpu.memory_space<vmem>>[vector<16xi32>, vector<16xi32>], vector<16xf32>,
        %parallel_loop3A_647 = arith.constant 4 : i32
        %parallel_loop3A_648 = arith.muli %parallel_loop3A_647, %parallel_loop3A_179 : i32
        %parallel_loop3A_649 = arith.constant 0 : i32
        %parallel_loop3A_650 = arith.addi %parallel_loop3A_648, %parallel_loop3A_649 : i32
        %parallel_loop3A_651 = arith.constant 6 : i32
        %parallel_loop3A_652 = arith.index_cast %parallel_loop3A_650 : i32 to index
        %parallel_loop3A_653 = arith.index_cast %parallel_loop3A_651 : i32 to index
        %parallel_loop3A_654 = arith.constant 16 : index
        %parallel_loop3A_655 = tpu.vector_load %arg8[%parallel_loop3A_652, %parallel_loop3A_653, %parallel_loop3A_654] {strides = array<i32>} : memref<104x8x32xf32, #tpu.memory_space<vmem>>, vector<16xf32>,
        tpu.vector_store %arg8[%parallel_loop3A_652, %parallel_loop3A_653, %parallel_loop3A_654], %parallel_loop3A_646 {strides = array<i32>} : memref<104x8x32xf32, #tpu.memory_space<vmem>>, vector<16xf32>,
        %parallel_loop3A_656 = arith.constant 7 : i32
        %parallel_loop3A_657 = vector.broadcast %parallel_loop3A_656 : i32 to vector<16xi32>
        %parallel_loop3A_658 = tpu.vector_load_idx %arg6[%parallel_loop3A_571, %parallel_loop3A_657] : memref<832x32xf32, #tpu.memory_space<vmem>>[vector<16xi32>, vector<16xi32>], vector<16xf32>,
        %parallel_loop3A_659 = arith.constant 4 : i32
        %parallel_loop3A_660 = arith.muli %parallel_loop3A_659, %parallel_loop3A_179 : i32
        %parallel_loop3A_661 = arith.constant 0 : i32
        %parallel_loop3A_662 = arith.addi %parallel_loop3A_660, %parallel_loop3A_661 : i32
        %parallel_loop3A_663 = arith.constant 7 : i32
        %parallel_loop3A_664 = arith.index_cast %parallel_loop3A_662 : i32 to index
        %parallel_loop3A_665 = arith.index_cast %parallel_loop3A_663 : i32 to index
        %parallel_loop3A_666 = arith.constant 16 : index
        %parallel_loop3A_667 = tpu.vector_load %arg8[%parallel_loop3A_664, %parallel_loop3A_665, %parallel_loop3A_666] {strides = array<i32>} : memref<104x8x32xf32, #tpu.memory_space<vmem>>, vector<16xf32>,
        tpu.vector_store %arg8[%parallel_loop3A_664, %parallel_loop3A_665, %parallel_loop3A_666], %parallel_loop3A_658 {strides = array<i32>} : memref<104x8x32xf32, #tpu.memory_space<vmem>>, vector<16xf32>,
        %parallel_loop3A_668 = arith.constant 8 : i32
        %parallel_loop3A_669 = vector.broadcast %parallel_loop3A_668 : i32 to vector<16xi32>
        %parallel_loop3A_670 = tpu.vector_load_idx %arg6[%parallel_loop3A_571, %parallel_loop3A_669] : memref<832x32xf32, #tpu.memory_space<vmem>>[vector<16xi32>, vector<16xi32>], vector<16xf32>,
        %parallel_loop3A_671 = arith.constant 4 : i32
        %parallel_loop3A_672 = arith.muli %parallel_loop3A_671, %parallel_loop3A_179 : i32
        %parallel_loop3A_673 = arith.constant 1 : i32
        %parallel_loop3A_674 = arith.addi %parallel_loop3A_672, %parallel_loop3A_673 : i32
        %parallel_loop3A_675 = arith.constant 0 : i32
        %parallel_loop3A_676 = arith.index_cast %parallel_loop3A_674 : i32 to index
        %parallel_loop3A_677 = arith.index_cast %parallel_loop3A_675 : i32 to index
        %parallel_loop3A_678 = arith.constant 16 : index
        %parallel_loop3A_679 = tpu.vector_load %arg8[%parallel_loop3A_676, %parallel_loop3A_677, %parallel_loop3A_678] {strides = array<i32>} : memref<104x8x32xf32, #tpu.memory_space<vmem>>, vector<16xf32>,
        tpu.vector_store %arg8[%parallel_loop3A_676, %parallel_loop3A_677, %parallel_loop3A_678], %parallel_loop3A_670 {strides = array<i32>} : memref<104x8x32xf32, #tpu.memory_space<vmem>>, vector<16xf32>,
        %parallel_loop3A_680 = arith.constant 9 : i32
        %parallel_loop3A_681 = vector.broadcast %parallel_loop3A_680 : i32 to vector<16xi32>
        %parallel_loop3A_682 = tpu.vector_load_idx %arg6[%parallel_loop3A_571, %parallel_loop3A_681] : memref<832x32xf32, #tpu.memory_space<vmem>>[vector<16xi32>, vector<16xi32>], vector<16xf32>,
        %parallel_loop3A_683 = arith.constant 4 : i32
        %parallel_loop3A_684 = arith.muli %parallel_loop3A_683, %parallel_loop3A_179 : i32
        %parallel_loop3A_685 = arith.constant 1 : i32
        %parallel_loop3A_686 = arith.addi %parallel_loop3A_684, %parallel_loop3A_685 : i32
        %parallel_loop3A_687 = arith.constant 1 : i32
        %parallel_loop3A_688 = arith.index_cast %parallel_loop3A_686 : i32 to index
        %parallel_loop3A_689 = arith.index_cast %parallel_loop3A_687 : i32 to index
        %parallel_loop3A_690 = arith.constant 16 : index
        %parallel_loop3A_691 = tpu.vector_load %arg8[%parallel_loop3A_688, %parallel_loop3A_689, %parallel_loop3A_690] {strides = array<i32>} : memref<104x8x32xf32, #tpu.memory_space<vmem>>, vector<16xf32>,
        tpu.vector_store %arg8[%parallel_loop3A_688, %parallel_loop3A_689, %parallel_loop3A_690], %parallel_loop3A_682 {strides = array<i32>} : memref<104x8x32xf32, #tpu.memory_space<vmem>>, vector<16xf32>,
        %parallel_loop3A_692 = arith.constant 10 : i32
        %parallel_loop3A_693 = vector.broadcast %parallel_loop3A_692 : i32 to vector<16xi32>
        %parallel_loop3A_694 = tpu.vector_load_idx %arg6[%parallel_loop3A_571, %parallel_loop3A_693] : memref<832x32xf32, #tpu.memory_space<vmem>>[vector<16xi32>, vector<16xi32>], vector<16xf32>,
        %parallel_loop3A_695 = arith.constant 4 : i32
        %parallel_loop3A_696 = arith.muli %parallel_loop3A_695, %parallel_loop3A_179 : i32
        %parallel_loop3A_697 = arith.constant 1 : i32
        %parallel_loop3A_698 = arith.addi %parallel_loop3A_696, %parallel_loop3A_697 : i32
        %parallel_loop3A_699 = arith.constant 2 : i32
        %parallel_loop3A_700 = arith.index_cast %parallel_loop3A_698 : i32 to index
        %parallel_loop3A_701 = arith.index_cast %parallel_loop3A_699 : i32 to index
        %parallel_loop3A_702 = arith.constant 16 : index
        %parallel_loop3A_703 = tpu.vector_load %arg8[%parallel_loop3A_700, %parallel_loop3A_701, %parallel_loop3A_702] {strides = array<i32>} : memref<104x8x32xf32, #tpu.memory_space<vmem>>, vector<16xf32>,
        tpu.vector_store %arg8[%parallel_loop3A_700, %parallel_loop3A_701, %parallel_loop3A_702], %parallel_loop3A_694 {strides = array<i32>} : memref<104x8x32xf32, #tpu.memory_space<vmem>>, vector<16xf32>,
        %parallel_loop3A_704 = arith.constant 11 : i32
        %parallel_loop3A_705 = vector.broadcast %parallel_loop3A_704 : i32 to vector<16xi32>
        %parallel_loop3A_706 = tpu.vector_load_idx %arg6[%parallel_loop3A_571, %parallel_loop3A_705] : memref<832x32xf32, #tpu.memory_space<vmem>>[vector<16xi32>, vector<16xi32>], vector<16xf32>,
        %parallel_loop3A_707 = arith.constant 4 : i32
        %parallel_loop3A_708 = arith.muli %parallel_loop3A_707, %parallel_loop3A_179 : i32
        %parallel_loop3A_709 = arith.constant 1 : i32
        %parallel_loop3A_710 = arith.addi %parallel_loop3A_708, %parallel_loop3A_709 : i32
        %parallel_loop3A_711 = arith.constant 3 : i32
        %parallel_loop3A_712 = arith.index_cast %parallel_loop3A_710 : i32 to index
        %parallel_loop3A_713 = arith.index_cast %parallel_loop3A_711 : i32 to index
        %parallel_loop3A_714 = arith.constant 16 : index
        %parallel_loop3A_715 = tpu.vector_load %arg8[%parallel_loop3A_712, %parallel_loop3A_713, %parallel_loop3A_714] {strides = array<i32>} : memref<104x8x32xf32, #tpu.memory_space<vmem>>, vector<16xf32>,
        tpu.vector_store %arg8[%parallel_loop3A_712, %parallel_loop3A_713, %parallel_loop3A_714], %parallel_loop3A_706 {strides = array<i32>} : memref<104x8x32xf32, #tpu.memory_space<vmem>>, vector<16xf32>,
        %parallel_loop3A_716 = arith.constant 12 : i32
        %parallel_loop3A_717 = vector.broadcast %parallel_loop3A_716 : i32 to vector<16xi32>
        %parallel_loop3A_718 = tpu.vector_load_idx %arg6[%parallel_loop3A_571, %parallel_loop3A_717] : memref<832x32xf32, #tpu.memory_space<vmem>>[vector<16xi32>, vector<16xi32>], vector<16xf32>,
        %parallel_loop3A_719 = arith.constant 4 : i32
        %parallel_loop3A_720 = arith.muli %parallel_loop3A_719, %parallel_loop3A_179 : i32
        %parallel_loop3A_721 = arith.constant 1 : i32
        %parallel_loop3A_722 = arith.addi %parallel_loop3A_720, %parallel_loop3A_721 : i32
        %parallel_loop3A_723 = arith.constant 4 : i32
        %parallel_loop3A_724 = arith.index_cast %parallel_loop3A_722 : i32 to index
        %parallel_loop3A_725 = arith.index_cast %parallel_loop3A_723 : i32 to index
        %parallel_loop3A_726 = arith.constant 16 : index
        %parallel_loop3A_727 = tpu.vector_load %arg8[%parallel_loop3A_724, %parallel_loop3A_725, %parallel_loop3A_726] {strides = array<i32>} : memref<104x8x32xf32, #tpu.memory_space<vmem>>, vector<16xf32>,
        tpu.vector_store %arg8[%parallel_loop3A_724, %parallel_loop3A_725, %parallel_loop3A_726], %parallel_loop3A_718 {strides = array<i32>} : memref<104x8x32xf32, #tpu.memory_space<vmem>>, vector<16xf32>,
        %parallel_loop3A_728 = arith.constant 13 : i32
        %parallel_loop3A_729 = vector.broadcast %parallel_loop3A_728 : i32 to vector<16xi32>
        %parallel_loop3A_730 = tpu.vector_load_idx %arg6[%parallel_loop3A_571, %parallel_loop3A_729] : memref<832x32xf32, #tpu.memory_space<vmem>>[vector<16xi32>, vector<16xi32>], vector<16xf32>,
        %parallel_loop3A_731 = arith.constant 4 : i32
        %parallel_loop3A_732 = arith.muli %parallel_loop3A_731, %parallel_loop3A_179 : i32
        %parallel_loop3A_733 = arith.constant 1 : i32
        %parallel_loop3A_734 = arith.addi %parallel_loop3A_732, %parallel_loop3A_733 : i32
        %parallel_loop3A_735 = arith.constant 5 : i32
        %parallel_loop3A_736 = arith.index_cast %parallel_loop3A_734 : i32 to index
        %parallel_loop3A_737 = arith.index_cast %parallel_loop3A_735 : i32 to index
        %parallel_loop3A_738 = arith.constant 16 : index
        %parallel_loop3A_739 = tpu.vector_load %arg8[%parallel_loop3A_736, %parallel_loop3A_737, %parallel_loop3A_738] {strides = array<i32>} : memref<104x8x32xf32, #tpu.memory_space<vmem>>, vector<16xf32>,
        tpu.vector_store %arg8[%parallel_loop3A_736, %parallel_loop3A_737, %parallel_loop3A_738], %parallel_loop3A_730 {strides = array<i32>} : memref<104x8x32xf32, #tpu.memory_space<vmem>>, vector<16xf32>,
        %parallel_loop3A_740 = arith.constant 14 : i32
        %parallel_loop3A_741 = vector.broadcast %parallel_loop3A_740 : i32 to vector<16xi32>
        %parallel_loop3A_742 = tpu.vector_load_idx %arg6[%parallel_loop3A_571, %parallel_loop3A_741] : memref<832x32xf32, #tpu.memory_space<vmem>>[vector<16xi32>, vector<16xi32>], vector<16xf32>,
        %parallel_loop3A_743 = arith.constant 4 : i32
        %parallel_loop3A_744 = arith.muli %parallel_loop3A_743, %parallel_loop3A_179 : i32
        %parallel_loop3A_745 = arith.constant 1 : i32
        %parallel_loop3A_746 = arith.addi %parallel_loop3A_744, %parallel_loop3A_745 : i32
        %parallel_loop3A_747 = arith.constant 6 : i32
        %parallel_loop3A_748 = arith.index_cast %parallel_loop3A_746 : i32 to index
        %parallel_loop3A_749 = arith.index_cast %parallel_loop3A_747 : i32 to index
        %parallel_loop3A_750 = arith.constant 16 : index
        %parallel_loop3A_751 = tpu.vector_load %arg8[%parallel_loop3A_748, %parallel_loop3A_749, %parallel_loop3A_750] {strides = array<i32>} : memref<104x8x32xf32, #tpu.memory_space<vmem>>, vector<16xf32>,
        tpu.vector_store %arg8[%parallel_loop3A_748, %parallel_loop3A_749, %parallel_loop3A_750], %parallel_loop3A_742 {strides = array<i32>} : memref<104x8x32xf32, #tpu.memory_space<vmem>>, vector<16xf32>,
        %parallel_loop3A_752 = arith.constant 15 : i32
        %parallel_loop3A_753 = vector.broadcast %parallel_loop3A_752 : i32 to vector<16xi32>
        %parallel_loop3A_754 = tpu.vector_load_idx %arg6[%parallel_loop3A_571, %parallel_loop3A_753] : memref<832x32xf32, #tpu.memory_space<vmem>>[vector<16xi32>, vector<16xi32>], vector<16xf32>,
        %parallel_loop3A_755 = arith.constant 4 : i32
        %parallel_loop3A_756 = arith.muli %parallel_loop3A_755, %parallel_loop3A_179 : i32
        %parallel_loop3A_757 = arith.constant 1 : i32
        %parallel_loop3A_758 = arith.addi %parallel_loop3A_756, %parallel_loop3A_757 : i32
        %parallel_loop3A_759 = arith.constant 7 : i32
        %parallel_loop3A_760 = arith.index_cast %parallel_loop3A_758 : i32 to index
        %parallel_loop3A_761 = arith.index_cast %parallel_loop3A_759 : i32 to index
        %parallel_loop3A_762 = arith.constant 16 : index
        %parallel_loop3A_763 = tpu.vector_load %arg8[%parallel_loop3A_760, %parallel_loop3A_761, %parallel_loop3A_762] {strides = array<i32>} : memref<104x8x32xf32, #tpu.memory_space<vmem>>, vector<16xf32>,
        tpu.vector_store %arg8[%parallel_loop3A_760, %parallel_loop3A_761, %parallel_loop3A_762], %parallel_loop3A_754 {strides = array<i32>} : memref<104x8x32xf32, #tpu.memory_space<vmem>>, vector<16xf32>,
        %parallel_loop3A_764 = arith.constant 16 : i32
        %parallel_loop3A_765 = vector.broadcast %parallel_loop3A_764 : i32 to vector<16xi32>
        %parallel_loop3A_766 = tpu.vector_load_idx %arg6[%parallel_loop3A_571, %parallel_loop3A_765] : memref<832x32xf32, #tpu.memory_space<vmem>>[vector<16xi32>, vector<16xi32>], vector<16xf32>,
        %parallel_loop3A_767 = arith.constant 4 : i32
        %parallel_loop3A_768 = arith.muli %parallel_loop3A_767, %parallel_loop3A_179 : i32
        %parallel_loop3A_769 = arith.constant 2 : i32
        %parallel_loop3A_770 = arith.addi %parallel_loop3A_768, %parallel_loop3A_769 : i32
        %parallel_loop3A_771 = arith.constant 0 : i32
        %parallel_loop3A_772 = arith.index_cast %parallel_loop3A_770 : i32 to index
        %parallel_loop3A_773 = arith.index_cast %parallel_loop3A_771 : i32 to index
        %parallel_loop3A_774 = arith.constant 16 : index
        %parallel_loop3A_775 = tpu.vector_load %arg8[%parallel_loop3A_772, %parallel_loop3A_773, %parallel_loop3A_774] {strides = array<i32>} : memref<104x8x32xf32, #tpu.memory_space<vmem>>, vector<16xf32>,
        tpu.vector_store %arg8[%parallel_loop3A_772, %parallel_loop3A_773, %parallel_loop3A_774], %parallel_loop3A_766 {strides = array<i32>} : memref<104x8x32xf32, #tpu.memory_space<vmem>>, vector<16xf32>,
        %parallel_loop3A_776 = arith.constant 17 : i32
        %parallel_loop3A_777 = vector.broadcast %parallel_loop3A_776 : i32 to vector<16xi32>
        %parallel_loop3A_778 = tpu.vector_load_idx %arg6[%parallel_loop3A_571, %parallel_loop3A_777] : memref<832x32xf32, #tpu.memory_space<vmem>>[vector<16xi32>, vector<16xi32>], vector<16xf32>,
        %parallel_loop3A_779 = arith.constant 4 : i32
        %parallel_loop3A_780 = arith.muli %parallel_loop3A_779, %parallel_loop3A_179 : i32
        %parallel_loop3A_781 = arith.constant 2 : i32
        %parallel_loop3A_782 = arith.addi %parallel_loop3A_780, %parallel_loop3A_781 : i32
        %parallel_loop3A_783 = arith.constant 1 : i32
        %parallel_loop3A_784 = arith.index_cast %parallel_loop3A_782 : i32 to index
        %parallel_loop3A_785 = arith.index_cast %parallel_loop3A_783 : i32 to index
        %parallel_loop3A_786 = arith.constant 16 : index
        %parallel_loop3A_787 = tpu.vector_load %arg8[%parallel_loop3A_784, %parallel_loop3A_785, %parallel_loop3A_786] {strides = array<i32>} : memref<104x8x32xf32, #tpu.memory_space<vmem>>, vector<16xf32>,
        tpu.vector_store %arg8[%parallel_loop3A_784, %parallel_loop3A_785, %parallel_loop3A_786], %parallel_loop3A_778 {strides = array<i32>} : memref<104x8x32xf32, #tpu.memory_space<vmem>>, vector<16xf32>,
        %parallel_loop3A_788 = arith.constant 18 : i32
        %parallel_loop3A_789 = vector.broadcast %parallel_loop3A_788 : i32 to vector<16xi32>
        %parallel_loop3A_790 = tpu.vector_load_idx %arg6[%parallel_loop3A_571, %parallel_loop3A_789] : memref<832x32xf32, #tpu.memory_space<vmem>>[vector<16xi32>, vector<16xi32>], vector<16xf32>,
        %parallel_loop3A_791 = arith.constant 4 : i32
        %parallel_loop3A_792 = arith.muli %parallel_loop3A_791, %parallel_loop3A_179 : i32
        %parallel_loop3A_793 = arith.constant 2 : i32
        %parallel_loop3A_794 = arith.addi %parallel_loop3A_792, %parallel_loop3A_793 : i32
        %parallel_loop3A_795 = arith.constant 2 : i32
        %parallel_loop3A_796 = arith.index_cast %parallel_loop3A_794 : i32 to index
        %parallel_loop3A_797 = arith.index_cast %parallel_loop3A_795 : i32 to index
        %parallel_loop3A_798 = arith.constant 16 : index
        %parallel_loop3A_799 = tpu.vector_load %arg8[%parallel_loop3A_796, %parallel_loop3A_797, %parallel_loop3A_798] {strides = array<i32>} : memref<104x8x32xf32, #tpu.memory_space<vmem>>, vector<16xf32>,
        tpu.vector_store %arg8[%parallel_loop3A_796, %parallel_loop3A_797, %parallel_loop3A_798], %parallel_loop3A_790 {strides = array<i32>} : memref<104x8x32xf32, #tpu.memory_space<vmem>>, vector<16xf32>,
        %parallel_loop3A_800 = arith.constant 19 : i32
        %parallel_loop3A_801 = vector.broadcast %parallel_loop3A_800 : i32 to vector<16xi32>
        %parallel_loop3A_802 = tpu.vector_load_idx %arg6[%parallel_loop3A_571, %parallel_loop3A_801] : memref<832x32xf32, #tpu.memory_space<vmem>>[vector<16xi32>, vector<16xi32>], vector<16xf32>,
        %parallel_loop3A_803 = arith.constant 4 : i32
        %parallel_loop3A_804 = arith.muli %parallel_loop3A_803, %parallel_loop3A_179 : i32
        %parallel_loop3A_805 = arith.constant 2 : i32
        %parallel_loop3A_806 = arith.addi %parallel_loop3A_804, %parallel_loop3A_805 : i32
        %parallel_loop3A_807 = arith.constant 3 : i32
        %parallel_loop3A_808 = arith.index_cast %parallel_loop3A_806 : i32 to index
        %parallel_loop3A_809 = arith.index_cast %parallel_loop3A_807 : i32 to index
        %parallel_loop3A_810 = arith.constant 16 : index
        %parallel_loop3A_811 = tpu.vector_load %arg8[%parallel_loop3A_808, %parallel_loop3A_809, %parallel_loop3A_810] {strides = array<i32>} : memref<104x8x32xf32, #tpu.memory_space<vmem>>, vector<16xf32>,
        tpu.vector_store %arg8[%parallel_loop3A_808, %parallel_loop3A_809, %parallel_loop3A_810], %parallel_loop3A_802 {strides = array<i32>} : memref<104x8x32xf32, #tpu.memory_space<vmem>>, vector<16xf32>,
        %parallel_loop3A_812 = arith.constant 20 : i32
        %parallel_loop3A_813 = vector.broadcast %parallel_loop3A_812 : i32 to vector<16xi32>
        %parallel_loop3A_814 = tpu.vector_load_idx %arg6[%parallel_loop3A_571, %parallel_loop3A_813] : memref<832x32xf32, #tpu.memory_space<vmem>>[vector<16xi32>, vector<16xi32>], vector<16xf32>,
        %parallel_loop3A_815 = arith.constant 4 : i32
        %parallel_loop3A_816 = arith.muli %parallel_loop3A_815, %parallel_loop3A_179 : i32
        %parallel_loop3A_817 = arith.constant 2 : i32
        %parallel_loop3A_818 = arith.addi %parallel_loop3A_816, %parallel_loop3A_817 : i32
        %parallel_loop3A_819 = arith.constant 4 : i32
        %parallel_loop3A_820 = arith.index_cast %parallel_loop3A_818 : i32 to index
        %parallel_loop3A_821 = arith.index_cast %parallel_loop3A_819 : i32 to index
        %parallel_loop3A_822 = arith.constant 16 : index
        %parallel_loop3A_823 = tpu.vector_load %arg8[%parallel_loop3A_820, %parallel_loop3A_821, %parallel_loop3A_822] {strides = array<i32>} : memref<104x8x32xf32, #tpu.memory_space<vmem>>, vector<16xf32>,
        tpu.vector_store %arg8[%parallel_loop3A_820, %parallel_loop3A_821, %parallel_loop3A_822], %parallel_loop3A_814 {strides = array<i32>} : memref<104x8x32xf32, #tpu.memory_space<vmem>>, vector<16xf32>,
        %parallel_loop3A_824 = arith.constant 21 : i32
        %parallel_loop3A_825 = vector.broadcast %parallel_loop3A_824 : i32 to vector<16xi32>
        %parallel_loop3A_826 = tpu.vector_load_idx %arg6[%parallel_loop3A_571, %parallel_loop3A_825] : memref<832x32xf32, #tpu.memory_space<vmem>>[vector<16xi32>, vector<16xi32>], vector<16xf32>,
        %parallel_loop3A_827 = arith.constant 4 : i32
        %parallel_loop3A_828 = arith.muli %parallel_loop3A_827, %parallel_loop3A_179 : i32
        %parallel_loop3A_829 = arith.constant 2 : i32
        %parallel_loop3A_830 = arith.addi %parallel_loop3A_828, %parallel_loop3A_829 : i32
        %parallel_loop3A_831 = arith.constant 5 : i32
        %parallel_loop3A_832 = arith.index_cast %parallel_loop3A_830 : i32 to index
        %parallel_loop3A_833 = arith.index_cast %parallel_loop3A_831 : i32 to index
        %parallel_loop3A_834 = arith.constant 16 : index
        %parallel_loop3A_835 = tpu.vector_load %arg8[%parallel_loop3A_832, %parallel_loop3A_833, %parallel_loop3A_834] {strides = array<i32>} : memref<104x8x32xf32, #tpu.memory_space<vmem>>, vector<16xf32>,
        tpu.vector_store %arg8[%parallel_loop3A_832, %parallel_loop3A_833, %parallel_loop3A_834], %parallel_loop3A_826 {strides = array<i32>} : memref<104x8x32xf32, #tpu.memory_space<vmem>>, vector<16xf32>,
        %parallel_loop3A_836 = arith.constant 22 : i32
        %parallel_loop3A_837 = vector.broadcast %parallel_loop3A_836 : i32 to vector<16xi32>
        %parallel_loop3A_838 = tpu.vector_load_idx %arg6[%parallel_loop3A_571, %parallel_loop3A_837] : memref<832x32xf32, #tpu.memory_space<vmem>>[vector<16xi32>, vector<16xi32>], vector<16xf32>,
        %parallel_loop3A_839 = arith.constant 4 : i32
        %parallel_loop3A_840 = arith.muli %parallel_loop3A_839, %parallel_loop3A_179 : i32
        %parallel_loop3A_841 = arith.constant 2 : i32
        %parallel_loop3A_842 = arith.addi %parallel_loop3A_840, %parallel_loop3A_841 : i32
        %parallel_loop3A_843 = arith.constant 6 : i32
        %parallel_loop3A_844 = arith.index_cast %parallel_loop3A_842 : i32 to index
        %parallel_loop3A_845 = arith.index_cast %parallel_loop3A_843 : i32 to index
        %parallel_loop3A_846 = arith.constant 16 : index
        %parallel_loop3A_847 = tpu.vector_load %arg8[%parallel_loop3A_844, %parallel_loop3A_845, %parallel_loop3A_846] {strides = array<i32>} : memref<104x8x32xf32, #tpu.memory_space<vmem>>, vector<16xf32>,
        tpu.vector_store %arg8[%parallel_loop3A_844, %parallel_loop3A_845, %parallel_loop3A_846], %parallel_loop3A_838 {strides = array<i32>} : memref<104x8x32xf32, #tpu.memory_space<vmem>>, vector<16xf32>,
        %parallel_loop3A_848 = arith.constant 23 : i32
        %parallel_loop3A_849 = vector.broadcast %parallel_loop3A_848 : i32 to vector<16xi32>
        %parallel_loop3A_850 = tpu.vector_load_idx %arg6[%parallel_loop3A_571, %parallel_loop3A_849] : memref<832x32xf32, #tpu.memory_space<vmem>>[vector<16xi32>, vector<16xi32>], vector<16xf32>,
        %parallel_loop3A_851 = arith.constant 4 : i32
        %parallel_loop3A_852 = arith.muli %parallel_loop3A_851, %parallel_loop3A_179 : i32
        %parallel_loop3A_853 = arith.constant 2 : i32
        %parallel_loop3A_854 = arith.addi %parallel_loop3A_852, %parallel_loop3A_853 : i32
        %parallel_loop3A_855 = arith.constant 7 : i32
        %parallel_loop3A_856 = arith.index_cast %parallel_loop3A_854 : i32 to index
        %parallel_loop3A_857 = arith.index_cast %parallel_loop3A_855 : i32 to index
        %parallel_loop3A_858 = arith.constant 16 : index
        %parallel_loop3A_859 = tpu.vector_load %arg8[%parallel_loop3A_856, %parallel_loop3A_857, %parallel_loop3A_858] {strides = array<i32>} : memref<104x8x32xf32, #tpu.memory_space<vmem>>, vector<16xf32>,
        tpu.vector_store %arg8[%parallel_loop3A_856, %parallel_loop3A_857, %parallel_loop3A_858], %parallel_loop3A_850 {strides = array<i32>} : memref<104x8x32xf32, #tpu.memory_space<vmem>>, vector<16xf32>,
        %parallel_loop3A_860 = arith.constant 24 : i32
        %parallel_loop3A_861 = vector.broadcast %parallel_loop3A_860 : i32 to vector<16xi32>
        %parallel_loop3A_862 = tpu.vector_load_idx %arg6[%parallel_loop3A_571, %parallel_loop3A_861] : memref<832x32xf32, #tpu.memory_space<vmem>>[vector<16xi32>, vector<16xi32>], vector<16xf32>,
        %parallel_loop3A_863 = arith.constant 4 : i32
        %parallel_loop3A_864 = arith.muli %parallel_loop3A_863, %parallel_loop3A_179 : i32
        %parallel_loop3A_865 = arith.constant 3 : i32
        %parallel_loop3A_866 = arith.addi %parallel_loop3A_864, %parallel_loop3A_865 : i32
        %parallel_loop3A_867 = arith.constant 0 : i32
        %parallel_loop3A_868 = arith.index_cast %parallel_loop3A_866 : i32 to index
        %parallel_loop3A_869 = arith.index_cast %parallel_loop3A_867 : i32 to index
        %parallel_loop3A_870 = arith.constant 16 : index
        %parallel_loop3A_871 = tpu.vector_load %arg8[%parallel_loop3A_868, %parallel_loop3A_869, %parallel_loop3A_870] {strides = array<i32>} : memref<104x8x32xf32, #tpu.memory_space<vmem>>, vector<16xf32>,
        tpu.vector_store %arg8[%parallel_loop3A_868, %parallel_loop3A_869, %parallel_loop3A_870], %parallel_loop3A_862 {strides = array<i32>} : memref<104x8x32xf32, #tpu.memory_space<vmem>>, vector<16xf32>,
        %parallel_loop3A_872 = arith.constant 25 : i32
        %parallel_loop3A_873 = vector.broadcast %parallel_loop3A_872 : i32 to vector<16xi32>
        %parallel_loop3A_874 = tpu.vector_load_idx %arg6[%parallel_loop3A_571, %parallel_loop3A_873] : memref<832x32xf32, #tpu.memory_space<vmem>>[vector<16xi32>, vector<16xi32>], vector<16xf32>,
        %parallel_loop3A_875 = arith.constant 4 : i32
        %parallel_loop3A_876 = arith.muli %parallel_loop3A_875, %parallel_loop3A_179 : i32
        %parallel_loop3A_877 = arith.constant 3 : i32
        %parallel_loop3A_878 = arith.addi %parallel_loop3A_876, %parallel_loop3A_877 : i32
        %parallel_loop3A_879 = arith.constant 1 : i32
        %parallel_loop3A_880 = arith.index_cast %parallel_loop3A_878 : i32 to index
        %parallel_loop3A_881 = arith.index_cast %parallel_loop3A_879 : i32 to index
        %parallel_loop3A_882 = arith.constant 16 : index
        %parallel_loop3A_883 = tpu.vector_load %arg8[%parallel_loop3A_880, %parallel_loop3A_881, %parallel_loop3A_882] {strides = array<i32>} : memref<104x8x32xf32, #tpu.memory_space<vmem>>, vector<16xf32>,
        tpu.vector_store %arg8[%parallel_loop3A_880, %parallel_loop3A_881, %parallel_loop3A_882], %parallel_loop3A_874 {strides = array<i32>} : memref<104x8x32xf32, #tpu.memory_space<vmem>>, vector<16xf32>,
        %parallel_loop3A_884 = arith.constant 26 : i32
        %parallel_loop3A_885 = vector.broadcast %parallel_loop3A_884 : i32 to vector<16xi32>
        %parallel_loop3A_886 = tpu.vector_load_idx %arg6[%parallel_loop3A_571, %parallel_loop3A_885] : memref<832x32xf32, #tpu.memory_space<vmem>>[vector<16xi32>, vector<16xi32>], vector<16xf32>,
        %parallel_loop3A_887 = arith.constant 4 : i32
        %parallel_loop3A_888 = arith.muli %parallel_loop3A_887, %parallel_loop3A_179 : i32
        %parallel_loop3A_889 = arith.constant 3 : i32
        %parallel_loop3A_890 = arith.addi %parallel_loop3A_888, %parallel_loop3A_889 : i32
        %parallel_loop3A_891 = arith.constant 2 : i32
        %parallel_loop3A_892 = arith.index_cast %parallel_loop3A_890 : i32 to index
        %parallel_loop3A_893 = arith.index_cast %parallel_loop3A_891 : i32 to index
        %parallel_loop3A_894 = arith.constant 16 : index
        %parallel_loop3A_895 = tpu.vector_load %arg8[%parallel_loop3A_892, %parallel_loop3A_893, %parallel_loop3A_894] {strides = array<i32>} : memref<104x8x32xf32, #tpu.memory_space<vmem>>, vector<16xf32>,
        tpu.vector_store %arg8[%parallel_loop3A_892, %parallel_loop3A_893, %parallel_loop3A_894], %parallel_loop3A_886 {strides = array<i32>} : memref<104x8x32xf32, #tpu.memory_space<vmem>>, vector<16xf32>,
        %parallel_loop3A_896 = arith.constant 27 : i32
        %parallel_loop3A_897 = vector.broadcast %parallel_loop3A_896 : i32 to vector<16xi32>
        %parallel_loop3A_898 = tpu.vector_load_idx %arg6[%parallel_loop3A_571, %parallel_loop3A_897] : memref<832x32xf32, #tpu.memory_space<vmem>>[vector<16xi32>, vector<16xi32>], vector<16xf32>,
        %parallel_loop3A_899 = arith.constant 4 : i32
        %parallel_loop3A_900 = arith.muli %parallel_loop3A_899, %parallel_loop3A_179 : i32
        %parallel_loop3A_901 = arith.constant 3 : i32
        %parallel_loop3A_902 = arith.addi %parallel_loop3A_900, %parallel_loop3A_901 : i32
        %parallel_loop3A_903 = arith.constant 3 : i32
        %parallel_loop3A_904 = arith.index_cast %parallel_loop3A_902 : i32 to index
        %parallel_loop3A_905 = arith.index_cast %parallel_loop3A_903 : i32 to index
        %parallel_loop3A_906 = arith.constant 16 : index
        %parallel_loop3A_907 = tpu.vector_load %arg8[%parallel_loop3A_904, %parallel_loop3A_905, %parallel_loop3A_906] {strides = array<i32>} : memref<104x8x32xf32, #tpu.memory_space<vmem>>, vector<16xf32>,
        tpu.vector_store %arg8[%parallel_loop3A_904, %parallel_loop3A_905, %parallel_loop3A_906], %parallel_loop3A_898 {strides = array<i32>} : memref<104x8x32xf32, #tpu.memory_space<vmem>>, vector<16xf32>,
        %parallel_loop3A_908 = arith.constant 28 : i32
        %parallel_loop3A_909 = vector.broadcast %parallel_loop3A_908 : i32 to vector<16xi32>
        %parallel_loop3A_910 = tpu.vector_load_idx %arg6[%parallel_loop3A_571, %parallel_loop3A_909] : memref<832x32xf32, #tpu.memory_space<vmem>>[vector<16xi32>, vector<16xi32>], vector<16xf32>,
        %parallel_loop3A_911 = arith.constant 4 : i32
        %parallel_loop3A_912 = arith.muli %parallel_loop3A_911, %parallel_loop3A_179 : i32
        %parallel_loop3A_913 = arith.constant 3 : i32
        %parallel_loop3A_914 = arith.addi %parallel_loop3A_912, %parallel_loop3A_913 : i32
        %parallel_loop3A_915 = arith.constant 4 : i32
        %parallel_loop3A_916 = arith.index_cast %parallel_loop3A_914 : i32 to index
        %parallel_loop3A_917 = arith.index_cast %parallel_loop3A_915 : i32 to index
        %parallel_loop3A_918 = arith.constant 16 : index
        %parallel_loop3A_919 = tpu.vector_load %arg8[%parallel_loop3A_916, %parallel_loop3A_917, %parallel_loop3A_918] {strides = array<i32>} : memref<104x8x32xf32, #tpu.memory_space<vmem>>, vector<16xf32>,
        tpu.vector_store %arg8[%parallel_loop3A_916, %parallel_loop3A_917, %parallel_loop3A_918], %parallel_loop3A_910 {strides = array<i32>} : memref<104x8x32xf32, #tpu.memory_space<vmem>>, vector<16xf32>,
        %parallel_loop3A_920 = arith.constant 29 : i32
        %parallel_loop3A_921 = vector.broadcast %parallel_loop3A_920 : i32 to vector<16xi32>
        %parallel_loop3A_922 = tpu.vector_load_idx %arg6[%parallel_loop3A_571, %parallel_loop3A_921] : memref<832x32xf32, #tpu.memory_space<vmem>>[vector<16xi32>, vector<16xi32>], vector<16xf32>,
        %parallel_loop3A_923 = arith.constant 4 : i32
        %parallel_loop3A_924 = arith.muli %parallel_loop3A_923, %parallel_loop3A_179 : i32
        %parallel_loop3A_925 = arith.constant 3 : i32
        %parallel_loop3A_926 = arith.addi %parallel_loop3A_924, %parallel_loop3A_925 : i32
        %parallel_loop3A_927 = arith.constant 5 : i32
        %parallel_loop3A_928 = arith.index_cast %parallel_loop3A_926 : i32 to index
        %parallel_loop3A_929 = arith.index_cast %parallel_loop3A_927 : i32 to index
        %parallel_loop3A_930 = arith.constant 16 : index
        %parallel_loop3A_931 = tpu.vector_load %arg8[%parallel_loop3A_928, %parallel_loop3A_929, %parallel_loop3A_930] {strides = array<i32>} : memref<104x8x32xf32, #tpu.memory_space<vmem>>, vector<16xf32>,
        tpu.vector_store %arg8[%parallel_loop3A_928, %parallel_loop3A_929, %parallel_loop3A_930], %parallel_loop3A_922 {strides = array<i32>} : memref<104x8x32xf32, #tpu.memory_space<vmem>>, vector<16xf32>,
        %parallel_loop3A_932 = arith.constant 30 : i32
        %parallel_loop3A_933 = vector.broadcast %parallel_loop3A_932 : i32 to vector<16xi32>
        %parallel_loop3A_934 = tpu.vector_load_idx %arg6[%parallel_loop3A_571, %parallel_loop3A_933] : memref<832x32xf32, #tpu.memory_space<vmem>>[vector<16xi32>, vector<16xi32>], vector<16xf32>,
        %parallel_loop3A_935 = arith.constant 4 : i32
        %parallel_loop3A_936 = arith.muli %parallel_loop3A_935, %parallel_loop3A_179 : i32
        %parallel_loop3A_937 = arith.constant 3 : i32
        %parallel_loop3A_938 = arith.addi %parallel_loop3A_936, %parallel_loop3A_937 : i32
        %parallel_loop3A_939 = arith.constant 6 : i32
        %parallel_loop3A_940 = arith.index_cast %parallel_loop3A_938 : i32 to index
        %parallel_loop3A_941 = arith.index_cast %parallel_loop3A_939 : i32 to index
        %parallel_loop3A_942 = arith.constant 16 : index
        %parallel_loop3A_943 = tpu.vector_load %arg8[%parallel_loop3A_940, %parallel_loop3A_941, %parallel_loop3A_942] {strides = array<i32>} : memref<104x8x32xf32, #tpu.memory_space<vmem>>, vector<16xf32>,
        tpu.vector_store %arg8[%parallel_loop3A_940, %parallel_loop3A_941, %parallel_loop3A_942], %parallel_loop3A_934 {strides = array<i32>} : memref<104x8x32xf32, #tpu.memory_space<vmem>>, vector<16xf32>,
        %parallel_loop3A_944 = arith.constant 31 : i32
        %parallel_loop3A_945 = vector.broadcast %parallel_loop3A_944 : i32 to vector<16xi32>
        %parallel_loop3A_946 = tpu.vector_load_idx %arg6[%parallel_loop3A_571, %parallel_loop3A_945] : memref<832x32xf32, #tpu.memory_space<vmem>>[vector<16xi32>, vector<16xi32>], vector<16xf32>,
        %parallel_loop3A_947 = arith.constant 4 : i32
        %parallel_loop3A_948 = arith.muli %parallel_loop3A_947, %parallel_loop3A_179 : i32
        %parallel_loop3A_949 = arith.constant 3 : i32
        %parallel_loop3A_950 = arith.addi %parallel_loop3A_948, %parallel_loop3A_949 : i32
        %parallel_loop3A_951 = arith.constant 7 : i32
        %parallel_loop3A_952 = arith.index_cast %parallel_loop3A_950 : i32 to index
        %parallel_loop3A_953 = arith.index_cast %parallel_loop3A_951 : i32 to index
        %parallel_loop3A_954 = arith.constant 16 : index
        %parallel_loop3A_955 = tpu.vector_load %arg8[%parallel_loop3A_952, %parallel_loop3A_953, %parallel_loop3A_954] {strides = array<i32>} : memref<104x8x32xf32, #tpu.memory_space<vmem>>, vector<16xf32>,
        tpu.vector_store %arg8[%parallel_loop3A_952, %parallel_loop3A_953, %parallel_loop3A_954], %parallel_loop3A_946 {strides = array<i32>} : memref<104x8x32xf32, #tpu.memory_space<vmem>>, vector<16xf32>,
      } {sc.loop_unroll_factor = 2 : i64, sc.parallel_access}
      %jit3A = arith.constant 4 : i32
      %div3A = arith.divsi %add3A_46, %jit3A : i32
      %sign3A = arith.constant 0 : i32
      %sign3A_64 = arith.cmpi sgt, %add3A_46, %sign3A : i32
      %sign3A_65 = arith.extui %sign3A_64 : i1 to i32
      %sign3A_66 = arith.constant 0 : i32
      %sign3A_67 = arith.cmpi slt, %add3A_46, %sign3A_66 : i32
      %sign3A_68 = arith.extui %sign3A_67 : i1 to i32
      %sign3A_69 = arith.subi %sign3A_65, %sign3A_68 : i32
      %sign3A_70 = arith.constant 0 : i32
      %sign3A_71 = arith.cmpi sgt, %jit3A, %sign3A_70 : i32
      %sign3A_72 = arith.extui %sign3A_71 : i1 to i32
      %sign3A_73 = arith.constant 0 : i32
      %sign3A_74 = arith.cmpi slt, %jit3A, %sign3A_73 : i32
      %sign3A_75 = arith.extui %sign3A_74 : i1 to i32
      %sign3A_76 = arith.subi %sign3A_72, %sign3A_75 : i32
      %ne3A = arith.cmpi ne, %sign3A_69, %sign3A_76 : i32
      %rem3A = arith.remsi %add3A_46, %jit3A : i32
      %ne3A_77 = arith.constant 0 : i32
      %ne3A_78 = arith.cmpi ne, %rem3A, %ne3A_77 : i32
      %and3A = arith.andi %ne3A, %ne3A_78 : i1
      %sub3A = arith.constant 1 : i32
      %sub3A_79 = arith.subi %div3A, %sub3A : i32
      %select_n3A = arith.select %and3A, %sub3A_79, %div3A : i32
      %add3A_80 = arith.addi %mul3A_2, %select_n3A : i32
      %jit3A_81 = arith.constant 4 : i32
      %eq3A = arith.constant 0 : i32
      %eq3A_82 = arith.cmpi eq, %jit3A_81, %eq3A : i32
      %jit3A_83 = arith.constant 1 : i32
      %select_n3A_84 = arith.select %eq3A_82, %jit3A_83, %jit3A_81 : i32
      %rem3A_85 = arith.remsi %add3A_46, %select_n3A_84 : i32
      %ne3A_86 = arith.constant 0 : i32
      %ne3A_87 = arith.cmpi ne, %rem3A_85, %ne3A_86 : i32
      %lt3A = arith.constant 0 : i32
      %lt3A_88 = arith.cmpi slt, %rem3A_85, %lt3A : i32
      %lt3A_89 = arith.constant 0 : i32
      %lt3A_90 = arith.cmpi slt, %select_n3A_84, %lt3A_89 : i32
      %ne3A_91 = arith.xori %lt3A_88, %lt3A_90 : i1
      %and3A_92 = arith.andi %ne3A_91, %ne3A_87 : i1
      %add3A_93 = arith.addi %rem3A_85, %select_n3A_84 : i32
      %select_n3A_94 = arith.select %and3A_92, %add3A_93, %rem3A_85 : i32
      %mul3A_95 = arith.constant 32 : i32
      %mul3A_96 = arith.muli %select_n3A_94, %mul3A_95 : i32
      %dma_start3A_97 = arith.constant 0 : i32
      %dma_start3A_98 = arith.constant 0 : i32
      %dma_start3A_99 = tpu.memref_slice %arg4[%dma_start3A_97, %add3A_80, %dma_start3A_98, %mul3A_96] : memref<156x128x8x128xf32, #tpu.memory_space<hbm>> -> memref<104x1x8x32xf32, #tpu.memory_space<hbm>>
      %dma_start3A_100 = tpu.memref_squeeze %dma_start3A_99 : memref<104x1x8x32xf32, #tpu.memory_space<hbm>> -> memref<104x8x32xf32, #tpu.memory_space<hbm>>
      %dma_start3A_101 = arith.constant 0 : i32
      %dma_start3A_102 = arith.constant 0 : i32
      %dma_start3A_103 = tpu.memref_slice %arg4[%dma_start3A_101, %add3A_80, %dma_start3A_102, %mul3A_96] : memref<156x128x8x128xf32, #tpu.memory_space<hbm>> -> memref<104x1x8x32xf32, #tpu.memory_space<hbm>>
      %dma_start3A_104 = tpu.memref_squeeze %dma_start3A_103 : memref<104x1x8x32xf32, #tpu.memory_space<hbm>> -> memref<104x8x32xf32, #tpu.memory_space<hbm>>
      tpu.enqueue_dma source(%arg8 : memref<104x8x32xf32, #tpu.memory_space<vmem>>) target(%dma_start3A_104 : memref<104x8x32xf32, #tpu.memory_space<hbm>>) target_semaphore(%arg13 : memref<!tpu.dma_semaphore, #tpu.memory_space<semaphore_mem>>)
      %mul3A_105 = arith.constant 2 : i32
      %mul3A_106 = arith.muli %mul3A_105, %scan3A_41 : i32
      %add3A_107 = arith.constant 1 : i32
      %add3A_108 = arith.addi %mul3A_106, %add3A_107 : i32
      %lt3A_109 = arith.constant 7 : i32
      %lt3A_110 = arith.cmpi slt, %scan3A_41, %lt3A_109 : i32
      %convert_element_type3A_111 = arith.extui %lt3A_110 : i1 to i32
      %cond3A_112 = arith.constant 0 : i32
      %cond3A_113 = arith.cmpi ne, %convert_element_type3A_111, %cond3A_112 : i32
      scf.if %cond3A_113 {
        %add3A_179 = arith.constant 1 : i32
        %add3A_180 = arith.addi %add3A_108, %add3A_179 : i32
        %mul3A_181 = arith.constant 832 : i32
        %mul3A_182 = arith.muli %add3A_180, %mul3A_181 : i32
        %dma_start3A_183 = tpu.memref_slice %arg5[%mul3A_182] : memref<13312xi32, #tpu.memory_space<vmem>> -> memref<832xi32, #tpu.memory_space<vmem>>
        %dma_start3A_184 = arith.constant 0 : i32
        %dma_start3A_185 = arith.constant 0 : i32
        %dma_start3A_186 = tpu.memref_slice %arg3[%dma_start3A_184, %dma_start3A_185] : memref<1007616x32xf32, #tpu.memory_space<hbm>> -> memref<1007616x32xf32, #tpu.memory_space<hbm>>
        tpu.enqueue_indirect_dma source(%dma_start3A_186 : memref<1007616x32xf32, #tpu.memory_space<hbm>>) target(%arg6 : memref<832x32xf32, #tpu.memory_space<vmem>>) offsets(%dma_start3A_183 : memref<832xi32, #tpu.memory_space<vmem>>) semaphore(%arg11 : memref<!tpu.dma_semaphore, #tpu.memory_space<semaphore_mem>>)
      } else {
      }
      %dma_wait3A_114 = arith.constant 0 : i32
      %dma_wait3A_115 = tpu.memref_slice %arg5[%dma_wait3A_114] : memref<13312xi32, #tpu.memory_space<vmem>> -> memref<832xi32, #tpu.memory_space<vmem>>
      %dma_wait3A_116 = arith.constant 0 : i32
      %dma_wait3A_117 = arith.constant 0 : i32
      %dma_wait3A_118 = tpu.memref_slice %arg3[%dma_wait3A_116, %dma_wait3A_117] : memref<1007616x32xf32, #tpu.memory_space<hbm>> -> memref<1007616x32xf32, #tpu.memory_space<hbm>>
      tpu.wait_indirect_dma semaphore(%arg12 : memref<!tpu.dma_semaphore, #tpu.memory_space<semaphore_mem>>) src(%dma_wait3A_118 : memref<1007616x32xf32, #tpu.memory_space<hbm>>) dst(%arg7 : memref<832x32xf32, #tpu.memory_space<vmem>>)
      %gt3A_119 = arith.constant 0 : i32
      %gt3A_120 = arith.cmpi sgt, %scan3A_41, %gt3A_119 : i32
      %convert_element_type3A_121 = arith.extui %gt3A_120 : i1 to i32
      %cond3A_122 = arith.constant 0 : i32
      %cond3A_123 = arith.cmpi ne, %convert_element_type3A_121, %cond3A_122 : i32
      scf.if %cond3A_123 {
        %dma_wait3A_179 = arith.constant 0 : i32
        %dma_wait3A_180 = arith.constant 0 : i32
        %dma_wait3A_181 = arith.constant 0 : i32
        %dma_wait3A_182 = arith.constant 0 : i32
        %dma_wait3A_183 = tpu.memref_slice %arg4[%dma_wait3A_180, %dma_wait3A_179, %dma_wait3A_181, %dma_wait3A_182] : memref<156x128x8x128xf32, #tpu.memory_space<hbm>> -> memref<104x1x8x32xf32, #tpu.memory_space<hbm>>
        %dma_wait3A_184 = tpu.memref_squeeze %dma_wait3A_183 : memref<104x1x8x32xf32, #tpu.memory_space<hbm>> -> memref<104x8x32xf32, #tpu.memory_space<hbm>>
        %dma_wait3A_185 = arith.constant 0 : i32
        %dma_wait3A_186 = arith.constant 0 : i32
        %dma_wait3A_187 = arith.constant 0 : i32
        %dma_wait3A_188 = tpu.memref_slice %arg4[%dma_wait3A_185, %dma_wait3A_179, %dma_wait3A_186, %dma_wait3A_187] : memref<156x128x8x128xf32, #tpu.memory_space<hbm>> -> memref<104x1x8x32xf32, #tpu.memory_space<hbm>>
        %dma_wait3A_189 = tpu.memref_squeeze %dma_wait3A_188 : memref<104x1x8x32xf32, #tpu.memory_space<hbm>> -> memref<104x8x32xf32, #tpu.memory_space<hbm>>
        tpu.wait_dma2 semaphore(%arg14 : memref<!tpu.dma_semaphore, #tpu.memory_space<semaphore_mem>>) src(%arg9 : memref<104x8x32xf32, #tpu.memory_space<vmem>>) dst(%dma_wait3A_189 : memref<104x8x32xf32, #tpu.memory_space<hbm>>)
      } else {
      }
      %parallel_loop3A_124 = arith.constant 0 : i32
      %parallel_loop3A_125 = arith.constant 26 : i32
      %parallel_loop3A_126 = arith.constant 1 : i32
      scf.for %parallel_loop3A_179 = %parallel_loop3A_124 to %parallel_loop3A_125 step %parallel_loop3A_126  : i32 {
        %parallel_loop3A_180 = arith.constant 0 : i32
        %parallel_loop3A_181 = arith.addi %parallel_loop3A_180, %parallel_loop3A_179 : i32
        %parallel_loop3A_182 = vector.broadcast %parallel_loop3A_181 : i32 to vector<16xi32>
        %parallel_loop3A_183 = arith.addi %mul3A_5, %parallel_loop3A_182 : vector<16xi32>
        %parallel_loop3A_184 = arith.constant 0 : i32
        %parallel_loop3A_185 = vector.broadcast %parallel_loop3A_184 : i32 to vector<16xi32>
        %parallel_loop3A_186 = tpu.vector_load_idx %arg7[%parallel_loop3A_183, %parallel_loop3A_185] : memref<832x32xf32, #tpu.memory_space<vmem>>[vector<16xi32>, vector<16xi32>], vector<16xf32>,
        %parallel_loop3A_187 = arith.constant 4 : i32
        %parallel_loop3A_188 = arith.muli %parallel_loop3A_187, %parallel_loop3A_179 : i32
        %parallel_loop3A_189 = arith.constant 0 : i32
        %parallel_loop3A_190 = arith.addi %parallel_loop3A_188, %parallel_loop3A_189 : i32
        %parallel_loop3A_191 = arith.constant 0 : i32
        %parallel_loop3A_192 = arith.index_cast %parallel_loop3A_190 : i32 to index
        %parallel_loop3A_193 = arith.index_cast %parallel_loop3A_191 : i32 to index
        %parallel_loop3A_194 = arith.constant 0 : index
        %parallel_loop3A_195 = tpu.vector_load %arg9[%parallel_loop3A_192, %parallel_loop3A_193, %parallel_loop3A_194] {strides = array<i32>} : memref<104x8x32xf32, #tpu.memory_space<vmem>>, vector<16xf32>,
        tpu.vector_store %arg9[%parallel_loop3A_192, %parallel_loop3A_193, %parallel_loop3A_194], %parallel_loop3A_186 {strides = array<i32>} : memref<104x8x32xf32, #tpu.memory_space<vmem>>, vector<16xf32>,
        %parallel_loop3A_196 = arith.constant 1 : i32
        %parallel_loop3A_197 = vector.broadcast %parallel_loop3A_196 : i32 to vector<16xi32>
        %parallel_loop3A_198 = tpu.vector_load_idx %arg7[%parallel_loop3A_183, %parallel_loop3A_197] : memref<832x32xf32, #tpu.memory_space<vmem>>[vector<16xi32>, vector<16xi32>], vector<16xf32>,
        %parallel_loop3A_199 = arith.constant 4 : i32
        %parallel_loop3A_200 = arith.muli %parallel_loop3A_199, %parallel_loop3A_179 : i32
        %parallel_loop3A_201 = arith.constant 0 : i32
        %parallel_loop3A_202 = arith.addi %parallel_loop3A_200, %parallel_loop3A_201 : i32
        %parallel_loop3A_203 = arith.constant 1 : i32
        %parallel_loop3A_204 = arith.index_cast %parallel_loop3A_202 : i32 to index
        %parallel_loop3A_205 = arith.index_cast %parallel_loop3A_203 : i32 to index
        %parallel_loop3A_206 = arith.constant 0 : index
        %parallel_loop3A_207 = tpu.vector_load %arg9[%parallel_loop3A_204, %parallel_loop3A_205, %parallel_loop3A_206] {strides = array<i32>} : memref<104x8x32xf32, #tpu.memory_space<vmem>>, vector<16xf32>,
        tpu.vector_store %arg9[%parallel_loop3A_204, %parallel_loop3A_205, %parallel_loop3A_206], %parallel_loop3A_198 {strides = array<i32>} : memref<104x8x32xf32, #tpu.memory_space<vmem>>, vector<16xf32>,
        %parallel_loop3A_208 = arith.constant 2 : i32
        %parallel_loop3A_209 = vector.broadcast %parallel_loop3A_208 : i32 to vector<16xi32>
        %parallel_loop3A_210 = tpu.vector_load_idx %arg7[%parallel_loop3A_183, %parallel_loop3A_209] : memref<832x32xf32, #tpu.memory_space<vmem>>[vector<16xi32>, vector<16xi32>], vector<16xf32>,
        %parallel_loop3A_211 = arith.constant 4 : i32
        %parallel_loop3A_212 = arith.muli %parallel_loop3A_211, %parallel_loop3A_179 : i32
        %parallel_loop3A_213 = arith.constant 0 : i32
        %parallel_loop3A_214 = arith.addi %parallel_loop3A_212, %parallel_loop3A_213 : i32
        %parallel_loop3A_215 = arith.constant 2 : i32
        %parallel_loop3A_216 = arith.index_cast %parallel_loop3A_214 : i32 to index
        %parallel_loop3A_217 = arith.index_cast %parallel_loop3A_215 : i32 to index
        %parallel_loop3A_218 = arith.constant 0 : index
        %parallel_loop3A_219 = tpu.vector_load %arg9[%parallel_loop3A_216, %parallel_loop3A_217, %parallel_loop3A_218] {strides = array<i32>} : memref<104x8x32xf32, #tpu.memory_space<vmem>>, vector<16xf32>,
        tpu.vector_store %arg9[%parallel_loop3A_216, %parallel_loop3A_217, %parallel_loop3A_218], %parallel_loop3A_210 {strides = array<i32>} : memref<104x8x32xf32, #tpu.memory_space<vmem>>, vector<16xf32>,
        %parallel_loop3A_220 = arith.constant 3 : i32
        %parallel_loop3A_221 = vector.broadcast %parallel_loop3A_220 : i32 to vector<16xi32>
        %parallel_loop3A_222 = tpu.vector_load_idx %arg7[%parallel_loop3A_183, %parallel_loop3A_221] : memref<832x32xf32, #tpu.memory_space<vmem>>[vector<16xi32>, vector<16xi32>], vector<16xf32>,
        %parallel_loop3A_223 = arith.constant 4 : i32
        %parallel_loop3A_224 = arith.muli %parallel_loop3A_223, %parallel_loop3A_179 : i32
        %parallel_loop3A_225 = arith.constant 0 : i32
        %parallel_loop3A_226 = arith.addi %parallel_loop3A_224, %parallel_loop3A_225 : i32
        %parallel_loop3A_227 = arith.constant 3 : i32
        %parallel_loop3A_228 = arith.index_cast %parallel_loop3A_226 : i32 to index
        %parallel_loop3A_229 = arith.index_cast %parallel_loop3A_227 : i32 to index
        %parallel_loop3A_230 = arith.constant 0 : index
        %parallel_loop3A_231 = tpu.vector_load %arg9[%parallel_loop3A_228, %parallel_loop3A_229, %parallel_loop3A_230] {strides = array<i32>} : memref<104x8x32xf32, #tpu.memory_space<vmem>>, vector<16xf32>,
        tpu.vector_store %arg9[%parallel_loop3A_228, %parallel_loop3A_229, %parallel_loop3A_230], %parallel_loop3A_222 {strides = array<i32>} : memref<104x8x32xf32, #tpu.memory_space<vmem>>, vector<16xf32>,
        %parallel_loop3A_232 = arith.constant 4 : i32
        %parallel_loop3A_233 = vector.broadcast %parallel_loop3A_232 : i32 to vector<16xi32>
        %parallel_loop3A_234 = tpu.vector_load_idx %arg7[%parallel_loop3A_183, %parallel_loop3A_233] : memref<832x32xf32, #tpu.memory_space<vmem>>[vector<16xi32>, vector<16xi32>], vector<16xf32>,
        %parallel_loop3A_235 = arith.constant 4 : i32
        %parallel_loop3A_236 = arith.muli %parallel_loop3A_235, %parallel_loop3A_179 : i32
        %parallel_loop3A_237 = arith.constant 0 : i32
        %parallel_loop3A_238 = arith.addi %parallel_loop3A_236, %parallel_loop3A_237 : i32
        %parallel_loop3A_239 = arith.constant 4 : i32
        %parallel_loop3A_240 = arith.index_cast %parallel_loop3A_238 : i32 to index
        %parallel_loop3A_241 = arith.index_cast %parallel_loop3A_239 : i32 to index
        %parallel_loop3A_242 = arith.constant 0 : index
        %parallel_loop3A_243 = tpu.vector_load %arg9[%parallel_loop3A_240, %parallel_loop3A_241, %parallel_loop3A_242] {strides = array<i32>} : memref<104x8x32xf32, #tpu.memory_space<vmem>>, vector<16xf32>,
        tpu.vector_store %arg9[%parallel_loop3A_240, %parallel_loop3A_241, %parallel_loop3A_242], %parallel_loop3A_234 {strides = array<i32>} : memref<104x8x32xf32, #tpu.memory_space<vmem>>, vector<16xf32>,
        %parallel_loop3A_244 = arith.constant 5 : i32
        %parallel_loop3A_245 = vector.broadcast %parallel_loop3A_244 : i32 to vector<16xi32>
        %parallel_loop3A_246 = tpu.vector_load_idx %arg7[%parallel_loop3A_183, %parallel_loop3A_245] : memref<832x32xf32, #tpu.memory_space<vmem>>[vector<16xi32>, vector<16xi32>], vector<16xf32>,
        %parallel_loop3A_247 = arith.constant 4 : i32
        %parallel_loop3A_248 = arith.muli %parallel_loop3A_247, %parallel_loop3A_179 : i32
        %parallel_loop3A_249 = arith.constant 0 : i32
        %parallel_loop3A_250 = arith.addi %parallel_loop3A_248, %parallel_loop3A_249 : i32
        %parallel_loop3A_251 = arith.constant 5 : i32
        %parallel_loop3A_252 = arith.index_cast %parallel_loop3A_250 : i32 to index
        %parallel_loop3A_253 = arith.index_cast %parallel_loop3A_251 : i32 to index
        %parallel_loop3A_254 = arith.constant 0 : index
        %parallel_loop3A_255 = tpu.vector_load %arg9[%parallel_loop3A_252, %parallel_loop3A_253, %parallel_loop3A_254] {strides = array<i32>} : memref<104x8x32xf32, #tpu.memory_space<vmem>>, vector<16xf32>,
        tpu.vector_store %arg9[%parallel_loop3A_252, %parallel_loop3A_253, %parallel_loop3A_254], %parallel_loop3A_246 {strides = array<i32>} : memref<104x8x32xf32, #tpu.memory_space<vmem>>, vector<16xf32>,
        %parallel_loop3A_256 = arith.constant 6 : i32
        %parallel_loop3A_257 = vector.broadcast %parallel_loop3A_256 : i32 to vector<16xi32>
        %parallel_loop3A_258 = tpu.vector_load_idx %arg7[%parallel_loop3A_183, %parallel_loop3A_257] : memref<832x32xf32, #tpu.memory_space<vmem>>[vector<16xi32>, vector<16xi32>], vector<16xf32>,
        %parallel_loop3A_259 = arith.constant 4 : i32
        %parallel_loop3A_260 = arith.muli %parallel_loop3A_259, %parallel_loop3A_179 : i32
        %parallel_loop3A_261 = arith.constant 0 : i32
        %parallel_loop3A_262 = arith.addi %parallel_loop3A_260, %parallel_loop3A_261 : i32
        %parallel_loop3A_263 = arith.constant 6 : i32
        %parallel_loop3A_264 = arith.index_cast %parallel_loop3A_262 : i32 to index
        %parallel_loop3A_265 = arith.index_cast %parallel_loop3A_263 : i32 to index
        %parallel_loop3A_266 = arith.constant 0 : index
        %parallel_loop3A_267 = tpu.vector_load %arg9[%parallel_loop3A_264, %parallel_loop3A_265, %parallel_loop3A_266] {strides = array<i32>} : memref<104x8x32xf32, #tpu.memory_space<vmem>>, vector<16xf32>,
        tpu.vector_store %arg9[%parallel_loop3A_264, %parallel_loop3A_265, %parallel_loop3A_266], %parallel_loop3A_258 {strides = array<i32>} : memref<104x8x32xf32, #tpu.memory_space<vmem>>, vector<16xf32>,
        %parallel_loop3A_268 = arith.constant 7 : i32
        %parallel_loop3A_269 = vector.broadcast %parallel_loop3A_268 : i32 to vector<16xi32>
        %parallel_loop3A_270 = tpu.vector_load_idx %arg7[%parallel_loop3A_183, %parallel_loop3A_269] : memref<832x32xf32, #tpu.memory_space<vmem>>[vector<16xi32>, vector<16xi32>], vector<16xf32>,
        %parallel_loop3A_271 = arith.constant 4 : i32
        %parallel_loop3A_272 = arith.muli %parallel_loop3A_271, %parallel_loop3A_179 : i32
        %parallel_loop3A_273 = arith.constant 0 : i32
        %parallel_loop3A_274 = arith.addi %parallel_loop3A_272, %parallel_loop3A_273 : i32
        %parallel_loop3A_275 = arith.constant 7 : i32
        %parallel_loop3A_276 = arith.index_cast %parallel_loop3A_274 : i32 to index
        %parallel_loop3A_277 = arith.index_cast %parallel_loop3A_275 : i32 to index
        %parallel_loop3A_278 = arith.constant 0 : index
        %parallel_loop3A_279 = tpu.vector_load %arg9[%parallel_loop3A_276, %parallel_loop3A_277, %parallel_loop3A_278] {strides = array<i32>} : memref<104x8x32xf32, #tpu.memory_space<vmem>>, vector<16xf32>,
        tpu.vector_store %arg9[%parallel_loop3A_276, %parallel_loop3A_277, %parallel_loop3A_278], %parallel_loop3A_270 {strides = array<i32>} : memref<104x8x32xf32, #tpu.memory_space<vmem>>, vector<16xf32>,
        %parallel_loop3A_280 = arith.constant 8 : i32
        %parallel_loop3A_281 = vector.broadcast %parallel_loop3A_280 : i32 to vector<16xi32>
        %parallel_loop3A_282 = tpu.vector_load_idx %arg7[%parallel_loop3A_183, %parallel_loop3A_281] : memref<832x32xf32, #tpu.memory_space<vmem>>[vector<16xi32>, vector<16xi32>], vector<16xf32>,
        %parallel_loop3A_283 = arith.constant 4 : i32
        %parallel_loop3A_284 = arith.muli %parallel_loop3A_283, %parallel_loop3A_179 : i32
        %parallel_loop3A_285 = arith.constant 1 : i32
        %parallel_loop3A_286 = arith.addi %parallel_loop3A_284, %parallel_loop3A_285 : i32
        %parallel_loop3A_287 = arith.constant 0 : i32
        %parallel_loop3A_288 = arith.index_cast %parallel_loop3A_286 : i32 to index
        %parallel_loop3A_289 = arith.index_cast %parallel_loop3A_287 : i32 to index
        %parallel_loop3A_290 = arith.constant 0 : index
        %parallel_loop3A_291 = tpu.vector_load %arg9[%parallel_loop3A_288, %parallel_loop3A_289, %parallel_loop3A_290] {strides = array<i32>} : memref<104x8x32xf32, #tpu.memory_space<vmem>>, vector<16xf32>,
        tpu.vector_store %arg9[%parallel_loop3A_288, %parallel_loop3A_289, %parallel_loop3A_290], %parallel_loop3A_282 {strides = array<i32>} : memref<104x8x32xf32, #tpu.memory_space<vmem>>, vector<16xf32>,
        %parallel_loop3A_292 = arith.constant 9 : i32
        %parallel_loop3A_293 = vector.broadcast %parallel_loop3A_292 : i32 to vector<16xi32>
        %parallel_loop3A_294 = tpu.vector_load_idx %arg7[%parallel_loop3A_183, %parallel_loop3A_293] : memref<832x32xf32, #tpu.memory_space<vmem>>[vector<16xi32>, vector<16xi32>], vector<16xf32>,
        %parallel_loop3A_295 = arith.constant 4 : i32
        %parallel_loop3A_296 = arith.muli %parallel_loop3A_295, %parallel_loop3A_179 : i32
        %parallel_loop3A_297 = arith.constant 1 : i32
        %parallel_loop3A_298 = arith.addi %parallel_loop3A_296, %parallel_loop3A_297 : i32
        %parallel_loop3A_299 = arith.constant 1 : i32
        %parallel_loop3A_300 = arith.index_cast %parallel_loop3A_298 : i32 to index
        %parallel_loop3A_301 = arith.index_cast %parallel_loop3A_299 : i32 to index
        %parallel_loop3A_302 = arith.constant 0 : index
        %parallel_loop3A_303 = tpu.vector_load %arg9[%parallel_loop3A_300, %parallel_loop3A_301, %parallel_loop3A_302] {strides = array<i32>} : memref<104x8x32xf32, #tpu.memory_space<vmem>>, vector<16xf32>,
        tpu.vector_store %arg9[%parallel_loop3A_300, %parallel_loop3A_301, %parallel_loop3A_302], %parallel_loop3A_294 {strides = array<i32>} : memref<104x8x32xf32, #tpu.memory_space<vmem>>, vector<16xf32>,
        %parallel_loop3A_304 = arith.constant 10 : i32
        %parallel_loop3A_305 = vector.broadcast %parallel_loop3A_304 : i32 to vector<16xi32>
        %parallel_loop3A_306 = tpu.vector_load_idx %arg7[%parallel_loop3A_183, %parallel_loop3A_305] : memref<832x32xf32, #tpu.memory_space<vmem>>[vector<16xi32>, vector<16xi32>], vector<16xf32>,
        %parallel_loop3A_307 = arith.constant 4 : i32
        %parallel_loop3A_308 = arith.muli %parallel_loop3A_307, %parallel_loop3A_179 : i32
        %parallel_loop3A_309 = arith.constant 1 : i32
        %parallel_loop3A_310 = arith.addi %parallel_loop3A_308, %parallel_loop3A_309 : i32
        %parallel_loop3A_311 = arith.constant 2 : i32
        %parallel_loop3A_312 = arith.index_cast %parallel_loop3A_310 : i32 to index
        %parallel_loop3A_313 = arith.index_cast %parallel_loop3A_311 : i32 to index
        %parallel_loop3A_314 = arith.constant 0 : index
        %parallel_loop3A_315 = tpu.vector_load %arg9[%parallel_loop3A_312, %parallel_loop3A_313, %parallel_loop3A_314] {strides = array<i32>} : memref<104x8x32xf32, #tpu.memory_space<vmem>>, vector<16xf32>,
        tpu.vector_store %arg9[%parallel_loop3A_312, %parallel_loop3A_313, %parallel_loop3A_314], %parallel_loop3A_306 {strides = array<i32>} : memref<104x8x32xf32, #tpu.memory_space<vmem>>, vector<16xf32>,
        %parallel_loop3A_316 = arith.constant 11 : i32
        %parallel_loop3A_317 = vector.broadcast %parallel_loop3A_316 : i32 to vector<16xi32>
        %parallel_loop3A_318 = tpu.vector_load_idx %arg7[%parallel_loop3A_183, %parallel_loop3A_317] : memref<832x32xf32, #tpu.memory_space<vmem>>[vector<16xi32>, vector<16xi32>], vector<16xf32>,
        %parallel_loop3A_319 = arith.constant 4 : i32
        %parallel_loop3A_320 = arith.muli %parallel_loop3A_319, %parallel_loop3A_179 : i32
        %parallel_loop3A_321 = arith.constant 1 : i32
        %parallel_loop3A_322 = arith.addi %parallel_loop3A_320, %parallel_loop3A_321 : i32
        %parallel_loop3A_323 = arith.constant 3 : i32
        %parallel_loop3A_324 = arith.index_cast %parallel_loop3A_322 : i32 to index
        %parallel_loop3A_325 = arith.index_cast %parallel_loop3A_323 : i32 to index
        %parallel_loop3A_326 = arith.constant 0 : index
        %parallel_loop3A_327 = tpu.vector_load %arg9[%parallel_loop3A_324, %parallel_loop3A_325, %parallel_loop3A_326] {strides = array<i32>} : memref<104x8x32xf32, #tpu.memory_space<vmem>>, vector<16xf32>,
        tpu.vector_store %arg9[%parallel_loop3A_324, %parallel_loop3A_325, %parallel_loop3A_326], %parallel_loop3A_318 {strides = array<i32>} : memref<104x8x32xf32, #tpu.memory_space<vmem>>, vector<16xf32>,
        %parallel_loop3A_328 = arith.constant 12 : i32
        %parallel_loop3A_329 = vector.broadcast %parallel_loop3A_328 : i32 to vector<16xi32>
        %parallel_loop3A_330 = tpu.vector_load_idx %arg7[%parallel_loop3A_183, %parallel_loop3A_329] : memref<832x32xf32, #tpu.memory_space<vmem>>[vector<16xi32>, vector<16xi32>], vector<16xf32>,
        %parallel_loop3A_331 = arith.constant 4 : i32
        %parallel_loop3A_332 = arith.muli %parallel_loop3A_331, %parallel_loop3A_179 : i32
        %parallel_loop3A_333 = arith.constant 1 : i32
        %parallel_loop3A_334 = arith.addi %parallel_loop3A_332, %parallel_loop3A_333 : i32
        %parallel_loop3A_335 = arith.constant 4 : i32
        %parallel_loop3A_336 = arith.index_cast %parallel_loop3A_334 : i32 to index
        %parallel_loop3A_337 = arith.index_cast %parallel_loop3A_335 : i32 to index
        %parallel_loop3A_338 = arith.constant 0 : index
        %parallel_loop3A_339 = tpu.vector_load %arg9[%parallel_loop3A_336, %parallel_loop3A_337, %parallel_loop3A_338] {strides = array<i32>} : memref<104x8x32xf32, #tpu.memory_space<vmem>>, vector<16xf32>,
        tpu.vector_store %arg9[%parallel_loop3A_336, %parallel_loop3A_337, %parallel_loop3A_338], %parallel_loop3A_330 {strides = array<i32>} : memref<104x8x32xf32, #tpu.memory_space<vmem>>, vector<16xf32>,
        %parallel_loop3A_340 = arith.constant 13 : i32
        %parallel_loop3A_341 = vector.broadcast %parallel_loop3A_340 : i32 to vector<16xi32>
        %parallel_loop3A_342 = tpu.vector_load_idx %arg7[%parallel_loop3A_183, %parallel_loop3A_341] : memref<832x32xf32, #tpu.memory_space<vmem>>[vector<16xi32>, vector<16xi32>], vector<16xf32>,
        %parallel_loop3A_343 = arith.constant 4 : i32
        %parallel_loop3A_344 = arith.muli %parallel_loop3A_343, %parallel_loop3A_179 : i32
        %parallel_loop3A_345 = arith.constant 1 : i32
        %parallel_loop3A_346 = arith.addi %parallel_loop3A_344, %parallel_loop3A_345 : i32
        %parallel_loop3A_347 = arith.constant 5 : i32
        %parallel_loop3A_348 = arith.index_cast %parallel_loop3A_346 : i32 to index
        %parallel_loop3A_349 = arith.index_cast %parallel_loop3A_347 : i32 to index
        %parallel_loop3A_350 = arith.constant 0 : index
        %parallel_loop3A_351 = tpu.vector_load %arg9[%parallel_loop3A_348, %parallel_loop3A_349, %parallel_loop3A_350] {strides = array<i32>} : memref<104x8x32xf32, #tpu.memory_space<vmem>>, vector<16xf32>,
        tpu.vector_store %arg9[%parallel_loop3A_348, %parallel_loop3A_349, %parallel_loop3A_350], %parallel_loop3A_342 {strides = array<i32>} : memref<104x8x32xf32, #tpu.memory_space<vmem>>, vector<16xf32>,
        %parallel_loop3A_352 = arith.constant 14 : i32
        %parallel_loop3A_353 = vector.broadcast %parallel_loop3A_352 : i32 to vector<16xi32>
        %parallel_loop3A_354 = tpu.vector_load_idx %arg7[%parallel_loop3A_183, %parallel_loop3A_353] : memref<832x32xf32, #tpu.memory_space<vmem>>[vector<16xi32>, vector<16xi32>], vector<16xf32>,
        %parallel_loop3A_355 = arith.constant 4 : i32
        %parallel_loop3A_356 = arith.muli %parallel_loop3A_355, %parallel_loop3A_179 : i32
        %parallel_loop3A_357 = arith.constant 1 : i32
        %parallel_loop3A_358 = arith.addi %parallel_loop3A_356, %parallel_loop3A_357 : i32
        %parallel_loop3A_359 = arith.constant 6 : i32
        %parallel_loop3A_360 = arith.index_cast %parallel_loop3A_358 : i32 to index
        %parallel_loop3A_361 = arith.index_cast %parallel_loop3A_359 : i32 to index
        %parallel_loop3A_362 = arith.constant 0 : index
        %parallel_loop3A_363 = tpu.vector_load %arg9[%parallel_loop3A_360, %parallel_loop3A_361, %parallel_loop3A_362] {strides = array<i32>} : memref<104x8x32xf32, #tpu.memory_space<vmem>>, vector<16xf32>,
        tpu.vector_store %arg9[%parallel_loop3A_360, %parallel_loop3A_361, %parallel_loop3A_362], %parallel_loop3A_354 {strides = array<i32>} : memref<104x8x32xf32, #tpu.memory_space<vmem>>, vector<16xf32>,
        %parallel_loop3A_364 = arith.constant 15 : i32
        %parallel_loop3A_365 = vector.broadcast %parallel_loop3A_364 : i32 to vector<16xi32>
        %parallel_loop3A_366 = tpu.vector_load_idx %arg7[%parallel_loop3A_183, %parallel_loop3A_365] : memref<832x32xf32, #tpu.memory_space<vmem>>[vector<16xi32>, vector<16xi32>], vector<16xf32>,
        %parallel_loop3A_367 = arith.constant 4 : i32
        %parallel_loop3A_368 = arith.muli %parallel_loop3A_367, %parallel_loop3A_179 : i32
        %parallel_loop3A_369 = arith.constant 1 : i32
        %parallel_loop3A_370 = arith.addi %parallel_loop3A_368, %parallel_loop3A_369 : i32
        %parallel_loop3A_371 = arith.constant 7 : i32
        %parallel_loop3A_372 = arith.index_cast %parallel_loop3A_370 : i32 to index
        %parallel_loop3A_373 = arith.index_cast %parallel_loop3A_371 : i32 to index
        %parallel_loop3A_374 = arith.constant 0 : index
        %parallel_loop3A_375 = tpu.vector_load %arg9[%parallel_loop3A_372, %parallel_loop3A_373, %parallel_loop3A_374] {strides = array<i32>} : memref<104x8x32xf32, #tpu.memory_space<vmem>>, vector<16xf32>,
        tpu.vector_store %arg9[%parallel_loop3A_372, %parallel_loop3A_373, %parallel_loop3A_374], %parallel_loop3A_366 {strides = array<i32>} : memref<104x8x32xf32, #tpu.memory_space<vmem>>, vector<16xf32>,
        %parallel_loop3A_376 = arith.constant 16 : i32
        %parallel_loop3A_377 = vector.broadcast %parallel_loop3A_376 : i32 to vector<16xi32>
        %parallel_loop3A_378 = tpu.vector_load_idx %arg7[%parallel_loop3A_183, %parallel_loop3A_377] : memref<832x32xf32, #tpu.memory_space<vmem>>[vector<16xi32>, vector<16xi32>], vector<16xf32>,
        %parallel_loop3A_379 = arith.constant 4 : i32
        %parallel_loop3A_380 = arith.muli %parallel_loop3A_379, %parallel_loop3A_179 : i32
        %parallel_loop3A_381 = arith.constant 2 : i32
        %parallel_loop3A_382 = arith.addi %parallel_loop3A_380, %parallel_loop3A_381 : i32
        %parallel_loop3A_383 = arith.constant 0 : i32
        %parallel_loop3A_384 = arith.index_cast %parallel_loop3A_382 : i32 to index
        %parallel_loop3A_385 = arith.index_cast %parallel_loop3A_383 : i32 to index
        %parallel_loop3A_386 = arith.constant 0 : index
        %parallel_loop3A_387 = tpu.vector_load %arg9[%parallel_loop3A_384, %parallel_loop3A_385, %parallel_loop3A_386] {strides = array<i32>} : memref<104x8x32xf32, #tpu.memory_space<vmem>>, vector<16xf32>,
        tpu.vector_store %arg9[%parallel_loop3A_384, %parallel_loop3A_385, %parallel_loop3A_386], %parallel_loop3A_378 {strides = array<i32>} : memref<104x8x32xf32, #tpu.memory_space<vmem>>, vector<16xf32>,
        %parallel_loop3A_388 = arith.constant 17 : i32
        %parallel_loop3A_389 = vector.broadcast %parallel_loop3A_388 : i32 to vector<16xi32>
        %parallel_loop3A_390 = tpu.vector_load_idx %arg7[%parallel_loop3A_183, %parallel_loop3A_389] : memref<832x32xf32, #tpu.memory_space<vmem>>[vector<16xi32>, vector<16xi32>], vector<16xf32>,
        %parallel_loop3A_391 = arith.constant 4 : i32
        %parallel_loop3A_392 = arith.muli %parallel_loop3A_391, %parallel_loop3A_179 : i32
        %parallel_loop3A_393 = arith.constant 2 : i32
        %parallel_loop3A_394 = arith.addi %parallel_loop3A_392, %parallel_loop3A_393 : i32
        %parallel_loop3A_395 = arith.constant 1 : i32
        %parallel_loop3A_396 = arith.index_cast %parallel_loop3A_394 : i32 to index
        %parallel_loop3A_397 = arith.index_cast %parallel_loop3A_395 : i32 to index
        %parallel_loop3A_398 = arith.constant 0 : index
        %parallel_loop3A_399 = tpu.vector_load %arg9[%parallel_loop3A_396, %parallel_loop3A_397, %parallel_loop3A_398] {strides = array<i32>} : memref<104x8x32xf32, #tpu.memory_space<vmem>>, vector<16xf32>,
        tpu.vector_store %arg9[%parallel_loop3A_396, %parallel_loop3A_397, %parallel_loop3A_398], %parallel_loop3A_390 {strides = array<i32>} : memref<104x8x32xf32, #tpu.memory_space<vmem>>, vector<16xf32>,
        %parallel_loop3A_400 = arith.constant 18 : i32
        %parallel_loop3A_401 = vector.broadcast %parallel_loop3A_400 : i32 to vector<16xi32>
        %parallel_loop3A_402 = tpu.vector_load_idx %arg7[%parallel_loop3A_183, %parallel_loop3A_401] : memref<832x32xf32, #tpu.memory_space<vmem>>[vector<16xi32>, vector<16xi32>], vector<16xf32>,
        %parallel_loop3A_403 = arith.constant 4 : i32
        %parallel_loop3A_404 = arith.muli %parallel_loop3A_403, %parallel_loop3A_179 : i32
        %parallel_loop3A_405 = arith.constant 2 : i32
        %parallel_loop3A_406 = arith.addi %parallel_loop3A_404, %parallel_loop3A_405 : i32
        %parallel_loop3A_407 = arith.constant 2 : i32
        %parallel_loop3A_408 = arith.index_cast %parallel_loop3A_406 : i32 to index
        %parallel_loop3A_409 = arith.index_cast %parallel_loop3A_407 : i32 to index
        %parallel_loop3A_410 = arith.constant 0 : index
        %parallel_loop3A_411 = tpu.vector_load %arg9[%parallel_loop3A_408, %parallel_loop3A_409, %parallel_loop3A_410] {strides = array<i32>} : memref<104x8x32xf32, #tpu.memory_space<vmem>>, vector<16xf32>,
        tpu.vector_store %arg9[%parallel_loop3A_408, %parallel_loop3A_409, %parallel_loop3A_410], %parallel_loop3A_402 {strides = array<i32>} : memref<104x8x32xf32, #tpu.memory_space<vmem>>, vector<16xf32>,
        %parallel_loop3A_412 = arith.constant 19 : i32
        %parallel_loop3A_413 = vector.broadcast %parallel_loop3A_412 : i32 to vector<16xi32>
        %parallel_loop3A_414 = tpu.vector_load_idx %arg7[%parallel_loop3A_183, %parallel_loop3A_413] : memref<832x32xf32, #tpu.memory_space<vmem>>[vector<16xi32>, vector<16xi32>], vector<16xf32>,
        %parallel_loop3A_415 = arith.constant 4 : i32
        %parallel_loop3A_416 = arith.muli %parallel_loop3A_415, %parallel_loop3A_179 : i32
        %parallel_loop3A_417 = arith.constant 2 : i32
        %parallel_loop3A_418 = arith.addi %parallel_loop3A_416, %parallel_loop3A_417 : i32
        %parallel_loop3A_419 = arith.constant 3 : i32
        %parallel_loop3A_420 = arith.index_cast %parallel_loop3A_418 : i32 to index
        %parallel_loop3A_421 = arith.index_cast %parallel_loop3A_419 : i32 to index
        %parallel_loop3A_422 = arith.constant 0 : index
        %parallel_loop3A_423 = tpu.vector_load %arg9[%parallel_loop3A_420, %parallel_loop3A_421, %parallel_loop3A_422] {strides = array<i32>} : memref<104x8x32xf32, #tpu.memory_space<vmem>>, vector<16xf32>,
        tpu.vector_store %arg9[%parallel_loop3A_420, %parallel_loop3A_421, %parallel_loop3A_422], %parallel_loop3A_414 {strides = array<i32>} : memref<104x8x32xf32, #tpu.memory_space<vmem>>, vector<16xf32>,
        %parallel_loop3A_424 = arith.constant 20 : i32
        %parallel_loop3A_425 = vector.broadcast %parallel_loop3A_424 : i32 to vector<16xi32>
        %parallel_loop3A_426 = tpu.vector_load_idx %arg7[%parallel_loop3A_183, %parallel_loop3A_425] : memref<832x32xf32, #tpu.memory_space<vmem>>[vector<16xi32>, vector<16xi32>], vector<16xf32>,
        %parallel_loop3A_427 = arith.constant 4 : i32
        %parallel_loop3A_428 = arith.muli %parallel_loop3A_427, %parallel_loop3A_179 : i32
        %parallel_loop3A_429 = arith.constant 2 : i32
        %parallel_loop3A_430 = arith.addi %parallel_loop3A_428, %parallel_loop3A_429 : i32
        %parallel_loop3A_431 = arith.constant 4 : i32
        %parallel_loop3A_432 = arith.index_cast %parallel_loop3A_430 : i32 to index
        %parallel_loop3A_433 = arith.index_cast %parallel_loop3A_431 : i32 to index
        %parallel_loop3A_434 = arith.constant 0 : index
        %parallel_loop3A_435 = tpu.vector_load %arg9[%parallel_loop3A_432, %parallel_loop3A_433, %parallel_loop3A_434] {strides = array<i32>} : memref<104x8x32xf32, #tpu.memory_space<vmem>>, vector<16xf32>,
        tpu.vector_store %arg9[%parallel_loop3A_432, %parallel_loop3A_433, %parallel_loop3A_434], %parallel_loop3A_426 {strides = array<i32>} : memref<104x8x32xf32, #tpu.memory_space<vmem>>, vector<16xf32>,
        %parallel_loop3A_436 = arith.constant 21 : i32
        %parallel_loop3A_437 = vector.broadcast %parallel_loop3A_436 : i32 to vector<16xi32>
        %parallel_loop3A_438 = tpu.vector_load_idx %arg7[%parallel_loop3A_183, %parallel_loop3A_437] : memref<832x32xf32, #tpu.memory_space<vmem>>[vector<16xi32>, vector<16xi32>], vector<16xf32>,
        %parallel_loop3A_439 = arith.constant 4 : i32
        %parallel_loop3A_440 = arith.muli %parallel_loop3A_439, %parallel_loop3A_179 : i32
        %parallel_loop3A_441 = arith.constant 2 : i32
        %parallel_loop3A_442 = arith.addi %parallel_loop3A_440, %parallel_loop3A_441 : i32
        %parallel_loop3A_443 = arith.constant 5 : i32
        %parallel_loop3A_444 = arith.index_cast %parallel_loop3A_442 : i32 to index
        %parallel_loop3A_445 = arith.index_cast %parallel_loop3A_443 : i32 to index
        %parallel_loop3A_446 = arith.constant 0 : index
        %parallel_loop3A_447 = tpu.vector_load %arg9[%parallel_loop3A_444, %parallel_loop3A_445, %parallel_loop3A_446] {strides = array<i32>} : memref<104x8x32xf32, #tpu.memory_space<vmem>>, vector<16xf32>,
        tpu.vector_store %arg9[%parallel_loop3A_444, %parallel_loop3A_445, %parallel_loop3A_446], %parallel_loop3A_438 {strides = array<i32>} : memref<104x8x32xf32, #tpu.memory_space<vmem>>, vector<16xf32>,
        %parallel_loop3A_448 = arith.constant 22 : i32
        %parallel_loop3A_449 = vector.broadcast %parallel_loop3A_448 : i32 to vector<16xi32>
        %parallel_loop3A_450 = tpu.vector_load_idx %arg7[%parallel_loop3A_183, %parallel_loop3A_449] : memref<832x32xf32, #tpu.memory_space<vmem>>[vector<16xi32>, vector<16xi32>], vector<16xf32>,
        %parallel_loop3A_451 = arith.constant 4 : i32
        %parallel_loop3A_452 = arith.muli %parallel_loop3A_451, %parallel_loop3A_179 : i32
        %parallel_loop3A_453 = arith.constant 2 : i32
        %parallel_loop3A_454 = arith.addi %parallel_loop3A_452, %parallel_loop3A_453 : i32
        %parallel_loop3A_455 = arith.constant 6 : i32
        %parallel_loop3A_456 = arith.index_cast %parallel_loop3A_454 : i32 to index
        %parallel_loop3A_457 = arith.index_cast %parallel_loop3A_455 : i32 to index
        %parallel_loop3A_458 = arith.constant 0 : index
        %parallel_loop3A_459 = tpu.vector_load %arg9[%parallel_loop3A_456, %parallel_loop3A_457, %parallel_loop3A_458] {strides = array<i32>} : memref<104x8x32xf32, #tpu.memory_space<vmem>>, vector<16xf32>,
        tpu.vector_store %arg9[%parallel_loop3A_456, %parallel_loop3A_457, %parallel_loop3A_458], %parallel_loop3A_450 {strides = array<i32>} : memref<104x8x32xf32, #tpu.memory_space<vmem>>, vector<16xf32>,
        %parallel_loop3A_460 = arith.constant 23 : i32
        %parallel_loop3A_461 = vector.broadcast %parallel_loop3A_460 : i32 to vector<16xi32>
        %parallel_loop3A_462 = tpu.vector_load_idx %arg7[%parallel_loop3A_183, %parallel_loop3A_461] : memref<832x32xf32, #tpu.memory_space<vmem>>[vector<16xi32>, vector<16xi32>], vector<16xf32>,
        %parallel_loop3A_463 = arith.constant 4 : i32
        %parallel_loop3A_464 = arith.muli %parallel_loop3A_463, %parallel_loop3A_179 : i32
        %parallel_loop3A_465 = arith.constant 2 : i32
        %parallel_loop3A_466 = arith.addi %parallel_loop3A_464, %parallel_loop3A_465 : i32
        %parallel_loop3A_467 = arith.constant 7 : i32
        %parallel_loop3A_468 = arith.index_cast %parallel_loop3A_466 : i32 to index
        %parallel_loop3A_469 = arith.index_cast %parallel_loop3A_467 : i32 to index
        %parallel_loop3A_470 = arith.constant 0 : index
        %parallel_loop3A_471 = tpu.vector_load %arg9[%parallel_loop3A_468, %parallel_loop3A_469, %parallel_loop3A_470] {strides = array<i32>} : memref<104x8x32xf32, #tpu.memory_space<vmem>>, vector<16xf32>,
        tpu.vector_store %arg9[%parallel_loop3A_468, %parallel_loop3A_469, %parallel_loop3A_470], %parallel_loop3A_462 {strides = array<i32>} : memref<104x8x32xf32, #tpu.memory_space<vmem>>, vector<16xf32>,
        %parallel_loop3A_472 = arith.constant 24 : i32
        %parallel_loop3A_473 = vector.broadcast %parallel_loop3A_472 : i32 to vector<16xi32>
        %parallel_loop3A_474 = tpu.vector_load_idx %arg7[%parallel_loop3A_183, %parallel_loop3A_473] : memref<832x32xf32, #tpu.memory_space<vmem>>[vector<16xi32>, vector<16xi32>], vector<16xf32>,
        %parallel_loop3A_475 = arith.constant 4 : i32
        %parallel_loop3A_476 = arith.muli %parallel_loop3A_475, %parallel_loop3A_179 : i32
        %parallel_loop3A_477 = arith.constant 3 : i32
        %parallel_loop3A_478 = arith.addi %parallel_loop3A_476, %parallel_loop3A_477 : i32
        %parallel_loop3A_479 = arith.constant 0 : i32
        %parallel_loop3A_480 = arith.index_cast %parallel_loop3A_478 : i32 to index
        %parallel_loop3A_481 = arith.index_cast %parallel_loop3A_479 : i32 to index
        %parallel_loop3A_482 = arith.constant 0 : index
        %parallel_loop3A_483 = tpu.vector_load %arg9[%parallel_loop3A_480, %parallel_loop3A_481, %parallel_loop3A_482] {strides = array<i32>} : memref<104x8x32xf32, #tpu.memory_space<vmem>>, vector<16xf32>,
        tpu.vector_store %arg9[%parallel_loop3A_480, %parallel_loop3A_481, %parallel_loop3A_482], %parallel_loop3A_474 {strides = array<i32>} : memref<104x8x32xf32, #tpu.memory_space<vmem>>, vector<16xf32>,
        %parallel_loop3A_484 = arith.constant 25 : i32
        %parallel_loop3A_485 = vector.broadcast %parallel_loop3A_484 : i32 to vector<16xi32>
        %parallel_loop3A_486 = tpu.vector_load_idx %arg7[%parallel_loop3A_183, %parallel_loop3A_485] : memref<832x32xf32, #tpu.memory_space<vmem>>[vector<16xi32>, vector<16xi32>], vector<16xf32>,
        %parallel_loop3A_487 = arith.constant 4 : i32
        %parallel_loop3A_488 = arith.muli %parallel_loop3A_487, %parallel_loop3A_179 : i32
        %parallel_loop3A_489 = arith.constant 3 : i32
        %parallel_loop3A_490 = arith.addi %parallel_loop3A_488, %parallel_loop3A_489 : i32
        %parallel_loop3A_491 = arith.constant 1 : i32
        %parallel_loop3A_492 = arith.index_cast %parallel_loop3A_490 : i32 to index
        %parallel_loop3A_493 = arith.index_cast %parallel_loop3A_491 : i32 to index
        %parallel_loop3A_494 = arith.constant 0 : index
        %parallel_loop3A_495 = tpu.vector_load %arg9[%parallel_loop3A_492, %parallel_loop3A_493, %parallel_loop3A_494] {strides = array<i32>} : memref<104x8x32xf32, #tpu.memory_space<vmem>>, vector<16xf32>,
        tpu.vector_store %arg9[%parallel_loop3A_492, %parallel_loop3A_493, %parallel_loop3A_494], %parallel_loop3A_486 {strides = array<i32>} : memref<104x8x32xf32, #tpu.memory_space<vmem>>, vector<16xf32>,
        %parallel_loop3A_496 = arith.constant 26 : i32
        %parallel_loop3A_497 = vector.broadcast %parallel_loop3A_496 : i32 to vector<16xi32>
        %parallel_loop3A_498 = tpu.vector_load_idx %arg7[%parallel_loop3A_183, %parallel_loop3A_497] : memref<832x32xf32, #tpu.memory_space<vmem>>[vector<16xi32>, vector<16xi32>], vector<16xf32>,
        %parallel_loop3A_499 = arith.constant 4 : i32
        %parallel_loop3A_500 = arith.muli %parallel_loop3A_499, %parallel_loop3A_179 : i32
        %parallel_loop3A_501 = arith.constant 3 : i32
        %parallel_loop3A_502 = arith.addi %parallel_loop3A_500, %parallel_loop3A_501 : i32
        %parallel_loop3A_503 = arith.constant 2 : i32
        %parallel_loop3A_504 = arith.index_cast %parallel_loop3A_502 : i32 to index
        %parallel_loop3A_505 = arith.index_cast %parallel_loop3A_503 : i32 to index
        %parallel_loop3A_506 = arith.constant 0 : index
        %parallel_loop3A_507 = tpu.vector_load %arg9[%parallel_loop3A_504, %parallel_loop3A_505, %parallel_loop3A_506] {strides = array<i32>} : memref<104x8x32xf32, #tpu.memory_space<vmem>>, vector<16xf32>,
        tpu.vector_store %arg9[%parallel_loop3A_504, %parallel_loop3A_505, %parallel_loop3A_506], %parallel_loop3A_498 {strides = array<i32>} : memref<104x8x32xf32, #tpu.memory_space<vmem>>, vector<16xf32>,
        %parallel_loop3A_508 = arith.constant 27 : i32
        %parallel_loop3A_509 = vector.broadcast %parallel_loop3A_508 : i32 to vector<16xi32>
        %parallel_loop3A_510 = tpu.vector_load_idx %arg7[%parallel_loop3A_183, %parallel_loop3A_509] : memref<832x32xf32, #tpu.memory_space<vmem>>[vector<16xi32>, vector<16xi32>], vector<16xf32>,
        %parallel_loop3A_511 = arith.constant 4 : i32
        %parallel_loop3A_512 = arith.muli %parallel_loop3A_511, %parallel_loop3A_179 : i32
        %parallel_loop3A_513 = arith.constant 3 : i32
        %parallel_loop3A_514 = arith.addi %parallel_loop3A_512, %parallel_loop3A_513 : i32
        %parallel_loop3A_515 = arith.constant 3 : i32
        %parallel_loop3A_516 = arith.index_cast %parallel_loop3A_514 : i32 to index
        %parallel_loop3A_517 = arith.index_cast %parallel_loop3A_515 : i32 to index
        %parallel_loop3A_518 = arith.constant 0 : index
        %parallel_loop3A_519 = tpu.vector_load %arg9[%parallel_loop3A_516, %parallel_loop3A_517, %parallel_loop3A_518] {strides = array<i32>} : memref<104x8x32xf32, #tpu.memory_space<vmem>>, vector<16xf32>,
        tpu.vector_store %arg9[%parallel_loop3A_516, %parallel_loop3A_517, %parallel_loop3A_518], %parallel_loop3A_510 {strides = array<i32>} : memref<104x8x32xf32, #tpu.memory_space<vmem>>, vector<16xf32>,
        %parallel_loop3A_520 = arith.constant 28 : i32
        %parallel_loop3A_521 = vector.broadcast %parallel_loop3A_520 : i32 to vector<16xi32>
        %parallel_loop3A_522 = tpu.vector_load_idx %arg7[%parallel_loop3A_183, %parallel_loop3A_521] : memref<832x32xf32, #tpu.memory_space<vmem>>[vector<16xi32>, vector<16xi32>], vector<16xf32>,
        %parallel_loop3A_523 = arith.constant 4 : i32
        %parallel_loop3A_524 = arith.muli %parallel_loop3A_523, %parallel_loop3A_179 : i32
        %parallel_loop3A_525 = arith.constant 3 : i32
        %parallel_loop3A_526 = arith.addi %parallel_loop3A_524, %parallel_loop3A_525 : i32
        %parallel_loop3A_527 = arith.constant 4 : i32
        %parallel_loop3A_528 = arith.index_cast %parallel_loop3A_526 : i32 to index
        %parallel_loop3A_529 = arith.index_cast %parallel_loop3A_527 : i32 to index
        %parallel_loop3A_530 = arith.constant 0 : index
        %parallel_loop3A_531 = tpu.vector_load %arg9[%parallel_loop3A_528, %parallel_loop3A_529, %parallel_loop3A_530] {strides = array<i32>} : memref<104x8x32xf32, #tpu.memory_space<vmem>>, vector<16xf32>,
        tpu.vector_store %arg9[%parallel_loop3A_528, %parallel_loop3A_529, %parallel_loop3A_530], %parallel_loop3A_522 {strides = array<i32>} : memref<104x8x32xf32, #tpu.memory_space<vmem>>, vector<16xf32>,
        %parallel_loop3A_532 = arith.constant 29 : i32
        %parallel_loop3A_533 = vector.broadcast %parallel_loop3A_532 : i32 to vector<16xi32>
        %parallel_loop3A_534 = tpu.vector_load_idx %arg7[%parallel_loop3A_183, %parallel_loop3A_533] : memref<832x32xf32, #tpu.memory_space<vmem>>[vector<16xi32>, vector<16xi32>], vector<16xf32>,
        %parallel_loop3A_535 = arith.constant 4 : i32
        %parallel_loop3A_536 = arith.muli %parallel_loop3A_535, %parallel_loop3A_179 : i32
        %parallel_loop3A_537 = arith.constant 3 : i32
        %parallel_loop3A_538 = arith.addi %parallel_loop3A_536, %parallel_loop3A_537 : i32
        %parallel_loop3A_539 = arith.constant 5 : i32
        %parallel_loop3A_540 = arith.index_cast %parallel_loop3A_538 : i32 to index
        %parallel_loop3A_541 = arith.index_cast %parallel_loop3A_539 : i32 to index
        %parallel_loop3A_542 = arith.constant 0 : index
        %parallel_loop3A_543 = tpu.vector_load %arg9[%parallel_loop3A_540, %parallel_loop3A_541, %parallel_loop3A_542] {strides = array<i32>} : memref<104x8x32xf32, #tpu.memory_space<vmem>>, vector<16xf32>,
        tpu.vector_store %arg9[%parallel_loop3A_540, %parallel_loop3A_541, %parallel_loop3A_542], %parallel_loop3A_534 {strides = array<i32>} : memref<104x8x32xf32, #tpu.memory_space<vmem>>, vector<16xf32>,
        %parallel_loop3A_544 = arith.constant 30 : i32
        %parallel_loop3A_545 = vector.broadcast %parallel_loop3A_544 : i32 to vector<16xi32>
        %parallel_loop3A_546 = tpu.vector_load_idx %arg7[%parallel_loop3A_183, %parallel_loop3A_545] : memref<832x32xf32, #tpu.memory_space<vmem>>[vector<16xi32>, vector<16xi32>], vector<16xf32>,
        %parallel_loop3A_547 = arith.constant 4 : i32
        %parallel_loop3A_548 = arith.muli %parallel_loop3A_547, %parallel_loop3A_179 : i32
        %parallel_loop3A_549 = arith.constant 3 : i32
        %parallel_loop3A_550 = arith.addi %parallel_loop3A_548, %parallel_loop3A_549 : i32
        %parallel_loop3A_551 = arith.constant 6 : i32
        %parallel_loop3A_552 = arith.index_cast %parallel_loop3A_550 : i32 to index
        %parallel_loop3A_553 = arith.index_cast %parallel_loop3A_551 : i32 to index
        %parallel_loop3A_554 = arith.constant 0 : index
        %parallel_loop3A_555 = tpu.vector_load %arg9[%parallel_loop3A_552, %parallel_loop3A_553, %parallel_loop3A_554] {strides = array<i32>} : memref<104x8x32xf32, #tpu.memory_space<vmem>>, vector<16xf32>,
        tpu.vector_store %arg9[%parallel_loop3A_552, %parallel_loop3A_553, %parallel_loop3A_554], %parallel_loop3A_546 {strides = array<i32>} : memref<104x8x32xf32, #tpu.memory_space<vmem>>, vector<16xf32>,
        %parallel_loop3A_556 = arith.constant 31 : i32
        %parallel_loop3A_557 = vector.broadcast %parallel_loop3A_556 : i32 to vector<16xi32>
        %parallel_loop3A_558 = tpu.vector_load_idx %arg7[%parallel_loop3A_183, %parallel_loop3A_557] : memref<832x32xf32, #tpu.memory_space<vmem>>[vector<16xi32>, vector<16xi32>], vector<16xf32>,
        %parallel_loop3A_559 = arith.constant 4 : i32
        %parallel_loop3A_560 = arith.muli %parallel_loop3A_559, %parallel_loop3A_179 : i32
        %parallel_loop3A_561 = arith.constant 3 : i32
        %parallel_loop3A_562 = arith.addi %parallel_loop3A_560, %parallel_loop3A_561 : i32
        %parallel_loop3A_563 = arith.constant 7 : i32
        %parallel_loop3A_564 = arith.index_cast %parallel_loop3A_562 : i32 to index
        %parallel_loop3A_565 = arith.index_cast %parallel_loop3A_563 : i32 to index
        %parallel_loop3A_566 = arith.constant 0 : index
        %parallel_loop3A_567 = tpu.vector_load %arg9[%parallel_loop3A_564, %parallel_loop3A_565, %parallel_loop3A_566] {strides = array<i32>} : memref<104x8x32xf32, #tpu.memory_space<vmem>>, vector<16xf32>,
        tpu.vector_store %arg9[%parallel_loop3A_564, %parallel_loop3A_565, %parallel_loop3A_566], %parallel_loop3A_558 {strides = array<i32>} : memref<104x8x32xf32, #tpu.memory_space<vmem>>, vector<16xf32>,
        %parallel_loop3A_568 = arith.constant 416 : i32
        %parallel_loop3A_569 = arith.addi %parallel_loop3A_568, %parallel_loop3A_179 : i32
        %parallel_loop3A_570 = vector.broadcast %parallel_loop3A_569 : i32 to vector<16xi32>
        %parallel_loop3A_571 = arith.addi %mul3A_5, %parallel_loop3A_570 : vector<16xi32>
        %parallel_loop3A_572 = arith.constant 0 : i32
        %parallel_loop3A_573 = vector.broadcast %parallel_loop3A_572 : i32 to vector<16xi32>
        %parallel_loop3A_574 = tpu.vector_load_idx %arg7[%parallel_loop3A_571, %parallel_loop3A_573] : memref<832x32xf32, #tpu.memory_space<vmem>>[vector<16xi32>, vector<16xi32>], vector<16xf32>,
        %parallel_loop3A_575 = arith.constant 4 : i32
        %parallel_loop3A_576 = arith.muli %parallel_loop3A_575, %parallel_loop3A_179 : i32
        %parallel_loop3A_577 = arith.constant 0 : i32
        %parallel_loop3A_578 = arith.addi %parallel_loop3A_576, %parallel_loop3A_577 : i32
        %parallel_loop3A_579 = arith.constant 0 : i32
        %parallel_loop3A_580 = arith.index_cast %parallel_loop3A_578 : i32 to index
        %parallel_loop3A_581 = arith.index_cast %parallel_loop3A_579 : i32 to index
        %parallel_loop3A_582 = arith.constant 16 : index
        %parallel_loop3A_583 = tpu.vector_load %arg9[%parallel_loop3A_580, %parallel_loop3A_581, %parallel_loop3A_582] {strides = array<i32>} : memref<104x8x32xf32, #tpu.memory_space<vmem>>, vector<16xf32>,
        tpu.vector_store %arg9[%parallel_loop3A_580, %parallel_loop3A_581, %parallel_loop3A_582], %parallel_loop3A_574 {strides = array<i32>} : memref<104x8x32xf32, #tpu.memory_space<vmem>>, vector<16xf32>,
        %parallel_loop3A_584 = arith.constant 1 : i32
        %parallel_loop3A_585 = vector.broadcast %parallel_loop3A_584 : i32 to vector<16xi32>
        %parallel_loop3A_586 = tpu.vector_load_idx %arg7[%parallel_loop3A_571, %parallel_loop3A_585] : memref<832x32xf32, #tpu.memory_space<vmem>>[vector<16xi32>, vector<16xi32>], vector<16xf32>,
        %parallel_loop3A_587 = arith.constant 4 : i32
        %parallel_loop3A_588 = arith.muli %parallel_loop3A_587, %parallel_loop3A_179 : i32
        %parallel_loop3A_589 = arith.constant 0 : i32
        %parallel_loop3A_590 = arith.addi %parallel_loop3A_588, %parallel_loop3A_589 : i32
        %parallel_loop3A_591 = arith.constant 1 : i32
        %parallel_loop3A_592 = arith.index_cast %parallel_loop3A_590 : i32 to index
        %parallel_loop3A_593 = arith.index_cast %parallel_loop3A_591 : i32 to index
        %parallel_loop3A_594 = arith.constant 16 : index
        %parallel_loop3A_595 = tpu.vector_load %arg9[%parallel_loop3A_592, %parallel_loop3A_593, %parallel_loop3A_594] {strides = array<i32>} : memref<104x8x32xf32, #tpu.memory_space<vmem>>, vector<16xf32>,
        tpu.vector_store %arg9[%parallel_loop3A_592, %parallel_loop3A_593, %parallel_loop3A_594], %parallel_loop3A_586 {strides = array<i32>} : memref<104x8x32xf32, #tpu.memory_space<vmem>>, vector<16xf32>,
        %parallel_loop3A_596 = arith.constant 2 : i32
        %parallel_loop3A_597 = vector.broadcast %parallel_loop3A_596 : i32 to vector<16xi32>
        %parallel_loop3A_598 = tpu.vector_load_idx %arg7[%parallel_loop3A_571, %parallel_loop3A_597] : memref<832x32xf32, #tpu.memory_space<vmem>>[vector<16xi32>, vector<16xi32>], vector<16xf32>,
        %parallel_loop3A_599 = arith.constant 4 : i32
        %parallel_loop3A_600 = arith.muli %parallel_loop3A_599, %parallel_loop3A_179 : i32
        %parallel_loop3A_601 = arith.constant 0 : i32
        %parallel_loop3A_602 = arith.addi %parallel_loop3A_600, %parallel_loop3A_601 : i32
        %parallel_loop3A_603 = arith.constant 2 : i32
        %parallel_loop3A_604 = arith.index_cast %parallel_loop3A_602 : i32 to index
        %parallel_loop3A_605 = arith.index_cast %parallel_loop3A_603 : i32 to index
        %parallel_loop3A_606 = arith.constant 16 : index
        %parallel_loop3A_607 = tpu.vector_load %arg9[%parallel_loop3A_604, %parallel_loop3A_605, %parallel_loop3A_606] {strides = array<i32>} : memref<104x8x32xf32, #tpu.memory_space<vmem>>, vector<16xf32>,
        tpu.vector_store %arg9[%parallel_loop3A_604, %parallel_loop3A_605, %parallel_loop3A_606], %parallel_loop3A_598 {strides = array<i32>} : memref<104x8x32xf32, #tpu.memory_space<vmem>>, vector<16xf32>,
        %parallel_loop3A_608 = arith.constant 3 : i32
        %parallel_loop3A_609 = vector.broadcast %parallel_loop3A_608 : i32 to vector<16xi32>
        %parallel_loop3A_610 = tpu.vector_load_idx %arg7[%parallel_loop3A_571, %parallel_loop3A_609] : memref<832x32xf32, #tpu.memory_space<vmem>>[vector<16xi32>, vector<16xi32>], vector<16xf32>,
        %parallel_loop3A_611 = arith.constant 4 : i32
        %parallel_loop3A_612 = arith.muli %parallel_loop3A_611, %parallel_loop3A_179 : i32
        %parallel_loop3A_613 = arith.constant 0 : i32
        %parallel_loop3A_614 = arith.addi %parallel_loop3A_612, %parallel_loop3A_613 : i32
        %parallel_loop3A_615 = arith.constant 3 : i32
        %parallel_loop3A_616 = arith.index_cast %parallel_loop3A_614 : i32 to index
        %parallel_loop3A_617 = arith.index_cast %parallel_loop3A_615 : i32 to index
        %parallel_loop3A_618 = arith.constant 16 : index
        %parallel_loop3A_619 = tpu.vector_load %arg9[%parallel_loop3A_616, %parallel_loop3A_617, %parallel_loop3A_618] {strides = array<i32>} : memref<104x8x32xf32, #tpu.memory_space<vmem>>, vector<16xf32>,
        tpu.vector_store %arg9[%parallel_loop3A_616, %parallel_loop3A_617, %parallel_loop3A_618], %parallel_loop3A_610 {strides = array<i32>} : memref<104x8x32xf32, #tpu.memory_space<vmem>>, vector<16xf32>,
        %parallel_loop3A_620 = arith.constant 4 : i32
        %parallel_loop3A_621 = vector.broadcast %parallel_loop3A_620 : i32 to vector<16xi32>
        %parallel_loop3A_622 = tpu.vector_load_idx %arg7[%parallel_loop3A_571, %parallel_loop3A_621] : memref<832x32xf32, #tpu.memory_space<vmem>>[vector<16xi32>, vector<16xi32>], vector<16xf32>,
        %parallel_loop3A_623 = arith.constant 4 : i32
        %parallel_loop3A_624 = arith.muli %parallel_loop3A_623, %parallel_loop3A_179 : i32
        %parallel_loop3A_625 = arith.constant 0 : i32
        %parallel_loop3A_626 = arith.addi %parallel_loop3A_624, %parallel_loop3A_625 : i32
        %parallel_loop3A_627 = arith.constant 4 : i32
        %parallel_loop3A_628 = arith.index_cast %parallel_loop3A_626 : i32 to index
        %parallel_loop3A_629 = arith.index_cast %parallel_loop3A_627 : i32 to index
        %parallel_loop3A_630 = arith.constant 16 : index
        %parallel_loop3A_631 = tpu.vector_load %arg9[%parallel_loop3A_628, %parallel_loop3A_629, %parallel_loop3A_630] {strides = array<i32>} : memref<104x8x32xf32, #tpu.memory_space<vmem>>, vector<16xf32>,
        tpu.vector_store %arg9[%parallel_loop3A_628, %parallel_loop3A_629, %parallel_loop3A_630], %parallel_loop3A_622 {strides = array<i32>} : memref<104x8x32xf32, #tpu.memory_space<vmem>>, vector<16xf32>,
        %parallel_loop3A_632 = arith.constant 5 : i32
        %parallel_loop3A_633 = vector.broadcast %parallel_loop3A_632 : i32 to vector<16xi32>
        %parallel_loop3A_634 = tpu.vector_load_idx %arg7[%parallel_loop3A_571, %parallel_loop3A_633] : memref<832x32xf32, #tpu.memory_space<vmem>>[vector<16xi32>, vector<16xi32>], vector<16xf32>,
        %parallel_loop3A_635 = arith.constant 4 : i32
        %parallel_loop3A_636 = arith.muli %parallel_loop3A_635, %parallel_loop3A_179 : i32
        %parallel_loop3A_637 = arith.constant 0 : i32
        %parallel_loop3A_638 = arith.addi %parallel_loop3A_636, %parallel_loop3A_637 : i32
        %parallel_loop3A_639 = arith.constant 5 : i32
        %parallel_loop3A_640 = arith.index_cast %parallel_loop3A_638 : i32 to index
        %parallel_loop3A_641 = arith.index_cast %parallel_loop3A_639 : i32 to index
        %parallel_loop3A_642 = arith.constant 16 : index
        %parallel_loop3A_643 = tpu.vector_load %arg9[%parallel_loop3A_640, %parallel_loop3A_641, %parallel_loop3A_642] {strides = array<i32>} : memref<104x8x32xf32, #tpu.memory_space<vmem>>, vector<16xf32>,
        tpu.vector_store %arg9[%parallel_loop3A_640, %parallel_loop3A_641, %parallel_loop3A_642], %parallel_loop3A_634 {strides = array<i32>} : memref<104x8x32xf32, #tpu.memory_space<vmem>>, vector<16xf32>,
        %parallel_loop3A_644 = arith.constant 6 : i32
        %parallel_loop3A_645 = vector.broadcast %parallel_loop3A_644 : i32 to vector<16xi32>
        %parallel_loop3A_646 = tpu.vector_load_idx %arg7[%parallel_loop3A_571, %parallel_loop3A_645] : memref<832x32xf32, #tpu.memory_space<vmem>>[vector<16xi32>, vector<16xi32>], vector<16xf32>,
        %parallel_loop3A_647 = arith.constant 4 : i32
        %parallel_loop3A_648 = arith.muli %parallel_loop3A_647, %parallel_loop3A_179 : i32
        %parallel_loop3A_649 = arith.constant 0 : i32
        %parallel_loop3A_650 = arith.addi %parallel_loop3A_648, %parallel_loop3A_649 : i32
        %parallel_loop3A_651 = arith.constant 6 : i32
        %parallel_loop3A_652 = arith.index_cast %parallel_loop3A_650 : i32 to index
        %parallel_loop3A_653 = arith.index_cast %parallel_loop3A_651 : i32 to index
        %parallel_loop3A_654 = arith.constant 16 : index
        %parallel_loop3A_655 = tpu.vector_load %arg9[%parallel_loop3A_652, %parallel_loop3A_653, %parallel_loop3A_654] {strides = array<i32>} : memref<104x8x32xf32, #tpu.memory_space<vmem>>, vector<16xf32>,
        tpu.vector_store %arg9[%parallel_loop3A_652, %parallel_loop3A_653, %parallel_loop3A_654], %parallel_loop3A_646 {strides = array<i32>} : memref<104x8x32xf32, #tpu.memory_space<vmem>>, vector<16xf32>,
        %parallel_loop3A_656 = arith.constant 7 : i32
        %parallel_loop3A_657 = vector.broadcast %parallel_loop3A_656 : i32 to vector<16xi32>
        %parallel_loop3A_658 = tpu.vector_load_idx %arg7[%parallel_loop3A_571, %parallel_loop3A_657] : memref<832x32xf32, #tpu.memory_space<vmem>>[vector<16xi32>, vector<16xi32>], vector<16xf32>,
        %parallel_loop3A_659 = arith.constant 4 : i32
        %parallel_loop3A_660 = arith.muli %parallel_loop3A_659, %parallel_loop3A_179 : i32
        %parallel_loop3A_661 = arith.constant 0 : i32
        %parallel_loop3A_662 = arith.addi %parallel_loop3A_660, %parallel_loop3A_661 : i32
        %parallel_loop3A_663 = arith.constant 7 : i32
        %parallel_loop3A_664 = arith.index_cast %parallel_loop3A_662 : i32 to index
        %parallel_loop3A_665 = arith.index_cast %parallel_loop3A_663 : i32 to index
        %parallel_loop3A_666 = arith.constant 16 : index
        %parallel_loop3A_667 = tpu.vector_load %arg9[%parallel_loop3A_664, %parallel_loop3A_665, %parallel_loop3A_666] {strides = array<i32>} : memref<104x8x32xf32, #tpu.memory_space<vmem>>, vector<16xf32>,
        tpu.vector_store %arg9[%parallel_loop3A_664, %parallel_loop3A_665, %parallel_loop3A_666], %parallel_loop3A_658 {strides = array<i32>} : memref<104x8x32xf32, #tpu.memory_space<vmem>>, vector<16xf32>,
        %parallel_loop3A_668 = arith.constant 8 : i32
        %parallel_loop3A_669 = vector.broadcast %parallel_loop3A_668 : i32 to vector<16xi32>
        %parallel_loop3A_670 = tpu.vector_load_idx %arg7[%parallel_loop3A_571, %parallel_loop3A_669] : memref<832x32xf32, #tpu.memory_space<vmem>>[vector<16xi32>, vector<16xi32>], vector<16xf32>,
        %parallel_loop3A_671 = arith.constant 4 : i32
        %parallel_loop3A_672 = arith.muli %parallel_loop3A_671, %parallel_loop3A_179 : i32
        %parallel_loop3A_673 = arith.constant 1 : i32
        %parallel_loop3A_674 = arith.addi %parallel_loop3A_672, %parallel_loop3A_673 : i32
        %parallel_loop3A_675 = arith.constant 0 : i32
        %parallel_loop3A_676 = arith.index_cast %parallel_loop3A_674 : i32 to index
        %parallel_loop3A_677 = arith.index_cast %parallel_loop3A_675 : i32 to index
        %parallel_loop3A_678 = arith.constant 16 : index
        %parallel_loop3A_679 = tpu.vector_load %arg9[%parallel_loop3A_676, %parallel_loop3A_677, %parallel_loop3A_678] {strides = array<i32>} : memref<104x8x32xf32, #tpu.memory_space<vmem>>, vector<16xf32>,
        tpu.vector_store %arg9[%parallel_loop3A_676, %parallel_loop3A_677, %parallel_loop3A_678], %parallel_loop3A_670 {strides = array<i32>} : memref<104x8x32xf32, #tpu.memory_space<vmem>>, vector<16xf32>,
        %parallel_loop3A_680 = arith.constant 9 : i32
        %parallel_loop3A_681 = vector.broadcast %parallel_loop3A_680 : i32 to vector<16xi32>
        %parallel_loop3A_682 = tpu.vector_load_idx %arg7[%parallel_loop3A_571, %parallel_loop3A_681] : memref<832x32xf32, #tpu.memory_space<vmem>>[vector<16xi32>, vector<16xi32>], vector<16xf32>,
        %parallel_loop3A_683 = arith.constant 4 : i32
        %parallel_loop3A_684 = arith.muli %parallel_loop3A_683, %parallel_loop3A_179 : i32
        %parallel_loop3A_685 = arith.constant 1 : i32
        %parallel_loop3A_686 = arith.addi %parallel_loop3A_684, %parallel_loop3A_685 : i32
        %parallel_loop3A_687 = arith.constant 1 : i32
        %parallel_loop3A_688 = arith.index_cast %parallel_loop3A_686 : i32 to index
        %parallel_loop3A_689 = arith.index_cast %parallel_loop3A_687 : i32 to index
        %parallel_loop3A_690 = arith.constant 16 : index
        %parallel_loop3A_691 = tpu.vector_load %arg9[%parallel_loop3A_688, %parallel_loop3A_689, %parallel_loop3A_690] {strides = array<i32>} : memref<104x8x32xf32, #tpu.memory_space<vmem>>, vector<16xf32>,
        tpu.vector_store %arg9[%parallel_loop3A_688, %parallel_loop3A_689, %parallel_loop3A_690], %parallel_loop3A_682 {strides = array<i32>} : memref<104x8x32xf32, #tpu.memory_space<vmem>>, vector<16xf32>,
        %parallel_loop3A_692 = arith.constant 10 : i32
        %parallel_loop3A_693 = vector.broadcast %parallel_loop3A_692 : i32 to vector<16xi32>
        %parallel_loop3A_694 = tpu.vector_load_idx %arg7[%parallel_loop3A_571, %parallel_loop3A_693] : memref<832x32xf32, #tpu.memory_space<vmem>>[vector<16xi32>, vector<16xi32>], vector<16xf32>,
        %parallel_loop3A_695 = arith.constant 4 : i32
        %parallel_loop3A_696 = arith.muli %parallel_loop3A_695, %parallel_loop3A_179 : i32
        %parallel_loop3A_697 = arith.constant 1 : i32
        %parallel_loop3A_698 = arith.addi %parallel_loop3A_696, %parallel_loop3A_697 : i32
        %parallel_loop3A_699 = arith.constant 2 : i32
        %parallel_loop3A_700 = arith.index_cast %parallel_loop3A_698 : i32 to index
        %parallel_loop3A_701 = arith.index_cast %parallel_loop3A_699 : i32 to index
        %parallel_loop3A_702 = arith.constant 16 : index
        %parallel_loop3A_703 = tpu.vector_load %arg9[%parallel_loop3A_700, %parallel_loop3A_701, %parallel_loop3A_702] {strides = array<i32>} : memref<104x8x32xf32, #tpu.memory_space<vmem>>, vector<16xf32>,
        tpu.vector_store %arg9[%parallel_loop3A_700, %parallel_loop3A_701, %parallel_loop3A_702], %parallel_loop3A_694 {strides = array<i32>} : memref<104x8x32xf32, #tpu.memory_space<vmem>>, vector<16xf32>,
        %parallel_loop3A_704 = arith.constant 11 : i32
        %parallel_loop3A_705 = vector.broadcast %parallel_loop3A_704 : i32 to vector<16xi32>
        %parallel_loop3A_706 = tpu.vector_load_idx %arg7[%parallel_loop3A_571, %parallel_loop3A_705] : memref<832x32xf32, #tpu.memory_space<vmem>>[vector<16xi32>, vector<16xi32>], vector<16xf32>,
        %parallel_loop3A_707 = arith.constant 4 : i32
        %parallel_loop3A_708 = arith.muli %parallel_loop3A_707, %parallel_loop3A_179 : i32
        %parallel_loop3A_709 = arith.constant 1 : i32
        %parallel_loop3A_710 = arith.addi %parallel_loop3A_708, %parallel_loop3A_709 : i32
        %parallel_loop3A_711 = arith.constant 3 : i32
        %parallel_loop3A_712 = arith.index_cast %parallel_loop3A_710 : i32 to index
        %parallel_loop3A_713 = arith.index_cast %parallel_loop3A_711 : i32 to index
        %parallel_loop3A_714 = arith.constant 16 : index
        %parallel_loop3A_715 = tpu.vector_load %arg9[%parallel_loop3A_712, %parallel_loop3A_713, %parallel_loop3A_714] {strides = array<i32>} : memref<104x8x32xf32, #tpu.memory_space<vmem>>, vector<16xf32>,
        tpu.vector_store %arg9[%parallel_loop3A_712, %parallel_loop3A_713, %parallel_loop3A_714], %parallel_loop3A_706 {strides = array<i32>} : memref<104x8x32xf32, #tpu.memory_space<vmem>>, vector<16xf32>,
        %parallel_loop3A_716 = arith.constant 12 : i32
        %parallel_loop3A_717 = vector.broadcast %parallel_loop3A_716 : i32 to vector<16xi32>
        %parallel_loop3A_718 = tpu.vector_load_idx %arg7[%parallel_loop3A_571, %parallel_loop3A_717] : memref<832x32xf32, #tpu.memory_space<vmem>>[vector<16xi32>, vector<16xi32>], vector<16xf32>,
        %parallel_loop3A_719 = arith.constant 4 : i32
        %parallel_loop3A_720 = arith.muli %parallel_loop3A_719, %parallel_loop3A_179 : i32
        %parallel_loop3A_721 = arith.constant 1 : i32
        %parallel_loop3A_722 = arith.addi %parallel_loop3A_720, %parallel_loop3A_721 : i32
        %parallel_loop3A_723 = arith.constant 4 : i32
        %parallel_loop3A_724 = arith.index_cast %parallel_loop3A_722 : i32 to index
        %parallel_loop3A_725 = arith.index_cast %parallel_loop3A_723 : i32 to index
        %parallel_loop3A_726 = arith.constant 16 : index
        %parallel_loop3A_727 = tpu.vector_load %arg9[%parallel_loop3A_724, %parallel_loop3A_725, %parallel_loop3A_726] {strides = array<i32>} : memref<104x8x32xf32, #tpu.memory_space<vmem>>, vector<16xf32>,
        tpu.vector_store %arg9[%parallel_loop3A_724, %parallel_loop3A_725, %parallel_loop3A_726], %parallel_loop3A_718 {strides = array<i32>} : memref<104x8x32xf32, #tpu.memory_space<vmem>>, vector<16xf32>,
        %parallel_loop3A_728 = arith.constant 13 : i32
        %parallel_loop3A_729 = vector.broadcast %parallel_loop3A_728 : i32 to vector<16xi32>
        %parallel_loop3A_730 = tpu.vector_load_idx %arg7[%parallel_loop3A_571, %parallel_loop3A_729] : memref<832x32xf32, #tpu.memory_space<vmem>>[vector<16xi32>, vector<16xi32>], vector<16xf32>,
        %parallel_loop3A_731 = arith.constant 4 : i32
        %parallel_loop3A_732 = arith.muli %parallel_loop3A_731, %parallel_loop3A_179 : i32
        %parallel_loop3A_733 = arith.constant 1 : i32
        %parallel_loop3A_734 = arith.addi %parallel_loop3A_732, %parallel_loop3A_733 : i32
        %parallel_loop3A_735 = arith.constant 5 : i32
        %parallel_loop3A_736 = arith.index_cast %parallel_loop3A_734 : i32 to index
        %parallel_loop3A_737 = arith.index_cast %parallel_loop3A_735 : i32 to index
        %parallel_loop3A_738 = arith.constant 16 : index
        %parallel_loop3A_739 = tpu.vector_load %arg9[%parallel_loop3A_736, %parallel_loop3A_737, %parallel_loop3A_738] {strides = array<i32>} : memref<104x8x32xf32, #tpu.memory_space<vmem>>, vector<16xf32>,
        tpu.vector_store %arg9[%parallel_loop3A_736, %parallel_loop3A_737, %parallel_loop3A_738], %parallel_loop3A_730 {strides = array<i32>} : memref<104x8x32xf32, #tpu.memory_space<vmem>>, vector<16xf32>,
        %parallel_loop3A_740 = arith.constant 14 : i32
        %parallel_loop3A_741 = vector.broadcast %parallel_loop3A_740 : i32 to vector<16xi32>
        %parallel_loop3A_742 = tpu.vector_load_idx %arg7[%parallel_loop3A_571, %parallel_loop3A_741] : memref<832x32xf32, #tpu.memory_space<vmem>>[vector<16xi32>, vector<16xi32>], vector<16xf32>,
        %parallel_loop3A_743 = arith.constant 4 : i32
        %parallel_loop3A_744 = arith.muli %parallel_loop3A_743, %parallel_loop3A_179 : i32
        %parallel_loop3A_745 = arith.constant 1 : i32
        %parallel_loop3A_746 = arith.addi %parallel_loop3A_744, %parallel_loop3A_745 : i32
        %parallel_loop3A_747 = arith.constant 6 : i32
        %parallel_loop3A_748 = arith.index_cast %parallel_loop3A_746 : i32 to index
        %parallel_loop3A_749 = arith.index_cast %parallel_loop3A_747 : i32 to index
        %parallel_loop3A_750 = arith.constant 16 : index
        %parallel_loop3A_751 = tpu.vector_load %arg9[%parallel_loop3A_748, %parallel_loop3A_749, %parallel_loop3A_750] {strides = array<i32>} : memref<104x8x32xf32, #tpu.memory_space<vmem>>, vector<16xf32>,
        tpu.vector_store %arg9[%parallel_loop3A_748, %parallel_loop3A_749, %parallel_loop3A_750], %parallel_loop3A_742 {strides = array<i32>} : memref<104x8x32xf32, #tpu.memory_space<vmem>>, vector<16xf32>,
        %parallel_loop3A_752 = arith.constant 15 : i32
        %parallel_loop3A_753 = vector.broadcast %parallel_loop3A_752 : i32 to vector<16xi32>
        %parallel_loop3A_754 = tpu.vector_load_idx %arg7[%parallel_loop3A_571, %parallel_loop3A_753] : memref<832x32xf32, #tpu.memory_space<vmem>>[vector<16xi32>, vector<16xi32>], vector<16xf32>,
        %parallel_loop3A_755 = arith.constant 4 : i32
        %parallel_loop3A_756 = arith.muli %parallel_loop3A_755, %parallel_loop3A_179 : i32
        %parallel_loop3A_757 = arith.constant 1 : i32
        %parallel_loop3A_758 = arith.addi %parallel_loop3A_756, %parallel_loop3A_757 : i32
        %parallel_loop3A_759 = arith.constant 7 : i32
        %parallel_loop3A_760 = arith.index_cast %parallel_loop3A_758 : i32 to index
        %parallel_loop3A_761 = arith.index_cast %parallel_loop3A_759 : i32 to index
        %parallel_loop3A_762 = arith.constant 16 : index
        %parallel_loop3A_763 = tpu.vector_load %arg9[%parallel_loop3A_760, %parallel_loop3A_761, %parallel_loop3A_762] {strides = array<i32>} : memref<104x8x32xf32, #tpu.memory_space<vmem>>, vector<16xf32>,
        tpu.vector_store %arg9[%parallel_loop3A_760, %parallel_loop3A_761, %parallel_loop3A_762], %parallel_loop3A_754 {strides = array<i32>} : memref<104x8x32xf32, #tpu.memory_space<vmem>>, vector<16xf32>,
        %parallel_loop3A_764 = arith.constant 16 : i32
        %parallel_loop3A_765 = vector.broadcast %parallel_loop3A_764 : i32 to vector<16xi32>
        %parallel_loop3A_766 = tpu.vector_load_idx %arg7[%parallel_loop3A_571, %parallel_loop3A_765] : memref<832x32xf32, #tpu.memory_space<vmem>>[vector<16xi32>, vector<16xi32>], vector<16xf32>,
        %parallel_loop3A_767 = arith.constant 4 : i32
        %parallel_loop3A_768 = arith.muli %parallel_loop3A_767, %parallel_loop3A_179 : i32
        %parallel_loop3A_769 = arith.constant 2 : i32
        %parallel_loop3A_770 = arith.addi %parallel_loop3A_768, %parallel_loop3A_769 : i32
        %parallel_loop3A_771 = arith.constant 0 : i32
        %parallel_loop3A_772 = arith.index_cast %parallel_loop3A_770 : i32 to index
        %parallel_loop3A_773 = arith.index_cast %parallel_loop3A_771 : i32 to index
        %parallel_loop3A_774 = arith.constant 16 : index
        %parallel_loop3A_775 = tpu.vector_load %arg9[%parallel_loop3A_772, %parallel_loop3A_773, %parallel_loop3A_774] {strides = array<i32>} : memref<104x8x32xf32, #tpu.memory_space<vmem>>, vector<16xf32>,
        tpu.vector_store %arg9[%parallel_loop3A_772, %parallel_loop3A_773, %parallel_loop3A_774], %parallel_loop3A_766 {strides = array<i32>} : memref<104x8x32xf32, #tpu.memory_space<vmem>>, vector<16xf32>,
        %parallel_loop3A_776 = arith.constant 17 : i32
        %parallel_loop3A_777 = vector.broadcast %parallel_loop3A_776 : i32 to vector<16xi32>
        %parallel_loop3A_778 = tpu.vector_load_idx %arg7[%parallel_loop3A_571, %parallel_loop3A_777] : memref<832x32xf32, #tpu.memory_space<vmem>>[vector<16xi32>, vector<16xi32>], vector<16xf32>,
        %parallel_loop3A_779 = arith.constant 4 : i32
        %parallel_loop3A_780 = arith.muli %parallel_loop3A_779, %parallel_loop3A_179 : i32
        %parallel_loop3A_781 = arith.constant 2 : i32
        %parallel_loop3A_782 = arith.addi %parallel_loop3A_780, %parallel_loop3A_781 : i32
        %parallel_loop3A_783 = arith.constant 1 : i32
        %parallel_loop3A_784 = arith.index_cast %parallel_loop3A_782 : i32 to index
        %parallel_loop3A_785 = arith.index_cast %parallel_loop3A_783 : i32 to index
        %parallel_loop3A_786 = arith.constant 16 : index
        %parallel_loop3A_787 = tpu.vector_load %arg9[%parallel_loop3A_784, %parallel_loop3A_785, %parallel_loop3A_786] {strides = array<i32>} : memref<104x8x32xf32, #tpu.memory_space<vmem>>, vector<16xf32>,
        tpu.vector_store %arg9[%parallel_loop3A_784, %parallel_loop3A_785, %parallel_loop3A_786], %parallel_loop3A_778 {strides = array<i32>} : memref<104x8x32xf32, #tpu.memory_space<vmem>>, vector<16xf32>,
        %parallel_loop3A_788 = arith.constant 18 : i32
        %parallel_loop3A_789 = vector.broadcast %parallel_loop3A_788 : i32 to vector<16xi32>
        %parallel_loop3A_790 = tpu.vector_load_idx %arg7[%parallel_loop3A_571, %parallel_loop3A_789] : memref<832x32xf32, #tpu.memory_space<vmem>>[vector<16xi32>, vector<16xi32>], vector<16xf32>,
        %parallel_loop3A_791 = arith.constant 4 : i32
        %parallel_loop3A_792 = arith.muli %parallel_loop3A_791, %parallel_loop3A_179 : i32
        %parallel_loop3A_793 = arith.constant 2 : i32
        %parallel_loop3A_794 = arith.addi %parallel_loop3A_792, %parallel_loop3A_793 : i32
        %parallel_loop3A_795 = arith.constant 2 : i32
        %parallel_loop3A_796 = arith.index_cast %parallel_loop3A_794 : i32 to index
        %parallel_loop3A_797 = arith.index_cast %parallel_loop3A_795 : i32 to index
        %parallel_loop3A_798 = arith.constant 16 : index
        %parallel_loop3A_799 = tpu.vector_load %arg9[%parallel_loop3A_796, %parallel_loop3A_797, %parallel_loop3A_798] {strides = array<i32>} : memref<104x8x32xf32, #tpu.memory_space<vmem>>, vector<16xf32>,
        tpu.vector_store %arg9[%parallel_loop3A_796, %parallel_loop3A_797, %parallel_loop3A_798], %parallel_loop3A_790 {strides = array<i32>} : memref<104x8x32xf32, #tpu.memory_space<vmem>>, vector<16xf32>,
        %parallel_loop3A_800 = arith.constant 19 : i32
        %parallel_loop3A_801 = vector.broadcast %parallel_loop3A_800 : i32 to vector<16xi32>
        %parallel_loop3A_802 = tpu.vector_load_idx %arg7[%parallel_loop3A_571, %parallel_loop3A_801] : memref<832x32xf32, #tpu.memory_space<vmem>>[vector<16xi32>, vector<16xi32>], vector<16xf32>,
        %parallel_loop3A_803 = arith.constant 4 : i32
        %parallel_loop3A_804 = arith.muli %parallel_loop3A_803, %parallel_loop3A_179 : i32
        %parallel_loop3A_805 = arith.constant 2 : i32
        %parallel_loop3A_806 = arith.addi %parallel_loop3A_804, %parallel_loop3A_805 : i32
        %parallel_loop3A_807 = arith.constant 3 : i32
        %parallel_loop3A_808 = arith.index_cast %parallel_loop3A_806 : i32 to index
        %parallel_loop3A_809 = arith.index_cast %parallel_loop3A_807 : i32 to index
        %parallel_loop3A_810 = arith.constant 16 : index
        %parallel_loop3A_811 = tpu.vector_load %arg9[%parallel_loop3A_808, %parallel_loop3A_809, %parallel_loop3A_810] {strides = array<i32>} : memref<104x8x32xf32, #tpu.memory_space<vmem>>, vector<16xf32>,
        tpu.vector_store %arg9[%parallel_loop3A_808, %parallel_loop3A_809, %parallel_loop3A_810], %parallel_loop3A_802 {strides = array<i32>} : memref<104x8x32xf32, #tpu.memory_space<vmem>>, vector<16xf32>,
        %parallel_loop3A_812 = arith.constant 20 : i32
        %parallel_loop3A_813 = vector.broadcast %parallel_loop3A_812 : i32 to vector<16xi32>
        %parallel_loop3A_814 = tpu.vector_load_idx %arg7[%parallel_loop3A_571, %parallel_loop3A_813] : memref<832x32xf32, #tpu.memory_space<vmem>>[vector<16xi32>, vector<16xi32>], vector<16xf32>,
        %parallel_loop3A_815 = arith.constant 4 : i32
        %parallel_loop3A_816 = arith.muli %parallel_loop3A_815, %parallel_loop3A_179 : i32
        %parallel_loop3A_817 = arith.constant 2 : i32
        %parallel_loop3A_818 = arith.addi %parallel_loop3A_816, %parallel_loop3A_817 : i32
        %parallel_loop3A_819 = arith.constant 4 : i32
        %parallel_loop3A_820 = arith.index_cast %parallel_loop3A_818 : i32 to index
        %parallel_loop3A_821 = arith.index_cast %parallel_loop3A_819 : i32 to index
        %parallel_loop3A_822 = arith.constant 16 : index
        %parallel_loop3A_823 = tpu.vector_load %arg9[%parallel_loop3A_820, %parallel_loop3A_821, %parallel_loop3A_822] {strides = array<i32>} : memref<104x8x32xf32, #tpu.memory_space<vmem>>, vector<16xf32>,
        tpu.vector_store %arg9[%parallel_loop3A_820, %parallel_loop3A_821, %parallel_loop3A_822], %parallel_loop3A_814 {strides = array<i32>} : memref<104x8x32xf32, #tpu.memory_space<vmem>>, vector<16xf32>,
        %parallel_loop3A_824 = arith.constant 21 : i32
        %parallel_loop3A_825 = vector.broadcast %parallel_loop3A_824 : i32 to vector<16xi32>
        %parallel_loop3A_826 = tpu.vector_load_idx %arg7[%parallel_loop3A_571, %parallel_loop3A_825] : memref<832x32xf32, #tpu.memory_space<vmem>>[vector<16xi32>, vector<16xi32>], vector<16xf32>,
        %parallel_loop3A_827 = arith.constant 4 : i32
        %parallel_loop3A_828 = arith.muli %parallel_loop3A_827, %parallel_loop3A_179 : i32
        %parallel_loop3A_829 = arith.constant 2 : i32
        %parallel_loop3A_830 = arith.addi %parallel_loop3A_828, %parallel_loop3A_829 : i32
        %parallel_loop3A_831 = arith.constant 5 : i32
        %parallel_loop3A_832 = arith.index_cast %parallel_loop3A_830 : i32 to index
        %parallel_loop3A_833 = arith.index_cast %parallel_loop3A_831 : i32 to index
        %parallel_loop3A_834 = arith.constant 16 : index
        %parallel_loop3A_835 = tpu.vector_load %arg9[%parallel_loop3A_832, %parallel_loop3A_833, %parallel_loop3A_834] {strides = array<i32>} : memref<104x8x32xf32, #tpu.memory_space<vmem>>, vector<16xf32>,
        tpu.vector_store %arg9[%parallel_loop3A_832, %parallel_loop3A_833, %parallel_loop3A_834], %parallel_loop3A_826 {strides = array<i32>} : memref<104x8x32xf32, #tpu.memory_space<vmem>>, vector<16xf32>,
        %parallel_loop3A_836 = arith.constant 22 : i32
        %parallel_loop3A_837 = vector.broadcast %parallel_loop3A_836 : i32 to vector<16xi32>
        %parallel_loop3A_838 = tpu.vector_load_idx %arg7[%parallel_loop3A_571, %parallel_loop3A_837] : memref<832x32xf32, #tpu.memory_space<vmem>>[vector<16xi32>, vector<16xi32>], vector<16xf32>,
        %parallel_loop3A_839 = arith.constant 4 : i32
        %parallel_loop3A_840 = arith.muli %parallel_loop3A_839, %parallel_loop3A_179 : i32
        %parallel_loop3A_841 = arith.constant 2 : i32
        %parallel_loop3A_842 = arith.addi %parallel_loop3A_840, %parallel_loop3A_841 : i32
        %parallel_loop3A_843 = arith.constant 6 : i32
        %parallel_loop3A_844 = arith.index_cast %parallel_loop3A_842 : i32 to index
        %parallel_loop3A_845 = arith.index_cast %parallel_loop3A_843 : i32 to index
        %parallel_loop3A_846 = arith.constant 16 : index
        %parallel_loop3A_847 = tpu.vector_load %arg9[%parallel_loop3A_844, %parallel_loop3A_845, %parallel_loop3A_846] {strides = array<i32>} : memref<104x8x32xf32, #tpu.memory_space<vmem>>, vector<16xf32>,
        tpu.vector_store %arg9[%parallel_loop3A_844, %parallel_loop3A_845, %parallel_loop3A_846], %parallel_loop3A_838 {strides = array<i32>} : memref<104x8x32xf32, #tpu.memory_space<vmem>>, vector<16xf32>,
        %parallel_loop3A_848 = arith.constant 23 : i32
        %parallel_loop3A_849 = vector.broadcast %parallel_loop3A_848 : i32 to vector<16xi32>
        %parallel_loop3A_850 = tpu.vector_load_idx %arg7[%parallel_loop3A_571, %parallel_loop3A_849] : memref<832x32xf32, #tpu.memory_space<vmem>>[vector<16xi32>, vector<16xi32>], vector<16xf32>,
        %parallel_loop3A_851 = arith.constant 4 : i32
        %parallel_loop3A_852 = arith.muli %parallel_loop3A_851, %parallel_loop3A_179 : i32
        %parallel_loop3A_853 = arith.constant 2 : i32
        %parallel_loop3A_854 = arith.addi %parallel_loop3A_852, %parallel_loop3A_853 : i32
        %parallel_loop3A_855 = arith.constant 7 : i32
        %parallel_loop3A_856 = arith.index_cast %parallel_loop3A_854 : i32 to index
        %parallel_loop3A_857 = arith.index_cast %parallel_loop3A_855 : i32 to index
        %parallel_loop3A_858 = arith.constant 16 : index
        %parallel_loop3A_859 = tpu.vector_load %arg9[%parallel_loop3A_856, %parallel_loop3A_857, %parallel_loop3A_858] {strides = array<i32>} : memref<104x8x32xf32, #tpu.memory_space<vmem>>, vector<16xf32>,
        tpu.vector_store %arg9[%parallel_loop3A_856, %parallel_loop3A_857, %parallel_loop3A_858], %parallel_loop3A_850 {strides = array<i32>} : memref<104x8x32xf32, #tpu.memory_space<vmem>>, vector<16xf32>,
        %parallel_loop3A_860 = arith.constant 24 : i32
        %parallel_loop3A_861 = vector.broadcast %parallel_loop3A_860 : i32 to vector<16xi32>
        %parallel_loop3A_862 = tpu.vector_load_idx %arg7[%parallel_loop3A_571, %parallel_loop3A_861] : memref<832x32xf32, #tpu.memory_space<vmem>>[vector<16xi32>, vector<16xi32>], vector<16xf32>,
        %parallel_loop3A_863 = arith.constant 4 : i32
        %parallel_loop3A_864 = arith.muli %parallel_loop3A_863, %parallel_loop3A_179 : i32
        %parallel_loop3A_865 = arith.constant 3 : i32
        %parallel_loop3A_866 = arith.addi %parallel_loop3A_864, %parallel_loop3A_865 : i32
        %parallel_loop3A_867 = arith.constant 0 : i32
        %parallel_loop3A_868 = arith.index_cast %parallel_loop3A_866 : i32 to index
        %parallel_loop3A_869 = arith.index_cast %parallel_loop3A_867 : i32 to index
        %parallel_loop3A_870 = arith.constant 16 : index
        %parallel_loop3A_871 = tpu.vector_load %arg9[%parallel_loop3A_868, %parallel_loop3A_869, %parallel_loop3A_870] {strides = array<i32>} : memref<104x8x32xf32, #tpu.memory_space<vmem>>, vector<16xf32>,
        tpu.vector_store %arg9[%parallel_loop3A_868, %parallel_loop3A_869, %parallel_loop3A_870], %parallel_loop3A_862 {strides = array<i32>} : memref<104x8x32xf32, #tpu.memory_space<vmem>>, vector<16xf32>,
        %parallel_loop3A_872 = arith.constant 25 : i32
        %parallel_loop3A_873 = vector.broadcast %parallel_loop3A_872 : i32 to vector<16xi32>
        %parallel_loop3A_874 = tpu.vector_load_idx %arg7[%parallel_loop3A_571, %parallel_loop3A_873] : memref<832x32xf32, #tpu.memory_space<vmem>>[vector<16xi32>, vector<16xi32>], vector<16xf32>,
        %parallel_loop3A_875 = arith.constant 4 : i32
        %parallel_loop3A_876 = arith.muli %parallel_loop3A_875, %parallel_loop3A_179 : i32
        %parallel_loop3A_877 = arith.constant 3 : i32
        %parallel_loop3A_878 = arith.addi %parallel_loop3A_876, %parallel_loop3A_877 : i32
        %parallel_loop3A_879 = arith.constant 1 : i32
        %parallel_loop3A_880 = arith.index_cast %parallel_loop3A_878 : i32 to index
        %parallel_loop3A_881 = arith.index_cast %parallel_loop3A_879 : i32 to index
        %parallel_loop3A_882 = arith.constant 16 : index
        %parallel_loop3A_883 = tpu.vector_load %arg9[%parallel_loop3A_880, %parallel_loop3A_881, %parallel_loop3A_882] {strides = array<i32>} : memref<104x8x32xf32, #tpu.memory_space<vmem>>, vector<16xf32>,
        tpu.vector_store %arg9[%parallel_loop3A_880, %parallel_loop3A_881, %parallel_loop3A_882], %parallel_loop3A_874 {strides = array<i32>} : memref<104x8x32xf32, #tpu.memory_space<vmem>>, vector<16xf32>,
        %parallel_loop3A_884 = arith.constant 26 : i32
        %parallel_loop3A_885 = vector.broadcast %parallel_loop3A_884 : i32 to vector<16xi32>
        %parallel_loop3A_886 = tpu.vector_load_idx %arg7[%parallel_loop3A_571, %parallel_loop3A_885] : memref<832x32xf32, #tpu.memory_space<vmem>>[vector<16xi32>, vector<16xi32>], vector<16xf32>,
        %parallel_loop3A_887 = arith.constant 4 : i32
        %parallel_loop3A_888 = arith.muli %parallel_loop3A_887, %parallel_loop3A_179 : i32
        %parallel_loop3A_889 = arith.constant 3 : i32
        %parallel_loop3A_890 = arith.addi %parallel_loop3A_888, %parallel_loop3A_889 : i32
        %parallel_loop3A_891 = arith.constant 2 : i32
        %parallel_loop3A_892 = arith.index_cast %parallel_loop3A_890 : i32 to index
        %parallel_loop3A_893 = arith.index_cast %parallel_loop3A_891 : i32 to index
        %parallel_loop3A_894 = arith.constant 16 : index
        %parallel_loop3A_895 = tpu.vector_load %arg9[%parallel_loop3A_892, %parallel_loop3A_893, %parallel_loop3A_894] {strides = array<i32>} : memref<104x8x32xf32, #tpu.memory_space<vmem>>, vector<16xf32>,
        tpu.vector_store %arg9[%parallel_loop3A_892, %parallel_loop3A_893, %parallel_loop3A_894], %parallel_loop3A_886 {strides = array<i32>} : memref<104x8x32xf32, #tpu.memory_space<vmem>>, vector<16xf32>,
        %parallel_loop3A_896 = arith.constant 27 : i32
        %parallel_loop3A_897 = vector.broadcast %parallel_loop3A_896 : i32 to vector<16xi32>
        %parallel_loop3A_898 = tpu.vector_load_idx %arg7[%parallel_loop3A_571, %parallel_loop3A_897] : memref<832x32xf32, #tpu.memory_space<vmem>>[vector<16xi32>, vector<16xi32>], vector<16xf32>,
        %parallel_loop3A_899 = arith.constant 4 : i32
        %parallel_loop3A_900 = arith.muli %parallel_loop3A_899, %parallel_loop3A_179 : i32
        %parallel_loop3A_901 = arith.constant 3 : i32
        %parallel_loop3A_902 = arith.addi %parallel_loop3A_900, %parallel_loop3A_901 : i32
        %parallel_loop3A_903 = arith.constant 3 : i32
        %parallel_loop3A_904 = arith.index_cast %parallel_loop3A_902 : i32 to index
        %parallel_loop3A_905 = arith.index_cast %parallel_loop3A_903 : i32 to index
        %parallel_loop3A_906 = arith.constant 16 : index
        %parallel_loop3A_907 = tpu.vector_load %arg9[%parallel_loop3A_904, %parallel_loop3A_905, %parallel_loop3A_906] {strides = array<i32>} : memref<104x8x32xf32, #tpu.memory_space<vmem>>, vector<16xf32>,
        tpu.vector_store %arg9[%parallel_loop3A_904, %parallel_loop3A_905, %parallel_loop3A_906], %parallel_loop3A_898 {strides = array<i32>} : memref<104x8x32xf32, #tpu.memory_space<vmem>>, vector<16xf32>,
        %parallel_loop3A_908 = arith.constant 28 : i32
        %parallel_loop3A_909 = vector.broadcast %parallel_loop3A_908 : i32 to vector<16xi32>
        %parallel_loop3A_910 = tpu.vector_load_idx %arg7[%parallel_loop3A_571, %parallel_loop3A_909] : memref<832x32xf32, #tpu.memory_space<vmem>>[vector<16xi32>, vector<16xi32>], vector<16xf32>,
        %parallel_loop3A_911 = arith.constant 4 : i32
        %parallel_loop3A_912 = arith.muli %parallel_loop3A_911, %parallel_loop3A_179 : i32
        %parallel_loop3A_913 = arith.constant 3 : i32
        %parallel_loop3A_914 = arith.addi %parallel_loop3A_912, %parallel_loop3A_913 : i32
        %parallel_loop3A_915 = arith.constant 4 : i32
        %parallel_loop3A_916 = arith.index_cast %parallel_loop3A_914 : i32 to index
        %parallel_loop3A_917 = arith.index_cast %parallel_loop3A_915 : i32 to index
        %parallel_loop3A_918 = arith.constant 16 : index
        %parallel_loop3A_919 = tpu.vector_load %arg9[%parallel_loop3A_916, %parallel_loop3A_917, %parallel_loop3A_918] {strides = array<i32>} : memref<104x8x32xf32, #tpu.memory_space<vmem>>, vector<16xf32>,
        tpu.vector_store %arg9[%parallel_loop3A_916, %parallel_loop3A_917, %parallel_loop3A_918], %parallel_loop3A_910 {strides = array<i32>} : memref<104x8x32xf32, #tpu.memory_space<vmem>>, vector<16xf32>,
        %parallel_loop3A_920 = arith.constant 29 : i32
        %parallel_loop3A_921 = vector.broadcast %parallel_loop3A_920 : i32 to vector<16xi32>
        %parallel_loop3A_922 = tpu.vector_load_idx %arg7[%parallel_loop3A_571, %parallel_loop3A_921] : memref<832x32xf32, #tpu.memory_space<vmem>>[vector<16xi32>, vector<16xi32>], vector<16xf32>,
        %parallel_loop3A_923 = arith.constant 4 : i32
        %parallel_loop3A_924 = arith.muli %parallel_loop3A_923, %parallel_loop3A_179 : i32
        %parallel_loop3A_925 = arith.constant 3 : i32
        %parallel_loop3A_926 = arith.addi %parallel_loop3A_924, %parallel_loop3A_925 : i32
        %parallel_loop3A_927 = arith.constant 5 : i32
        %parallel_loop3A_928 = arith.index_cast %parallel_loop3A_926 : i32 to index
        %parallel_loop3A_929 = arith.index_cast %parallel_loop3A_927 : i32 to index
        %parallel_loop3A_930 = arith.constant 16 : index
        %parallel_loop3A_931 = tpu.vector_load %arg9[%parallel_loop3A_928, %parallel_loop3A_929, %parallel_loop3A_930] {strides = array<i32>} : memref<104x8x32xf32, #tpu.memory_space<vmem>>, vector<16xf32>,
        tpu.vector_store %arg9[%parallel_loop3A_928, %parallel_loop3A_929, %parallel_loop3A_930], %parallel_loop3A_922 {strides = array<i32>} : memref<104x8x32xf32, #tpu.memory_space<vmem>>, vector<16xf32>,
        %parallel_loop3A_932 = arith.constant 30 : i32
        %parallel_loop3A_933 = vector.broadcast %parallel_loop3A_932 : i32 to vector<16xi32>
        %parallel_loop3A_934 = tpu.vector_load_idx %arg7[%parallel_loop3A_571, %parallel_loop3A_933] : memref<832x32xf32, #tpu.memory_space<vmem>>[vector<16xi32>, vector<16xi32>], vector<16xf32>,
        %parallel_loop3A_935 = arith.constant 4 : i32
        %parallel_loop3A_936 = arith.muli %parallel_loop3A_935, %parallel_loop3A_179 : i32
        %parallel_loop3A_937 = arith.constant 3 : i32
        %parallel_loop3A_938 = arith.addi %parallel_loop3A_936, %parallel_loop3A_937 : i32
        %parallel_loop3A_939 = arith.constant 6 : i32
        %parallel_loop3A_940 = arith.index_cast %parallel_loop3A_938 : i32 to index
        %parallel_loop3A_941 = arith.index_cast %parallel_loop3A_939 : i32 to index
        %parallel_loop3A_942 = arith.constant 16 : index
        %parallel_loop3A_943 = tpu.vector_load %arg9[%parallel_loop3A_940, %parallel_loop3A_941, %parallel_loop3A_942] {strides = array<i32>} : memref<104x8x32xf32, #tpu.memory_space<vmem>>, vector<16xf32>,
        tpu.vector_store %arg9[%parallel_loop3A_940, %parallel_loop3A_941, %parallel_loop3A_942], %parallel_loop3A_934 {strides = array<i32>} : memref<104x8x32xf32, #tpu.memory_space<vmem>>, vector<16xf32>,
        %parallel_loop3A_944 = arith.constant 31 : i32
        %parallel_loop3A_945 = vector.broadcast %parallel_loop3A_944 : i32 to vector<16xi32>
        %parallel_loop3A_946 = tpu.vector_load_idx %arg7[%parallel_loop3A_571, %parallel_loop3A_945] : memref<832x32xf32, #tpu.memory_space<vmem>>[vector<16xi32>, vector<16xi32>], vector<16xf32>,
        %parallel_loop3A_947 = arith.constant 4 : i32
        %parallel_loop3A_948 = arith.muli %parallel_loop3A_947, %parallel_loop3A_179 : i32
        %parallel_loop3A_949 = arith.constant 3 : i32
        %parallel_loop3A_950 = arith.addi %parallel_loop3A_948, %parallel_loop3A_949 : i32
        %parallel_loop3A_951 = arith.constant 7 : i32
        %parallel_loop3A_952 = arith.index_cast %parallel_loop3A_950 : i32 to index
        %parallel_loop3A_953 = arith.index_cast %parallel_loop3A_951 : i32 to index
        %parallel_loop3A_954 = arith.constant 16 : index
        %parallel_loop3A_955 = tpu.vector_load %arg9[%parallel_loop3A_952, %parallel_loop3A_953, %parallel_loop3A_954] {strides = array<i32>} : memref<104x8x32xf32, #tpu.memory_space<vmem>>, vector<16xf32>,
        tpu.vector_store %arg9[%parallel_loop3A_952, %parallel_loop3A_953, %parallel_loop3A_954], %parallel_loop3A_946 {strides = array<i32>} : memref<104x8x32xf32, #tpu.memory_space<vmem>>, vector<16xf32>,
      } {sc.loop_unroll_factor = 2 : i64, sc.parallel_access}
      %jit3A_127 = arith.constant 4 : i32
      %div3A_128 = arith.divsi %add3A_108, %jit3A_127 : i32
      %sign3A_129 = arith.constant 0 : i32
      %sign3A_130 = arith.cmpi sgt, %add3A_108, %sign3A_129 : i32
      %sign3A_131 = arith.extui %sign3A_130 : i1 to i32
      %sign3A_132 = arith.constant 0 : i32
      %sign3A_133 = arith.cmpi slt, %add3A_108, %sign3A_132 : i32
      %sign3A_134 = arith.extui %sign3A_133 : i1 to i32
      %sign3A_135 = arith.subi %sign3A_131, %sign3A_134 : i32
      %sign3A_136 = arith.constant 0 : i32
      %sign3A_137 = arith.cmpi sgt, %jit3A_127, %sign3A_136 : i32
      %sign3A_138 = arith.extui %sign3A_137 : i1 to i32
      %sign3A_139 = arith.constant 0 : i32
      %sign3A_140 = arith.cmpi slt, %jit3A_127, %sign3A_139 : i32
      %sign3A_141 = arith.extui %sign3A_140 : i1 to i32
      %sign3A_142 = arith.subi %sign3A_138, %sign3A_141 : i32
      %ne3A_143 = arith.cmpi ne, %sign3A_135, %sign3A_142 : i32
      %rem3A_144 = arith.remsi %add3A_108, %jit3A_127 : i32
      %ne3A_145 = arith.constant 0 : i32
      %ne3A_146 = arith.cmpi ne, %rem3A_144, %ne3A_145 : i32
      %and3A_147 = arith.andi %ne3A_143, %ne3A_146 : i1
      %sub3A_148 = arith.constant 1 : i32
      %sub3A_149 = arith.subi %div3A_128, %sub3A_148 : i32
      %select_n3A_150 = arith.select %and3A_147, %sub3A_149, %div3A_128 : i32
      %add3A_151 = arith.addi %mul3A_2, %select_n3A_150 : i32
      %jit3A_152 = arith.constant 4 : i32
      %eq3A_153 = arith.constant 0 : i32
      %eq3A_154 = arith.cmpi eq, %jit3A_152, %eq3A_153 : i32
      %jit3A_155 = arith.constant 1 : i32
      %select_n3A_156 = arith.select %eq3A_154, %jit3A_155, %jit3A_152 : i32
      %rem3A_157 = arith.remsi %add3A_108, %select_n3A_156 : i32
      %ne3A_158 = arith.constant 0 : i32
      %ne3A_159 = arith.cmpi ne, %rem3A_157, %ne3A_158 : i32
      %lt3A_160 = arith.constant 0 : i32
      %lt3A_161 = arith.cmpi slt, %rem3A_157, %lt3A_160 : i32
      %lt3A_162 = arith.constant 0 : i32
      %lt3A_163 = arith.cmpi slt, %select_n3A_156, %lt3A_162 : i32
      %ne3A_164 = arith.xori %lt3A_161, %lt3A_163 : i1
      %and3A_165 = arith.andi %ne3A_164, %ne3A_159 : i1
      %add3A_166 = arith.addi %rem3A_157, %select_n3A_156 : i32
      %select_n3A_167 = arith.select %and3A_165, %add3A_166, %rem3A_157 : i32
      %mul3A_168 = arith.constant 32 : i32
      %mul3A_169 = arith.muli %select_n3A_167, %mul3A_168 : i32
      %dma_start3A_170 = arith.constant 0 : i32
      %dma_start3A_171 = arith.constant 0 : i32
      %dma_start3A_172 = tpu.memref_slice %arg4[%dma_start3A_170, %add3A_151, %dma_start3A_171, %mul3A_169] : memref<156x128x8x128xf32, #tpu.memory_space<hbm>> -> memref<104x1x8x32xf32, #tpu.memory_space<hbm>>
      %dma_start3A_173 = tpu.memref_squeeze %dma_start3A_172 : memref<104x1x8x32xf32, #tpu.memory_space<hbm>> -> memref<104x8x32xf32, #tpu.memory_space<hbm>>
      %dma_start3A_174 = arith.constant 0 : i32
      %dma_start3A_175 = arith.constant 0 : i32
      %dma_start3A_176 = tpu.memref_slice %arg4[%dma_start3A_174, %add3A_151, %dma_start3A_175, %mul3A_169] : memref<156x128x8x128xf32, #tpu.memory_space<hbm>> -> memref<104x1x8x32xf32, #tpu.memory_space<hbm>>
      %dma_start3A_177 = tpu.memref_squeeze %dma_start3A_176 : memref<104x1x8x32xf32, #tpu.memory_space<hbm>> -> memref<104x8x32xf32, #tpu.memory_space<hbm>>
      tpu.enqueue_dma source(%arg9 : memref<104x8x32xf32, #tpu.memory_space<vmem>>) target(%dma_start3A_177 : memref<104x8x32xf32, #tpu.memory_space<hbm>>) target_semaphore(%arg14 : memref<!tpu.dma_semaphore, #tpu.memory_space<semaphore_mem>>)
      %scan3A_178 = arith.constant 0 : i32
      scf.yield %scan3A_178 : i32
    }
    %scan3A_19 = arith.constant 8 : i32
    %dma_wait3A = arith.constant 0 : i32
    %dma_wait3A_20 = arith.constant 0 : i32
    %dma_wait3A_21 = arith.constant 0 : i32
    %dma_wait3A_22 = arith.constant 0 : i32
    %dma_wait3A_23 = tpu.memref_slice %arg4[%dma_wait3A_20, %dma_wait3A, %dma_wait3A_21, %dma_wait3A_22] : memref<156x128x8x128xf32, #tpu.memory_space<hbm>> -> memref<104x1x8x32xf32, #tpu.memory_space<hbm>>
    %dma_wait3A_24 = tpu.memref_squeeze %dma_wait3A_23 : memref<104x1x8x32xf32, #tpu.memory_space<hbm>> -> memref<104x8x32xf32, #tpu.memory_space<hbm>>
    %dma_wait3A_25 = arith.constant 0 : i32
    %dma_wait3A_26 = arith.constant 0 : i32
    %dma_wait3A_27 = arith.constant 0 : i32
    %dma_wait3A_28 = tpu.memref_slice %arg4[%dma_wait3A_25, %dma_wait3A, %dma_wait3A_26, %dma_wait3A_27] : memref<156x128x8x128xf32, #tpu.memory_space<hbm>> -> memref<104x1x8x32xf32, #tpu.memory_space<hbm>>
    %dma_wait3A_29 = tpu.memref_squeeze %dma_wait3A_28 : memref<104x1x8x32xf32, #tpu.memory_space<hbm>> -> memref<104x8x32xf32, #tpu.memory_space<hbm>>
    tpu.wait_dma2 semaphore(%arg13 : memref<!tpu.dma_semaphore, #tpu.memory_space<semaphore_mem>>) src(%arg8 : memref<104x8x32xf32, #tpu.memory_space<vmem>>) dst(%dma_wait3A_29 : memref<104x8x32xf32, #tpu.memory_space<hbm>>)
    %dma_wait3A_30 = arith.constant 0 : i32
    %dma_wait3A_31 = arith.constant 0 : i32
    %dma_wait3A_32 = arith.constant 0 : i32
    %dma_wait3A_33 = arith.constant 0 : i32
    %dma_wait3A_34 = tpu.memref_slice %arg4[%dma_wait3A_31, %dma_wait3A_30, %dma_wait3A_32, %dma_wait3A_33] : memref<156x128x8x128xf32, #tpu.memory_space<hbm>> -> memref<104x1x8x32xf32, #tpu.memory_space<hbm>>
    %dma_wait3A_35 = tpu.memref_squeeze %dma_wait3A_34 : memref<104x1x8x32xf32, #tpu.memory_space<hbm>> -> memref<104x8x32xf32, #tpu.memory_space<hbm>>
    %dma_wait3A_36 = arith.constant 0 : i32
    %dma_wait3A_37 = arith.constant 0 : i32
    %dma_wait3A_38 = arith.constant 0 : i32
    %dma_wait3A_39 = tpu.memref_slice %arg4[%dma_wait3A_36, %dma_wait3A_30, %dma_wait3A_37, %dma_wait3A_38] : memref<156x128x8x128xf32, #tpu.memory_space<hbm>> -> memref<104x1x8x32xf32, #tpu.memory_space<hbm>>
    %dma_wait3A_40 = tpu.memref_squeeze %dma_wait3A_39 : memref<104x1x8x32xf32, #tpu.memory_space<hbm>> -> memref<104x8x32xf32, #tpu.memory_space<hbm>>
    tpu.wait_dma2 semaphore(%arg14 : memref<!tpu.dma_semaphore, #tpu.memory_space<semaphore_mem>>) src(%arg9 : memref<104x8x32xf32, #tpu.memory_space<vmem>>) dst(%dma_wait3A_40 : memref<104x8x32xf32, #tpu.memory_space<hbm>>)
    return
  }
}

module attributes {stable_mosaic.version = 14 : i64} {
  func.func @_pack_body(%arg0: i32, %arg1: memref<32x8192xf32, #tpu.memory_space<vmem>>, %arg2: memref<2048x128xf32, #tpu.memory_space<vmem>>) attributes {dimension_semantics = [#tpu.dimension_semantics<arbitrary>], iteration_bounds = array<i64: 123>, scalar_prefetch = 0 : i64, scratch_operands = 0 : i64, tpu.core_type = #tpu.core_type<tc>, window_params = [{transform_indices = @transform_0, window_bounds = array<i64: 32, 8192>}, {transform_indices = @transform_1, window_bounds = array<i64: 2048, 128>}]} {
    %get3A = arith.constant 0 : index
    %get3A_0 = arith.constant 0 : index
    %get3A_1 = vector.load %arg1[%get3A, %get3A_0] : memref<32x8192xf32, #tpu.memory_space<vmem>>, vector<32x8192xf32>
    %slice3A = vector.extract_strided_slice %get3A_1 {offsets = [0, 0], sizes = [32, 2048], strides = [1, 1]} : vector<32x8192xf32> to vector<32x2048xf32>
    %iota3A = tpu.iota {dimensions = array<i32: 0>} : vector<32x128xi32>
    %iota3A_2 = tpu.iota {dimensions = array<i32: 1>} : vector<32x128xi32>
    %add3A = arith.constant 0 : i32
    %add3A_3 = vector.broadcast %add3A : i32 to vector<32x128xi32>
    %add3A_4 = arith.addi %iota3A, %add3A_3 : vector<32x128xi32>
    %eq3A = arith.cmpi eq, %iota3A_2, %add3A_4 : vector<32x128xi32>
    %convert_element_type3A = arith.extui %eq3A : vector<32x128xi1> to vector<32x128xi32>
    %convert_element_type3A_5 = arith.sitofp %convert_element_type3A : vector<32x128xi32> to vector<32x128xf32>
    %dot_general3A = arith.constant dense<0.000000e+00> : vector<2048x128xf32>
    %dot_general3A_6 = tpu.matmul %slice3A, %convert_element_type3A_5, %dot_general3A {dimension_numbers = #tpu.dot_dimension_numbers<[0], [0], [1], [1], [0, 1, 1, 1], [], []>, transpose_lhs_hint = false} : vector<32x2048xf32>, vector<32x128xf32>, vector<2048x128xf32> -> vector<2048x128xf32>
    %slice3A_7 = vector.extract_strided_slice %get3A_1 {offsets = [0, 2048], sizes = [32, 2048], strides = [1, 1]} : vector<32x8192xf32> to vector<32x2048xf32>
    %iota3A_8 = tpu.iota {dimensions = array<i32: 0>} : vector<32x128xi32>
    %iota3A_9 = tpu.iota {dimensions = array<i32: 1>} : vector<32x128xi32>
    %add3A_10 = arith.constant 32 : i32
    %add3A_11 = vector.broadcast %add3A_10 : i32 to vector<32x128xi32>
    %add3A_12 = arith.addi %iota3A_8, %add3A_11 : vector<32x128xi32>
    %eq3A_13 = arith.cmpi eq, %iota3A_9, %add3A_12 : vector<32x128xi32>
    %convert_element_type3A_14 = arith.extui %eq3A_13 : vector<32x128xi1> to vector<32x128xi32>
    %convert_element_type3A_15 = arith.sitofp %convert_element_type3A_14 : vector<32x128xi32> to vector<32x128xf32>
    %dot_general3A_16 = arith.constant dense<0.000000e+00> : vector<2048x128xf32>
    %dot_general3A_17 = tpu.matmul %slice3A_7, %convert_element_type3A_15, %dot_general3A_16 {dimension_numbers = #tpu.dot_dimension_numbers<[0], [0], [1], [1], [0, 1, 1, 1], [], []>, transpose_lhs_hint = false} : vector<32x2048xf32>, vector<32x128xf32>, vector<2048x128xf32> -> vector<2048x128xf32>
    %add3A_18 = arith.addf %dot_general3A_6, %dot_general3A_17 : vector<2048x128xf32>
    %slice3A_19 = vector.extract_strided_slice %get3A_1 {offsets = [0, 4096], sizes = [32, 2048], strides = [1, 1]} : vector<32x8192xf32> to vector<32x2048xf32>
    %iota3A_20 = tpu.iota {dimensions = array<i32: 0>} : vector<32x128xi32>
    %iota3A_21 = tpu.iota {dimensions = array<i32: 1>} : vector<32x128xi32>
    %add3A_22 = arith.constant 64 : i32
    %add3A_23 = vector.broadcast %add3A_22 : i32 to vector<32x128xi32>
    %add3A_24 = arith.addi %iota3A_20, %add3A_23 : vector<32x128xi32>
    %eq3A_25 = arith.cmpi eq, %iota3A_21, %add3A_24 : vector<32x128xi32>
    %convert_element_type3A_26 = arith.extui %eq3A_25 : vector<32x128xi1> to vector<32x128xi32>
    %convert_element_type3A_27 = arith.sitofp %convert_element_type3A_26 : vector<32x128xi32> to vector<32x128xf32>
    %dot_general3A_28 = arith.constant dense<0.000000e+00> : vector<2048x128xf32>
    %dot_general3A_29 = tpu.matmul %slice3A_19, %convert_element_type3A_27, %dot_general3A_28 {dimension_numbers = #tpu.dot_dimension_numbers<[0], [0], [1], [1], [0, 1, 1, 1], [], []>, transpose_lhs_hint = false} : vector<32x2048xf32>, vector<32x128xf32>, vector<2048x128xf32> -> vector<2048x128xf32>
    %add3A_30 = arith.addf %add3A_18, %dot_general3A_29 : vector<2048x128xf32>
    %slice3A_31 = vector.extract_strided_slice %get3A_1 {offsets = [0, 6144], sizes = [32, 2048], strides = [1, 1]} : vector<32x8192xf32> to vector<32x2048xf32>
    %iota3A_32 = tpu.iota {dimensions = array<i32: 0>} : vector<32x128xi32>
    %iota3A_33 = tpu.iota {dimensions = array<i32: 1>} : vector<32x128xi32>
    %add3A_34 = arith.constant 96 : i32
    %add3A_35 = vector.broadcast %add3A_34 : i32 to vector<32x128xi32>
    %add3A_36 = arith.addi %iota3A_32, %add3A_35 : vector<32x128xi32>
    %eq3A_37 = arith.cmpi eq, %iota3A_33, %add3A_36 : vector<32x128xi32>
    %convert_element_type3A_38 = arith.extui %eq3A_37 : vector<32x128xi1> to vector<32x128xi32>
    %convert_element_type3A_39 = arith.sitofp %convert_element_type3A_38 : vector<32x128xi32> to vector<32x128xf32>
    %dot_general3A_40 = arith.constant dense<0.000000e+00> : vector<2048x128xf32>
    %dot_general3A_41 = tpu.matmul %slice3A_31, %convert_element_type3A_39, %dot_general3A_40 {dimension_numbers = #tpu.dot_dimension_numbers<[0], [0], [1], [1], [0, 1, 1, 1], [], []>, transpose_lhs_hint = false} : vector<32x2048xf32>, vector<32x128xf32>, vector<2048x128xf32> -> vector<2048x128xf32>
    %add3A_42 = arith.addf %add3A_30, %dot_general3A_41 : vector<2048x128xf32>
    %swap3A = arith.constant 0 : index
    %swap3A_43 = arith.constant 0 : index
    %swap3A_44 = vector.load %arg2[%swap3A, %swap3A_43] : memref<2048x128xf32, #tpu.memory_space<vmem>>, vector<2048x128xf32>
    tpu.vector_store %arg2[%swap3A, %swap3A_43], %add3A_42 {strides = array<i32>} : memref<2048x128xf32, #tpu.memory_space<vmem>>, vector<2048x128xf32>,
    return
  }
  func.func @transform_0(%arg0: i32) -> (i32, i32) {
    %c0_i32 = arith.constant 0 : i32
    %c0_i32_0 = arith.constant 0 : i32
    return %c0_i32, %arg0 : i32, i32
  }
  func.func @transform_1(%arg0: i32) -> (i32, i32) {
    %c0_i32 = arith.constant 0 : i32
    %c0_i32_0 = arith.constant 0 : i32
    return %arg0, %c0_i32 : i32, i32
  }
}

module attributes {stable_mosaic.version = 14 : i64} {
  func.func @_dense_body(%arg0: i32, %arg1: memref<13x1024xf32, #tpu.memory_space<vmem>>, %arg2: memref<416x13xf32, #tpu.memory_space<vmem>>, %arg3: memref<156x128x8x128xf32, #tpu.memory_space<hbm>>, %arg4: memref<52x8x8x128xf32, #tpu.memory_space<vmem>>) attributes {dimension_semantics = [#tpu.dimension_semantics<arbitrary>], iteration_bounds = array<i64: 16>, scalar_prefetch = 0 : i64, scratch_operands = 0 : i64, tpu.core_type = #tpu.core_type<tc>, window_params = [{transform_indices = @transform_0, window_bounds = array<i64: 13, 1024>}, {pipeline_mode = #tpu.pipeline_mode<synchronous>, transform_indices = @transform_1, window_bounds = array<i64: 416, 13>}, {}, {transform_indices = @transform_3, window_bounds = array<i64: 52, 8, 8, 128>}]} {
    %get3A = arith.constant 0 : index
    %get3A_0 = arith.constant 0 : index
    %get3A_1 = vector.load %arg2[%get3A, %get3A_0] : memref<416x13xf32, #tpu.memory_space<vmem>>, vector<416x13xf32>
    %get3A_2 = arith.constant 0 : index
    %get3A_3 = arith.constant 0 : index
    %get3A_4 = vector.load %arg1[%get3A_2, %get3A_3] : memref<13x1024xf32, #tpu.memory_space<vmem>>, vector<13x128xf32>
    %dot_general3A = arith.constant dense<0.000000e+00> : vector<416x128xf32>
    %dot_general3A_5 = tpu.matmul %get3A_1, %get3A_4, %dot_general3A {dimension_numbers = #tpu.dot_dimension_numbers<[1], [0], [0], [1], [0, 0, 1, 1], [], []>, transpose_lhs_hint = false} : vector<416x13xf32>, vector<13x128xf32>, vector<416x128xf32> -> vector<416x128xf32>
    %reshape3A = vector.shape_cast %dot_general3A_5 : vector<416x128xf32> to vector<52x8x128xf32>
    %swap3A = arith.constant 0 : index
    %swap3A_6 = arith.constant 0 : index
    %swap3A_7 = arith.constant 0 : index
    %swap3A_8 = arith.constant 0 : index
    %swap3A_9 = vector.load %arg4[%swap3A, %swap3A_6, %swap3A_7, %swap3A_8] : memref<52x8x8x128xf32, #tpu.memory_space<vmem>>, vector<52x1x8x128xf32>
    %swap3A_10 = vector.shape_cast %swap3A_9 : vector<52x1x8x128xf32> to vector<52x8x128xf32>
    %swap3A_11 = vector.shape_cast %reshape3A : vector<52x8x128xf32> to vector<52x1x8x128xf32>
    tpu.vector_store %arg4[%swap3A, %swap3A_6, %swap3A_7, %swap3A_8], %swap3A_11 {strides = array<i32>} : memref<52x8x8x128xf32, #tpu.memory_space<vmem>>, vector<52x1x8x128xf32>,
    %get3A_12 = arith.constant 0 : index
    %get3A_13 = arith.constant 128 : index
    %get3A_14 = vector.load %arg1[%get3A_12, %get3A_13] : memref<13x1024xf32, #tpu.memory_space<vmem>>, vector<13x128xf32>
    %dot_general3A_15 = arith.constant dense<0.000000e+00> : vector<416x128xf32>
    %dot_general3A_16 = tpu.matmul %get3A_1, %get3A_14, %dot_general3A_15 {dimension_numbers = #tpu.dot_dimension_numbers<[1], [0], [0], [1], [0, 0, 1, 1], [], []>, transpose_lhs_hint = false} : vector<416x13xf32>, vector<13x128xf32>, vector<416x128xf32> -> vector<416x128xf32>
    %reshape3A_17 = vector.shape_cast %dot_general3A_16 : vector<416x128xf32> to vector<52x8x128xf32>
    %swap3A_18 = arith.constant 0 : index
    %swap3A_19 = arith.constant 1 : index
    %swap3A_20 = arith.constant 0 : index
    %swap3A_21 = arith.constant 0 : index
    %swap3A_22 = vector.load %arg4[%swap3A_18, %swap3A_19, %swap3A_20, %swap3A_21] : memref<52x8x8x128xf32, #tpu.memory_space<vmem>>, vector<52x1x8x128xf32>
    %swap3A_23 = vector.shape_cast %swap3A_22 : vector<52x1x8x128xf32> to vector<52x8x128xf32>
    %swap3A_24 = vector.shape_cast %reshape3A_17 : vector<52x8x128xf32> to vector<52x1x8x128xf32>
    tpu.vector_store %arg4[%swap3A_18, %swap3A_19, %swap3A_20, %swap3A_21], %swap3A_24 {strides = array<i32>} : memref<52x8x8x128xf32, #tpu.memory_space<vmem>>, vector<52x1x8x128xf32>,
    %get3A_25 = arith.constant 0 : index
    %get3A_26 = arith.constant 256 : index
    %get3A_27 = vector.load %arg1[%get3A_25, %get3A_26] : memref<13x1024xf32, #tpu.memory_space<vmem>>, vector<13x128xf32>
    %dot_general3A_28 = arith.constant dense<0.000000e+00> : vector<416x128xf32>
    %dot_general3A_29 = tpu.matmul %get3A_1, %get3A_27, %dot_general3A_28 {dimension_numbers = #tpu.dot_dimension_numbers<[1], [0], [0], [1], [0, 0, 1, 1], [], []>, transpose_lhs_hint = false} : vector<416x13xf32>, vector<13x128xf32>, vector<416x128xf32> -> vector<416x128xf32>
    %reshape3A_30 = vector.shape_cast %dot_general3A_29 : vector<416x128xf32> to vector<52x8x128xf32>
    %swap3A_31 = arith.constant 0 : index
    %swap3A_32 = arith.constant 2 : index
    %swap3A_33 = arith.constant 0 : index
    %swap3A_34 = arith.constant 0 : index
    %swap3A_35 = vector.load %arg4[%swap3A_31, %swap3A_32, %swap3A_33, %swap3A_34] : memref<52x8x8x128xf32, #tpu.memory_space<vmem>>, vector<52x1x8x128xf32>
    %swap3A_36 = vector.shape_cast %swap3A_35 : vector<52x1x8x128xf32> to vector<52x8x128xf32>
    %swap3A_37 = vector.shape_cast %reshape3A_30 : vector<52x8x128xf32> to vector<52x1x8x128xf32>
    tpu.vector_store %arg4[%swap3A_31, %swap3A_32, %swap3A_33, %swap3A_34], %swap3A_37 {strides = array<i32>} : memref<52x8x8x128xf32, #tpu.memory_space<vmem>>, vector<52x1x8x128xf32>,
    %get3A_38 = arith.constant 0 : index
    %get3A_39 = arith.constant 384 : index
    %get3A_40 = vector.load %arg1[%get3A_38, %get3A_39] : memref<13x1024xf32, #tpu.memory_space<vmem>>, vector<13x128xf32>
    %dot_general3A_41 = arith.constant dense<0.000000e+00> : vector<416x128xf32>
    %dot_general3A_42 = tpu.matmul %get3A_1, %get3A_40, %dot_general3A_41 {dimension_numbers = #tpu.dot_dimension_numbers<[1], [0], [0], [1], [0, 0, 1, 1], [], []>, transpose_lhs_hint = false} : vector<416x13xf32>, vector<13x128xf32>, vector<416x128xf32> -> vector<416x128xf32>
    %reshape3A_43 = vector.shape_cast %dot_general3A_42 : vector<416x128xf32> to vector<52x8x128xf32>
    %swap3A_44 = arith.constant 0 : index
    %swap3A_45 = arith.constant 3 : index
    %swap3A_46 = arith.constant 0 : index
    %swap3A_47 = arith.constant 0 : index
    %swap3A_48 = vector.load %arg4[%swap3A_44, %swap3A_45, %swap3A_46, %swap3A_47] : memref<52x8x8x128xf32, #tpu.memory_space<vmem>>, vector<52x1x8x128xf32>
    %swap3A_49 = vector.shape_cast %swap3A_48 : vector<52x1x8x128xf32> to vector<52x8x128xf32>
    %swap3A_50 = vector.shape_cast %reshape3A_43 : vector<52x8x128xf32> to vector<52x1x8x128xf32>
    tpu.vector_store %arg4[%swap3A_44, %swap3A_45, %swap3A_46, %swap3A_47], %swap3A_50 {strides = array<i32>} : memref<52x8x8x128xf32, #tpu.memory_space<vmem>>, vector<52x1x8x128xf32>,
    %get3A_51 = arith.constant 0 : index
    %get3A_52 = arith.constant 512 : index
    %get3A_53 = vector.load %arg1[%get3A_51, %get3A_52] : memref<13x1024xf32, #tpu.memory_space<vmem>>, vector<13x128xf32>
    %dot_general3A_54 = arith.constant dense<0.000000e+00> : vector<416x128xf32>
    %dot_general3A_55 = tpu.matmul %get3A_1, %get3A_53, %dot_general3A_54 {dimension_numbers = #tpu.dot_dimension_numbers<[1], [0], [0], [1], [0, 0, 1, 1], [], []>, transpose_lhs_hint = false} : vector<416x13xf32>, vector<13x128xf32>, vector<416x128xf32> -> vector<416x128xf32>
    %reshape3A_56 = vector.shape_cast %dot_general3A_55 : vector<416x128xf32> to vector<52x8x128xf32>
    %swap3A_57 = arith.constant 0 : index
    %swap3A_58 = arith.constant 4 : index
    %swap3A_59 = arith.constant 0 : index
    %swap3A_60 = arith.constant 0 : index
    %swap3A_61 = vector.load %arg4[%swap3A_57, %swap3A_58, %swap3A_59, %swap3A_60] : memref<52x8x8x128xf32, #tpu.memory_space<vmem>>, vector<52x1x8x128xf32>
    %swap3A_62 = vector.shape_cast %swap3A_61 : vector<52x1x8x128xf32> to vector<52x8x128xf32>
    %swap3A_63 = vector.shape_cast %reshape3A_56 : vector<52x8x128xf32> to vector<52x1x8x128xf32>
    tpu.vector_store %arg4[%swap3A_57, %swap3A_58, %swap3A_59, %swap3A_60], %swap3A_63 {strides = array<i32>} : memref<52x8x8x128xf32, #tpu.memory_space<vmem>>, vector<52x1x8x128xf32>,
    %get3A_64 = arith.constant 0 : index
    %get3A_65 = arith.constant 640 : index
    %get3A_66 = vector.load %arg1[%get3A_64, %get3A_65] : memref<13x1024xf32, #tpu.memory_space<vmem>>, vector<13x128xf32>
    %dot_general3A_67 = arith.constant dense<0.000000e+00> : vector<416x128xf32>
    %dot_general3A_68 = tpu.matmul %get3A_1, %get3A_66, %dot_general3A_67 {dimension_numbers = #tpu.dot_dimension_numbers<[1], [0], [0], [1], [0, 0, 1, 1], [], []>, transpose_lhs_hint = false} : vector<416x13xf32>, vector<13x128xf32>, vector<416x128xf32> -> vector<416x128xf32>
    %reshape3A_69 = vector.shape_cast %dot_general3A_68 : vector<416x128xf32> to vector<52x8x128xf32>
    %swap3A_70 = arith.constant 0 : index
    %swap3A_71 = arith.constant 5 : index
    %swap3A_72 = arith.constant 0 : index
    %swap3A_73 = arith.constant 0 : index
    %swap3A_74 = vector.load %arg4[%swap3A_70, %swap3A_71, %swap3A_72, %swap3A_73] : memref<52x8x8x128xf32, #tpu.memory_space<vmem>>, vector<52x1x8x128xf32>
    %swap3A_75 = vector.shape_cast %swap3A_74 : vector<52x1x8x128xf32> to vector<52x8x128xf32>
    %swap3A_76 = vector.shape_cast %reshape3A_69 : vector<52x8x128xf32> to vector<52x1x8x128xf32>
    tpu.vector_store %arg4[%swap3A_70, %swap3A_71, %swap3A_72, %swap3A_73], %swap3A_76 {strides = array<i32>} : memref<52x8x8x128xf32, #tpu.memory_space<vmem>>, vector<52x1x8x128xf32>,
    %get3A_77 = arith.constant 0 : index
    %get3A_78 = arith.constant 768 : index
    %get3A_79 = vector.load %arg1[%get3A_77, %get3A_78] : memref<13x1024xf32, #tpu.memory_space<vmem>>, vector<13x128xf32>
    %dot_general3A_80 = arith.constant dense<0.000000e+00> : vector<416x128xf32>
    %dot_general3A_81 = tpu.matmul %get3A_1, %get3A_79, %dot_general3A_80 {dimension_numbers = #tpu.dot_dimension_numbers<[1], [0], [0], [1], [0, 0, 1, 1], [], []>, transpose_lhs_hint = false} : vector<416x13xf32>, vector<13x128xf32>, vector<416x128xf32> -> vector<416x128xf32>
    %reshape3A_82 = vector.shape_cast %dot_general3A_81 : vector<416x128xf32> to vector<52x8x128xf32>
    %swap3A_83 = arith.constant 0 : index
    %swap3A_84 = arith.constant 6 : index
    %swap3A_85 = arith.constant 0 : index
    %swap3A_86 = arith.constant 0 : index
    %swap3A_87 = vector.load %arg4[%swap3A_83, %swap3A_84, %swap3A_85, %swap3A_86] : memref<52x8x8x128xf32, #tpu.memory_space<vmem>>, vector<52x1x8x128xf32>
    %swap3A_88 = vector.shape_cast %swap3A_87 : vector<52x1x8x128xf32> to vector<52x8x128xf32>
    %swap3A_89 = vector.shape_cast %reshape3A_82 : vector<52x8x128xf32> to vector<52x1x8x128xf32>
    tpu.vector_store %arg4[%swap3A_83, %swap3A_84, %swap3A_85, %swap3A_86], %swap3A_89 {strides = array<i32>} : memref<52x8x8x128xf32, #tpu.memory_space<vmem>>, vector<52x1x8x128xf32>,
    %get3A_90 = arith.constant 0 : index
    %get3A_91 = arith.constant 896 : index
    %get3A_92 = vector.load %arg1[%get3A_90, %get3A_91] : memref<13x1024xf32, #tpu.memory_space<vmem>>, vector<13x128xf32>
    %dot_general3A_93 = arith.constant dense<0.000000e+00> : vector<416x128xf32>
    %dot_general3A_94 = tpu.matmul %get3A_1, %get3A_92, %dot_general3A_93 {dimension_numbers = #tpu.dot_dimension_numbers<[1], [0], [0], [1], [0, 0, 1, 1], [], []>, transpose_lhs_hint = false} : vector<416x13xf32>, vector<13x128xf32>, vector<416x128xf32> -> vector<416x128xf32>
    %reshape3A_95 = vector.shape_cast %dot_general3A_94 : vector<416x128xf32> to vector<52x8x128xf32>
    %swap3A_96 = arith.constant 0 : index
    %swap3A_97 = arith.constant 7 : index
    %swap3A_98 = arith.constant 0 : index
    %swap3A_99 = arith.constant 0 : index
    %swap3A_100 = vector.load %arg4[%swap3A_96, %swap3A_97, %swap3A_98, %swap3A_99] : memref<52x8x8x128xf32, #tpu.memory_space<vmem>>, vector<52x1x8x128xf32>
    %swap3A_101 = vector.shape_cast %swap3A_100 : vector<52x1x8x128xf32> to vector<52x8x128xf32>
    %swap3A_102 = vector.shape_cast %reshape3A_95 : vector<52x8x128xf32> to vector<52x1x8x128xf32>
    tpu.vector_store %arg4[%swap3A_96, %swap3A_97, %swap3A_98, %swap3A_99], %swap3A_102 {strides = array<i32>} : memref<52x8x8x128xf32, #tpu.memory_space<vmem>>, vector<52x1x8x128xf32>,
    return
  }
  func.func @transform_0(%arg0: i32) -> (i32, i32) {
    %c0_i32 = arith.constant 0 : i32
    %c0_i32_0 = arith.constant 0 : i32
    return %c0_i32, %arg0 : i32, i32
  }
  func.func @transform_1(%arg0: i32) -> (i32, i32) {
    %c0_i32 = arith.constant 0 : i32
    %c0_i32_0 = arith.constant 0 : i32
    %c0_i32_1 = arith.constant 0 : i32
    return %c0_i32, %c0_i32_0 : i32, i32
  }
  func.func @transform_3(%arg0: i32) -> (i32, i32, i32, i32) {
    %c2_i32 = arith.constant 2 : i32
    %c0_i32 = arith.constant 0 : i32
    %c0_i32_0 = arith.constant 0 : i32
    %c0_i32_1 = arith.constant 0 : i32
    return %c2_i32, %arg0, %c0_i32, %c0_i32_0 : i32, i32, i32, i32
  }
}

</mosaic_0001>

<sc_bundles>
// kernel: kernel.5.cloned.1.call-start
scs
__scs_entry_jumppad:
0x0: {  	(pc) =	sbr.rel $0x88, $3  }
0x1: {  	(tag) =	ssettag $0x0;
	lr =	simm.s32 $0x1  }
0x2: {  	[smem:$0x3F9D] =	sst lr;
	_ =	strace $0xD0000000  }
0x3: {  	_ = 	snop  }
0x4: {  	_ = 	snop  }
0x5: {  	_ = 	snop  }
0x6: {  	_ = 	snop  }
0x7: {  	_ = 	snop  }
__scs_overlays_trampoline_lowered:
0x8: {  	[smem:$0x3FAC] =	sst s0  }
0x9: {  	[smem:$0x3FAD] =	sst s1  }
0xa: {  	[smem:$0x3FAE] =	sst s2  }
0xb: {  	[smem:$0x3FAF] =	sst s3  }
0xc: {  	[smem:$0x3FB0] =	sst s4  }
0xd: {  	[smem:$0x3FB1] =	sst s5  }
0xe: {  	[smem:$0x3FB2] =	sst s6  }
0xf: {  	[smem:$0x3FB3] =	sst s7  }
0x10: {  	[smem:$0x3FB4] =	sst s8  }
0x11: {  	[smem:$0x3FB5] =	sst s9;
	s0 =	simm.s32 @!p0 $0x0  }
0x12: {  	s1 =	sld [smem:$0x3F9B];
	s0 =	simm.s32 @p0 $0x1  }
0x13: {  	[smem:$0x3FB6] =	sst s0;
	s0 =	simm.s32 @!p1 $0x0  }
0x14: {  	s2 =	sld [smem:$0x3F9A];
	s0 =	simm.s32 @p1 $0x1  }
0x15: {  	[smem:$0x3FB7] =	sst s0;
	s0 =	simm.s32 @!p2 $0x0  }
0x16: {  	s3 =	sld [smem:$0x3FDB];
	s0 =	simm.s32 @p2 $0x1  }
0x17: {  	s4 =	simm.s32 $0x1BF5;
	[smem:$0x3FB9] =	sst s0  }
0x18: {  	s0 =	sld [smem:$0x3F9C];
	_ =	swait.ge [sflag:s4], $0x0  }
0x19: {  	s7 =	sld [smem:$0x3F9D]  }
0x1a: {  	s8 =	sadd.s32 $0xFFFFE003, lr  }
0x1b: {  	s9 =	sadd.s32 $0xFFFFFEF7, lr;
	s5 =	simm.s32 $0xFFFFFFFF;
	p2 =	slt.u32 s8, $0xFFFFF086  }
0x1c: {  	p1 =	slt.u32 s9, $0xF7A;
	s5 =	simm.s32 @!p2 $0x0  }
0x1d: {  	s5 =	simm.s32 @p1 $0x1;
	p0 =	seq.s32 s7, s2  }
0x1e: {  	s7 =	smul.u32 @!p0 $0xF7A, s2;
	p2 =	seq.s32 @!p0 s5, $0x0  }
0x1f: {  	s9 =	smul.u32 $0xF7A, s1;
	s8 =	simm.s32 @!p0 $0x1BF5;
	p2 =	por !p2, p0  }
0x20: {  	[sflag:s8] =	ssyncset.s32 @!p0 $0xFFFFF086;
	s6 =	sadd.s32 @!p0 s3, s7;
	s7 =	simm.s32 @!p0 $0x108  }
0x21: {  	s3 =	sadd.s32 s3, s9;
	s6 =	sadd.s32 @!p0 $0x88, s6;
	s7 =	simm.s32 @p2 $0x1082  }
0x22: {  	[simem:s7], [sflag:s8] =	dma.local @!p0 [hbm:s6], $0xF7A  }
0x23: {  	s9 =	sor.u32 $0xD0000000, s2;
	s6 =	simm.s32 $0x108;
	_ =	swait.ge @!p0 [sflag:s8], $0x0  }
0x24: {  	s3 =	sadd.s32 $0x88, s3;
	s6 =	simm.s32 @!p1 $0x1082;
	[sflag:s4] =	ssyncset.s32 $0xFFFFF086  }
0x25: {  	[simem:s6], [sflag:s4] =	dma.local [hbm:s3], $0xF7A  }
0x26: {  	[smem:$0x3F9D] =	sst s1;
	(tag) =	ssettag s2;
	_ =	strace s9  }
0x27: {  	s1 =	sld [smem:$0x3FAD]  }
0x28: {  	s2 =	sld [smem:$0x3FAE]  }
0x29: {  	s4 =	sld [smem:$0x3FB0]  }
0x2a: {  	p0 =	seq.s32 s5, $0x0;
	s5 =	sld [smem:$0x3FB1]  }
0x2b: {  	s6 =	sld [smem:$0x3FB2]  }
0x2c: {  	s7 =	sld [smem:$0x3FB3]  }
0x2d: {  	s3 =	simm.s32 $0x108;
	s8 =	sld [smem:$0x3FB4]  }
0x2e: {  	s3 =	simm.s32 @!p0 $0x1082;
	s9 =	sld [smem:$0x3FB5]  }
0x2f: {  	lr =	sadd.s32 s0, s3;
	s0 =	sld [smem:$0x3FAC]  }
0x30: {  	s3 =	sld [smem:$0x3FAF]  }
0x31: {  	[smem:$0x3FB8] =	sst s10  }
0x32: {  	s10 =	sld [smem:$0x3FB6];
	_ =	sdelay $0x3  }
0x33: {  	p0 =	seq.s32 s10, $0x1;
	s10 =	sld [smem:$0x3FB8];
	_ =	sdelay $0x3  }
0x34: {  	[smem:$0x3FB8] =	sst s10  }
0x35: {  	s10 =	sld [smem:$0x3FB7];
	_ =	sdelay $0x3  }
0x36: {  	p1 =	seq.s32 s10, $0x1;
	s10 =	sld [smem:$0x3FB8];
	_ =	sdelay $0x3  }
0x37: {  	[smem:$0x3FB8] =	sst s10  }
0x38: {  	s10 =	sld [smem:$0x3FB9]  }
0x39: {  	_ = 	snop;
	(pc) =	sbr.ind lr, $3  }
0x3a: {  	_ = 	snop  }
0x3b: {  	_ = 	snop  }
0x3c: {  	p2 =	seq.s32 s10, $0x1;
	s10 =	sld [smem:$0x3FB8]  }
0x3d: {  	_ =	shalt  }
0x3e: {  	_ =	shalt  }
0x3f: {  	_ =	shalt  }
0x40: {  	_ =	shalt  }
0x41: {  	_ =	shalt  }
0x42: {  	_ =	shalt  }
0x43: {  	_ =	shalt  }
0x44: {  	_ =	shalt  }
0x45: {  	_ =	shalt  }
0x46: {  	_ =	shalt  }
0x47: {  	_ =	shalt  }
0x48: {  	_ =	shalt  }
0x49: {  	_ =	shalt  }
0x4a: {  	_ =	shalt  }
0x4b: {  	_ =	shalt  }
0x4c: {  	_ =	shalt  }
0x4d: {  	_ =	shalt  }
0x4e: {  	_ =	shalt  }
0x4f: {  	_ =	shalt  }
0x50: {  	_ =	shalt  }
0x51: {  	_ =	shalt  }
0x52: {  	_ =	shalt  }
0x53: {  	_ =	shalt  }
0x54: {  	_ =	shalt  }
0x55: {  	_ =	shalt  }
0x56: {  	_ =	shalt  }
0x57: {  	_ =	shalt  }
0x58: {  	_ =	shalt  }
0x59: {  	_ =	shalt  }
0x5a: {  	_ =	shalt  }
0x5b: {  	_ =	shalt  }
0x5c: {  	_ =	shalt  }
0x5d: {  	_ =	shalt  }
0x5e: {  	_ =	shalt  }
0x5f: {  	_ =	shalt  }
0x60: {  	_ =	shalt  }
0x61: {  	_ =	shalt  }
0x62: {  	_ =	shalt  }
0x63: {  	_ =	shalt  }
0x64: {  	_ =	shalt  }
0x65: {  	_ =	shalt  }
0x66: {  	_ =	shalt  }
0x67: {  	_ =	shalt  }
0x68: {  	_ =	shalt  }
0x69: {  	_ =	shalt  }
0x6a: {  	_ =	shalt  }
0x6b: {  	_ =	shalt  }
0x6c: {  	_ =	shalt  }
0x6d: {  	_ =	shalt  }
0x6e: {  	_ =	shalt  }
0x6f: {  	_ =	shalt  }
0x70: {  	_ =	shalt  }
0x71: {  	_ =	shalt  }
0x72: {  	_ =	shalt  }
0x73: {  	_ =	shalt  }
0x74: {  	_ =	shalt  }
0x75: {  	_ =	shalt  }
0x76: {  	_ =	shalt  }
0x77: {  	_ =	shalt  }
0x78: {  	_ =	shalt  }
0x79: {  	_ =	shalt  }
0x7a: {  	_ =	shalt  }
0x7b: {  	_ =	shalt  }
0x7c: {  	_ =	shalt  }
0x7d: {  	_ =	shalt  }
0x7e: {  	_ =	shalt  }
0x7f: {  	_ =	shalt  }
0x80: {  	_ =	shalt  }
0x81: {  	_ =	shalt  }
0x82: {  	_ =	shalt  }
0x83: {  	_ =	shalt  }
0x84: {  	_ =	shalt  }
0x85: {  	_ =	shalt  }
0x86: {  	_ =	shalt  }
0x87: {  	_ =	shalt  }
.Lfunc_end0:
.L_simem_size_0:
called_computation_lowered:
.L_overlay_start_0:
0x88: {  	s2 =	sld [smem:$0x3FD9]  }
0x89: {  	s3 =	sld [smem:$0x3FFE];
	_ =	sdelay $0x1  }
0x8a: {  	s1 =	srdreg.scid  }
0x8b: {  	s0 =	sand.u32 $0x1, s1  }
0x8c: {  	s17 =	sshll.u32 s0, $0xA;
	s2 =	sadd.s32 s3, s2  }
0x8d: {  	s2 =	sadd.s32 s2, s17  }
0x8e: {  	[smem:$0x3FC4] =	sst s2  }
0x8f: {  	_ = 	snop  }
0x90: {  	s2 =	sld [smem:$0x3FD0];
	(tm) =	ssettm $0x1  }
0x91: {  	s18 =	sld [smem:$0x3FFB];
	_ =	sdelay $0x3  }
0x92: {  	_ =	strace s18  }
0x93: {  	s3 =	sld [smem:$0x3FFC];
	_ =	sdelay $0x3  }
0x94: {  	_ =	strace s3  }
0x95: {  	s3 =	sld [smem:$0x3FFD];
	_ =	sdelay $0x3  }
0x96: {  	_ =	strace s3  }
0x97: {  	_ =	strace $0x8FFFFFFF  }
0x98: {  	s19 =	sld [smem:$0x3FDB];
	_ =	sdelay $0x1  }
0x99: {  	s4 =	simm.s32 $_scs_section_size  }
0x9a: {  	s5 =	simm.s32 $_size__tile_overlayer_lowered;
	s6 =	simm.s32 $_tile_overlayer_lowered  }
0x9b: {  	s22 =	simm.s32 $0x1BFF;
	s21 =	sshll.u32 s6, $0x1;
	s3 =	sadd.s32 s4, s19  }
0x9c: {  	s7 =	simm.s32 $0x0;
	s20 =	sshll.u32 s5, $0x1;
	s5 =	sadd.s32 s21, s3  }
0x9d: {  	[timem:s7], [sflag:s22] =	dma.local [hbm:s5], s20  }
0x9e: {  	_ =	swait.ge [sflag:s22], s20  }
0x9f: {  	s4 =	ssub.s32 $0x0, s20;
	[sflag:s22] =	ssyncset.done $0x0  }
0xa0: {  	[sflag:s22] =	ssyncadd.s32 s4;
	_ =	sdelay $0x1  }
0xa1: {  	s23 =	simm.s32 $0x1B8B  }
0xa2: {  	_ =	swait.ge [sflag:s23], $0x1  }
0xa3: {  	[sflag:s23] =	ssyncset.done $0x0  }
0xa4: {  	s25 =	simm.s32 $0x1B8E;
	s24 =	sld [smem:$0x3FFE];
	[sflag:s23] =	ssyncadd.s32 $0xFFFFFFFF  }
0xa5: {  	s26 =	simm.s32 $execute0_lowered;
	[smem:$0x3FD2] =	sst s25  }
0xa6: {  	s5 =	sshll.u32 s26, $0x1;
	_ =	strace $0x80000046;
	[dreg:$0x1] =	wrdreg $0xFFFFFFFF  }
0xa7: {  	s28 =	simm.s32 $_size_execute0_lowered;
	s3 =	sadd.s32 s3, s5;
	[dreg:$0x0] =	wrdreg $0x0  }
0xa8: {  	s5 =	sshll.u32 s28, $0x1;
	[dreg:$0x2] =	wrdreg s3  }
0xa9: {  	[dreg:$0x3] =	wrdreg s5  }
0xaa: {  	[dreg:$0x4] =	wrdreg $0xC0  }
0xab: {  	_ =	task [dreg:s7], $0x5FFFF  }
0xac: {  	[dreg:$0x1] =	wrdreg $0xFFFFFFFF  }
0xad: {  	[dreg:$0x0] =	wrdreg $0x60  }
0xae: {  	[dreg:$0x2] =	wrdreg s24  }
0xaf: {  	[dreg:$0x3] =	wrdreg s2  }
0xb0: {  	[dreg:$0x4] =	wrdreg $0x9  }
0xb1: {  	_ =	task.clear_ibuf [dreg:s7], $0x5FFFF;
	_ =	strace $0x90000046  }
0xb2: {  	s29 =	simm.s32 $0x9;
	_ =	strace $0x80000048  }
0xb3: {  	_ =	swait.ge [sflag:s29], $0x1  }
0xb4: {  	[sflag:s29] =	ssyncadd.s32 $0xFFFFFFFF  }
0xb5: {  	_ =	strace $0x90000048  }
0xb6: {  	_ =	sfence  }
0xb7: {  	s30 =	sld [smem:$0x0];
	_ =	sdelay $0x2  }
0xb8: {  	s31 =	sshll.u32 s1, $0xD;
	s1 =	sshrl.u32 s1, $0x2  }
0xb9: {  	s3 =	sand.u32 $0x4000, s31;
	s1 =	sadd.s32 s1, s30  }
0xba: {  	s0 =	sor.u32 s3, s0;
	s1 =	sshll.u32 s1, $0x11  }
0xbb: {  	s0 =	sor.u32 s1, s0  }
0xbc: {  	s0 =	sadd.s32 $0x8F2B, s0  }
0xbd: {  	[sflag:s0] =	ssyncadd.remote.s32 $0x1  }
0xbe: {  	_ =	sfence.sel $0xFFFF  }
0xbf: {  	[dreg:$0x0] =	wrdreg $0xFFFFFFFF;
	(pc) =	sbr.abs _section_cstart, $3  }
0xc0: {  	[dreg:$0x1] =	wrdreg $0xFFFFFFFF  }
0xc1: {  	_ =	task.clear_ibuf [dreg:s7], $0x2FFFF;
	_ =	strace $0x9FFFFFFF  }
0xc2: {  	(tm) =	ssettm $0x7FFFFFFF  }
0xc3: {  	_ =	shalt  }
tec
execute0_lowered:
.L_overlay_start_1:
0x0: {  	(tag) =	ssettag $0x1  }
0x1: {  	s4 =	rddreg [dreg:$0x0];
	s1 =	srdreg.scid  }
0x2: {  	s0 =	stileid.u32;
	s2 =	rddreg [dreg:$0x1]  }
0x3: {  	s3 =	simm.s32 $0x0;
	s9 =	simm.s32 $0x340;
	s10 =	simm.s32 $0x3400  }
0x4: {  	s11 =	simm.s32 $0x1;
	s12 =	simm.s32 $0x9C00;
	s13 =	simm.s32 $0x20  }
0x5: {  	s14 =	simm.s32 $0x80;
	s15 =	simm.s32 $0x2;
	s16 =	simm.s32 $0x4  }
0x6: {  	s17 =	simm.s32 $0x3;
	s5 =	sand.u32 $0x1, s1;
	s6 =	sshll.u32 s0, $0x1  }
0x7: {  	s18 =	simm.s32 $0x0;
	s1 =	rddreg [dreg:$0x2];
	s6 =	sor.u32 s5, s6  }
0x8: {  	[smem:$0x7FF] =	sst s3;
	s5 =	ssub.s32 $0x2, s5;
	s7 =	smul.u32 $0x680, s6  }
0x9: {  	_ =	strace $0x80000047;
	s8 =	sshrl.u32 s5, $0x1;
	s6 =	sshll.u32 s6, $0x9  }
0xa: {  	v0 =	vlaneseq.u32;
	s8 =	ssub.s32 s5, s8;
	s7 =	sadd.s32 s7, s4;
	s4 =	sadd.s32 $0xA00, s4  }
0xb: {  	v0 =	vmul.u32 $0x340, v0;
	s5 =	sadd.s32 $0x3D8A00, s7;
	s7 =	smax.u32 s8, $0x1;
	s8 =	simm.s32 $0x5  }
.LBB2_1:
0xc: {  	[tilespmem:s3], [sflag:$0x5] =	stream.linear.gather [hbm4b:s5+s3], $0x3400, $0x38;
	[tilespmem:$0x1D400] =	vst v63  }
0xd: {  	_ =	swait.ge [sflag:s8], $0x3400  }
0xe: {  	[sflag:s8] =	ssyncset.done $0x0  }
0xf: {  	s19 =	simm.s32 $0x0;
	[sflag:s8] =	ssyncadd.s32 $0xFFFFCC00  }
0x10: {  	[tilespmem:s10], [sflag:$0x1] =	stream.indirect.gather [hbm4b:s4+s9], $0x20, s3, s9, $0xb8;
	[tilespmem:$0x1D400] =	vst v63  }
.LBB2_2:
0x11: {  	s20 =	sshllo.u32 s19, $0x1  }
0x12: {  	_ =	swait.ge [sflag:s11], $0x6800;
	s22 =	simm.s32 $0x1;
	s21 =	smul.u32 $0xD00, s20  }
0x13: {  	[sflag:s11] =	ssyncset.done $0x0;
	v1 =	vmov s22  }
0x14: {  	p0 =	seq.s32 s19, $0x0;
	[sflag:s11] =	ssyncadd.s32 $0xFFFF9800;
	v1 =	vshll.u32 v1, $0x5;
	s21 =	sshra.s32 s21, $0x2  }
0x15: {  	v5 =	vadd.s32 v0, v1;
	[tilespmem:s12], [sflag:$0x2] =	stream.indirect.gather [hbm4b:s4+s9], $0x20, s21, s9, $0xb8;
	[tilespmem:$0x1D400] =	vst v63  }
0x16: {  	s21 =	simm.s32 @!p0 $0x3  }
0x17: {  	s24 =	simm.s32 $0x0;
	_ =	swait.ge @!p0 [sflag:s21], $0x6800  }
0x18: {  	v1 =	vmov s24;
	[sflag:s21] =	ssyncset.done @!p0 $0x0  }
0x19: {  	v1 =	vshll.u32 v1, $0x5;
	[sflag:s21] =	ssyncadd.s32 @!p0 $0xFFFF9800  }
0x1a: {  	v3 =	vadd.s32 v0, v1;
	v1 =	vld.idx.msk [tilespmem:v5+s10+$0x0], $0xffff  }
0x1b: {  	v2 =	vor.u32 $0x1, v5;
	_ =	sdelay $0x2  }
0x1c: {  	s23 =	simm.s32 $0x10800  }
0x1d: {  	v4 =	vld.idx.msk [tilespmem:v3+s10+$0x0], $0xffff;
	[tilespmem:s23+$0x0] =	vst v1  }
0x1e: {  	v1 =	vor.u32 $0x1, v3;
	v2 =	vld.idx.msk [tilespmem:v2+s10+$0x0], $0xffff  }
0x1f: {  	v6 =	vor.u32 $0x2, v5;
	_ =	sdelay $0x2  }
0x20: {  	[tilespmem:s23+$0xFFFFFC00] =	vst v4  }
0x21: {  	v1 =	vld.idx.msk [tilespmem:v1+s10+$0x0], $0xffff;
	[tilespmem:s23+$0x20] =	vst v2  }
0x22: {  	v2 =	vor.u32 $0x2, v3;
	v4 =	vld.idx.msk [tilespmem:v6+s10+$0x0], $0xffff  }
0x23: {  	v6 =	vor.u32 $0x3, v5;
	_ =	sdelay $0x2  }
0x24: {  	[tilespmem:s23+$0xFFFFFC20] =	vst v1  }
0x25: {  	v1 =	vld.idx.msk [tilespmem:v2+s10+$0x0], $0xffff;
	[tilespmem:s23+$0x40] =	vst v4  }
0x26: {  	v2 =	vor.u32 $0x3, v3;
	v4 =	vld.idx.msk [tilespmem:v6+s10+$0x0], $0xffff  }
0x27: {  	v6 =	vor.u32 $0x4, v5;
	_ =	sdelay $0x2  }
0x28: {  	[tilespmem:s23+$0xFFFFFC40] =	vst v1  }
0x29: {  	v1 =	vld.idx.msk [tilespmem:v2+s10+$0x0], $0xffff;
	[tilespmem:s23+$0x60] =	vst v4  }
0x2a: {  	v2 =	vor.u32 $0x4, v3;
	v4 =	vld.idx.msk [tilespmem:v6+s10+$0x0], $0xffff  }
0x2b: {  	v6 =	vor.u32 $0x5, v5;
	_ =	sdelay $0x2  }
0x2c: {  	[tilespmem:s23+$0xFFFFFC60] =	vst v1  }
0x2d: {  	v1 =	vld.idx.msk [tilespmem:v2+s10+$0x0], $0xffff;
	[tilespmem:s23+$0x80] =	vst v4  }
0x2e: {  	v2 =	vor.u32 $0x5, v3;
	v4 =	vld.idx.msk [tilespmem:v6+s10+$0x0], $0xffff  }
0x2f: {  	v6 =	vor.u32 $0x6, v5;
	_ =	sdelay $0x2  }
0x30: {  	[tilespmem:s23+$0xFFFFFC80] =	vst v1  }
0x31: {  	v1 =	vld.idx.msk [tilespmem:v2+s10+$0x0], $0xffff;
	[tilespmem:s23+$0xA0] =	vst v4  }
0x32: {  	v2 =	vor.u32 $0x6, v3;
	v4 =	vld.idx.msk [tilespmem:v6+s10+$0x0], $0xffff  }
0x33: {  	v6 =	vor.u32 $0x7, v5;
	_ =	sdelay $0x2  }
0x34: {  	[tilespmem:s23+$0xFFFFFCA0] =	vst v1  }
0x35: {  	v1 =	vld.idx.msk [tilespmem:v2+s10+$0x0], $0xffff;
	[tilespmem:s23+$0xC0] =	vst v4  }
0x36: {  	v2 =	vor.u32 $0x7, v3;
	v4 =	vld.idx.msk [tilespmem:v6+s10+$0x0], $0xffff  }
0x37: {  	v6 =	vor.u32 $0x8, v5;
	_ =	sdelay $0x2  }
0x38: {  	[tilespmem:s23+$0xFFFFFCC0] =	vst v1  }
0x39: {  	v1 =	vld.idx.msk [tilespmem:v2+s10+$0x0], $0xffff;
	[tilespmem:s23+$0xE0] =	vst v4  }
0x3a: {  	v2 =	vor.u32 $0x8, v3;
	v4 =	vld.idx.msk [tilespmem:v6+s10+$0x0], $0xffff  }
0x3b: {  	v6 =	vor.u32 $0x9, v5;
	_ =	sdelay $0x2  }
0x3c: {  	[tilespmem:s23+$0xFFFFFCE0] =	vst v1  }
0x3d: {  	v1 =	vld.idx.msk [tilespmem:v2+s10+$0x0], $0xffff;
	[tilespmem:s23+$0x100] =	vst v4  }
0x3e: {  	v2 =	vor.u32 $0x9, v3;
	v4 =	vld.idx.msk [tilespmem:v6+s10+$0x0], $0xffff  }
0x3f: {  	v6 =	vor.u32 $0xA, v5;
	_ =	sdelay $0x2  }
0x40: {  	[tilespmem:s23+$0xFFFFFD00] =	vst v1  }
0x41: {  	v1 =	vld.idx.msk [tilespmem:v2+s10+$0x0], $0xffff;
	[tilespmem:s23+$0x120] =	vst v4  }
0x42: {  	v2 =	vor.u32 $0xA, v3;
	v4 =	vld.idx.msk [tilespmem:v6+s10+$0x0], $0xffff  }
0x43: {  	v6 =	vor.u32 $0xB, v5;
	_ =	sdelay $0x2  }
0x44: {  	[tilespmem:s23+$0xFFFFFD20] =	vst v1  }
0x45: {  	v1 =	vld.idx.msk [tilespmem:v2+s10+$0x0], $0xffff;
	[tilespmem:s23+$0x140] =	vst v4  }
0x46: {  	v2 =	vor.u32 $0xB, v3;
	v4 =	vld.idx.msk [tilespmem:v6+s10+$0x0], $0xffff  }
0x47: {  	v6 =	vor.u32 $0xC, v5;
	_ =	sdelay $0x2  }
0x48: {  	[tilespmem:s23+$0xFFFFFD40] =	vst v1  }
0x49: {  	v1 =	vld.idx.msk [tilespmem:v2+s10+$0x0], $0xffff;
	[tilespmem:s23+$0x160] =	vst v4  }
0x4a: {  	v2 =	vor.u32 $0xC, v3;
	v4 =	vld.idx.msk [tilespmem:v6+s10+$0x0], $0xffff  }
0x4b: {  	v6 =	vor.u32 $0xD, v5;
	_ =	sdelay $0x2  }
0x4c: {  	[tilespmem:s23+$0xFFFFFD60] =	vst v1  }
0x4d: {  	v1 =	vld.idx.msk [tilespmem:v2+s10+$0x0], $0xffff;
	[tilespmem:s23+$0x180] =	vst v4  }
0x4e: {  	v2 =	vor.u32 $0xD, v3;
	v4 =	vld.idx.msk [tilespmem:v6+s10+$0x0], $0xffff  }
0x4f: {  	v6 =	vor.u32 $0xE, v5;
	_ =	sdelay $0x2  }
0x50: {  	[tilespmem:s23+$0xFFFFFD80] =	vst v1  }
0x51: {  	v1 =	vld.idx.msk [tilespmem:v2+s10+$0x0], $0xffff;
	[tilespmem:s23+$0x1A0] =	vst v4  }
0x52: {  	v2 =	vor.u32 $0xE, v3;
	v4 =	vld.idx.msk [tilespmem:v6+s10+$0x0], $0xffff  }
0x53: {  	v6 =	vor.u32 $0xF, v5;
	_ =	sdelay $0x2  }
0x54: {  	[tilespmem:s23+$0xFFFFFDA0] =	vst v1  }
0x55: {  	v1 =	vld.idx.msk [tilespmem:v2+s10+$0x0], $0xffff;
	[tilespmem:s23+$0x1C0] =	vst v4  }
0x56: {  	v2 =	vor.u32 $0xF, v3;
	v4 =	vld.idx.msk [tilespmem:v6+s10+$0x0], $0xffff  }
0x57: {  	v6 =	vor.u32 $0x10, v5;
	_ =	sdelay $0x2  }
0x58: {  	[tilespmem:s23+$0xFFFFFDC0] =	vst v1  }
0x59: {  	v1 =	vld.idx.msk [tilespmem:v2+s10+$0x0], $0xffff;
	[tilespmem:s23+$0x1E0] =	vst v4  }
0x5a: {  	v2 =	vor.u32 $0x10, v3;
	v4 =	vld.idx.msk [tilespmem:v6+s10+$0x0], $0xffff  }
0x5b: {  	v6 =	vor.u32 $0x11, v5;
	_ =	sdelay $0x2  }
0x5c: {  	[tilespmem:s23+$0xFFFFFDE0] =	vst v1  }
0x5d: {  	v1 =	vld.idx.msk [tilespmem:v2+s10+$0x0], $0xffff;
	[tilespmem:s23+$0x200] =	vst v4  }
0x5e: {  	s25 =	simm.s32 $0x3;
	v4 =	vor.u32 $0x11, v3;
	v6 =	vld.idx.msk [tilespmem:v6+s10+$0x0], $0xffff  }
0x5f: {  	v7 =	vor.u32 $0x12, v5;
	v2 =	vmov s25  }
0x60: {  	s26 =	simm.s32 $0x2;
	v2 =	vshll.u32 v2, $0x5  }
0x61: {  	v8 =	vmov s26;
	v2 =	vadd.s32 v0, v2  }
0x62: {  	v8 =	vshll.u32 v8, $0x5;
	[tilespmem:s23+$0xFFFFFE00] =	vst v1  }
0x63: {  	v1 =	vadd.s32 v0, v8;
	v4 =	vld.idx.msk [tilespmem:v4+s10+$0x0], $0xffff;
	[tilespmem:s23+$0x220] =	vst v6  }
0x64: {  	v6 =	vor.u32 $0x12, v3;
	v7 =	vld.idx.msk [tilespmem:v7+s10+$0x0], $0xffff  }
0x65: {  	v8 =	vor.u32 $0x13, v5  }
0x66: {  	v9 =	vld.idx.msk [tilespmem:v2+s10+$0x0], $0xffff  }
0x67: {  	v10 =	vor.u32 $0x1, v2  }
0x68: {  	v11 =	vld.idx.msk [tilespmem:v1+s10+$0x0], $0xffff;
	[tilespmem:s23+$0xFFFFFE20] =	vst v4  }
0x69: {  	v4 =	vld.idx.msk [tilespmem:v6+s10+$0x0], $0xffff;
	v6 =	vor.u32 $0x1, v1;
	[tilespmem:s23+$0x240] =	vst v7  }
0x6a: {  	s21 =	simm.s32 $0x11000;
	v7 =	vld.idx.msk [tilespmem:v8+s10+$0x0], $0xffff;
	v8 =	vor.u32 $0x13, v3  }
0x6b: {  	[tilespmem:s21+$0x0] =	vst v9;
	v9 =	vor.u32 $0x14, v5  }
0x6c: {  	v10 =	vld.idx.msk [tilespmem:v10+s10+$0x0], $0xffff  }
0x6d: {  	[tilespmem:s21+$0xFFFFFC00] =	vst v11;
	v11 =	vor.u32 $0x2, v2  }
0x6e: {  	v6 =	vld.idx.msk [tilespmem:v6+s10+$0x0], $0xffff;
	[tilespmem:s23+$0xFFFFFE40] =	vst v4  }
0x6f: {  	v4 =	vor.u32 $0x2, v1;
	v8 =	vld.idx.msk [tilespmem:v8+s10+$0x0], $0xffff;
	[tilespmem:s23+$0x260] =	vst v7  }
0x70: {  	v7 =	vld.idx.msk [tilespmem:v9+s10+$0x0], $0xffff;
	v9 =	vor.u32 $0x14, v3  }
0x71: {  	[tilespmem:s21+$0x20] =	vst v10;
	v10 =	vor.u32 $0x15, v5  }
0x72: {  	v11 =	vld.idx.msk [tilespmem:v11+s10+$0x0], $0xffff  }
0x73: {  	[tilespmem:s21+$0xFFFFFC20] =	vst v6;
	v6 =	vor.u32 $0x3, v2  }
0x74: {  	v4 =	vld.idx.msk [tilespmem:v4+s10+$0x0], $0xffff;
	[tilespmem:s23+$0xFFFFFE60] =	vst v8  }
0x75: {  	v8 =	vor.u32 $0x3, v1;
	v9 =	vld.idx.msk [tilespmem:v9+s10+$0x0], $0xffff;
	[tilespmem:s23+$0x280] =	vst v7  }
0x76: {  	v7 =	vld.idx.msk [tilespmem:v10+s10+$0x0], $0xffff;
	v10 =	vor.u32 $0x15, v3  }
0x77: {  	[tilespmem:s21+$0x40] =	vst v11;
	v11 =	vor.u32 $0x16, v5  }
0x78: {  	v6 =	vld.idx.msk [tilespmem:v6+s10+$0x0], $0xffff  }
0x79: {  	[tilespmem:s21+$0xFFFFFC40] =	vst v4;
	v4 =	vor.u32 $0x4, v2  }
0x7a: {  	v8 =	vld.idx.msk [tilespmem:v8+s10+$0x0], $0xffff;
	[tilespmem:s23+$0xFFFFFE80] =	vst v9  }
0x7b: {  	v9 =	vor.u32 $0x4, v1;
	v10 =	vld.idx.msk [tilespmem:v10+s10+$0x0], $0xffff;
	[tilespmem:s23+$0x2A0] =	vst v7  }
0x7c: {  	v7 =	vld.idx.msk [tilespmem:v11+s10+$0x0], $0xffff;
	v11 =	vor.u32 $0x16, v3  }
0x7d: {  	[tilespmem:s21+$0x60] =	vst v6;
	v6 =	vor.u32 $0x17, v5  }
0x7e: {  	v4 =	vld.idx.msk [tilespmem:v4+s10+$0x0], $0xffff  }
0x7f: {  	[tilespmem:s21+$0xFFFFFC60] =	vst v8;
	v8 =	vor.u32 $0x5, v2  }
0x80: {  	v9 =	vld.idx.msk [tilespmem:v9+s10+$0x0], $0xffff;
	[tilespmem:s23+$0xFFFFFEA0] =	vst v10  }
0x81: {  	v10 =	vor.u32 $0x5, v1;
	v11 =	vld.idx.msk [tilespmem:v11+s10+$0x0], $0xffff;
	[tilespmem:s23+$0x2C0] =	vst v7  }
0x82: {  	v7 =	vor.u32 $0x17, v3;
	v6 =	vld.idx.msk [tilespmem:v6+s10+$0x0], $0xffff  }
0x83: {  	[tilespmem:s21+$0x80] =	vst v4;
	v4 =	vor.u32 $0x18, v5  }
0x84: {  	v8 =	vld.idx.msk [tilespmem:v8+s10+$0x0], $0xffff  }
0x85: {  	[tilespmem:s21+$0xFFFFFC80] =	vst v9;
	v9 =	vor.u32 $0x6, v2  }
0x86: {  	v10 =	vld.idx.msk [tilespmem:v10+s10+$0x0], $0xffff;
	[tilespmem:s23+$0xFFFFFEC0] =	vst v11  }
0x87: {  	v11 =	vor.u32 $0x6, v1;
	v7 =	vld.idx.msk [tilespmem:v7+s10+$0x0], $0xffff;
	[tilespmem:s23+$0x2E0] =	vst v6  }
0x88: {  	v6 =	vor.u32 $0x18, v3;
	v4 =	vld.idx.msk [tilespmem:v4+s10+$0x0], $0xffff  }
0x89: {  	[tilespmem:s21+$0xA0] =	vst v8;
	v8 =	vor.u32 $0x19, v5  }
0x8a: {  	v9 =	vld.idx.msk [tilespmem:v9+s10+$0x0], $0xffff  }
0x8b: {  	[tilespmem:s21+$0xFFFFFCA0] =	vst v10;
	v10 =	vor.u32 $0x7, v2  }
0x8c: {  	v11 =	vld.idx.msk [tilespmem:v11+s10+$0x0], $0xffff;
	[tilespmem:s23+$0xFFFFFEE0] =	vst v7  }
0x8d: {  	v7 =	vor.u32 $0x7, v1;
	v6 =	vld.idx.msk [tilespmem:v6+s10+$0x0], $0xffff;
	[tilespmem:s23+$0x300] =	vst v4  }
0x8e: {  	v4 =	vld.idx.msk [tilespmem:v8+s10+$0x0], $0xffff;
	v8 =	vor.u32 $0x19, v3  }
0x8f: {  	[tilespmem:s21+$0xC0] =	vst v9;
	v9 =	vor.u32 $0x1A, v5  }
0x90: {  	v10 =	vld.idx.msk [tilespmem:v10+s10+$0x0], $0xffff  }
0x91: {  	[tilespmem:s21+$0xFFFFFCC0] =	vst v11;
	v11 =	vor.u32 $0x8, v2  }
0x92: {  	v7 =	vld.idx.msk [tilespmem:v7+s10+$0x0], $0xffff;
	[tilespmem:s23+$0xFFFFFF00] =	vst v6  }
0x93: {  	v6 =	vor.u32 $0x8, v1;
	v8 =	vld.idx.msk [tilespmem:v8+s10+$0x0], $0xffff;
	[tilespmem:s23+$0x320] =	vst v4  }
0x94: {  	v4 =	vld.idx.msk [tilespmem:v9+s10+$0x0], $0xffff;
	v9 =	vor.u32 $0x1A, v3  }
0x95: {  	[tilespmem:s21+$0xE0] =	vst v10;
	v10 =	vor.u32 $0x1B, v5  }
0x96: {  	v11 =	vld.idx.msk [tilespmem:v11+s10+$0x0], $0xffff  }
0x97: {  	[tilespmem:s21+$0xFFFFFCE0] =	vst v7;
	v7 =	vor.u32 $0x9, v2  }
0x98: {  	v6 =	vld.idx.msk [tilespmem:v6+s10+$0x0], $0xffff;
	[tilespmem:s23+$0xFFFFFF20] =	vst v8  }
0x99: {  	v8 =	vor.u32 $0x9, v1;
	v9 =	vld.idx.msk [tilespmem:v9+s10+$0x0], $0xffff;
	[tilespmem:s23+$0x340] =	vst v4  }
0x9a: {  	v4 =	vld.idx.msk [tilespmem:v10+s10+$0x0], $0xffff;
	v10 =	vor.u32 $0x1B, v3  }
0x9b: {  	[tilespmem:s21+$0x100] =	vst v11;
	v11 =	vor.u32 $0x1C, v5  }
0x9c: {  	v7 =	vld.idx.msk [tilespmem:v7+s10+$0x0], $0xffff  }
0x9d: {  	[tilespmem:s21+$0xFFFFFD00] =	vst v6;
	v6 =	vor.u32 $0xA, v2  }
0x9e: {  	v8 =	vld.idx.msk [tilespmem:v8+s10+$0x0], $0xffff;
	[tilespmem:s23+$0xFFFFFF40] =	vst v9  }
0x9f: {  	v9 =	vor.u32 $0xA, v1;
	v10 =	vld.idx.msk [tilespmem:v10+s10+$0x0], $0xffff;
	[tilespmem:s23+$0x360] =	vst v4  }
0xa0: {  	v4 =	vld.idx.msk [tilespmem:v11+s10+$0x0], $0xffff  }
0xa1: {  	[tilespmem:s21+$0x120] =	vst v7;
	v7 =	vor.u32 $0x1D, v5  }
0xa2: {  	v11 =	vor.u32 $0x1C, v3;
	v6 =	vld.idx.msk [tilespmem:v6+s10+$0x0], $0xffff  }
0xa3: {  	[tilespmem:s21+$0xFFFFFD20] =	vst v8;
	v8 =	vor.u32 $0xB, v2  }
0xa4: {  	v9 =	vld.idx.msk [tilespmem:v9+s10+$0x0], $0xffff;
	[tilespmem:s23+$0xFFFFFF60] =	vst v10  }
0xa5: {  	v10 =	vor.u32 $0xB, v1;
	[tilespmem:s23+$0x380] =	vst v4  }
0xa6: {  	v7 =	vld.idx.msk [tilespmem:v7+s10+$0x0], $0xffff  }
0xa7: {  	v11 =	vld.idx.msk [tilespmem:v11+s10+$0x0], $0xffff;
	[tilespmem:s21+$0x140] =	vst v6;
	v6 =	vor.u32 $0x1E, v5  }
0xa8: {  	s31 =	simm.s32 $0x4;
	v12 =	vor.u32 $0x1D, v3;
	v8 =	vld.idx.msk [tilespmem:v8+s10+$0x0], $0xffff  }
0xa9: {  	v4 =	vmov s31;
	[tilespmem:s21+$0xFFFFFD40] =	vst v9;
	v9 =	vor.u32 $0xC, v2  }
0xaa: {  	v4 =	vshll.u32 v4, $0x5;
	v10 =	vld.idx.msk [tilespmem:v10+s10+$0x0], $0xffff  }
0xab: {  	v4 =	vadd.s32 v0, v4;
	[tilespmem:s23+$0x3A0] =	vst v7  }
0xac: {  	[tilespmem:s23+$0xFFFFFF80] =	vst v11;
	v11 =	vor.u32 $0xC, v1;
	v6 =	vld.idx.msk [tilespmem:v6+s10+$0x0], $0xffff  }
0xad: {  	v5 =	vor.u32 $0x1F, v5;
	v12 =	vld.idx.msk [tilespmem:v12+s10+$0x0], $0xffff;
	[tilespmem:s21+$0x160] =	vst v8  }
0xae: {  	v7 =	vor.u32 $0x1E, v3;
	v8 =	vld.idx.msk [tilespmem:v9+s10+$0x0], $0xffff  }
0xaf: {  	[tilespmem:s21+$0xFFFFFD60] =	vst v10;
	v10 =	vor.u32 $0xD, v2  }
0xb0: {  	s24 =	simm.s32 $0x1A1;
	v9 =	vld.idx.msk [tilespmem:v4+s10+$0x0], $0xffff  }
0xb1: {  	v11 =	vld.idx.msk [tilespmem:v11+s10+$0x0], $0xffff;
	[tilespmem:s23+$0x3C0] =	vst v6;
	v6 =	vmov s24  }
0xb2: {  	[tilespmem:s23+$0xFFFFFFA0] =	vst v12;
	v5 =	vld.idx.msk [tilespmem:v5+s10+$0x0], $0xffff;
	v6 =	vshll.u32 v6, $0x5  }
0xb3: {  	v12 =	vld.idx.msk [tilespmem:v7+s10+$0x0], $0xffff;
	[tilespmem:s21+$0x180] =	vst v8;
	v7 =	vadd.s32 v0, v6  }
0xb4: {  	v6 =	vor.u32 $0xD, v1;
	v8 =	vld.idx.msk [tilespmem:v10+s10+$0x0], $0xffff  }
0xb5: {  	v10 =	vor.u32 $0xE, v2  }
0xb6: {  	v3 =	vor.u32 $0x1F, v3  }
0xb7: {  	[tilespmem:s23+$0x3E0] =	vst v5  }
0xb8: {  	[tilespmem:s21+$0xFFFFFD80] =	vst v11;
	v11 =	vld.idx.msk [tilespmem:v7+s10+$0x0], $0xffff  }
0xb9: {  	s25 =	simm.s32 $0x1A0;
	v6 =	vld.idx.msk [tilespmem:v6+s10+$0x0], $0xffff;
	[tilespmem:s21+$0x1A0] =	vst v8;
	v8 =	vor.u32 $0x1, v7  }
0xba: {  	[tilespmem:s23+$0xFFFFFFC0] =	vst v12;
	v12 =	vor.u32 $0xE, v1;
	v5 =	vmov s25;
	v10 =	vld.idx.msk [tilespmem:v10+s10+$0x0], $0xffff  }
0xbb: {  	v13 =	vor.u32 $0xF, v2;
	v3 =	vld.idx.msk [tilespmem:v3+s10+$0x0], $0xffff;
	v5 =	vshll.u32 v5, $0x5  }
0xbc: {  	v5 =	vadd.s32 v0, v5  }
0xbd: {  	[tilespmem:s23+$0x10] =	vst v11  }
0xbe: {  	[tilespmem:s21+$0xFFFFFDA0] =	vst v6;
	v6 =	vld.idx.msk [tilespmem:v8+s10+$0x0], $0xffff  }
0xbf: {  	v8 =	vld.idx.msk [tilespmem:v12+s10+$0x0], $0xffff;
	[tilespmem:s21+$0x1C0] =	vst v10;
	v10 =	vor.u32 $0x2, v7  }
0xc0: {  	[tilespmem:s23+$0xFFFFFFE0] =	vst v3;
	v3 =	vor.u32 $0xF, v1;
	v11 =	vld.idx.msk [tilespmem:v13+s10+$0x0], $0xffff  }
0xc1: {  	v12 =	vld.idx.msk [tilespmem:v5+s10+$0x0], $0xffff;
	v13 =	vor.u32 $0x10, v2  }
0xc2: {  	v14 =	vor.u32 $0x1, v5  }
0xc3: {  	[tilespmem:s23+$0x30] =	vst v6  }
0xc4: {  	[tilespmem:s21+$0xFFFFFDC0] =	vst v8;
	v6 =	vld.idx.msk [tilespmem:v10+s10+$0x0], $0xffff  }
0xc5: {  	v8 =	vor.u32 $0x3, v7;
	v3 =	vld.idx.msk [tilespmem:v3+s10+$0x0], $0xffff;
	[tilespmem:s21+$0x1E0] =	vst v11  }
0xc6: {  	[tilespmem:s23+$0xFFFFFC10] =	vst v12;
	v10 =	vor.u32 $0x10, v1;
	v11 =	vld.idx.msk [tilespmem:v13+s10+$0x0], $0xffff  }
0xc7: {  	v12 =	vld.idx.msk [tilespmem:v14+s10+$0x0], $0xffff;
	v13 =	vor.u32 $0x11, v2  }
0xc8: {  	v14 =	vor.u32 $0x2, v5  }
0xc9: {  	[tilespmem:s23+$0x50] =	vst v6  }
0xca: {  	[tilespmem:s21+$0xFFFFFDE0] =	vst v3;
	v3 =	vld.idx.msk [tilespmem:v8+s10+$0x0], $0xffff  }
0xcb: {  	v6 =	vld.idx.msk [tilespmem:v10+s10+$0x0], $0xffff;
	[tilespmem:s21+$0x200] =	vst v11;
	v10 =	vor.u32 $0x4, v7  }
0xcc: {  	s26 =	simm.s32 $0x5;
	[tilespmem:s23+$0xFFFFFC30] =	vst v12;
	v11 =	vor.u32 $0x11, v1;
	v12 =	vld.idx.msk [tilespmem:v13+s10+$0x0], $0xffff  }
0xcd: {  	v8 =	vmov s26;
	v13 =	vld.idx.msk [tilespmem:v14+s10+$0x0], $0xffff;
	v14 =	vor.u32 $0x12, v2  }
0xce: {  	v15 =	vor.u32 $0x3, v5;
	v8 =	vshll.u32 v8, $0x5  }
0xcf: {  	v8 =	vadd.s32 v0, v8;
	[tilespmem:s23+$0x70] =	vst v3  }
0xd0: {  	[tilespmem:s21+$0xFFFFFE00] =	vst v6;
	v3 =	vld.idx.msk [tilespmem:v10+s10+$0x0], $0xffff  }
0xd1: {  	v6 =	vld.idx.msk [tilespmem:v11+s10+$0x0], $0xffff;
	[tilespmem:s21+$0x220] =	vst v12;
	v10 =	vor.u32 $0x5, v7  }
0xd2: {  	[tilespmem:s23+$0xFFFFFC50] =	vst v13;
	v11 =	vor.u32 $0x12, v1;
	v12 =	vld.idx.msk [tilespmem:v14+s10+$0x0], $0xffff  }
0xd3: {  	v13 =	vld.idx.msk [tilespmem:v15+s10+$0x0], $0xffff;
	v14 =	vor.u32 $0x13, v2  }
0xd4: {  	v15 =	vor.u32 $0x4, v5;
	v16 =	vld.idx.msk [tilespmem:v8+s10+$0x0], $0xffff  }
0xd5: {  	v17 =	vor.u32 $0x1, v8;
	[tilespmem:s23+$0x90] =	vst v3  }
0xd6: {  	[tilespmem:s21+$0xFFFFFE20] =	vst v6;
	v6 =	vor.u32 $0x1, v4;
	v3 =	vld.idx.msk [tilespmem:v10+s10+$0x0], $0xffff  }
0xd7: {  	v10 =	vld.idx.msk [tilespmem:v11+s10+$0x0], $0xffff;
	[tilespmem:s21+$0x240] =	vst v12;
	v11 =	vor.u32 $0x6, v7  }
0xd8: {  	s22 =	simm.s32 $0x11800;
	[tilespmem:s23+$0xFFFFFC70] =	vst v13;
	v13 =	vor.u32 $0x13, v1;
	v12 =	vld.idx.msk [tilespmem:v14+s10+$0x0], $0xffff  }
0xd9: {  	[tilespmem:s22+$0x0] =	vst v16;
	v14 =	vld.idx.msk [tilespmem:v15+s10+$0x0], $0xffff;
	v15 =	vor.u32 $0x14, v2  }
0xda: {  	[tilespmem:s22+$0xFFFFFC00] =	vst v9;
	v9 =	vor.u32 $0x5, v5;
	v16 =	vld.idx.msk [tilespmem:v17+s10+$0x0], $0xffff  }
0xdb: {  	v17 =	vor.u32 $0x2, v8;
	v6 =	vld.idx.msk [tilespmem:v6+s10+$0x0], $0xffff;
	[tilespmem:s23+$0xB0] =	vst v3  }
0xdc: {  	[tilespmem:s21+$0xFFFFFE40] =	vst v10;
	v3 =	vld.idx.msk [tilespmem:v11+s10+$0x0], $0xffff  }
0xdd: {  	v10 =	vor.u32 $0x2, v4;
	v11 =	vld.idx.msk [tilespmem:v13+s10+$0x0], $0xffff;
	[tilespmem:s21+$0x260] =	vst v12  }
0xde: {  	v12 =	vor.u32 $0x7, v7;
	[tilespmem:s23+$0xFFFFFC90] =	vst v14;
	v13 =	vld.idx.msk [tilespmem:v15+s10+$0x0], $0xffff  }
0xdf: {  	v14 =	vor.u32 $0x14, v1;
	[tilespmem:s22+$0x20] =	vst v16;
	v9 =	vld.idx.msk [tilespmem:v9+s10+$0x0], $0xffff  }
0xe0: {  	v15 =	vor.u32 $0x15, v2;
	v16 =	vld.idx.msk [tilespmem:v17+s10+$0x0], $0xffff;
	[tilespmem:s22+$0xFFFFFC20] =	vst v6  }
0xe1: {  	v17 =	vor.u32 $0x3, v8;
	[tilespmem:s23+$0xD0] =	vst v3  }
0xe2: {  	v6 =	vor.u32 $0x6, v5;
	v10 =	vld.idx.msk [tilespmem:v10+s10+$0x0], $0xffff;
	[tilespmem:s21+$0xFFFFFE60] =	vst v11  }
0xe3: {  	v11 =	vor.u32 $0x3, v4;
	v3 =	vld.idx.msk [tilespmem:v12+s10+$0x0], $0xffff;
	[tilespmem:s21+$0x280] =	vst v13  }
0xe4: {  	v12 =	vld.idx.msk [tilespmem:v14+s10+$0x0], $0xffff;
	v13 =	vor.u32 $0x8, v7;
	[tilespmem:s23+$0xFFFFFCB0] =	vst v9  }
0xe5: {  	v9 =	vor.u32 $0x15, v1;
	[tilespmem:s22+$0x40] =	vst v16;
	v14 =	vld.idx.msk [tilespmem:v15+s10+$0x0], $0xffff  }
0xe6: {  	v15 =	vor.u32 $0x16, v2;
	v16 =	vld.idx.msk [tilespmem:v17+s10+$0x0], $0xffff  }
0xe7: {  	v17 =	vor.u32 $0x4, v8;
	v6 =	vld.idx.msk [tilespmem:v6+s10+$0x0], $0xffff;
	[tilespmem:s22+$0xFFFFFC40] =	vst v10  }
0xe8: {  	v10 =	vor.u32 $0x7, v5;
	v11 =	vld.idx.msk [tilespmem:v11+s10+$0x0], $0xffff;
	[tilespmem:s23+$0xF0] =	vst v3  }
0xe9: {  	[tilespmem:s21+$0xFFFFFE80] =	vst v12;
	v3 =	vld.idx.msk [tilespmem:v13+s10+$0x0], $0xffff  }
0xea: {  	v12 =	vor.u32 $0x4, v4;
	v9 =	vld.idx.msk [tilespmem:v9+s10+$0x0], $0xffff;
	[tilespmem:s21+$0x2A0] =	vst v14  }
0xeb: {  	v13 =	vor.u32 $0x9, v7;
	[tilespmem:s22+$0x60] =	vst v16;
	v14 =	vld.idx.msk [tilespmem:v15+s10+$0x0], $0xffff  }
0xec: {  	[tilespmem:s23+$0xFFFFFCD0] =	vst v6;
	v6 =	vor.u32 $0x16, v1;
	v16 =	vld.idx.msk [tilespmem:v17+s10+$0x0], $0xffff  }
0xed: {  	v15 =	vor.u32 $0x17, v2;
	v10 =	vld.idx.msk [tilespmem:v10+s10+$0x0], $0xffff;
	[tilespmem:s22+$0xFFFFFC60] =	vst v11  }
0xee: {  	v17 =	vor.u32 $0x5, v8;
	[tilespmem:s23+$0x110] =	vst v3  }
0xef: {  	v11 =	vor.u32 $0x8, v5;
	v12 =	vld.idx.msk [tilespmem:v12+s10+$0x0], $0xffff;
	[tilespmem:s21+$0xFFFFFEA0] =	vst v9  }
0xf0: {  	v9 =	vor.u32 $0x5, v4;
	v3 =	vld.idx.msk [tilespmem:v13+s10+$0x0], $0xffff;
	[tilespmem:s21+$0x2C0] =	vst v14  }
0xf1: {  	v6 =	vld.idx.msk [tilespmem:v6+s10+$0x0], $0xffff;
	v13 =	vor.u32 $0xA, v7;
	[tilespmem:s22+$0x80] =	vst v16  }
0xf2: {  	v14 =	vld.idx.msk [tilespmem:v15+s10+$0x0], $0xffff;
	[tilespmem:s23+$0xFFFFFCF0] =	vst v10;
	v10 =	vor.u32 $0x17, v1  }
0xf3: {  	v15 =	vor.u32 $0x18, v2;
	v16 =	vld.idx.msk [tilespmem:v17+s10+$0x0], $0xffff  }
0xf4: {  	v17 =	vor.u32 $0x6, v8;
	v11 =	vld.idx.msk [tilespmem:v11+s10+$0x0], $0xffff;
	[tilespmem:s22+$0xFFFFFC80] =	vst v12  }
0xf5: {  	v12 =	vor.u32 $0x9, v5;
	v9 =	vld.idx.msk [tilespmem:v9+s10+$0x0], $0xffff;
	[tilespmem:s23+$0x130] =	vst v3  }
0xf6: {  	[tilespmem:s21+$0xFFFFFEC0] =	vst v6;
	v3 =	vld.idx.msk [tilespmem:v13+s10+$0x0], $0xffff  }
0xf7: {  	v6 =	vor.u32 $0x6, v4;
	v10 =	vld.idx.msk [tilespmem:v10+s10+$0x0], $0xffff;
	[tilespmem:s21+$0x2E0] =	vst v14  }
0xf8: {  	v13 =	vor.u32 $0xB, v7;
	[tilespmem:s22+$0xA0] =	vst v16;
	v14 =	vld.idx.msk [tilespmem:v15+s10+$0x0], $0xffff  }
0xf9: {  	[tilespmem:s23+$0xFFFFFD10] =	vst v11;
	v11 =	vor.u32 $0x18, v1;
	v16 =	vld.idx.msk [tilespmem:v17+s10+$0x0], $0xffff  }
0xfa: {  	v15 =	vor.u32 $0x19, v2;
	v12 =	vld.idx.msk [tilespmem:v12+s10+$0x0], $0xffff;
	[tilespmem:s22+$0xFFFFFCA0] =	vst v9  }
0xfb: {  	v17 =	vor.u32 $0x7, v8;
	[tilespmem:s23+$0x150] =	vst v3  }
0xfc: {  	v9 =	vor.u32 $0xA, v5;
	v6 =	vld.idx.msk [tilespmem:v6+s10+$0x0], $0xffff;
	[tilespmem:s21+$0xFFFFFEE0] =	vst v10  }
0xfd: {  	v10 =	vor.u32 $0x7, v4;
	v3 =	vld.idx.msk [tilespmem:v13+s10+$0x0], $0xffff;
	[tilespmem:s21+$0x300] =	vst v14  }
0xfe: {  	v11 =	vld.idx.msk [tilespmem:v11+s10+$0x0], $0xffff;
	v13 =	vor.u32 $0xC, v7;
	[tilespmem:s22+$0xC0] =	vst v16  }
0xff: {  	v14 =	vld.idx.msk [tilespmem:v15+s10+$0x0], $0xffff;
	[tilespmem:s23+$0xFFFFFD30] =	vst v12;
	v12 =	vor.u32 $0x19, v1  }
0x100: {  	v15 =	vor.u32 $0x1A, v2;
	v16 =	vld.idx.msk [tilespmem:v17+s10+$0x0], $0xffff  }
0x101: {  	v17 =	vor.u32 $0x8, v8;
	v9 =	vld.idx.msk [tilespmem:v9+s10+$0x0], $0xffff;
	[tilespmem:s22+$0xFFFFFCC0] =	vst v6  }
0x102: {  	v6 =	vor.u32 $0xB, v5;
	v10 =	vld.idx.msk [tilespmem:v10+s10+$0x0], $0xffff;
	[tilespmem:s23+$0x170] =	vst v3  }
0x103: {  	[tilespmem:s21+$0xFFFFFF00] =	vst v11;
	v3 =	vld.idx.msk [tilespmem:v13+s10+$0x0], $0xffff  }
0x104: {  	v11 =	vor.u32 $0x8, v4;
	v12 =	vld.idx.msk [tilespmem:v12+s10+$0x0], $0xffff;
	[tilespmem:s21+$0x320] =	vst v14  }
0x105: {  	v13 =	vor.u32 $0xD, v7;
	[tilespmem:s22+$0xE0] =	vst v16;
	v14 =	vld.idx.msk [tilespmem:v15+s10+$0x0], $0xffff  }
0x106: {  	[tilespmem:s23+$0xFFFFFD50] =	vst v9;
	v9 =	vor.u32 $0x1A, v1;
	v16 =	vld.idx.msk [tilespmem:v17+s10+$0x0], $0xffff  }
0x107: {  	s24 =	simm.s32 $0x6;
	v15 =	vor.u32 $0x1B, v2;
	v6 =	vld.idx.msk [tilespmem:v6+s10+$0x0], $0xffff;
	[tilespmem:s22+$0xFFFFFCE0] =	vst v10  }
0x108: {  	v18 =	vor.u32 $0x9, v8;
	v17 =	vmov s24;
	[tilespmem:s23+$0x190] =	vst v3  }
0x109: {  	v17 =	vshll.u32 v17, $0x5;
	v10 =	vor.u32 $0xC, v5;
	v11 =	vld.idx.msk [tilespmem:v11+s10+$0x0], $0xffff;
	[tilespmem:s21+$0xFFFFFF20] =	vst v12  }
0x10a: {  	v3 =	vadd.s32 v0, v17;
	v12 =	vld.idx.msk [tilespmem:v13+s10+$0x0], $0xffff;
	[tilespmem:s21+$0x340] =	vst v14  }
0x10b: {  	v13 =	vor.u32 $0x9, v4;
	v17 =	vld.idx.msk [tilespmem:v9+s10+$0x0], $0xffff;
	[tilespmem:s22+$0x100] =	vst v16  }
0x10c: {  	v14 =	vld.idx.msk [tilespmem:v15+s10+$0x0], $0xffff;
	[tilespmem:s23+$0xFFFFFD70] =	vst v6;
	v6 =	vor.u32 $0xE, v7  }
0x10d: {  	v15 =	vor.u32 $0x1B, v1;
	v16 =	vld.idx.msk [tilespmem:v18+s10+$0x0], $0xffff  }
0x10e: {  	v18 =	vor.u32 $0x1C, v2;
	v10 =	vld.idx.msk [tilespmem:v10+s10+$0x0], $0xffff  }
0x10f: {  	[tilespmem:s22+$0xFFFFFD00] =	vst v11;
	v11 =	vor.u32 $0xD, v5;
	v9 =	vld.idx.msk [tilespmem:v3+s10+$0x0], $0xffff  }
0x110: {  	v19 =	vor.u32 $0xA, v8;
	v13 =	vld.idx.msk [tilespmem:v13+s10+$0x0], $0xffff;
	[tilespmem:s23+$0x1B0] =	vst v12  }
0x111: {  	[tilespmem:s21+$0xFFFFFF40] =	vst v17;
	v12 =	vor.u32 $0xA, v4;
	v6 =	vld.idx.msk [tilespmem:v6+s10+$0x0], $0xffff  }
0x112: {  	v15 =	vld.idx.msk [tilespmem:v15+s10+$0x0], $0xffff;
	[tilespmem:s21+$0x360] =	vst v14;
	v14 =	vor.u32 $0xF, v7  }
0x113: {  	v17 =	vld.idx.msk [tilespmem:v18+s10+$0x0], $0xffff;
	[tilespmem:s23+$0xFFFFFD90] =	vst v10;
	v10 =	vor.u32 $0x1C, v1  }
0x114: {  	[tilespmem:s22+$0x120] =	vst v16;
	v16 =	vor.u32 $0x1D, v2;
	v11 =	vld.idx.msk [tilespmem:v11+s10+$0x0], $0xffff  }
0x115: {  	v18 =	vld.idx.msk [tilespmem:v19+s10+$0x0], $0xffff;
	[tilespmem:s22+$0xFFFFFD20] =	vst v13;
	v13 =	vor.u32 $0xE, v5  }
0x116: {  	v19 =	vor.u32 $0xB, v8;
	v12 =	vld.idx.msk [tilespmem:v12+s10+$0x0], $0xffff;
	[tilespmem:s23+$0x1D0] =	vst v6  }
0x117: {  	[tilespmem:s21+$0xFFFFFF60] =	vst v15;
	v6 =	vld.idx.msk [tilespmem:v14+s10+$0x0], $0xffff;
	v14 =	vor.u32 $0xB, v4  }
0x118: {  	v15 =	vor.u32 $0x10, v7;
	v10 =	vld.idx.msk [tilespmem:v10+s10+$0x0], $0xffff;
	[tilespmem:s21+$0x380] =	vst v17  }
0x119: {  	v16 =	vld.idx.msk [tilespmem:v16+s10+$0x0], $0xffff;
	[tilespmem:s23+$0xFFFFFDB0] =	vst v11;
	v11 =	vor.u32 $0x1D, v1  }
0x11a: {  	[tilespmem:s22+$0x140] =	vst v18;
	v17 =	vor.u32 $0x1E, v2;
	v13 =	vld.idx.msk [tilespmem:v13+s10+$0x0], $0xffff  }
0x11b: {  	v18 =	vld.idx.msk [tilespmem:v19+s10+$0x0], $0xffff;
	[tilespmem:s22+$0xFFFFFD40] =	vst v12;
	v12 =	vor.u32 $0xF, v5  }
0x11c: {  	v19 =	vor.u32 $0xC, v8;
	v14 =	vld.idx.msk [tilespmem:v14+s10+$0x0], $0xffff;
	[tilespmem:s23+$0x1F0] =	vst v6  }
0x11d: {  	[tilespmem:s21+$0xFFFFFF80] =	vst v10;
	v10 =	vor.u32 $0xC, v4;
	v6 =	vld.idx.msk [tilespmem:v15+s10+$0x0], $0xffff  }
0x11e: {  	v11 =	vld.idx.msk [tilespmem:v11+s10+$0x0], $0xffff;
	[tilespmem:s21+$0x3A0] =	vst v16;
	v15 =	vor.u32 $0x11, v7  }
0x11f: {  	v16 =	vld.idx.msk [tilespmem:v17+s10+$0x0], $0xffff;
	[tilespmem:s23+$0xFFFFFDD0] =	vst v13;
	v13 =	vor.u32 $0x1E, v1  }
0x120: {  	v2 =	vor.u32 $0x1F, v2;
	[tilespmem:s22+$0x160] =	vst v18;
	v12 =	vld.idx.msk [tilespmem:v12+s10+$0x0], $0xffff  }
0x121: {  	v17 =	vld.idx.msk [tilespmem:v19+s10+$0x0], $0xffff;
	[tilespmem:s22+$0xFFFFFD60] =	vst v14;
	v14 =	vor.u32 $0x10, v5  }
0x122: {  	v18 =	vor.u32 $0xD, v8;
	v10 =	vld.idx.msk [tilespmem:v10+s10+$0x0], $0xffff;
	[tilespmem:s23+$0x210] =	vst v6  }
0x123: {  	s25 =	simm.s32 $0x1A3;
	[tilespmem:s21+$0xFFFFFFA0] =	vst v11;
	v11 =	vor.u32 $0xD, v4;
	v6 =	vld.idx.msk [tilespmem:v15+s10+$0x0], $0xffff  }
0x124: {  	[tilespmem:s21+$0x3C0] =	vst v16;
	v15 =	vmov s25;
	v16 =	vor.u32 $0x12, v7;
	v13 =	vld.idx.msk [tilespmem:v13+s10+$0x0], $0xffff  }
0x125: {  	v1 =	vor.u32 $0x1F, v1;
	v19 =	vld.idx.msk [tilespmem:v2+s10+$0x0], $0xffff;
	v2 =	vshll.u32 v15, $0x5;
	[tilespmem:s23+$0xFFFFFDF0] =	vst v12  }
0x126: {  	[tilespmem:s22+$0x180] =	vst v17;
	v2 =	vadd.s32 v0, v2;
	v12 =	vld.idx.msk [tilespmem:v14+s10+$0x0], $0xffff  }
0x127: {  	v14 =	vld.idx.msk [tilespmem:v18+s10+$0x0], $0xffff;
	[tilespmem:s22+$0xFFFFFD80] =	vst v10;
	v10 =	vor.u32 $0x11, v5  }
0x128: {  	s31 =	simm.s32 $0x1A2;
	v15 =	vor.u32 $0xE, v8;
	v11 =	vld.idx.msk [tilespmem:v11+s10+$0x0], $0xffff;
	[tilespmem:s23+$0x230] =	vst v6  }
0x129: {  	[tilespmem:s21+$0xFFFFFFC0] =	vst v13;
	v6 =	vld.idx.msk [tilespmem:v16+s10+$0x0], $0xffff;
	v13 =	vor.u32 $0xE, v4;
	v16 =	vmov s31  }
0x12a: {  	[tilespmem:s21+$0x3E0] =	vst v19;
	v17 =	vld.idx.msk [tilespmem:v1+s10+$0x0], $0xffff;
	v1 =	vshll.u32 v16, $0x5;
	v16 =	vor.u32 $0x13, v7  }
0x12b: {  	v18 =	vld.idx.msk [tilespmem:v2+s10+$0x0], $0xffff;
	[tilespmem:s23+$0xFFFFFE10] =	vst v12;
	v1 =	vadd.s32 v0, v1  }
0x12c: {  	[tilespmem:s22+$0x1A0] =	vst v14;
	v12 =	vor.u32 $0x1, v2;
	v10 =	vld.idx.msk [tilespmem:v10+s10+$0x0], $0xffff  }
0x12d: {  	v14 =	vld.idx.msk [tilespmem:v15+s10+$0x0], $0xffff;
	[tilespmem:s22+$0xFFFFFDA0] =	vst v11;
	v11 =	vor.u32 $0x12, v5  }
0x12e: {  	v15 =	vor.u32 $0xF, v8;
	v13 =	vld.idx.msk [tilespmem:v13+s10+$0x0], $0xffff;
	[tilespmem:s23+$0x250] =	vst v6  }
0x12f: {  	[tilespmem:s21+$0xFFFFFFE0] =	vst v17;
	v6 =	vld.idx.msk [tilespmem:v16+s10+$0x0], $0xffff;
	v16 =	vor.u32 $0xF, v4  }
0x130: {  	[tilespmem:s21+$0x10] =	vst v18;
	v18 =	vor.u32 $0x14, v7;
	v17 =	vld.idx.msk [tilespmem:v1+s10+$0x0], $0xffff  }
0x131: {  	v12 =	vld.idx.msk [tilespmem:v12+s10+$0x0], $0xffff;
	[tilespmem:s23+$0xFFFFFE30] =	vst v10;
	v10 =	vor.u32 $0x1, v1  }
0x132: {  	[tilespmem:s22+$0x1C0] =	vst v14;
	v14 =	vor.u32 $0x2, v2;
	v11 =	vld.idx.msk [tilespmem:v11+s10+$0x0], $0xffff  }
0x133: {  	v15 =	vld.idx.msk [tilespmem:v15+s10+$0x0], $0xffff;
	[tilespmem:s22+$0xFFFFFDC0] =	vst v13;
	v13 =	vor.u32 $0x13, v5  }
0x134: {  	v19 =	vor.u32 $0x10, v8;
	v16 =	vld.idx.msk [tilespmem:v16+s10+$0x0], $0xffff;
	[tilespmem:s23+$0x270] =	vst v6  }
0x135: {  	[tilespmem:s21+$0xFFFFFC10] =	vst v17;
	v6 =	vld.idx.msk [tilespmem:v18+s10+$0x0], $0xffff;
	v17 =	vor.u32 $0x10, v4  }
0x136: {  	[tilespmem:s21+$0x30] =	vst v12;
	v12 =	vor.u32 $0x15, v7;
	v10 =	vld.idx.msk [tilespmem:v10+s10+$0x0], $0xffff  }
0x137: {  	v14 =	vld.idx.msk [tilespmem:v14+s10+$0x0], $0xffff;
	[tilespmem:s23+$0xFFFFFE50] =	vst v11;
	v11 =	vor.u32 $0x2, v1  }
0x138: {  	[tilespmem:s22+$0x1E0] =	vst v15;
	v15 =	vor.u32 $0x3, v2;
	v13 =	vld.idx.msk [tilespmem:v13+s10+$0x0], $0xffff  }
0x139: {  	v18 =	vld.idx.msk [tilespmem:v19+s10+$0x0], $0xffff;
	[tilespmem:s22+$0xFFFFFDE0] =	vst v16;
	v16 =	vor.u32 $0x14, v5  }
0x13a: {  	v19 =	vor.u32 $0x11, v8;
	v17 =	vld.idx.msk [tilespmem:v17+s10+$0x0], $0xffff;
	[tilespmem:s23+$0x290] =	vst v6  }
0x13b: {  	[tilespmem:s21+$0xFFFFFC30] =	vst v10;
	v6 =	vld.idx.msk [tilespmem:v12+s10+$0x0], $0xffff;
	v10 =	vor.u32 $0x11, v4  }
0x13c: {  	[tilespmem:s21+$0x50] =	vst v14;
	v12 =	vor.u32 $0x16, v7;
	v11 =	vld.idx.msk [tilespmem:v11+s10+$0x0], $0xffff  }
0x13d: {  	v14 =	vld.idx.msk [tilespmem:v15+s10+$0x0], $0xffff;
	[tilespmem:s23+$0xFFFFFE70] =	vst v13;
	v13 =	vor.u32 $0x3, v1  }
0x13e: {  	s26 =	simm.s32 $0x7;
	[tilespmem:s22+$0x200] =	vst v18;
	v15 =	vld.idx.msk [tilespmem:v16+s10+$0x0], $0xffff;
	v16 =	vor.u32 $0x4, v2  }
0x13f: {  	v18 =	vld.idx.msk [tilespmem:v19+s10+$0x0], $0xffff;
	v19 =	vmov s26;
	[tilespmem:s22+$0xFFFFFE00] =	vst v17;
	v17 =	vor.u32 $0x15, v5  }
0x140: {  	v20 =	vor.u32 $0x12, v8;
	v10 =	vld.idx.msk [tilespmem:v10+s10+$0x0], $0xffff;
	[tilespmem:s23+$0x2B0] =	vst v6;
	v6 =	vshll.u32 v19, $0x5  }
0x141: {  	[tilespmem:s21+$0xFFFFFC50] =	vst v11;
	v11 =	vld.idx.msk [tilespmem:v12+s10+$0x0], $0xffff;
	v6 =	vadd.s32 v0, v6  }
0x142: {  	[tilespmem:s21+$0x70] =	vst v14;
	v12 =	vld.idx.msk [tilespmem:v13+s10+$0x0], $0xffff;
	v13 =	vor.u32 $0x17, v7  }
0x143: {  	v14 =	vld.idx.msk [tilespmem:v16+s10+$0x0], $0xffff;
	[tilespmem:s23+$0xFFFFFE90] =	vst v15;
	v15 =	vor.u32 $0x12, v4  }
0x144: {  	s28 =	simm.s32 $0x12000;
	[tilespmem:s22+$0x220] =	vst v18;
	v16 =	vld.idx.msk [tilespmem:v17+s10+$0x0], $0xffff;
	v17 =	vor.u32 $0x5, v2  }
0x145: {  	[tilespmem:s28+$0xFFFFFC00] =	vst v9;
	v19 =	vor.u32 $0x4, v1;
	v18 =	vld.idx.msk [tilespmem:v20+s10+$0x0], $0xffff  }
0x146: {  	v21 =	vor.u32 $0x13, v8;
	v20 =	vld.idx.msk [tilespmem:v6+s10+$0x0], $0xffff;
	[tilespmem:s23+$0x2D0] =	vst v11  }
0x147: {  	[tilespmem:s22+$0xFFFFFE20] =	vst v10;
	v10 =	vor.u32 $0x16, v5;
	v11 =	vld.idx.msk [tilespmem:v13+s10+$0x0], $0xffff  }
0x148: {  	v13 =	vor.u32 $0x1, v6;
	v15 =	vld.idx.msk [tilespmem:v15+s10+$0x0], $0xffff;
	[tilespmem:s21+$0x90] =	vst v14  }
0x149: {  	[tilespmem:s21+$0xFFFFFC70] =	vst v12;
	v14 =	vor.u32 $0x18, v7;
	v12 =	vld.idx.msk [tilespmem:v17+s10+$0x0], $0xffff  }
0x14a: {  	v17 =	vor.u32 $0x1, v3;
	[tilespmem:s22+$0x240] =	vst v18;
	v18 =	vld.idx.msk [tilespmem:v19+s10+$0x0], $0xffff  }
0x14b: {  	[tilespmem:s23+$0xFFFFFEB0] =	vst v16;
	v19 =	vor.u32 $0x6, v2;
	v16 =	vld.idx.msk [tilespmem:v21+s10+$0x0], $0xffff  }
0x14c: {  	v9 =	vor.u32 $0x5, v1;
	v10 =	vld.idx.msk [tilespmem:v10+s10+$0x0], $0xffff;
	[tilespmem:s28+$0x0] =	vst v20  }
0x14d: {  	v20 =	vor.u32 $0x13, v4;
	v13 =	vld.idx.msk [tilespmem:v13+s10+$0x0], $0xffff;
	[tilespmem:s23+$0x2F0] =	vst v11  }
0x14e: {  	v21 =	vor.u32 $0x14, v8;
	v11 =	vld.idx.msk [tilespmem:v14+s10+$0x0], $0xffff;
	[tilespmem:s22+$0xFFFFFE40] =	vst v15  }
0x14f: {  	v14 =	vld.idx.msk [tilespmem:v17+s10+$0x0], $0xffff;
	v17 =	vor.u32 $0x2, v6;
	[tilespmem:s21+$0xB0] =	vst v12  }
0x150: {  	v15 =	vor.u32 $0x19, v7;
	[tilespmem:s21+$0xFFFFFC90] =	vst v18;
	v12 =	vld.idx.msk [tilespmem:v19+s10+$0x0], $0xffff  }
0x151: {  	v19 =	vor.u32 $0x2, v3;
	[tilespmem:s22+$0x260] =	vst v16;
	v9 =	vld.idx.msk [tilespmem:v9+s10+$0x0], $0xffff  }
0x152: {  	v18 =	vor.u32 $0x7, v2;
	[tilespmem:s23+$0xFFFFFED0] =	vst v10;
	v20 =	vld.idx.msk [tilespmem:v20+s10+$0x0], $0xffff  }
0x153: {  	v16 =	vld.idx.msk [tilespmem:v21+s10+$0x0], $0xffff;
	[tilespmem:s28+$0x20] =	vst v13;
	v13 =	vor.u32 $0x14, v4  }
0x154: {  	v21 =	vor.u32 $0x15, v8;
	[tilespmem:s23+$0x310] =	vst v11;
	v17 =	vld.idx.msk [tilespmem:v17+s10+$0x0], $0xffff  }
0x155: {  	v11 =	vor.u32 $0x6, v1;
	[tilespmem:s28+$0xFFFFFC20] =	vst v14;
	v14 =	vld.idx.msk [tilespmem:v15+s10+$0x0], $0xffff  }
0x156: {  	v15 =	vld.idx.msk [tilespmem:v19+s10+$0x0], $0xffff;
	v19 =	vor.u32 $0x3, v6;
	[tilespmem:s21+$0xD0] =	vst v12  }
0x157: {  	[tilespmem:s22+$0xFFFFFE60] =	vst v20;
	v12 =	vld.idx.msk [tilespmem:v18+s10+$0x0], $0xffff;
	v18 =	vor.u32 $0x1A, v7  }
0x158: {  	v20 =	vor.u32 $0x3, v3;
	[tilespmem:s22+$0x280] =	vst v16;
	v13 =	vld.idx.msk [tilespmem:v13+s10+$0x0], $0xffff  }
0x159: {  	[tilespmem:s21+$0xFFFFFCB0] =	vst v9;
	v9 =	vor.u32 $0x8, v2;
	v16 =	vld.idx.msk [tilespmem:v21+s10+$0x0], $0xffff  }
0x15a: {  	v21 =	vor.u32 $0x16, v8;
	v11 =	vld.idx.msk [tilespmem:v11+s10+$0x0], $0xffff;
	[tilespmem:s28+$0x40] =	vst v17  }
0x15b: {  	v17 =	vor.u32 $0x15, v4;
	[tilespmem:s23+$0x330] =	vst v14;
	v19 =	vld.idx.msk [tilespmem:v19+s10+$0x0], $0xffff  }
0x15c: {  	v14 =	vor.u32 $0x7, v1;
	[tilespmem:s28+$0xFFFFFC40] =	vst v15;
	v15 =	vld.idx.msk [tilespmem:v18+s10+$0x0], $0xffff  }
0x15d: {  	v18 =	vld.idx.msk [tilespmem:v20+s10+$0x0], $0xffff;
	v20 =	vor.u32 $0x4, v6;
	[tilespmem:s21+$0xF0] =	vst v12  }
0x15e: {  	v12 =	vor.u32 $0x1B, v7;
	v9 =	vld.idx.msk [tilespmem:v9+s10+$0x0], $0xffff;
	[tilespmem:s22+$0x2A0] =	vst v16  }
0x15f: {  	[tilespmem:s22+$0xFFFFFE80] =	vst v13;
	v13 =	vor.u32 $0x4, v3;
	v16 =	vld.idx.msk [tilespmem:v21+s10+$0x0], $0xffff  }
0x160: {  	[tilespmem:s21+$0xFFFFFCD0] =	vst v11;
	v11 =	vor.u32 $0x9, v2;
	v17 =	vld.idx.msk [tilespmem:v17+s10+$0x0], $0xffff  }
0x161: {  	v21 =	vor.u32 $0x17, v8;
	v14 =	vld.idx.msk [tilespmem:v14+s10+$0x0], $0xffff;
	[tilespmem:s28+$0x60] =	vst v19  }
0x162: {  	v19 =	vor.u32 $0x16, v4;
	v20 =	vld.idx.msk [tilespmem:v20+s10+$0x0], $0xffff;
	[tilespmem:s23+$0x350] =	vst v15  }
0x163: {  	[tilespmem:s28+$0xFFFFFC60] =	vst v18;
	v15 =	vor.u32 $0x8, v1;
	v12 =	vld.idx.msk [tilespmem:v12+s10+$0x0], $0xffff  }
0x164: {  	v18 =	vor.u32 $0x5, v6;
	v13 =	vld.idx.msk [tilespmem:v13+s10+$0x0], $0xffff;
	[tilespmem:s21+$0x110] =	vst v9  }
0x165: {  	v9 =	vld.idx.msk [tilespmem:v11+s10+$0x0], $0xffff;
	v11 =	vor.u32 $0x1C, v7;
	[tilespmem:s22+$0x2C0] =	vst v16  }
0x166: {  	[tilespmem:s22+$0xFFFFFEA0] =	vst v17;
	v17 =	vor.u32 $0x5, v3;
	v16 =	vld.idx.msk [tilespmem:v21+s10+$0x0], $0xffff  }
0x167: {  	[tilespmem:s21+$0xFFFFFCF0] =	vst v14;
	v14 =	vor.u32 $0xA, v2;
	v19 =	vld.idx.msk [tilespmem:v19+s10+$0x0], $0xffff  }
0x168: {  	v21 =	vor.u32 $0x18, v8;
	[tilespmem:s28+$0x80] =	vst v20;
	v15 =	vld.idx.msk [tilespmem:v15+s10+$0x0], $0xffff  }
0x169: {  	v20 =	vor.u32 $0x17, v4;
	v18 =	vld.idx.msk [tilespmem:v18+s10+$0x0], $0xffff;
	[tilespmem:s23+$0x370] =	vst v12  }
0x16a: {  	[tilespmem:s28+$0xFFFFFC80] =	vst v13;
	v12 =	vor.u32 $0x9, v1;
	v11 =	vld.idx.msk [tilespmem:v11+s10+$0x0], $0xffff  }
0x16b: {  	[tilespmem:s21+$0x130] =	vst v9;
	v13 =	vld.idx.msk [tilespmem:v17+s10+$0x0], $0xffff;
	v17 =	vor.u32 $0x6, v6  }
0x16c: {  	v9 =	vld.idx.msk [tilespmem:v14+s10+$0x0], $0xffff;
	v14 =	vor.u32 $0x1D, v7;
	[tilespmem:s22+$0x2E0] =	vst v16  }
0x16d: {  	[tilespmem:s22+$0xFFFFFEC0] =	vst v19;
	v19 =	vor.u32 $0x6, v3;
	v16 =	vld.idx.msk [tilespmem:v21+s10+$0x0], $0xffff  }
0x16e: {  	v20 =	vld.idx.msk [tilespmem:v20+s10+$0x0], $0xffff;
	[tilespmem:s21+$0xFFFFFD10] =	vst v15;
	v15 =	vor.u32 $0xB, v2  }
0x16f: {  	v21 =	vor.u32 $0x19, v8;
	[tilespmem:s28+$0xA0] =	vst v18;
	v12 =	vld.idx.msk [tilespmem:v12+s10+$0x0], $0xffff  }
0x170: {  	v18 =	vor.u32 $0x18, v4;
	[tilespmem:s23+$0x390] =	vst v11;
	v17 =	vld.idx.msk [tilespmem:v17+s10+$0x0], $0xffff  }
0x171: {  	v11 =	vor.u32 $0xA, v1;
	[tilespmem:s28+$0xFFFFFCA0] =	vst v13;
	v13 =	vld.idx.msk [tilespmem:v14+s10+$0x0], $0xffff  }
0x172: {  	[tilespmem:s21+$0x150] =	vst v9;
	v14 =	vld.idx.msk [tilespmem:v19+s10+$0x0], $0xffff;
	v19 =	vor.u32 $0x7, v6  }
0x173: {  	[tilespmem:s22+$0x300] =	vst v16;
	v9 =	vld.idx.msk [tilespmem:v15+s10+$0x0], $0xffff;
	v15 =	vor.u32 $0x1E, v7  }
0x174: {  	[tilespmem:s22+$0xFFFFFEE0] =	vst v20;
	v20 =	vor.u32 $0x7, v3;
	v16 =	vld.idx.msk [tilespmem:v21+s10+$0x0], $0xffff  }
0x175: {  	v18 =	vld.idx.msk [tilespmem:v18+s10+$0x0], $0xffff;
	[tilespmem:s21+$0xFFFFFD30] =	vst v12;
	v12 =	vor.u32 $0xC, v2  }
0x176: {  	v21 =	vor.u32 $0x1A, v8;
	v11 =	vld.idx.msk [tilespmem:v11+s10+$0x0], $0xffff;
	[tilespmem:s28+$0xC0] =	vst v17  }
0x177: {  	v17 =	vor.u32 $0x19, v4;
	[tilespmem:s23+$0x3B0] =	vst v13;
	v19 =	vld.idx.msk [tilespmem:v19+s10+$0x0], $0xffff  }
0x178: {  	v13 =	vor.u32 $0xB, v1;
	[tilespmem:s28+$0xFFFFFCC0] =	vst v14;
	v14 =	vld.idx.msk [tilespmem:v15+s10+$0x0], $0xffff  }
0x179: {  	v15 =	vld.idx.msk [tilespmem:v20+s10+$0x0], $0xffff;
	v20 =	vor.u32 $0x8, v6;
	[tilespmem:s21+$0x170] =	vst v9  }
0x17a: {  	v7 =	vor.u32 $0x1F, v7;
	[tilespmem:s22+$0x320] =	vst v16;
	v9 =	vld.idx.msk [tilespmem:v12+s10+$0x0], $0xffff  }
0x17b: {  	[tilespmem:s22+$0xFFFFFF00] =	vst v18;
	v12 =	vor.u32 $0x8, v3;
	v16 =	vld.idx.msk [tilespmem:v21+s10+$0x0], $0xffff  }
0x17c: {  	[tilespmem:s21+$0xFFFFFD50] =	vst v11;
	v11 =	vor.u32 $0xD, v2;
	v17 =	vld.idx.msk [tilespmem:v17+s10+$0x0], $0xffff  }
0x17d: {  	v18 =	vor.u32 $0x1A, v4;
	v13 =	vld.idx.msk [tilespmem:v13+s10+$0x0], $0xffff;
	[tilespmem:s28+$0xE0] =	vst v19  }
0x17e: {  	s26 =	simm.s32 $0x8;
	v19 =	vld.idx.msk [tilespmem:v20+s10+$0x0], $0xffff;
	v20 =	vor.u32 $0x1B, v8;
	[tilespmem:s23+$0x3D0] =	vst v14  }
0x17f: {  	v14 =	vmov s26;
	[tilespmem:s28+$0xFFFFFCE0] =	vst v15;
	v15 =	vor.u32 $0xC, v1;
	v21 =	vld.idx.msk [tilespmem:v7+s10+$0x0], $0xffff  }
0x180: {  	v7 =	vshll.u32 v14, $0x5;
	v12 =	vld.idx.msk [tilespmem:v12+s10+$0x0], $0xffff;
	v14 =	vor.u32 $0x9, v6;
	[tilespmem:s21+$0x190] =	vst v9  }
0x181: {  	v7 =	vadd.s32 v0, v7;
	v11 =	vld.idx.msk [tilespmem:v11+s10+$0x0], $0xffff;
	[tilespmem:s22+$0xFFFFFF20] =	vst v17  }
0x182: {  	[tilespmem:s22+$0x340] =	vst v16;
	v17 =	vor.u32 $0x9, v3;
	v18 =	vld.idx.msk [tilespmem:v18+s10+$0x0], $0xffff  }
0x183: {  	[tilespmem:s21+$0xFFFFFD70] =	vst v13;
	v13 =	vor.u32 $0xE, v2;
	v16 =	vld.idx.msk [tilespmem:v20+s10+$0x0], $0xffff  }
0x184: {  	[tilespmem:s28+$0x100] =	vst v19;
	v19 =	vor.u32 $0x1B, v4;
	v15 =	vld.idx.msk [tilespmem:v15+s10+$0x0], $0xffff  }
0x185: {  	v20 =	vor.u32 $0x1C, v8;
	v14 =	vld.idx.msk [tilespmem:v14+s10+$0x0], $0xffff;
	[tilespmem:s23+$0x3F0] =	vst v21  }
0x186: {  	[tilespmem:s28+$0xFFFFFD00] =	vst v12;
	v12 =	vor.u32 $0xD, v1;
	v9 =	vld.idx.msk [tilespmem:v7+s10+$0x0], $0xffff  }
0x187: {  	v21 =	vor.u32 $0xA, v6;
	[tilespmem:s21+$0x1B0] =	vst v11;
	v17 =	vld.idx.msk [tilespmem:v17+s10+$0x0], $0xffff  }
0x188: {  	v11 =	vld.idx.msk [tilespmem:v13+s10+$0x0], $0xffff;
	v13 =	vor.u32 $0x17, v5;
	[tilespmem:s22+$0xFFFFFF40] =	vst v18  }
0x189: {  	v18 =	vor.u32 $0xA, v3;
	v19 =	vld.idx.msk [tilespmem:v19+s10+$0x0], $0xffff;
	[tilespmem:s22+$0x360] =	vst v16  }
0x18a: {  	[tilespmem:s21+$0xFFFFFD90] =	vst v15;
	v15 =	vor.u32 $0xF, v2;
	v16 =	vld.idx.msk [tilespmem:v20+s10+$0x0], $0xffff  }
0x18b: {  	[tilespmem:s28+$0x120] =	vst v14;
	v14 =	vor.u32 $0x1C, v4;
	v12 =	vld.idx.msk [tilespmem:v12+s10+$0x0], $0xffff  }
0x18c: {  	v20 =	vld.idx.msk [tilespmem:v21+s10+$0x0], $0xffff;
	v21 =	vor.u32 $0x1D, v8;
	[tilespmem:s28+$0xFFFFFD20] =	vst v17  }
0x18d: {  	v10 =	vor.u32 $0xE, v1;
	v13 =	vld.idx.msk [tilespmem:v13+s10+$0x0], $0xffff;
	[tilespmem:s21+$0x1D0] =	vst v11  }
0x18e: {  	v17 =	vld.idx.msk [tilespmem:v18+s10+$0x0], $0xffff;
	v18 =	vor.u32 $0xB, v6;
	[tilespmem:s22+$0xFFFFFF60] =	vst v19  }
0x18f: {  	v11 =	vld.idx.msk [tilespmem:v15+s10+$0x0], $0xffff;
	v15 =	vor.u32 $0x18, v5;
	[tilespmem:s22+$0x380] =	vst v16  }
0x190: {  	v19 =	vor.u32 $0xB, v3;
	v14 =	vld.idx.msk [tilespmem:v14+s10+$0x0], $0xffff;
	[tilespmem:s21+$0xFFFFFDB0] =	vst v12  }
0x191: {  	v12 =	vor.u32 $0x10, v2;
	v16 =	vld.idx.msk [tilespmem:v21+s10+$0x0], $0xffff;
	[tilespmem:s28+$0x140] =	vst v20  }
0x192: {  	v20 =	vor.u32 $0x1D, v4;
	v10 =	vld.idx.msk [tilespmem:v10+s10+$0x0], $0xffff;
	[tilespmem:s23+$0xFFFFFEF0] =	vst v13  }
0x193: {  	v21 =	vor.u32 $0x1E, v8;
	v18 =	vld.idx.msk [tilespmem:v18+s10+$0x0], $0xffff;
	[tilespmem:s28+$0xFFFFFD40] =	vst v17  }
0x194: {  	v13 =	vor.u32 $0xF, v1;
	v15 =	vld.idx.msk [tilespmem:v15+s10+$0x0], $0xffff;
	[tilespmem:s21+$0x1F0] =	vst v11  }
0x195: {  	v17 =	vld.idx.msk [tilespmem:v19+s10+$0x0], $0xffff;
	v19 =	vor.u32 $0xC, v6;
	[tilespmem:s22+$0xFFFFFF80] =	vst v14  }
0x196: {  	v11 =	vld.idx.msk [tilespmem:v12+s10+$0x0], $0xffff;
	v12 =	vor.u32 $0x19, v5;
	[tilespmem:s22+$0x3A0] =	vst v16  }
0x197: {  	v14 =	vor.u32 $0xC, v3;
	v20 =	vld.idx.msk [tilespmem:v20+s10+$0x0], $0xffff;
	[tilespmem:s21+$0xFFFFFDD0] =	vst v10  }
0x198: {  	v10 =	vor.u32 $0x11, v2;
	v16 =	vld.idx.msk [tilespmem:v21+s10+$0x0], $0xffff;
	[tilespmem:s28+$0x160] =	vst v18  }
0x199: {  	v13 =	vld.idx.msk [tilespmem:v13+s10+$0x0], $0xffff;
	v18 =	vor.u32 $0x1E, v4;
	[tilespmem:s23+$0xFFFFFF10] =	vst v15  }
0x19a: {  	v8 =	vor.u32 $0x1F, v8;
	v19 =	vld.idx.msk [tilespmem:v19+s10+$0x0], $0xffff;
	[tilespmem:s28+$0xFFFFFD60] =	vst v17  }
0x19b: {  	v15 =	vor.u32 $0x10, v1;
	v12 =	vld.idx.msk [tilespmem:v12+s10+$0x0], $0xffff;
	[tilespmem:s21+$0x210] =	vst v11  }
0x19c: {  	v17 =	vor.u32 $0xD, v6;
	v14 =	vld.idx.msk [tilespmem:v14+s10+$0x0], $0xffff;
	[tilespmem:s22+$0xFFFFFFA0] =	vst v20  }
0x19d: {  	v11 =	vor.u32 $0x1A, v5;
	v10 =	vld.idx.msk [tilespmem:v10+s10+$0x0], $0xffff;
	[tilespmem:s22+$0x3C0] =	vst v16  }
0x19e: {  	s31 =	simm.s32 $0x1A5;
	v20 =	vor.u32 $0xD, v3;
	[tilespmem:s21+$0xFFFFFDF0] =	vst v13;
	v18 =	vld.idx.msk [tilespmem:v18+s10+$0x0], $0xffff  }
0x19f: {  	v16 =	vmov s31;
	v13 =	vor.u32 $0x12, v2;
	v8 =	vld.idx.msk [tilespmem:v8+s10+$0x0], $0xffff;
	[tilespmem:s28+$0x180] =	vst v19  }
0x1a0: {  	v19 =	vor.u32 $0x1F, v4;
	v4 =	vshll.u32 v16, $0x5;
	v15 =	vld.idx.msk [tilespmem:v15+s10+$0x0], $0xffff;
	[tilespmem:s23+$0xFFFFFF30] =	vst v12  }
0x1a1: {  	v16 =	vld.idx.msk [tilespmem:v17+s10+$0x0], $0xffff;
	v4 =	vadd.s32 v0, v4;
	[tilespmem:s28+$0xFFFFFD80] =	vst v14  }
0x1a2: {  	v12 =	vor.u32 $0x11, v1;
	v11 =	vld.idx.msk [tilespmem:v11+s10+$0x0], $0xffff;
	[tilespmem:s21+$0x230] =	vst v10  }
0x1a3: {  	v17 =	vor.u32 $0xE, v6;
	v14 =	vld.idx.msk [tilespmem:v20+s10+$0x0], $0xffff;
	[tilespmem:s22+$0xFFFFFFC0] =	vst v18  }
0x1a4: {  	s31 =	simm.s32 $0x1A4;
	v10 =	vld.idx.msk [tilespmem:v13+s10+$0x0], $0xffff;
	v13 =	vor.u32 $0x1B, v5;
	[tilespmem:s22+$0x3E0] =	vst v8  }
0x1a5: {  	v20 =	vmov s31;
	v18 =	vor.u32 $0xE, v3;
	v19 =	vld.idx.msk [tilespmem:v19+s10+$0x0], $0xffff;
	[tilespmem:s21+$0xFFFFFE10] =	vst v15  }
0x1a6: {  	v8 =	vshll.u32 v20, $0x5;
	v15 =	vor.u32 $0x13, v2;
	v20 =	vld.idx.msk [tilespmem:v4+s10+$0x0], $0xffff;
	[tilespmem:s28+$0x1A0] =	vst v16  }
0x1a7: {  	v8 =	vadd.s32 v0, v8;
	v12 =	vld.idx.msk [tilespmem:v12+s10+$0x0], $0xffff;
	[tilespmem:s23+$0xFFFFFF50] =	vst v11  }
0x1a8: {  	v16 =	vld.idx.msk [tilespmem:v17+s10+$0x0], $0xffff;
	v17 =	vor.u32 $0x1, v4;
	[tilespmem:s28+$0xFFFFFDA0] =	vst v14  }
0x1a9: {  	v11 =	vor.u32 $0x12, v1;
	v13 =	vld.idx.msk [tilespmem:v13+s10+$0x0], $0xffff;
	[tilespmem:s21+$0x250] =	vst v10  }
0x1aa: {  	v14 =	vld.idx.msk [tilespmem:v18+s10+$0x0], $0xffff;
	v18 =	vor.u32 $0xF, v6;
	[tilespmem:s22+$0xFFFFFFE0] =	vst v19  }
0x1ab: {  	v10 =	vld.idx.msk [tilespmem:v15+s10+$0x0], $0xffff;
	v15 =	vor.u32 $0x1C, v5;
	[tilespmem:s22+$0x10] =	vst v20  }
0x1ac: {  	v19 =	vor.u32 $0xF, v3;
	v21 =	vld.idx.msk [tilespmem:v8+s10+$0x0], $0xffff;
	[tilespmem:s21+$0xFFFFFE30] =	vst v12  }
0x1ad: {  	v12 =	vor.u32 $0x14, v2;
	v17 =	vld.idx.msk [tilespmem:v17+s10+$0x0], $0xffff;
	[tilespmem:s28+$0x1C0] =	vst v16  }
0x1ae: {  	v16 =	vor.u32 $0x1, v8;
	v11 =	vld.idx.msk [tilespmem:v11+s10+$0x0], $0xffff;
	[tilespmem:s23+$0xFFFFFF70] =	vst v13  }
0x1af: {  	v20 =	vor.u32 $0x2, v4;
	v18 =	vld.idx.msk [tilespmem:v18+s10+$0x0], $0xffff;
	[tilespmem:s28+$0xFFFFFDC0] =	vst v14  }
0x1b0: {  	v13 =	vor.u32 $0x13, v1;
	v14 =	vld.idx.msk [tilespmem:v15+s10+$0x0], $0xffff;
	[tilespmem:s21+$0x270] =	vst v10  }
0x1b1: {  	v15 =	vld.idx.msk [tilespmem:v19+s10+$0x0], $0xffff;
	v19 =	vor.u32 $0x10, v6;
	[tilespmem:s22+$0xFFFFFC10] =	vst v21  }
0x1b2: {  	v10 =	vld.idx.msk [tilespmem:v12+s10+$0x0], $0xffff;
	v12 =	vor.u32 $0x1D, v5;
	[tilespmem:s22+$0x30] =	vst v17  }
0x1b3: {  	v21 =	vor.u32 $0x10, v3;
	v16 =	vld.idx.msk [tilespmem:v16+s10+$0x0], $0xffff;
	[tilespmem:s21+$0xFFFFFE50] =	vst v11  }
0x1b4: {  	v11 =	vor.u32 $0x15, v2;
	v17 =	vld.idx.msk [tilespmem:v20+s10+$0x0], $0xffff;
	[tilespmem:s28+$0x1E0] =	vst v18  }
0x1b5: {  	v20 =	vld.idx.msk [tilespmem:v13+s10+$0x0], $0xffff;
	v18 =	vor.u32 $0x2, v8;
	[tilespmem:s23+$0xFFFFFF90] =	vst v14  }
0x1b6: {  	v22 =	vor.u32 $0x3, v4;
	v19 =	vld.idx.msk [tilespmem:v19+s10+$0x0], $0xffff;
	[tilespmem:s28+$0xFFFFFDE0] =	vst v15  }
0x1b7: {  	v15 =	vor.u32 $0x14, v1;
	v23 =	vld.idx.msk [tilespmem:v12+s10+$0x0], $0xffff;
	[tilespmem:s21+$0x290] =	vst v10  }
0x1b8: {  	v24 =	vor.u32 $0x11, v6;
	v21 =	vld.idx.msk [tilespmem:v21+s10+$0x0], $0xffff;
	[tilespmem:s22+$0xFFFFFC30] =	vst v16  }
0x1b9: {  	v25 =	vor.u32 $0x1E, v5;
	v13 =	vld.idx.msk [tilespmem:v11+s10+$0x0], $0xffff;
	[tilespmem:s22+$0x50] =	vst v17  }
0x1ba: {  	[tilespmem:s21+$0xFFFFFE70] =	vst v20;
	v20 =	vor.u32 $0x11, v3;
	v14 =	vld.idx.msk [tilespmem:v18+s10+$0x0], $0xffff  }
0x1bb: {  	v10 =	vld.idx.msk [tilespmem:v22+s10+$0x0], $0xffff;
	[tilespmem:s28+$0x200] =	vst v19;
	v19 =	vor.u32 $0x16, v2  }
0x1bc: {  	v17 =	vor.u32 $0x3, v8;
	v12 =	vld.idx.msk [tilespmem:v15+s10+$0x0], $0xffff  }
0x1bd: {  	v18 =	vor.u32 $0x4, v4;
	v11 =	vld.idx.msk [tilespmem:v24+s10+$0x0], $0xffff;
	[tilespmem:s23+$0xFFFFFFB0] =	vst v23  }
0x1be: {  	s30 =	simm.s32 $0x9;
	s29 =	simm.s32 $0xA;
	s25 =	simm.s32 $0x12000;
	v16 =	vor.u32 $0x15, v1;
	[tilespmem:s28+$0xFFFFFE00] =	vst v21;
	v15 =	vld.idx.msk [tilespmem:v25+s10+$0x0], $0xffff  }
.LBB2_3:
0x1bf: {  	p1 =	slt.u32 s29, $0x18;
	v21 =	vmov s30;
	v20 =	vld.idx.msk [tilespmem:v20+s10+$0x0], $0xffff;
	v22 =	vor.u32 $0x12, v6;
	[tilespmem:s21+$0x2B0] =	vst v13  }
0x1c0: {  	v13 =	vshll.u32 v21, $0x5;
	[tilespmem:s22+$0xFFFFFC50] =	vst v14;
	v14 =	vld.idx.msk [tilespmem:v19+s10+$0x0], $0xffff;
	v19 =	vor.u32 $0x1F, v5;
	v5 =	vmovc v1;
	v1 =	vmov v8  }
0x1c1: {  	v8 =	vadd.s32 v0, v13;
	v13 =	vld.idx.msk [tilespmem:v17+s10+$0x0], $0xffff;
	[tilespmem:s22+$0x70] =	vst v10  }
0x1c2: {  	v10 =	vld.idx.msk [tilespmem:v18+s10+$0x0], $0xffff;
	[tilespmem:s21+$0xFFFFFE90] =	vst v12;
	v12 =	vor.u32 $0x17, v2  }
0x1c3: {  	v17 =	vor.u32 $0x12, v3;
	[tilespmem:s28+$0x220] =	vst v11;
	v11 =	vld.idx.msk [tilespmem:v16+s10+$0x0], $0xffff  }
0x1c4: {  	v18 =	vor.u32 $0x5, v4;
	v16 =	vld.idx.msk [tilespmem:v22+s10+$0x0], $0xffff;
	[tilespmem:s23+$0xFFFFFFD0] =	vst v15  }
0x1c5: {  	v15 =	vor.u32 $0x4, v1;
	[tilespmem:s28+$0xFFFFFE20] =	vst v20;
	v19 =	vld.idx.msk [tilespmem:v19+s10+$0x0], $0xffff  }
0x1c6: {  	v21 =	vor.u32 $0x13, v6;
	v20 =	vld.idx.msk [tilespmem:v8+s10+$0x0], $0xffff;
	[tilespmem:s21+$0x2D0] =	vst v14  }
0x1c7: {  	[tilespmem:s22+$0xFFFFFC70] =	vst v13;
	v13 =	vor.u32 $0x16, v5;
	v12 =	vld.idx.msk [tilespmem:v12+s10+$0x0], $0xffff  }
0x1c8: {  	v14 =	vor.u32 $0x1, v8;
	v17 =	vld.idx.msk [tilespmem:v17+s10+$0x0], $0xffff;
	[tilespmem:s22+$0x90] =	vst v10  }
0x1c9: {  	v18 =	vld.idx.msk [tilespmem:v18+s10+$0x0], $0xffff;
	[tilespmem:s21+$0xFFFFFEB0] =	vst v11;
	v11 =	vor.u32 $0x18, v2  }
0x1ca: {  	v22 =	vor.u32 $0x1, v7;
	[tilespmem:s28+$0x240] =	vst v16;
	v15 =	vld.idx.msk [tilespmem:v15+s10+$0x0], $0xffff  }
0x1cb: {  	s28 =	sadd.s32 $0x800, s28;
	v16 =	vld.idx.msk [tilespmem:v21+s10+$0x0], $0xffff;
	v21 =	vor.u32 $0x6, v4;
	[tilespmem:s23+$0xFFFFFFF0] =	vst v19;
	s23 =	smov.u32 s21;
	s21 =	smov.u32 s22  }
0x1cc: {  	v19 =	vor.u32 $0x13, v3;
	s22 =	smov.u32 s25;
	s25 =	smov.u32 s28;
	[tilespmem:s28+$0x0] =	vst v20;
	v10 =	vld.idx.msk [tilespmem:v13+s10+$0x0], $0xffff  }
0x1cd: {  	v13 =	vld.idx.msk [tilespmem:v14+s10+$0x0], $0xffff;
	v14 =	vor.u32 $0x14, v6;
	[tilespmem:s23+$0x2F0] =	vst v12  }
0x1ce: {  	[tilespmem:s28+$0xFFFFFC00] =	vst v9;
	v9 =	vor.u32 $0x5, v1;
	v11 =	vld.idx.msk [tilespmem:v11+s10+$0x0], $0xffff  }
0x1cf: {  	v20 =	vor.u32 $0x2, v8;
	v12 =	vld.idx.msk [tilespmem:v22+s10+$0x0], $0xffff;
	[tilespmem:s21+$0xB0] =	vst v18  }
0x1d0: {  	v18 =	vor.u32 $0x19, v2;
	[tilespmem:s22+$0xFFFFFE40] =	vst v17;
	v17 =	vld.idx.msk [tilespmem:v21+s10+$0x0], $0xffff  }
0x1d1: {  	v21 =	vor.u32 $0x2, v7;
	v19 =	vld.idx.msk [tilespmem:v19+s10+$0x0], $0xffff;
	[tilespmem:s22+$0x260] =	vst v16  }
0x1d2: {  	v14 =	vld.idx.msk [tilespmem:v14+s10+$0x0], $0xffff;
	[tilespmem:s21+$0xFFFFFC90] =	vst v15;
	v15 =	vor.u32 $0x7, v4  }
0x1d3: {  	[tilespmem:s28+$0x20] =	vst v13;
	v13 =	vor.u32 $0x14, v3;
	v9 =	vld.idx.msk [tilespmem:v9+s10+$0x0], $0xffff  }
0x1d4: {  	v16 =	vld.idx.msk [tilespmem:v20+s10+$0x0], $0xffff;
	v20 =	vor.u32 $0x15, v6;
	[tilespmem:s23+$0x310] =	vst v11  }
0x1d5: {  	v11 =	vor.u32 $0x6, v1;
	[tilespmem:s28+$0xFFFFFC20] =	vst v12;
	v12 =	vld.idx.msk [tilespmem:v18+s10+$0x0], $0xffff  }
0x1d6: {  	v18 =	vld.idx.msk [tilespmem:v21+s10+$0x0], $0xffff;
	v21 =	vor.u32 $0x3, v8;
	[tilespmem:s21+$0xD0] =	vst v17  }
0x1d7: {  	v17 =	vor.u32 $0x1A, v2;
	[tilespmem:s22+$0xFFFFFE60] =	vst v19;
	v15 =	vld.idx.msk [tilespmem:v15+s10+$0x0], $0xffff  }
0x1d8: {  	v19 =	vor.u32 $0x3, v7;
	v13 =	vld.idx.msk [tilespmem:v13+s10+$0x0], $0xffff;
	[tilespmem:s22+$0x280] =	vst v14  }
0x1d9: {  	v14 =	vld.idx.msk [tilespmem:v20+s10+$0x0], $0xffff;
	[tilespmem:s21+$0xFFFFFCB0] =	vst v9;
	v9 =	vor.u32 $0x8, v4  }
0x1da: {  	[tilespmem:s28+$0x40] =	vst v16;
	v16 =	vor.u32 $0x15, v3;
	v11 =	vld.idx.msk [tilespmem:v11+s10+$0x0], $0xffff  }
0x1db: {  	v20 =	vld.idx.msk [tilespmem:v21+s10+$0x0], $0xffff;
	v21 =	vor.u32 $0x16, v6;
	[tilespmem:s23+$0x330] =	vst v12  }
0x1dc: {  	v12 =	vor.u32 $0x7, v1;
	[tilespmem:s28+$0xFFFFFC40] =	vst v18;
	v17 =	vld.idx.msk [tilespmem:v17+s10+$0x0], $0xffff  }
0x1dd: {  	v18 =	vld.idx.msk [tilespmem:v19+s10+$0x0], $0xffff;
	v19 =	vor.u32 $0x4, v8;
	[tilespmem:s21+$0xF0] =	vst v15  }
0x1de: {  	[tilespmem:s22+$0xFFFFFE80] =	vst v13;
	v9 =	vld.idx.msk [tilespmem:v9+s10+$0x0], $0xffff;
	v13 =	vor.u32 $0x1B, v2  }
0x1df: {  	v15 =	vor.u32 $0x4, v7;
	v16 =	vld.idx.msk [tilespmem:v16+s10+$0x0], $0xffff;
	[tilespmem:s22+$0x2A0] =	vst v14  }
0x1e0: {  	v14 =	vld.idx.msk [tilespmem:v21+s10+$0x0], $0xffff;
	[tilespmem:s21+$0xFFFFFCD0] =	vst v11;
	v11 =	vor.u32 $0x9, v4  }
0x1e1: {  	[tilespmem:s28+$0x60] =	vst v20;
	v20 =	vor.u32 $0x16, v3;
	v12 =	vld.idx.msk [tilespmem:v12+s10+$0x0], $0xffff  }
0x1e2: {  	v21 =	vor.u32 $0x17, v6;
	v19 =	vld.idx.msk [tilespmem:v19+s10+$0x0], $0xffff;
	[tilespmem:s23+$0x350] =	vst v17  }
0x1e3: {  	v17 =	vor.u32 $0x8, v1;
	[tilespmem:s28+$0xFFFFFC60] =	vst v18;
	v13 =	vld.idx.msk [tilespmem:v13+s10+$0x0], $0xffff  }
0x1e4: {  	v18 =	vor.u32 $0x5, v8;
	v15 =	vld.idx.msk [tilespmem:v15+s10+$0x0], $0xffff;
	[tilespmem:s21+$0x110] =	vst v9  }
0x1e5: {  	[tilespmem:s22+$0xFFFFFEA0] =	vst v16;
	v9 =	vld.idx.msk [tilespmem:v11+s10+$0x0], $0xffff;
	v11 =	vor.u32 $0x1C, v2  }
0x1e6: {  	v16 =	vor.u32 $0x5, v7;
	v20 =	vld.idx.msk [tilespmem:v20+s10+$0x0], $0xffff;
	[tilespmem:s22+$0x2C0] =	vst v14  }
0x1e7: {  	v14 =	vld.idx.msk [tilespmem:v21+s10+$0x0], $0xffff;
	[tilespmem:s21+$0xFFFFFCF0] =	vst v12;
	v12 =	vor.u32 $0xA, v4  }
0x1e8: {  	[tilespmem:s28+$0x80] =	vst v19;
	v19 =	vor.u32 $0x17, v3;
	v17 =	vld.idx.msk [tilespmem:v17+s10+$0x0], $0xffff  }
0x1e9: {  	v21 =	vor.u32 $0x18, v6;
	v18 =	vld.idx.msk [tilespmem:v18+s10+$0x0], $0xffff;
	[tilespmem:s23+$0x370] =	vst v13  }
0x1ea: {  	v13 =	vor.u32 $0x9, v1;
	[tilespmem:s28+$0xFFFFFC80] =	vst v15;
	v11 =	vld.idx.msk [tilespmem:v11+s10+$0x0], $0xffff  }
0x1eb: {  	v15 =	vld.idx.msk [tilespmem:v16+s10+$0x0], $0xffff;
	v16 =	vor.u32 $0x6, v8;
	[tilespmem:s21+$0x130] =	vst v9  }
0x1ec: {  	[tilespmem:s22+$0xFFFFFEC0] =	vst v20;
	v9 =	vld.idx.msk [tilespmem:v12+s10+$0x0], $0xffff;
	v12 =	vor.u32 $0x1D, v2  }
0x1ed: {  	v20 =	vor.u32 $0x6, v7;
	v19 =	vld.idx.msk [tilespmem:v19+s10+$0x0], $0xffff;
	[tilespmem:s22+$0x2E0] =	vst v14  }
0x1ee: {  	v14 =	vld.idx.msk [tilespmem:v21+s10+$0x0], $0xffff;
	[tilespmem:s21+$0xFFFFFD10] =	vst v17;
	v17 =	vor.u32 $0xB, v4  }
0x1ef: {  	[tilespmem:s28+$0xA0] =	vst v18;
	v18 =	vor.u32 $0x18, v3;
	v13 =	vld.idx.msk [tilespmem:v13+s10+$0x0], $0xffff  }
0x1f0: {  	v21 =	vor.u32 $0x19, v6;
	v16 =	vld.idx.msk [tilespmem:v16+s10+$0x0], $0xffff;
	[tilespmem:s23+$0x390] =	vst v11  }
0x1f1: {  	v11 =	vor.u32 $0xA, v1;
	[tilespmem:s28+$0xFFFFFCA0] =	vst v15;
	v12 =	vld.idx.msk [tilespmem:v12+s10+$0x0], $0xffff  }
0x1f2: {  	v15 =	vld.idx.msk [tilespmem:v20+s10+$0x0], $0xffff;
	v20 =	vor.u32 $0x7, v8;
	[tilespmem:s21+$0x150] =	vst v9  }
0x1f3: {  	[tilespmem:s22+$0xFFFFFEE0] =	vst v19;
	v9 =	vld.idx.msk [tilespmem:v17+s10+$0x0], $0xffff;
	v17 =	vor.u32 $0x1E, v2  }
0x1f4: {  	v19 =	vor.u32 $0x7, v7;
	v18 =	vld.idx.msk [tilespmem:v18+s10+$0x0], $0xffff;
	[tilespmem:s22+$0x300] =	vst v14  }
0x1f5: {  	v14 =	vld.idx.msk [tilespmem:v21+s10+$0x0], $0xffff;
	[tilespmem:s21+$0xFFFFFD30] =	vst v13;
	v13 =	vor.u32 $0xC, v4  }
0x1f6: {  	[tilespmem:s28+$0xC0] =	vst v16;
	v16 =	vor.u32 $0x19, v3;
	v11 =	vld.idx.msk [tilespmem:v11+s10+$0x0], $0xffff  }
0x1f7: {  	v21 =	vor.u32 $0x1A, v6;
	v20 =	vld.idx.msk [tilespmem:v20+s10+$0x0], $0xffff;
	[tilespmem:s23+$0x3B0] =	vst v12  }
0x1f8: {  	v12 =	vor.u32 $0xB, v1;
	[tilespmem:s28+$0xFFFFFCC0] =	vst v15;
	v15 =	vld.idx.msk [tilespmem:v17+s10+$0x0], $0xffff  }
0x1f9: {  	v17 =	vld.idx.msk [tilespmem:v19+s10+$0x0], $0xffff;
	v19 =	vor.u32 $0x8, v8;
	[tilespmem:s21+$0x170] =	vst v9  }
0x1fa: {  	[tilespmem:s22+$0xFFFFFF00] =	vst v18;
	v9 =	vld.idx.msk [tilespmem:v13+s10+$0x0], $0xffff;
	v13 =	vor.u32 $0x1F, v2;
	v2 =	vmov v4  }
0x1fb: {  	v4 =	vor.u32 $0x8, v7;
	v16 =	vld.idx.msk [tilespmem:v16+s10+$0x0], $0xffff;
	[tilespmem:s22+$0x320] =	vst v14  }
0x1fc: {  	v14 =	vld.idx.msk [tilespmem:v21+s10+$0x0], $0xffff;
	[tilespmem:s21+$0xFFFFFD50] =	vst v11;
	v11 =	vor.u32 $0xD, v2  }
0x1fd: {  	v18 =	vor.u32 $0x1A, v3;
	[tilespmem:s28+$0xE0] =	vst v20;
	v12 =	vld.idx.msk [tilespmem:v12+s10+$0x0], $0xffff  }
0x1fe: {  	v20 =	vor.u32 $0x1B, v6;
	v19 =	vld.idx.msk [tilespmem:v19+s10+$0x0], $0xffff;
	[tilespmem:s23+$0x3D0] =	vst v15  }
0x1ff: {  	v15 =	vmov s29;
	[tilespmem:s28+$0xFFFFFCE0] =	vst v17;
	v17 =	vor.u32 $0xC, v1;
	v13 =	vld.idx.msk [tilespmem:v13+s10+$0x0], $0xffff  }
0x200: {  	v22 =	vor.u32 $0x9, v8;
	v15 =	vshll.u32 v15, $0x5;
	v21 =	vld.idx.msk [tilespmem:v4+s10+$0x0], $0xffff;
	[tilespmem:s21+$0x190] =	vst v9  }
0x201: {  	v4 =	vadd.s32 v0, v15;
	[tilespmem:s22+$0xFFFFFF20] =	vst v16;
	v11 =	vld.idx.msk [tilespmem:v11+s10+$0x0], $0xffff  }
0x202: {  	v15 =	vor.u32 $0x9, v7;
	v16 =	vld.idx.msk [tilespmem:v18+s10+$0x0], $0xffff;
	[tilespmem:s22+$0x340] =	vst v14  }
0x203: {  	v14 =	vld.idx.msk [tilespmem:v20+s10+$0x0], $0xffff;
	[tilespmem:s21+$0xFFFFFD70] =	vst v12;
	v12 =	vor.u32 $0xE, v2  }
0x204: {  	v18 =	vor.u32 $0x1B, v3;
	[tilespmem:s28+$0x100] =	vst v19;
	v17 =	vld.idx.msk [tilespmem:v17+s10+$0x0], $0xffff  }
0x205: {  	v20 =	vor.u32 $0x1C, v6;
	v19 =	vld.idx.msk [tilespmem:v22+s10+$0x0], $0xffff;
	[tilespmem:s23+$0x3F0] =	vst v13  }
0x206: {  	v13 =	vor.u32 $0xD, v1;
	v9 =	vld.idx.msk [tilespmem:v4+s10+$0x0], $0xffff;
	[tilespmem:s28+$0xFFFFFD00] =	vst v21  }
0x207: {  	v21 =	vor.u32 $0xA, v8;
	v15 =	vld.idx.msk [tilespmem:v15+s10+$0x0], $0xffff;
	[tilespmem:s21+$0x1B0] =	vst v11  }
0x208: {  	[tilespmem:s22+$0xFFFFFF40] =	vst v16;
	v11 =	vld.idx.msk [tilespmem:v12+s10+$0x0], $0xffff;
	v12 =	vor.u32 $0x17, v5  }
0x209: {  	v16 =	vor.u32 $0xA, v7;
	v18 =	vld.idx.msk [tilespmem:v18+s10+$0x0], $0xffff;
	[tilespmem:s22+$0x360] =	vst v14  }
0x20a: {  	v14 =	vld.idx.msk [tilespmem:v20+s10+$0x0], $0xffff;
	[tilespmem:s21+$0xFFFFFD90] =	vst v17;
	v17 =	vor.u32 $0xF, v2  }
0x20b: {  	[tilespmem:s28+$0x120] =	vst v19;
	v19 =	vor.u32 $0x1C, v3;
	v13 =	vld.idx.msk [tilespmem:v13+s10+$0x0], $0xffff  }
0x20c: {  	v20 =	vld.idx.msk [tilespmem:v21+s10+$0x0], $0xffff;
	v21 =	vor.u32 $0x1D, v6;
	[tilespmem:s23+$0xFFFFFED0] =	vst v10  }
0x20d: {  	v10 =	vor.u32 $0xE, v1;
	[tilespmem:s28+$0xFFFFFD20] =	vst v15;
	v12 =	vld.idx.msk [tilespmem:v12+s10+$0x0], $0xffff  }
0x20e: {  	v15 =	vld.idx.msk [tilespmem:v16+s10+$0x0], $0xffff;
	v16 =	vor.u32 $0xB, v8;
	[tilespmem:s21+$0x1D0] =	vst v11  }
0x20f: {  	[tilespmem:s22+$0xFFFFFF60] =	vst v18;
	v11 =	vld.idx.msk [tilespmem:v17+s10+$0x0], $0xffff;
	v17 =	vor.u32 $0x18, v5  }
0x210: {  	v18 =	vor.u32 $0xB, v7;
	v19 =	vld.idx.msk [tilespmem:v19+s10+$0x0], $0xffff;
	[tilespmem:s22+$0x380] =	vst v14  }
0x211: {  	v14 =	vld.idx.msk [tilespmem:v21+s10+$0x0], $0xffff;
	[tilespmem:s21+$0xFFFFFDB0] =	vst v13;
	v13 =	vor.u32 $0x10, v2  }
0x212: {  	[tilespmem:s28+$0x140] =	vst v20;
	v20 =	vor.u32 $0x1D, v3;
	v10 =	vld.idx.msk [tilespmem:v10+s10+$0x0], $0xffff  }
0x213: {  	v21 =	vor.u32 $0x1E, v6;
	v16 =	vld.idx.msk [tilespmem:v16+s10+$0x0], $0xffff;
	[tilespmem:s23+$0xFFFFFEF0] =	vst v12  }
0x214: {  	v12 =	vor.u32 $0xF, v1;
	[tilespmem:s28+$0xFFFFFD40] =	vst v15;
	v15 =	vld.idx.msk [tilespmem:v17+s10+$0x0], $0xffff  }
0x215: {  	v17 =	vld.idx.msk [tilespmem:v18+s10+$0x0], $0xffff;
	v18 =	vor.u32 $0xC, v8;
	[tilespmem:s21+$0x1F0] =	vst v11  }
0x216: {  	[tilespmem:s22+$0xFFFFFF80] =	vst v19;
	v11 =	vld.idx.msk [tilespmem:v13+s10+$0x0], $0xffff;
	v13 =	vor.u32 $0x19, v5  }
0x217: {  	v19 =	vor.u32 $0xC, v7;
	v20 =	vld.idx.msk [tilespmem:v20+s10+$0x0], $0xffff;
	[tilespmem:s22+$0x3A0] =	vst v14  }
0x218: {  	v14 =	vld.idx.msk [tilespmem:v21+s10+$0x0], $0xffff;
	[tilespmem:s21+$0xFFFFFDD0] =	vst v10;
	v10 =	vor.u32 $0x11, v2  }
0x219: {  	[tilespmem:s28+$0x160] =	vst v16;
	v16 =	vor.u32 $0x1E, v3;
	v12 =	vld.idx.msk [tilespmem:v12+s10+$0x0], $0xffff  }
0x21a: {  	v21 =	vor.u32 $0x1F, v6;
	v6 =	vmov v8;
	v18 =	vld.idx.msk [tilespmem:v18+s10+$0x0], $0xffff;
	[tilespmem:s23+$0xFFFFFF10] =	vst v15  }
0x21b: {  	v8 =	vor.u32 $0x10, v1;
	[tilespmem:s28+$0xFFFFFD60] =	vst v17;
	v13 =	vld.idx.msk [tilespmem:v13+s10+$0x0], $0xffff  }
0x21c: {  	v17 =	vor.u32 $0xD, v6;
	v15 =	vld.idx.msk [tilespmem:v19+s10+$0x0], $0xffff;
	[tilespmem:s21+$0x210] =	vst v11  }
0x21d: {  	v11 =	vor.u32 $0x1A, v5;
	[tilespmem:s22+$0xFFFFFFA0] =	vst v20;
	v10 =	vld.idx.msk [tilespmem:v10+s10+$0x0], $0xffff  }
0x21e: {  	s30 =	sadd.s32 $0x1A1, s24;
	v19 =	vor.u32 $0xD, v7;
	v16 =	vld.idx.msk [tilespmem:v16+s10+$0x0], $0xffff;
	[tilespmem:s22+$0x3C0] =	vst v14  }
0x21f: {  	v20 =	vmov s30;
	v14 =	vld.idx.msk [tilespmem:v21+s10+$0x0], $0xffff;
	[tilespmem:s21+$0xFFFFFDF0] =	vst v12;
	v12 =	vor.u32 $0x12, v2  }
0x220: {  	v20 =	vshll.u32 v20, $0x5;
	[tilespmem:s28+$0x180] =	vst v18;
	v18 =	vor.u32 $0x1F, v3;
	v8 =	vld.idx.msk [tilespmem:v8+s10+$0x0], $0xffff;
	v3 =	vmovc v7;
	v7 =	vmov v4  }
0x221: {  	v4 =	vadd.s32 v0, v20;
	v17 =	vld.idx.msk [tilespmem:v17+s10+$0x0], $0xffff;
	[tilespmem:s23+$0xFFFFFF30] =	vst v13  }
0x222: {  	v13 =	vor.u32 $0x11, v1;
	[tilespmem:s28+$0xFFFFFD80] =	vst v15;
	v11 =	vld.idx.msk [tilespmem:v11+s10+$0x0], $0xffff  }
0x223: {  	v15 =	vld.idx.msk [tilespmem:v19+s10+$0x0], $0xffff;
	v19 =	vor.u32 $0xE, v6;
	[tilespmem:s21+$0x230] =	vst v10  }
0x224: {  	s30 =	sadd.s32 $0x1A0, s24;
	s24 =	smov.u32 s26;
	s26 =	smov.u32 s29;
	[tilespmem:s22+$0xFFFFFFC0] =	vst v16;
	v10 =	vld.idx.msk [tilespmem:v12+s10+$0x0], $0xffff;
	v12 =	vor.u32 $0x1B, v5  }
0x225: {  	v20 =	vmov s30;
	v16 =	vor.u32 $0xE, v3;
	v18 =	vld.idx.msk [tilespmem:v18+s10+$0x0], $0xffff;
	[tilespmem:s22+$0x3E0] =	vst v14  }
0x226: {  	v21 =	vor.u32 $0x13, v2;
	v14 =	vshll.u32 v20, $0x5;
	v20 =	vld.idx.msk [tilespmem:v4+s10+$0x0], $0xffff;
	[tilespmem:s21+$0xFFFFFE10] =	vst v8  }
0x227: {  	v8 =	vadd.s32 v0, v14;
	[tilespmem:s28+$0x1A0] =	vst v17;
	v13 =	vld.idx.msk [tilespmem:v13+s10+$0x0], $0xffff  }
0x228: {  	v17 =	vor.u32 $0x1, v4;
	v14 =	vld.idx.msk [tilespmem:v19+s10+$0x0], $0xffff;
	[tilespmem:s23+$0xFFFFFF50] =	vst v11  }
0x229: {  	v11 =	vor.u32 $0x12, v1;
	[tilespmem:s28+$0xFFFFFDA0] =	vst v15;
	v12 =	vld.idx.msk [tilespmem:v12+s10+$0x0], $0xffff  }
0x22a: {  	v15 =	vld.idx.msk [tilespmem:v16+s10+$0x0], $0xffff;
	v16 =	vor.u32 $0xF, v6;
	[tilespmem:s21+$0x250] =	vst v10  }
0x22b: {  	[tilespmem:s22+$0xFFFFFFE0] =	vst v18;
	v10 =	vld.idx.msk [tilespmem:v21+s10+$0x0], $0xffff;
	v18 =	vor.u32 $0x1C, v5  }
0x22c: {  	v19 =	vor.u32 $0xF, v3;
	v21 =	vld.idx.msk [tilespmem:v8+s10+$0x0], $0xffff;
	[tilespmem:s22+$0x10] =	vst v20  }
0x22d: {  	v17 =	vld.idx.msk [tilespmem:v17+s10+$0x0], $0xffff;
	[tilespmem:s21+$0xFFFFFE30] =	vst v13;
	v13 =	vor.u32 $0x14, v2  }
0x22e: {  	[tilespmem:s28+$0x1C0] =	vst v14;
	v14 =	vor.u32 $0x1, v8;
	v11 =	vld.idx.msk [tilespmem:v11+s10+$0x0], $0xffff  }
0x22f: {  	v20 =	vor.u32 $0x2, v4;
	v16 =	vld.idx.msk [tilespmem:v16+s10+$0x0], $0xffff;
	[tilespmem:s23+$0xFFFFFF70] =	vst v12  }
0x230: {  	v12 =	vor.u32 $0x13, v1;
	[tilespmem:s28+$0xFFFFFDC0] =	vst v15;
	v15 =	vld.idx.msk [tilespmem:v18+s10+$0x0], $0xffff  }
0x231: {  	v18 =	vld.idx.msk [tilespmem:v19+s10+$0x0], $0xffff;
	v19 =	vor.u32 $0x10, v6;
	[tilespmem:s21+$0x270] =	vst v10  }
0x232: {  	[tilespmem:s22+$0xFFFFFC10] =	vst v21;
	v10 =	vld.idx.msk [tilespmem:v13+s10+$0x0], $0xffff;
	v13 =	vor.u32 $0x1D, v5  }
0x233: {  	v21 =	vor.u32 $0x10, v3;
	v14 =	vld.idx.msk [tilespmem:v14+s10+$0x0], $0xffff;
	[tilespmem:s22+$0x30] =	vst v17  }
0x234: {  	v17 =	vld.idx.msk [tilespmem:v20+s10+$0x0], $0xffff;
	[tilespmem:s21+$0xFFFFFE50] =	vst v11;
	v11 =	vor.u32 $0x15, v2  }
0x235: {  	[tilespmem:s28+$0x1E0] =	vst v16;
	v16 =	vor.u32 $0x2, v8;
	v12 =	vld.idx.msk [tilespmem:v12+s10+$0x0], $0xffff  }
0x236: {  	v22 =	vld.idx.msk [tilespmem:v19+s10+$0x0], $0xffff;
	v19 =	vor.u32 $0x3, v4;
	[tilespmem:s23+$0xFFFFFF90] =	vst v15  }
0x237: {  	v15 =	vor.u32 $0x14, v1;
	[tilespmem:s28+$0xFFFFFDE0] =	vst v18;
	v23 =	vld.idx.msk [tilespmem:v13+s10+$0x0], $0xffff  }
0x238: {  	v18 =	vor.u32 $0x11, v6;
	v21 =	vld.idx.msk [tilespmem:v21+s10+$0x0], $0xffff;
	[tilespmem:s21+$0x290] =	vst v10  }
0x239: {  	v24 =	vor.u32 $0x1E, v5;
	[tilespmem:s22+$0xFFFFFC30] =	vst v14;
	v13 =	vld.idx.msk [tilespmem:v11+s10+$0x0], $0xffff  }
.Ltmp0:
0x23a: {  	v20 =	vor.u32 $0x11, v3;
	v14 =	vld.idx.msk [tilespmem:v16+s10+$0x0], $0xffff;
	[tilespmem:s22+$0x50] =	vst v17;
	(pc) =	sbr.rel @p1 .LBB2_3-.Ltmp0, $4  }
0x23b: {  	v10 =	vld.idx.msk [tilespmem:v19+s10+$0x0], $0xffff;
	[tilespmem:s21+$0xFFFFFE70] =	vst v12;
	v19 =	vor.u32 $0x16, v2  }
0x23c: {  	v17 =	vor.u32 $0x3, v8;
	[tilespmem:s28+$0x200] =	vst v22;
	v12 =	vld.idx.msk [tilespmem:v15+s10+$0x0], $0xffff  }
0x23d: {  	v11 =	vld.idx.msk [tilespmem:v18+s10+$0x0], $0xffff;
	v18 =	vor.u32 $0x4, v4;
	[tilespmem:s23+$0xFFFFFFB0] =	vst v23  }
0x23e: {  	s29 =	sadd.s32 $0x2, s29;
	s30 =	sadd.s32 $0x1, s26;
	v16 =	vor.u32 $0x15, v1;
	[tilespmem:s28+$0xFFFFFE00] =	vst v21;
	v15 =	vld.idx.msk [tilespmem:v24+s10+$0x0], $0xffff  }
0x23f: {  	_ =	sdelay $0x3  }
0x240: {  	v20 =	vld.idx.msk [tilespmem:v20+s10+$0x0], $0xffff;
	v22 =	vor.u32 $0x12, v6;
	[tilespmem:s21+$0x2B0] =	vst v13  }
0x241: {  	v21 =	vmov s30;
	[tilespmem:s22+$0xFFFFFC50] =	vst v14;
	v37 =	vor.u32 $0x1F, v5;
	v36 =	vld.idx.msk [tilespmem:v19+s10+$0x0], $0xffff  }
0x242: {  	v40 =	vor.u32 $0x12, v3;
	v35 =	vshll.u32 v21, $0x5;
	v38 =	vld.idx.msk [tilespmem:v17+s10+$0x0], $0xffff;
	[tilespmem:s22+$0x70] =	vst v10  }
0x243: {  	v5 =	vadd.s32 v0, v35;
	v10 =	vld.idx.msk [tilespmem:v18+s10+$0x0], $0xffff;
	[tilespmem:s21+$0xFFFFFE90] =	vst v12  }
0x244: {  	v39 =	vor.u32 $0x17, v2;
	[tilespmem:s28+$0x220] =	vst v11;
	v41 =	vld.idx.msk [tilespmem:v16+s10+$0x0], $0xffff  }
0x245: {  	v44 =	vor.u32 $0x4, v8;
	[tilespmem:s23+$0xFFFFFFD0] =	vst v15;
	v42 =	vld.idx.msk [tilespmem:v22+s10+$0x0], $0xffff  }
0x246: {  	v43 =	vor.u32 $0x5, v4;
	[tilespmem:s28+$0xFFFFFE20] =	vst v20;
	v19 =	vld.idx.msk [tilespmem:v37+s10+$0x0], $0xffff  }
0x247: {  	v47 =	vor.u32 $0x16, v1;
	[tilespmem:s21+$0x2D0] =	vst v36;
	v17 =	vld.idx.msk [tilespmem:v40+s10+$0x0], $0xffff  }
0x248: {  	v46 =	vor.u32 $0x13, v6;
	[tilespmem:s22+$0xFFFFFC70] =	vst v38;
	v45 =	vld.idx.msk [tilespmem:v5+s10+$0x0], $0xffff  }
0x249: {  	v50 =	vor.u32 $0x1, v7;
	v12 =	vld.idx.msk [tilespmem:v39+s10+$0x0], $0xffff;
	[tilespmem:s22+$0x90] =	vst v10  }
0x24a: {  	v52 =	vor.u32 $0x13, v3;
	v15 =	vld.idx.msk [tilespmem:v44+s10+$0x0], $0xffff;
	[tilespmem:s21+$0xFFFFFEB0] =	vst v41  }
0x24b: {  	v48 =	vor.u32 $0x1, v5;
	v18 =	vld.idx.msk [tilespmem:v43+s10+$0x0], $0xffff;
	[tilespmem:s28+$0x240] =	vst v42  }
0x24c: {  	v49 =	vor.u32 $0x18, v2;
	v10 =	vld.idx.msk [tilespmem:v47+s10+$0x0], $0xffff;
	s28 =	sadd.s32 $0x800, s28;
	[tilespmem:s23+$0xFFFFFFF0] =	vst v19  }
0x24d: {  	v55 =	vor.u32 $0x5, v8;
	v16 =	vld.idx.msk [tilespmem:v46+s10+$0x0], $0xffff;
	[tilespmem:s28+$0xFFFFFC00] =	vst v9  }
0x24e: {  	v51 =	vor.u32 $0x6, v4;
	[tilespmem:s25+$0xFFFFFE40] =	vst v17;
	v56 =	vld.idx.msk [tilespmem:v50+s10+$0x0], $0xffff  }
0x24f: {  	v54 =	vor.u32 $0x14, v6;
	[tilespmem:s28+$0x0] =	vst v45;
	v19 =	vld.idx.msk [tilespmem:v52+s10+$0x0], $0xffff  }
0x250: {  	v60 =	vor.u32 $0x2, v7;
	[tilespmem:s21+$0x2F0] =	vst v12;
	v53 =	vld.idx.msk [tilespmem:v48+s10+$0x0], $0xffff  }
0x251: {  	v62 =	vor.u32 $0x14, v3;
	[tilespmem:s22+$0xFFFFFC90] =	vst v15;
	v11 =	vld.idx.msk [tilespmem:v49+s10+$0x0], $0xffff  }
0x252: {  	v57 =	vor.u32 $0x2, v5;
	[tilespmem:s22+$0xB0] =	vst v18;
	v9 =	vld.idx.msk [tilespmem:v55+s10+$0x0], $0xffff  }
0x253: {  	v59 =	vor.u32 $0x19, v2;
	v58 =	vld.idx.msk [tilespmem:v51+s10+$0x0], $0xffff;
	[tilespmem:s25+$0x260] =	vst v16  }
0x254: {  	v25 =	vor.u32 $0x6, v8;
	v14 =	vld.idx.msk [tilespmem:v54+s10+$0x0], $0xffff;
	[tilespmem:s28+$0xFFFFFC20] =	vst v56  }
0x255: {  	v61 =	vor.u32 $0x7, v4;
	[tilespmem:s25+$0xFFFFFE60] =	vst v19;
	v27 =	vld.idx.msk [tilespmem:v60+s10+$0x0], $0xffff  }
0x256: {  	v24 =	vor.u32 $0x15, v6;
	[tilespmem:s28+$0x20] =	vst v53;
	v13 =	vld.idx.msk [tilespmem:v62+s10+$0x0], $0xffff  }
0x257: {  	v30 =	vor.u32 $0x3, v7;
	[tilespmem:s21+$0x310] =	vst v11;
	v63 =	vld.idx.msk [tilespmem:v57+s10+$0x0], $0xffff  }
0x258: {  	v32 =	vor.u32 $0x15, v3;
	[tilespmem:s22+$0xFFFFFCB0] =	vst v9;
	v26 =	vld.idx.msk [tilespmem:v59+s10+$0x0], $0xffff  }
0x259: {  	v28 =	vor.u32 $0x3, v5;
	[tilespmem:s22+$0xD0] =	vst v58;
	v11 =	vld.idx.msk [tilespmem:v25+s10+$0x0], $0xffff  }
0x25a: {  	v29 =	vor.u32 $0x1A, v2;
	v15 =	vld.idx.msk [tilespmem:v61+s10+$0x0], $0xffff;
	[tilespmem:s25+$0x280] =	vst v14  }
0x25b: {  	v35 =	vor.u32 $0x7, v8;
	v14 =	vld.idx.msk [tilespmem:v24+s10+$0x0], $0xffff;
	[tilespmem:s28+$0xFFFFFC40] =	vst v27  }
0x25c: {  	v31 =	vor.u32 $0x8, v4;
	[tilespmem:s25+$0xFFFFFE80] =	vst v13;
	v18 =	vld.idx.msk [tilespmem:v30+s10+$0x0], $0xffff  }
0x25d: {  	v34 =	vor.u32 $0x16, v6;
	[tilespmem:s28+$0x40] =	vst v63;
	v16 =	vld.idx.msk [tilespmem:v32+s10+$0x0], $0xffff  }
0x25e: {  	v38 =	vor.u32 $0x4, v7;
	[tilespmem:s21+$0x330] =	vst v26;
	v33 =	vld.idx.msk [tilespmem:v28+s10+$0x0], $0xffff  }
0x25f: {  	v40 =	vor.u32 $0x16, v3;
	[tilespmem:s22+$0xFFFFFCD0] =	vst v11;
	v17 =	vld.idx.msk [tilespmem:v29+s10+$0x0], $0xffff  }
0x260: {  	v36 =	vor.u32 $0x4, v5;
	[tilespmem:s22+$0xF0] =	vst v15;
	v12 =	vld.idx.msk [tilespmem:v35+s10+$0x0], $0xffff  }
0x261: {  	v37 =	vor.u32 $0x1B, v2;
	v9 =	vld.idx.msk [tilespmem:v31+s10+$0x0], $0xffff;
	[tilespmem:s25+$0x2A0] =	vst v14  }
0x262: {  	v42 =	vor.u32 $0x8, v8;
	v14 =	vld.idx.msk [tilespmem:v34+s10+$0x0], $0xffff;
	[tilespmem:s28+$0xFFFFFC60] =	vst v18  }
0x263: {  	v39 =	vor.u32 $0x9, v4;
	[tilespmem:s25+$0xFFFFFEA0] =	vst v16;
	v15 =	vld.idx.msk [tilespmem:v38+s10+$0x0], $0xffff  }
0x264: {  	v41 =	vor.u32 $0x17, v6;
	[tilespmem:s28+$0x60] =	vst v33;
	v20 =	vld.idx.msk [tilespmem:v40+s10+$0x0], $0xffff  }
0x265: {  	v45 =	vor.u32 $0x5, v7;
	[tilespmem:s21+$0x350] =	vst v17;
	v19 =	vld.idx.msk [tilespmem:v36+s10+$0x0], $0xffff  }
0x266: {  	v43 =	vor.u32 $0x5, v5;
	[tilespmem:s22+$0xFFFFFCF0] =	vst v12;
	v13 =	vld.idx.msk [tilespmem:v37+s10+$0x0], $0xffff  }
0x267: {  	v47 =	vor.u32 $0x17, v3;
	[tilespmem:s22+$0x110] =	vst v9;
	v17 =	vld.idx.msk [tilespmem:v42+s10+$0x0], $0xffff  }
0x268: {  	v44 =	vor.u32 $0x1C, v2;
	v9 =	vld.idx.msk [tilespmem:v39+s10+$0x0], $0xffff;
	[tilespmem:s25+$0x2C0] =	vst v14  }
0x269: {  	v46 =	vor.u32 $0xA, v4;
	v14 =	vld.idx.msk [tilespmem:v41+s10+$0x0], $0xffff;
	[tilespmem:s28+$0xFFFFFC80] =	vst v15  }
0x26a: {  	v49 =	vor.u32 $0x9, v8;
	[tilespmem:s28+$0x80] =	vst v19;
	v15 =	vld.idx.msk [tilespmem:v45+s10+$0x0], $0xffff  }
0x26b: {  	v52 =	vor.u32 $0x6, v7;
	[tilespmem:s25+$0xFFFFFEC0] =	vst v20;
	v18 =	vld.idx.msk [tilespmem:v43+s10+$0x0], $0xffff  }
0x26c: {  	v50 =	vor.u32 $0x6, v5;
	[tilespmem:s21+$0x370] =	vst v13;
	v19 =	vld.idx.msk [tilespmem:v47+s10+$0x0], $0xffff  }
0x26d: {  	v48 =	vor.u32 $0x18, v6;
	v11 =	vld.idx.msk [tilespmem:v44+s10+$0x0], $0xffff;
	[tilespmem:s22+$0x130] =	vst v9  }
0x26e: {  	v53 =	vor.u32 $0x1D, v2;
	[tilespmem:s22+$0xFFFFFD10] =	vst v17;
	v51 =	vld.idx.msk [tilespmem:v46+s10+$0x0], $0xffff  }
0x26f: {  	v54 =	vor.u32 $0xB, v4;
	v12 =	vld.idx.msk [tilespmem:v49+s10+$0x0], $0xffff;
	[tilespmem:s28+$0xFFFFFCA0] =	vst v15  }
0x270: {  	v55 =	vor.u32 $0x18, v3;
	[tilespmem:s28+$0xA0] =	vst v18;
	v15 =	vld.idx.msk [tilespmem:v52+s10+$0x0], $0xffff  }
0x271: {  	v58 =	vor.u32 $0x7, v7;
	[tilespmem:s25+$0x2E0] =	vst v14;
	v56 =	vld.idx.msk [tilespmem:v50+s10+$0x0], $0xffff  }
0x272: {  	v57 =	vor.u32 $0x7, v5;
	v14 =	vld.idx.msk [tilespmem:v48+s10+$0x0], $0xffff;
	[tilespmem:s21+$0x390] =	vst v11  }
0x273: {  	v9 =	vld.idx.msk [tilespmem:v53+s10+$0x0], $0xffff;
	[tilespmem:s22+$0x150] =	vst v51  }
0x274: {  	[tilespmem:s25+$0xFFFFFEE0] =	vst v19;
	v11 =	vld.idx.msk [tilespmem:v54+s10+$0x0], $0xffff  }
0x275: {  	v17 =	vld.idx.msk [tilespmem:v55+s10+$0x0], $0xffff;
	[tilespmem:s28+$0xFFFFFCC0] =	vst v15  }
0x276: {  	[tilespmem:s28+$0xC0] =	vst v56;
	v15 =	vld.idx.msk [tilespmem:v58+s10+$0x0], $0xffff  }
0x277: {  	v60 =	vor.u32 $0x8, v7;
	v13 =	vld.idx.msk [tilespmem:v57+s10+$0x0], $0xffff  }
0x278: {  	v59 =	vor.u32 $0x8, v5;
	_ =	sdelay $0x2  }
0x279: {  	[tilespmem:s28+$0xFFFFFCE0] =	vst v15  }
0x27a: {  	[tilespmem:s28+$0xE0] =	vst v13;
	v15 =	vld.idx.msk [tilespmem:v60+s10+$0x0], $0xffff  }
0x27b: {  	v62 =	vor.u32 $0x9, v7;
	v13 =	vld.idx.msk [tilespmem:v59+s10+$0x0], $0xffff  }
0x27c: {  	v61 =	vor.u32 $0x9, v5;
	_ =	sdelay $0x2  }
0x27d: {  	[tilespmem:s28+$0xFFFFFD00] =	vst v15  }
0x27e: {  	[tilespmem:s28+$0x100] =	vst v13;
	v15 =	vld.idx.msk [tilespmem:v62+s10+$0x0], $0xffff  }
0x27f: {  	v21 =	vor.u32 $0xA, v7;
	v13 =	vld.idx.msk [tilespmem:v61+s10+$0x0], $0xffff  }
0x280: {  	v63 =	vor.u32 $0xA, v5;
	_ =	sdelay $0x2  }
0x281: {  	[tilespmem:s28+$0xFFFFFD20] =	vst v15  }
0x282: {  	[tilespmem:s28+$0x120] =	vst v13;
	v15 =	vld.idx.msk [tilespmem:v21+s10+$0x0], $0xffff  }
0x283: {  	v23 =	vor.u32 $0xB, v7;
	v13 =	vld.idx.msk [tilespmem:v63+s10+$0x0], $0xffff  }
0x284: {  	v22 =	vor.u32 $0xB, v5;
	_ =	sdelay $0x2  }
0x285: {  	[tilespmem:s28+$0xFFFFFD40] =	vst v15  }
0x286: {  	[tilespmem:s28+$0x140] =	vst v13;
	v15 =	vld.idx.msk [tilespmem:v23+s10+$0x0], $0xffff  }
0x287: {  	v25 =	vor.u32 $0xC, v7;
	v13 =	vld.idx.msk [tilespmem:v22+s10+$0x0], $0xffff  }
0x288: {  	v24 =	vor.u32 $0xC, v5;
	_ =	sdelay $0x2  }
0x289: {  	[tilespmem:s28+$0xFFFFFD60] =	vst v15  }
0x28a: {  	[tilespmem:s28+$0x160] =	vst v13;
	v15 =	vld.idx.msk [tilespmem:v25+s10+$0x0], $0xffff  }
0x28b: {  	v27 =	vor.u32 $0xD, v7;
	v13 =	vld.idx.msk [tilespmem:v24+s10+$0x0], $0xffff  }
0x28c: {  	v26 =	vor.u32 $0xD, v5;
	_ =	sdelay $0x2  }
0x28d: {  	[tilespmem:s28+$0xFFFFFD80] =	vst v15  }
0x28e: {  	[tilespmem:s28+$0x180] =	vst v13;
	v15 =	vld.idx.msk [tilespmem:v27+s10+$0x0], $0xffff  }
0x28f: {  	v29 =	vor.u32 $0xE, v7;
	v13 =	vld.idx.msk [tilespmem:v26+s10+$0x0], $0xffff  }
0x290: {  	v28 =	vor.u32 $0xE, v5;
	_ =	sdelay $0x2  }
0x291: {  	[tilespmem:s28+$0xFFFFFDA0] =	vst v15  }
0x292: {  	[tilespmem:s28+$0x1A0] =	vst v13;
	v15 =	vld.idx.msk [tilespmem:v29+s10+$0x0], $0xffff  }
0x293: {  	v31 =	vor.u32 $0xF, v7;
	v13 =	vld.idx.msk [tilespmem:v28+s10+$0x0], $0xffff  }
0x294: {  	v30 =	vor.u32 $0xF, v5;
	_ =	sdelay $0x2  }
0x295: {  	[tilespmem:s28+$0xFFFFFDC0] =	vst v15  }
0x296: {  	[tilespmem:s28+$0x1C0] =	vst v13;
	v15 =	vld.idx.msk [tilespmem:v31+s10+$0x0], $0xffff  }
0x297: {  	v33 =	vor.u32 $0x10, v7;
	v13 =	vld.idx.msk [tilespmem:v30+s10+$0x0], $0xffff  }
0x298: {  	v32 =	vor.u32 $0x10, v5;
	_ =	sdelay $0x2  }
0x299: {  	[tilespmem:s28+$0xFFFFFDE0] =	vst v15  }
0x29a: {  	[tilespmem:s28+$0x1E0] =	vst v13;
	v15 =	vld.idx.msk [tilespmem:v33+s10+$0x0], $0xffff  }
0x29b: {  	v35 =	vor.u32 $0x11, v7;
	v13 =	vld.idx.msk [tilespmem:v32+s10+$0x0], $0xffff  }
0x29c: {  	v34 =	vor.u32 $0x11, v5;
	_ =	sdelay $0x2  }
0x29d: {  	[tilespmem:s28+$0xFFFFFE00] =	vst v15  }
0x29e: {  	[tilespmem:s28+$0x200] =	vst v13;
	v15 =	vld.idx.msk [tilespmem:v35+s10+$0x0], $0xffff  }
0x29f: {  	v37 =	vor.u32 $0x12, v7;
	v13 =	vld.idx.msk [tilespmem:v34+s10+$0x0], $0xffff  }
0x2a0: {  	v36 =	vor.u32 $0x12, v5;
	_ =	sdelay $0x2  }
0x2a1: {  	[tilespmem:s28+$0xFFFFFE20] =	vst v15  }
0x2a2: {  	[tilespmem:s28+$0x220] =	vst v13;
	v39 =	vld.idx.msk [tilespmem:v37+s10+$0x0], $0xffff  }
0x2a3: {  	v40 =	vor.u32 $0x13, v7;
	v13 =	vld.idx.msk [tilespmem:v36+s10+$0x0], $0xffff  }
0x2a4: {  	v38 =	vor.u32 $0x13, v5;
	_ =	sdelay $0x2  }
0x2a5: {  	[tilespmem:s28+$0xFFFFFE40] =	vst v39  }
0x2a6: {  	[tilespmem:s28+$0x240] =	vst v13;
	v16 =	vld.idx.msk [tilespmem:v40+s10+$0x0], $0xffff  }
0x2a7: {  	v42 =	vor.u32 $0x14, v7;
	v13 =	vld.idx.msk [tilespmem:v38+s10+$0x0], $0xffff  }
0x2a8: {  	v41 =	vor.u32 $0x14, v5;
	_ =	sdelay $0x2  }
0x2a9: {  	[tilespmem:s28+$0xFFFFFE60] =	vst v16  }
0x2aa: {  	[tilespmem:s28+$0x260] =	vst v13;
	v16 =	vld.idx.msk [tilespmem:v42+s10+$0x0], $0xffff  }
0x2ab: {  	v44 =	vor.u32 $0x15, v7;
	v13 =	vld.idx.msk [tilespmem:v41+s10+$0x0], $0xffff  }
0x2ac: {  	v43 =	vor.u32 $0x15, v5;
	_ =	sdelay $0x2  }
0x2ad: {  	[tilespmem:s28+$0xFFFFFE80] =	vst v16  }
0x2ae: {  	[tilespmem:s28+$0x280] =	vst v13;
	v16 =	vld.idx.msk [tilespmem:v44+s10+$0x0], $0xffff  }
0x2af: {  	v46 =	vor.u32 $0x16, v7;
	v13 =	vld.idx.msk [tilespmem:v43+s10+$0x0], $0xffff  }
0x2b0: {  	v45 =	vor.u32 $0x16, v5;
	_ =	sdelay $0x2  }
0x2b1: {  	[tilespmem:s28+$0xFFFFFEA0] =	vst v16  }
0x2b2: {  	[tilespmem:s28+$0x2A0] =	vst v13;
	v16 =	vld.idx.msk [tilespmem:v46+s10+$0x0], $0xffff  }
0x2b3: {  	v48 =	vor.u32 $0x17, v7;
	v13 =	vld.idx.msk [tilespmem:v45+s10+$0x0], $0xffff  }
0x2b4: {  	v47 =	vor.u32 $0x17, v5;
	_ =	sdelay $0x2  }
0x2b5: {  	[tilespmem:s28+$0xFFFFFEC0] =	vst v16  }
0x2b6: {  	[tilespmem:s28+$0x2C0] =	vst v13;
	v16 =	vld.idx.msk [tilespmem:v48+s10+$0x0], $0xffff  }
0x2b7: {  	v50 =	vor.u32 $0x18, v7;
	v13 =	vld.idx.msk [tilespmem:v47+s10+$0x0], $0xffff  }
0x2b8: {  	v49 =	vor.u32 $0x18, v5;
	_ =	sdelay $0x2  }
0x2b9: {  	v51 =	vor.u32 $0x19, v6;
	[tilespmem:s28+$0xFFFFFEE0] =	vst v16  }
0x2ba: {  	v52 =	vor.u32 $0x19, v3;
	[tilespmem:s28+$0x2E0] =	vst v13;
	v18 =	vld.idx.msk [tilespmem:v50+s10+$0x0], $0xffff  }
0x2bb: {  	v54 =	vor.u32 $0x19, v7;
	v15 =	vld.idx.msk [tilespmem:v49+s10+$0x0], $0xffff  }
0x2bc: {  	v53 =	vor.u32 $0x19, v5  }
0x2bd: {  	[tilespmem:s25+$0x300] =	vst v14  }
0x2be: {  	v14 =	vld.idx.msk [tilespmem:v51+s10+$0x0], $0xffff;
	[tilespmem:s25+$0xFFFFFF00] =	vst v17  }
0x2bf: {  	v55 =	vor.u32 $0x1A, v6;
	v13 =	vld.idx.msk [tilespmem:v52+s10+$0x0], $0xffff;
	[tilespmem:s28+$0xFFFFFF00] =	vst v18  }
0x2c0: {  	v56 =	vor.u32 $0x1A, v3;
	[tilespmem:s28+$0x300] =	vst v15;
	v58 =	vld.idx.msk [tilespmem:v54+s10+$0x0], $0xffff  }
0x2c1: {  	v59 =	vor.u32 $0x1A, v7;
	v16 =	vld.idx.msk [tilespmem:v53+s10+$0x0], $0xffff  }
0x2c2: {  	v57 =	vor.u32 $0x1A, v5  }
0x2c3: {  	[tilespmem:s25+$0x320] =	vst v14  }
0x2c4: {  	v14 =	vld.idx.msk [tilespmem:v55+s10+$0x0], $0xffff;
	[tilespmem:s25+$0xFFFFFF20] =	vst v13  }
0x2c5: {  	v60 =	vor.u32 $0x1B, v6;
	v15 =	vld.idx.msk [tilespmem:v56+s10+$0x0], $0xffff;
	[tilespmem:s28+$0xFFFFFF20] =	vst v58  }
0x2c6: {  	v61 =	vor.u32 $0x1B, v3;
	[tilespmem:s28+$0x320] =	vst v16;
	v19 =	vld.idx.msk [tilespmem:v59+s10+$0x0], $0xffff  }
0x2c7: {  	v24 =	vor.u32 $0x1B, v7;
	v62 =	vld.idx.msk [tilespmem:v57+s10+$0x0], $0xffff  }
0x2c8: {  	v63 =	vor.u32 $0x1B, v5  }
0x2c9: {  	[tilespmem:s25+$0x340] =	vst v14  }
0x2ca: {  	v13 =	vld.idx.msk [tilespmem:v60+s10+$0x0], $0xffff;
	[tilespmem:s25+$0xFFFFFF40] =	vst v15  }
0x2cb: {  	v25 =	vor.u32 $0x1C, v6;
	v15 =	vld.idx.msk [tilespmem:v61+s10+$0x0], $0xffff;
	[tilespmem:s28+$0xFFFFFF40] =	vst v19  }
0x2cc: {  	v26 =	vor.u32 $0x1C, v3;
	[tilespmem:s28+$0x340] =	vst v62;
	v19 =	vld.idx.msk [tilespmem:v24+s10+$0x0], $0xffff  }
0x2cd: {  	v28 =	vor.u32 $0x1C, v7;
	v17 =	vld.idx.msk [tilespmem:v63+s10+$0x0], $0xffff  }
0x2ce: {  	v27 =	vor.u32 $0x1C, v5  }
0x2cf: {  	[tilespmem:s25+$0x360] =	vst v13  }
0x2d0: {  	v13 =	vld.idx.msk [tilespmem:v25+s10+$0x0], $0xffff;
	[tilespmem:s25+$0xFFFFFF60] =	vst v15  }
0x2d1: {  	v29 =	vor.u32 $0x1D, v6;
	v15 =	vld.idx.msk [tilespmem:v26+s10+$0x0], $0xffff;
	[tilespmem:s28+$0xFFFFFF60] =	vst v19  }
0x2d2: {  	v30 =	vor.u32 $0x1D, v3;
	[tilespmem:s28+$0x360] =	vst v17;
	v19 =	vld.idx.msk [tilespmem:v28+s10+$0x0], $0xffff  }
0x2d3: {  	v32 =	vor.u32 $0x1D, v7;
	v17 =	vld.idx.msk [tilespmem:v27+s10+$0x0], $0xffff  }
0x2d4: {  	v31 =	vor.u32 $0x1D, v5  }
0x2d5: {  	[tilespmem:s25+$0x380] =	vst v13  }
0x2d6: {  	v13 =	vld.idx.msk [tilespmem:v29+s10+$0x0], $0xffff;
	[tilespmem:s25+$0xFFFFFF80] =	vst v15  }
0x2d7: {  	v33 =	vor.u32 $0x1E, v6;
	v15 =	vld.idx.msk [tilespmem:v30+s10+$0x0], $0xffff;
	[tilespmem:s28+$0xFFFFFF80] =	vst v19  }
0x2d8: {  	v34 =	vor.u32 $0x1E, v3;
	[tilespmem:s28+$0x380] =	vst v17;
	v19 =	vld.idx.msk [tilespmem:v32+s10+$0x0], $0xffff  }
0x2d9: {  	v36 =	vor.u32 $0x1E, v7;
	v17 =	vld.idx.msk [tilespmem:v31+s10+$0x0], $0xffff  }
0x2da: {  	v35 =	vor.u32 $0x1E, v5  }
0x2db: {  	[tilespmem:s25+$0x3A0] =	vst v13  }
0x2dc: {  	v13 =	vld.idx.msk [tilespmem:v33+s10+$0x0], $0xffff;
	[tilespmem:s25+$0xFFFFFFA0] =	vst v15  }
0x2dd: {  	v37 =	vor.u32 $0x1F, v6;
	v38 =	vld.idx.msk [tilespmem:v34+s10+$0x0], $0xffff;
	[tilespmem:s28+$0xFFFFFFA0] =	vst v19  }
0x2de: {  	v39 =	vor.u32 $0x1F, v3;
	[tilespmem:s28+$0x3A0] =	vst v17;
	v41 =	vld.idx.msk [tilespmem:v36+s10+$0x0], $0xffff  }
0x2df: {  	v42 =	vor.u32 $0x1F, v7;
	v40 =	vld.idx.msk [tilespmem:v35+s10+$0x0], $0xffff  }
0x2e0: {  	s30 =	sadd.s32 $0x1A1, s24;
	v5 =	vor.u32 $0x1F, v5  }
0x2e1: {  	s31 =	sadd.s32 $0x1A0, s24;
	v3 =	vmov s30;
	[tilespmem:s25+$0x3C0] =	vst v13  }
0x2e2: {  	s24 =	sadd.s32 $0x1A1, s26;
	s26 =	sadd.s32 $0x1A0, s26;
	v3 =	vshll.u32 v3, $0x5;
	v43 =	vmov s31;
	v13 =	vld.idx.msk [tilespmem:v37+s10+$0x0], $0xffff;
	[tilespmem:s25+$0xFFFFFFC0] =	vst v38  }
0x2e3: {  	v3 =	vadd.s32 v0, v3;
	v6 =	vshll.u32 v43, $0x5;
	v47 =	vmov s26;
	v14 =	vld.idx.msk [tilespmem:v39+s10+$0x0], $0xffff;
	[tilespmem:s28+$0xFFFFFFC0] =	vst v41  }
0x2e4: {  	v44 =	vmov s24;
	v6 =	vadd.s32 v0, v6;
	v48 =	vshll.u32 v47, $0x5;
	[tilespmem:s28+$0x3C0] =	vst v40;
	v17 =	vld.idx.msk [tilespmem:v42+s10+$0x0], $0xffff  }
0x2e5: {  	v46 =	vshll.u32 v44, $0x5;
	v45 =	vld.idx.msk [tilespmem:v5+s10+$0x0], $0xffff;
	v5 =	vadd.s32 v0, v48  }
0x2e6: {  	v7 =	vadd.s32 v0, v46  }
0x2e7: {  	[tilespmem:s25+$0x3E0] =	vst v13  }
0x2e8: {  	v13 =	vld.idx.msk [tilespmem:v3+s10+$0x0], $0xffff;
	[tilespmem:s25+$0xFFFFFFE0] =	vst v14  }
0x2e9: {  	v49 =	vor.u32 $0x1, v3;
	v50 =	vld.idx.msk [tilespmem:v6+s10+$0x0], $0xffff;
	[tilespmem:s28+$0xFFFFFFE0] =	vst v17  }
0x2ea: {  	v51 =	vor.u32 $0x1, v6;
	[tilespmem:s28+$0x3E0] =	vst v45;
	v19 =	vld.idx.msk [tilespmem:v5+s10+$0x0], $0xffff  }
0x2eb: {  	v54 =	vor.u32 $0x1, v5;
	v52 =	vld.idx.msk [tilespmem:v7+s10+$0x0], $0xffff  }
0x2ec: {  	v53 =	vor.u32 $0x1, v7  }
0x2ed: {  	[tilespmem:s25+$0x10] =	vst v13  }
0x2ee: {  	v13 =	vld.idx.msk [tilespmem:v49+s10+$0x0], $0xffff;
	[tilespmem:s25+$0xFFFFFC10] =	vst v50  }
0x2ef: {  	v55 =	vor.u32 $0x2, v3;
	v15 =	vld.idx.msk [tilespmem:v51+s10+$0x0], $0xffff;
	[tilespmem:s28+$0xFFFFFC10] =	vst v19  }
0x2f0: {  	v56 =	vor.u32 $0x2, v6;
	[tilespmem:s28+$0x10] =	vst v52;
	v19 =	vld.idx.msk [tilespmem:v54+s10+$0x0], $0xffff  }
0x2f1: {  	v58 =	vor.u32 $0x2, v5;
	v17 =	vld.idx.msk [tilespmem:v53+s10+$0x0], $0xffff  }
0x2f2: {  	v57 =	vor.u32 $0x2, v7  }
0x2f3: {  	[tilespmem:s25+$0x30] =	vst v13  }
0x2f4: {  	v13 =	vld.idx.msk [tilespmem:v55+s10+$0x0], $0xffff;
	[tilespmem:s25+$0xFFFFFC30] =	vst v15  }
0x2f5: {  	v59 =	vor.u32 $0x3, v3;
	v15 =	vld.idx.msk [tilespmem:v56+s10+$0x0], $0xffff;
	[tilespmem:s28+$0xFFFFFC30] =	vst v19  }
0x2f6: {  	v60 =	vor.u32 $0x3, v6;
	[tilespmem:s28+$0x30] =	vst v17;
	v19 =	vld.idx.msk [tilespmem:v58+s10+$0x0], $0xffff  }
0x2f7: {  	v62 =	vor.u32 $0x3, v5;
	v17 =	vld.idx.msk [tilespmem:v57+s10+$0x0], $0xffff  }
0x2f8: {  	v61 =	vor.u32 $0x3, v7  }
0x2f9: {  	[tilespmem:s25+$0x50] =	vst v13  }
0x2fa: {  	v13 =	vld.idx.msk [tilespmem:v59+s10+$0x0], $0xffff;
	[tilespmem:s25+$0xFFFFFC50] =	vst v15  }
0x2fb: {  	v63 =	vor.u32 $0x4, v3;
	v15 =	vld.idx.msk [tilespmem:v60+s10+$0x0], $0xffff;
	[tilespmem:s28+$0xFFFFFC50] =	vst v19  }
0x2fc: {  	v24 =	vor.u32 $0x4, v6;
	[tilespmem:s28+$0x50] =	vst v17;
	v19 =	vld.idx.msk [tilespmem:v62+s10+$0x0], $0xffff  }
0x2fd: {  	[tilespmem:s22+$0xFFFFFD30] =	vst v12;
	v26 =	vor.u32 $0x4, v5;
	v17 =	vld.idx.msk [tilespmem:v61+s10+$0x0], $0xffff  }
0x2fe: {  	[tilespmem:s21+$0xFFFFFED0] =	vst v10;
	v25 =	vor.u32 $0x4, v7  }
0x2ff: {  	v27 =	vor.u32 $0xA, v8;
	[tilespmem:s25+$0x70] =	vst v13  }
0x300: {  	v28 =	vor.u32 $0x1E, v2;
	v14 =	vld.idx.msk [tilespmem:v63+s10+$0x0], $0xffff;
	[tilespmem:s25+$0xFFFFFC70] =	vst v15  }
0x301: {  	v29 =	vor.u32 $0x5, v3;
	v16 =	vld.idx.msk [tilespmem:v24+s10+$0x0], $0xffff;
	[tilespmem:s28+$0xFFFFFC70] =	vst v19  }
0x302: {  	v30 =	vor.u32 $0x5, v6;
	[tilespmem:s28+$0x70] =	vst v17;
	v12 =	vld.idx.msk [tilespmem:v26+s10+$0x0], $0xffff  }
0x303: {  	[tilespmem:s21+$0x3B0] =	vst v9;
	v33 =	vor.u32 $0x5, v5;
	v18 =	vld.idx.msk [tilespmem:v25+s10+$0x0], $0xffff  }
0x304: {  	[tilespmem:s22+$0x170] =	vst v11;
	v32 =	vld.idx.msk [tilespmem:v27+s10+$0x0], $0xffff;
	v31 =	vor.u32 $0x5, v7  }
0x305: {  	v34 =	vor.u32 $0xC, v4;
	v13 =	vld.idx.msk [tilespmem:v28+s10+$0x0], $0xffff;
	[tilespmem:s25+$0x90] =	vst v14  }
0x306: {  	v59 =	vor.u32 $0x17, v1;
	v15 =	vld.idx.msk [tilespmem:v29+s10+$0x0], $0xffff;
	[tilespmem:s25+$0xFFFFFC90] =	vst v16  }
0x307: {  	v36 =	vor.u32 $0x6, v3;
	v17 =	vld.idx.msk [tilespmem:v30+s10+$0x0], $0xffff;
	[tilespmem:s28+$0xFFFFFC90] =	vst v12  }
0x308: {  	v37 =	vor.u32 $0x6, v6;
	[tilespmem:s28+$0x90] =	vst v18;
	v11 =	vld.idx.msk [tilespmem:v33+s10+$0x0], $0xffff  }
0x309: {  	[tilespmem:s22+$0xFFFFFD50] =	vst v32;
	v40 =	vor.u32 $0x6, v5;
	v9 =	vld.idx.msk [tilespmem:v31+s10+$0x0], $0xffff  }
0x30a: {  	v38 =	vor.u32 $0x6, v7;
	v39 =	vld.idx.msk [tilespmem:v34+s10+$0x0], $0xffff;
	[tilespmem:s21+$0x3D0] =	vst v13  }
0x30b: {  	v35 =	vor.u32 $0xB, v8;
	v63 =	vld.idx.msk [tilespmem:v59+s10+$0x0], $0xffff;
	[tilespmem:s25+$0xB0] =	vst v15  }
0x30c: {  	v2 =	vor.u32 $0x1F, v2;
	v16 =	vld.idx.msk [tilespmem:v36+s10+$0x0], $0xffff;
	[tilespmem:s25+$0xFFFFFCB0] =	vst v17  }
0x30d: {  	v42 =	vor.u32 $0x7, v3;
	v18 =	vld.idx.msk [tilespmem:v37+s10+$0x0], $0xffff;
	[tilespmem:s28+$0xFFFFFCB0] =	vst v11  }
0x30e: {  	v43 =	vor.u32 $0x7, v6;
	[tilespmem:s28+$0xB0] =	vst v9;
	v13 =	vld.idx.msk [tilespmem:v40+s10+$0x0], $0xffff  }
0x30f: {  	[tilespmem:s22+$0x190] =	vst v39;
	v45 =	vor.u32 $0x7, v5;
	v12 =	vld.idx.msk [tilespmem:v38+s10+$0x0], $0xffff  }
0x310: {  	v44 =	vor.u32 $0x7, v7;
	v14 =	vld.idx.msk [tilespmem:v35+s10+$0x0], $0xffff;
	[tilespmem:s21+$0xFFFFFEF0] =	vst v63  }
0x311: {  	v41 =	vor.u32 $0xD, v4;
	v2 =	vld.idx.msk [tilespmem:v2+s10+$0x0], $0xffff;
	[tilespmem:s25+$0xD0] =	vst v16  }
0x312: {  	v46 =	vor.u32 $0xC, v8;
	v16 =	vld.idx.msk [tilespmem:v42+s10+$0x0], $0xffff;
	[tilespmem:s25+$0xFFFFFCD0] =	vst v18  }
0x313: {  	v47 =	vor.u32 $0x8, v3;
	v9 =	vld.idx.msk [tilespmem:v43+s10+$0x0], $0xffff;
	[tilespmem:s28+$0xFFFFFCD0] =	vst v13  }
0x314: {  	v48 =	vor.u32 $0x8, v6;
	[tilespmem:s28+$0xD0] =	vst v12;
	v13 =	vld.idx.msk [tilespmem:v45+s10+$0x0], $0xffff  }
0x315: {  	v50 =	vor.u32 $0x8, v5;
	[tilespmem:s22+$0xFFFFFD70] =	vst v14;
	v11 =	vld.idx.msk [tilespmem:v44+s10+$0x0], $0xffff  }
0x316: {  	[tilespmem:s21+$0x3F0] =	vst v2;
	v2 =	vor.u32 $0x8, v7;
	v15 =	vld.idx.msk [tilespmem:v41+s10+$0x0], $0xffff  }
0x317: {  	v51 =	vor.u32 $0xE, v4;
	v49 =	vld.idx.msk [tilespmem:v46+s10+$0x0], $0xffff;
	[tilespmem:s25+$0xF0] =	vst v16  }
0x318: {  	v52 =	vor.u32 $0xD, v8;
	v17 =	vld.idx.msk [tilespmem:v47+s10+$0x0], $0xffff;
	[tilespmem:s25+$0xFFFFFCF0] =	vst v9  }
0x319: {  	v53 =	vor.u32 $0x9, v3;
	v12 =	vld.idx.msk [tilespmem:v48+s10+$0x0], $0xffff;
	[tilespmem:s28+$0xFFFFFCF0] =	vst v13  }
0x31a: {  	v54 =	vor.u32 $0x9, v6;
	[tilespmem:s28+$0xF0] =	vst v11;
	v56 =	vld.idx.msk [tilespmem:v50+s10+$0x0], $0xffff  }
0x31b: {  	v58 =	vor.u32 $0x9, v5;
	[tilespmem:s22+$0x1B0] =	vst v15;
	v2 =	vld.idx.msk [tilespmem:v2+s10+$0x0], $0xffff  }
0x31c: {  	v55 =	vor.u32 $0x9, v7;
	[tilespmem:s22+$0xFFFFFD90] =	vst v49;
	v57 =	vld.idx.msk [tilespmem:v51+s10+$0x0], $0xffff  }
0x31d: {  	v60 =	vor.u32 $0xF, v4;
	v16 =	vld.idx.msk [tilespmem:v52+s10+$0x0], $0xffff;
	[tilespmem:s25+$0x110] =	vst v17  }
0x31e: {  	v22 =	vor.u32 $0xE, v8;
	v9 =	vld.idx.msk [tilespmem:v53+s10+$0x0], $0xffff;
	[tilespmem:s25+$0xFFFFFD10] =	vst v12  }
0x31f: {  	v61 =	vor.u32 $0xA, v3;
	v11 =	vld.idx.msk [tilespmem:v54+s10+$0x0], $0xffff;
	[tilespmem:s28+$0xFFFFFD10] =	vst v56  }
0x320: {  	[tilespmem:s28+$0x110] =	vst v2;
	v2 =	vor.u32 $0xA, v6;
	v10 =	vld.idx.msk [tilespmem:v58+s10+$0x0], $0xffff  }
0x321: {  	v21 =	vor.u32 $0xA, v5;
	[tilespmem:s22+$0x1D0] =	vst v57;
	v13 =	vld.idx.msk [tilespmem:v55+s10+$0x0], $0xffff  }
0x322: {  	v62 =	vor.u32 $0xA, v7;
	[tilespmem:s22+$0xFFFFFDB0] =	vst v16;
	v17 =	vld.idx.msk [tilespmem:v60+s10+$0x0], $0xffff  }
0x323: {  	v23 =	vor.u32 $0x18, v1;
	v28 =	vld.idx.msk [tilespmem:v22+s10+$0x0], $0xffff;
	[tilespmem:s25+$0x130] =	vst v9  }
0x324: {  	v30 =	vor.u32 $0x10, v4;
	v12 =	vld.idx.msk [tilespmem:v61+s10+$0x0], $0xffff;
	[tilespmem:s25+$0xFFFFFD30] =	vst v11  }
0x325: {  	v24 =	vor.u32 $0xB, v3;
	v2 =	vld.idx.msk [tilespmem:v2+s10+$0x0], $0xffff;
	[tilespmem:s28+$0xFFFFFD30] =	vst v10  }
0x326: {  	v25 =	vor.u32 $0xB, v6;
	[tilespmem:s28+$0x130] =	vst v13;
	v27 =	vld.idx.msk [tilespmem:v21+s10+$0x0], $0xffff  }
0x327: {  	v29 =	vor.u32 $0xB, v5;
	[tilespmem:s22+$0x1F0] =	vst v17;
	v14 =	vld.idx.msk [tilespmem:v62+s10+$0x0], $0xffff  }
0x328: {  	v26 =	vor.u32 $0xB, v7;
	[tilespmem:s22+$0xFFFFFDD0] =	vst v28;
	v9 =	vld.idx.msk [tilespmem:v23+s10+$0x0], $0xffff  }
0x329: {  	v31 =	vor.u32 $0xF, v8;
	v35 =	vld.idx.msk [tilespmem:v30+s10+$0x0], $0xffff;
	[tilespmem:s25+$0x150] =	vst v12  }
0x32a: {  	v37 =	vor.u32 $0x19, v1;
	v11 =	vld.idx.msk [tilespmem:v24+s10+$0x0], $0xffff;
	[tilespmem:s25+$0xFFFFFD50] =	vst v2  }
0x32b: {  	v2 =	vor.u32 $0xC, v3;
	v13 =	vld.idx.msk [tilespmem:v25+s10+$0x0], $0xffff;
	[tilespmem:s28+$0xFFFFFD50] =	vst v27  }
0x32c: {  	v32 =	vor.u32 $0xC, v6;
	[tilespmem:s28+$0x150] =	vst v14;
	v34 =	vld.idx.msk [tilespmem:v29+s10+$0x0], $0xffff  }
0x32d: {  	v36 =	vor.u32 $0xC, v5;
	[tilespmem:s21+$0xFFFFFF10] =	vst v9;
	v10 =	vld.idx.msk [tilespmem:v26+s10+$0x0], $0xffff  }
0x32e: {  	v33 =	vor.u32 $0xC, v7;
	[tilespmem:s22+$0x210] =	vst v35;
	v12 =	vld.idx.msk [tilespmem:v31+s10+$0x0], $0xffff  }
0x32f: {  	v38 =	vor.u32 $0x11, v4;
	v42 =	vld.idx.msk [tilespmem:v37+s10+$0x0], $0xffff;
	[tilespmem:s25+$0x170] =	vst v11  }
0x330: {  	v44 =	vor.u32 $0x10, v8;
	v2 =	vld.idx.msk [tilespmem:v2+s10+$0x0], $0xffff;
	[tilespmem:s25+$0xFFFFFD70] =	vst v13  }
0x331: {  	v39 =	vor.u32 $0xD, v3;
	v14 =	vld.idx.msk [tilespmem:v32+s10+$0x0], $0xffff;
	[tilespmem:s28+$0xFFFFFD70] =	vst v34  }
0x332: {  	v40 =	vor.u32 $0xD, v6;
	[tilespmem:s28+$0x170] =	vst v10;
	v9 =	vld.idx.msk [tilespmem:v36+s10+$0x0], $0xffff  }
0x333: {  	v43 =	vor.u32 $0xD, v5;
	[tilespmem:s22+$0xFFFFFDF0] =	vst v12;
	v15 =	vld.idx.msk [tilespmem:v33+s10+$0x0], $0xffff  }
0x334: {  	v41 =	vor.u32 $0xD, v7;
	[tilespmem:s21+$0xFFFFFF30] =	vst v42;
	v11 =	vld.idx.msk [tilespmem:v38+s10+$0x0], $0xffff  }
0x335: {  	v48 =	vld.idx.msk [tilespmem:v44+s10+$0x0], $0xffff;
	[tilespmem:s25+$0x190] =	vst v2;
	v2 =	vor.u32 $0x1A, v1  }
0x336: {  	v50 =	vor.u32 $0x12, v4;
	v13 =	vld.idx.msk [tilespmem:v39+s10+$0x0], $0xffff;
	[tilespmem:s25+$0xFFFFFD90] =	vst v14  }
0x337: {  	v45 =	vor.u32 $0xE, v3;
	v10 =	vld.idx.msk [tilespmem:v40+s10+$0x0], $0xffff;
	[tilespmem:s28+$0xFFFFFD90] =	vst v9  }
0x338: {  	v46 =	vor.u32 $0xE, v6;
	[tilespmem:s28+$0x190] =	vst v15;
	v12 =	vld.idx.msk [tilespmem:v43+s10+$0x0], $0xffff  }
0x339: {  	v49 =	vor.u32 $0xE, v5;
	[tilespmem:s22+$0x230] =	vst v11;
	v16 =	vld.idx.msk [tilespmem:v41+s10+$0x0], $0xffff  }
0x33a: {  	v47 =	vor.u32 $0xE, v7;
	[tilespmem:s22+$0xFFFFFE10] =	vst v48;
	v2 =	vld.idx.msk [tilespmem:v2+s10+$0x0], $0xffff  }
0x33b: {  	v51 =	vor.u32 $0x11, v8;
	v55 =	vld.idx.msk [tilespmem:v50+s10+$0x0], $0xffff;
	[tilespmem:s25+$0x1B0] =	vst v13  }
0x33c: {  	v56 =	vor.u32 $0x1B, v1;
	v14 =	vld.idx.msk [tilespmem:v45+s10+$0x0], $0xffff;
	[tilespmem:s25+$0xFFFFFDB0] =	vst v10  }
0x33d: {  	v52 =	vor.u32 $0xF, v3;
	v15 =	vld.idx.msk [tilespmem:v46+s10+$0x0], $0xffff;
	[tilespmem:s28+$0xFFFFFDB0] =	vst v12  }
0x33e: {  	v53 =	vor.u32 $0xF, v6;
	[tilespmem:s28+$0x1B0] =	vst v16;
	v11 =	vld.idx.msk [tilespmem:v49+s10+$0x0], $0xffff  }
0x33f: {  	[tilespmem:s21+$0xFFFFFF50] =	vst v2;
	v2 =	vor.u32 $0xF, v5;
	v9 =	vld.idx.msk [tilespmem:v47+s10+$0x0], $0xffff  }
0x340: {  	v54 =	vor.u32 $0xF, v7;
	[tilespmem:s22+$0x250] =	vst v55;
	v13 =	vld.idx.msk [tilespmem:v51+s10+$0x0], $0xffff  }
0x341: {  	v57 =	vor.u32 $0x13, v4;
	v61 =	vld.idx.msk [tilespmem:v56+s10+$0x0], $0xffff;
	[tilespmem:s25+$0x1D0] =	vst v14  }
0x342: {  	v63 =	vor.u32 $0x12, v8;
	v10 =	vld.idx.msk [tilespmem:v52+s10+$0x0], $0xffff;
	[tilespmem:s25+$0xFFFFFDD0] =	vst v15  }
0x343: {  	v58 =	vor.u32 $0x10, v3;
	v16 =	vld.idx.msk [tilespmem:v53+s10+$0x0], $0xffff;
	[tilespmem:s28+$0xFFFFFDD0] =	vst v11  }
0x344: {  	v59 =	vor.u32 $0x10, v6;
	[tilespmem:s28+$0x1D0] =	vst v9;
	v2 =	vld.idx.msk [tilespmem:v2+s10+$0x0], $0xffff  }
0x345: {  	v62 =	vor.u32 $0x10, v5;
	[tilespmem:s22+$0xFFFFFE30] =	vst v13;
	v12 =	vld.idx.msk [tilespmem:v54+s10+$0x0], $0xffff  }
0x346: {  	v60 =	vor.u32 $0x10, v7;
	v14 =	vld.idx.msk [tilespmem:v57+s10+$0x0], $0xffff;
	[tilespmem:s21+$0xFFFFFF70] =	vst v61  }
0x347: {  	v21 =	vor.u32 $0x1C, v1;
	v24 =	vld.idx.msk [tilespmem:v63+s10+$0x0], $0xffff;
	[tilespmem:s25+$0x1F0] =	vst v10  }
0x348: {  	v26 =	vor.u32 $0x14, v4;
	v15 =	vld.idx.msk [tilespmem:v58+s10+$0x0], $0xffff;
	[tilespmem:s25+$0xFFFFFDF0] =	vst v16  }
0x349: {  	v22 =	vor.u32 $0x11, v3;
	v9 =	vld.idx.msk [tilespmem:v59+s10+$0x0], $0xffff;
	[tilespmem:s28+$0xFFFFFDF0] =	vst v2  }
0x34a: {  	v23 =	vor.u32 $0x11, v6;
	[tilespmem:s28+$0x1F0] =	vst v12;
	v13 =	vld.idx.msk [tilespmem:v62+s10+$0x0], $0xffff  }
0x34b: {  	v25 =	vor.u32 $0x11, v5;
	[tilespmem:s22+$0x270] =	vst v14;
	v11 =	vld.idx.msk [tilespmem:v60+s10+$0x0], $0xffff  }
0x34c: {  	[tilespmem:s22+$0xFFFFFE50] =	vst v24;
	v10 =	vld.idx.msk [tilespmem:v21+s10+$0x0], $0xffff;
	v2 =	vor.u32 $0x11, v7  }
0x34d: {  	v27 =	vor.u32 $0x13, v8;
	v31 =	vld.idx.msk [tilespmem:v26+s10+$0x0], $0xffff;
	[tilespmem:s25+$0x210] =	vst v15  }
0x34e: {  	v33 =	vor.u32 $0x1D, v1;
	v16 =	vld.idx.msk [tilespmem:v22+s10+$0x0], $0xffff;
	[tilespmem:s25+$0xFFFFFE10] =	vst v9  }
0x34f: {  	v28 =	vor.u32 $0x12, v3;
	v12 =	vld.idx.msk [tilespmem:v23+s10+$0x0], $0xffff;
	[tilespmem:s28+$0xFFFFFE10] =	vst v13  }
0x350: {  	v29 =	vor.u32 $0x12, v6;
	[tilespmem:s28+$0x210] =	vst v11;
	v14 =	vld.idx.msk [tilespmem:v25+s10+$0x0], $0xffff  }
0x351: {  	v32 =	vor.u32 $0x12, v5;
	[tilespmem:s21+$0xFFFFFF90] =	vst v10;
	v2 =	vld.idx.msk [tilespmem:v2+s10+$0x0], $0xffff  }
0x352: {  	v30 =	vor.u32 $0x12, v7;
	[tilespmem:s22+$0x290] =	vst v31;
	v15 =	vld.idx.msk [tilespmem:v27+s10+$0x0], $0xffff  }
0x353: {  	v34 =	vor.u32 $0x15, v4;
	v37 =	vld.idx.msk [tilespmem:v33+s10+$0x0], $0xffff;
	[tilespmem:s25+$0x230] =	vst v16  }
0x354: {  	v39 =	vor.u32 $0x14, v8;
	v9 =	vld.idx.msk [tilespmem:v28+s10+$0x0], $0xffff;
	[tilespmem:s25+$0xFFFFFE30] =	vst v12  }
0x355: {  	v35 =	vor.u32 $0x13, v3;
	v11 =	vld.idx.msk [tilespmem:v29+s10+$0x0], $0xffff;
	[tilespmem:s28+$0xFFFFFE30] =	vst v14  }
0x356: {  	[tilespmem:s28+$0x230] =	vst v2;
	v2 =	vor.u32 $0x13, v6;
	v10 =	vld.idx.msk [tilespmem:v32+s10+$0x0], $0xffff  }
0x357: {  	v38 =	vor.u32 $0x13, v5;
	[tilespmem:s22+$0xFFFFFE70] =	vst v15;
	v13 =	vld.idx.msk [tilespmem:v30+s10+$0x0], $0xffff  }
0x358: {  	v36 =	vor.u32 $0x13, v7;
	[tilespmem:s21+$0xFFFFFFB0] =	vst v37;
	v16 =	vld.idx.msk [tilespmem:v34+s10+$0x0], $0xffff  }
0x359: {  	v40 =	vor.u32 $0x1E, v1;
	v44 =	vld.idx.msk [tilespmem:v39+s10+$0x0], $0xffff;
	[tilespmem:s25+$0x250] =	vst v9  }
0x35a: {  	v46 =	vor.u32 $0x16, v4;
	v12 =	vld.idx.msk [tilespmem:v35+s10+$0x0], $0xffff;
	[tilespmem:s25+$0xFFFFFE50] =	vst v11  }
0x35b: {  	v41 =	vor.u32 $0x14, v3;
	v2 =	vld.idx.msk [tilespmem:v2+s10+$0x0], $0xffff;
	[tilespmem:s28+$0xFFFFFE50] =	vst v10  }
0x35c: {  	v42 =	vor.u32 $0x14, v6;
	[tilespmem:s28+$0x250] =	vst v13;
	v15 =	vld.idx.msk [tilespmem:v38+s10+$0x0], $0xffff  }
0x35d: {  	v45 =	vor.u32 $0x14, v5;
	[tilespmem:s22+$0x2B0] =	vst v16;
	v14 =	vld.idx.msk [tilespmem:v36+s10+$0x0], $0xffff  }
0x35e: {  	v43 =	vor.u32 $0x14, v7;
	[tilespmem:s22+$0xFFFFFE90] =	vst v44;
	v9 =	vld.idx.msk [tilespmem:v40+s10+$0x0], $0xffff  }
0x35f: {  	v47 =	vor.u32 $0x15, v8;
	v50 =	vld.idx.msk [tilespmem:v46+s10+$0x0], $0xffff;
	[tilespmem:s25+$0x270] =	vst v12  }
0x360: {  	v1 =	vor.u32 $0x1F, v1;
	v11 =	vld.idx.msk [tilespmem:v41+s10+$0x0], $0xffff;
	[tilespmem:s25+$0xFFFFFE70] =	vst v2  }
0x361: {  	v2 =	vor.u32 $0x15, v3;
	v13 =	vld.idx.msk [tilespmem:v42+s10+$0x0], $0xffff;
	[tilespmem:s28+$0xFFFFFE70] =	vst v15  }
0x362: {  	v48 =	vor.u32 $0x15, v6;
	[tilespmem:s28+$0x270] =	vst v14;
	v16 =	vld.idx.msk [tilespmem:v45+s10+$0x0], $0xffff  }
0x363: {  	v51 =	vor.u32 $0x15, v5;
	[tilespmem:s21+$0xFFFFFFD0] =	vst v9;
	v10 =	vld.idx.msk [tilespmem:v43+s10+$0x0], $0xffff  }
0x364: {  	v49 =	vor.u32 $0x15, v7;
	[tilespmem:s22+$0x2D0] =	vst v50;
	v12 =	vld.idx.msk [tilespmem:v47+s10+$0x0], $0xffff  }
0x365: {  	v52 =	vor.u32 $0x16, v8;
	v1 =	vld.idx.msk [tilespmem:v1+s10+$0x0], $0xffff;
	[tilespmem:s25+$0x290] =	vst v11  }
0x366: {  	v57 =	vor.u32 $0x17, v4;
	v2 =	vld.idx.msk [tilespmem:v2+s10+$0x0], $0xffff;
	[tilespmem:s25+$0xFFFFFE90] =	vst v13  }
0x367: {  	v53 =	vor.u32 $0x16, v3;
	v14 =	vld.idx.msk [tilespmem:v48+s10+$0x0], $0xffff;
	[tilespmem:s28+$0xFFFFFE90] =	vst v16  }
0x368: {  	v54 =	vor.u32 $0x16, v6;
	[tilespmem:s28+$0x290] =	vst v10;
	v9 =	vld.idx.msk [tilespmem:v51+s10+$0x0], $0xffff  }
0x369: {  	v56 =	vor.u32 $0x16, v5;
	[tilespmem:s22+$0xFFFFFEB0] =	vst v12;
	v15 =	vld.idx.msk [tilespmem:v49+s10+$0x0], $0xffff  }
0x36a: {  	v55 =	vor.u32 $0x16, v7;
	[tilespmem:s21+$0xFFFFFFF0] =	vst v1;
	v11 =	vld.idx.msk [tilespmem:v52+s10+$0x0], $0xffff  }
0x36b: {  	v60 =	vld.idx.msk [tilespmem:v57+s10+$0x0], $0xffff;
	[tilespmem:s25+$0x2B0] =	vst v2;
	v2 =	vor.u32 $0x17, v8  }
0x36c: {  	v62 =	vor.u32 $0x18, v4;
	v13 =	vld.idx.msk [tilespmem:v53+s10+$0x0], $0xffff;
	[tilespmem:s25+$0xFFFFFEB0] =	vst v14  }
0x36d: {  	v58 =	vor.u32 $0x17, v3;
	v10 =	vld.idx.msk [tilespmem:v54+s10+$0x0], $0xffff;
	[tilespmem:s28+$0xFFFFFEB0] =	vst v9  }
0x36e: {  	v59 =	vor.u32 $0x17, v6;
	[tilespmem:s28+$0x2B0] =	vst v15;
	v9 =	vld.idx.msk [tilespmem:v56+s10+$0x0], $0xffff  }
0x36f: {  	v61 =	vor.u32 $0x17, v5;
	[tilespmem:s22+$0xFFFFFED0] =	vst v11;
	v16 =	vld.idx.msk [tilespmem:v55+s10+$0x0], $0xffff  }
0x370: {  	v1 =	vor.u32 $0x17, v7;
	[tilespmem:s22+$0x2F0] =	vst v60;
	v2 =	vld.idx.msk [tilespmem:v2+s10+$0x0], $0xffff  }
0x371: {  	v63 =	vor.u32 $0x18, v8;
	v12 =	vld.idx.msk [tilespmem:v62+s10+$0x0], $0xffff;
	[tilespmem:s25+$0x2D0] =	vst v13  }
0x372: {  	v23 =	vor.u32 $0x19, v4;
	v14 =	vld.idx.msk [tilespmem:v58+s10+$0x0], $0xffff;
	[tilespmem:s25+$0xFFFFFED0] =	vst v10  }
0x373: {  	v20 =	vor.u32 $0x18, v3;
	v15 =	vld.idx.msk [tilespmem:v59+s10+$0x0], $0xffff;
	[tilespmem:s28+$0xFFFFFED0] =	vst v9  }
0x374: {  	v21 =	vor.u32 $0x18, v6;
	[tilespmem:s28+$0x2D0] =	vst v16;
	v11 =	vld.idx.msk [tilespmem:v61+s10+$0x0], $0xffff  }
0x375: {  	[tilespmem:s22+$0xFFFFFEF0] =	vst v2;
	v2 =	vor.u32 $0x18, v5;
	v1 =	vld.idx.msk [tilespmem:v1+s10+$0x0], $0xffff  }
0x376: {  	v22 =	vor.u32 $0x18, v7;
	[tilespmem:s22+$0x310] =	vst v12;
	v13 =	vld.idx.msk [tilespmem:v63+s10+$0x0], $0xffff  }
0x377: {  	v24 =	vor.u32 $0x19, v8;
	v12 =	vld.idx.msk [tilespmem:v23+s10+$0x0], $0xffff;
	[tilespmem:s25+$0x2F0] =	vst v14  }
0x378: {  	v28 =	vor.u32 $0x1A, v4;
	v10 =	vld.idx.msk [tilespmem:v20+s10+$0x0], $0xffff;
	[tilespmem:s25+$0xFFFFFEF0] =	vst v15  }
0x379: {  	v25 =	vor.u32 $0x19, v3;
	v16 =	vld.idx.msk [tilespmem:v21+s10+$0x0], $0xffff;
	[tilespmem:s28+$0xFFFFFEF0] =	vst v11  }
0x37a: {  	[tilespmem:s28+$0x2F0] =	vst v1;
	v1 =	vor.u32 $0x19, v6;
	v2 =	vld.idx.msk [tilespmem:v2+s10+$0x0], $0xffff  }
0x37b: {  	v27 =	vor.u32 $0x19, v5;
	[tilespmem:s22+$0xFFFFFF10] =	vst v13;
	v9 =	vld.idx.msk [tilespmem:v22+s10+$0x0], $0xffff  }
0x37c: {  	v26 =	vor.u32 $0x19, v7;
	[tilespmem:s22+$0x330] =	vst v12;
	v14 =	vld.idx.msk [tilespmem:v24+s10+$0x0], $0xffff  }
0x37d: {  	v29 =	vor.u32 $0x1A, v8;
	v33 =	vld.idx.msk [tilespmem:v28+s10+$0x0], $0xffff;
	[tilespmem:s25+$0x310] =	vst v10  }
0x37e: {  	v35 =	vor.u32 $0x1B, v4;
	v15 =	vld.idx.msk [tilespmem:v25+s10+$0x0], $0xffff;
	[tilespmem:s25+$0xFFFFFF10] =	vst v16  }
0x37f: {  	v30 =	vor.u32 $0x1A, v3;
	v1 =	vld.idx.msk [tilespmem:v1+s10+$0x0], $0xffff;
	[tilespmem:s28+$0xFFFFFF10] =	vst v2  }
0x380: {  	v31 =	vor.u32 $0x1A, v6;
	[tilespmem:s28+$0x310] =	vst v9;
	v32 =	vld.idx.msk [tilespmem:v27+s10+$0x0], $0xffff  }
0x381: {  	v34 =	vor.u32 $0x1A, v5;
	[tilespmem:s22+$0xFFFFFF30] =	vst v14;
	v11 =	vld.idx.msk [tilespmem:v26+s10+$0x0], $0xffff  }
0x382: {  	[tilespmem:s22+$0x350] =	vst v33;
	v2 =	vor.u32 $0x1A, v7;
	v10 =	vld.idx.msk [tilespmem:v29+s10+$0x0], $0xffff  }
0x383: {  	v36 =	vor.u32 $0x1B, v8;
	v40 =	vld.idx.msk [tilespmem:v35+s10+$0x0], $0xffff;
	[tilespmem:s25+$0x330] =	vst v15  }
0x384: {  	v42 =	vor.u32 $0x1C, v4;
	v16 =	vld.idx.msk [tilespmem:v30+s10+$0x0], $0xffff;
	[tilespmem:s25+$0xFFFFFF30] =	vst v1  }
0x385: {  	v1 =	vor.u32 $0x1B, v3;
	v9 =	vld.idx.msk [tilespmem:v31+s10+$0x0], $0xffff;
	[tilespmem:s28+$0xFFFFFF30] =	vst v32  }
0x386: {  	v37 =	vor.u32 $0x1B, v6;
	[tilespmem:s28+$0x330] =	vst v11;
	v39 =	vld.idx.msk [tilespmem:v34+s10+$0x0], $0xffff  }
0x387: {  	v41 =	vor.u32 $0x1B, v5;
	[tilespmem:s22+$0xFFFFFF50] =	vst v10;
	v2 =	vld.idx.msk [tilespmem:v2+s10+$0x0], $0xffff  }
0x388: {  	v38 =	vor.u32 $0x1B, v7;
	[tilespmem:s22+$0x370] =	vst v40;
	v15 =	vld.idx.msk [tilespmem:v36+s10+$0x0], $0xffff  }
0x389: {  	v43 =	vor.u32 $0x1C, v8;
	v14 =	vld.idx.msk [tilespmem:v42+s10+$0x0], $0xffff;
	[tilespmem:s25+$0x350] =	vst v16  }
0x38a: {  	v47 =	vor.u32 $0x1D, v4;
	v1 =	vld.idx.msk [tilespmem:v1+s10+$0x0], $0xffff;
	[tilespmem:s25+$0xFFFFFF50] =	vst v9  }
0x38b: {  	v44 =	vor.u32 $0x1C, v3;
	v11 =	vld.idx.msk [tilespmem:v37+s10+$0x0], $0xffff;
	[tilespmem:s28+$0xFFFFFF50] =	vst v39  }
0x38c: {  	[tilespmem:s28+$0x350] =	vst v2;
	v2 =	vor.u32 $0x1C, v6;
	v10 =	vld.idx.msk [tilespmem:v41+s10+$0x0], $0xffff  }
0x38d: {  	v46 =	vor.u32 $0x1C, v5;
	[tilespmem:s22+$0xFFFFFF70] =	vst v15;
	v12 =	vld.idx.msk [tilespmem:v38+s10+$0x0], $0xffff  }
0x38e: {  	v45 =	vor.u32 $0x1C, v7;
	[tilespmem:s22+$0x390] =	vst v14;
	v16 =	vld.idx.msk [tilespmem:v43+s10+$0x0], $0xffff  }
0x38f: {  	v52 =	vld.idx.msk [tilespmem:v47+s10+$0x0], $0xffff;
	[tilespmem:s25+$0x370] =	vst v1;
	v1 =	vor.u32 $0x1D, v8  }
0x390: {  	v9 =	vld.idx.msk [tilespmem:v44+s10+$0x0], $0xffff;
	[tilespmem:s25+$0xFFFFFF70] =	vst v11  }
0x391: {  	v48 =	vor.u32 $0x1D, v3;
	v2 =	vld.idx.msk [tilespmem:v2+s10+$0x0], $0xffff;
	[tilespmem:s28+$0xFFFFFF70] =	vst v10  }
0x392: {  	v49 =	vor.u32 $0x1D, v6;
	[tilespmem:s28+$0x370] =	vst v12;
	v51 =	vld.idx.msk [tilespmem:v46+s10+$0x0], $0xffff  }
0x393: {  	v53 =	vor.u32 $0x1D, v5;
	[tilespmem:s22+$0xFFFFFF90] =	vst v16;
	v13 =	vld.idx.msk [tilespmem:v45+s10+$0x0], $0xffff  }
0x394: {  	v50 =	vor.u32 $0x1D, v7;
	[tilespmem:s22+$0x3B0] =	vst v52;
	v1 =	vld.idx.msk [tilespmem:v1+s10+$0x0], $0xffff  }
0x395: {  	v54 =	vor.u32 $0x1E, v4;
	[tilespmem:s25+$0x390] =	vst v9  }
0x396: {  	v55 =	vor.u32 $0x1E, v8;
	v11 =	vld.idx.msk [tilespmem:v48+s10+$0x0], $0xffff;
	[tilespmem:s25+$0xFFFFFF90] =	vst v2  }
0x397: {  	v2 =	vor.u32 $0x1E, v3;
	v12 =	vld.idx.msk [tilespmem:v49+s10+$0x0], $0xffff;
	[tilespmem:s28+$0xFFFFFF90] =	vst v51  }
0x398: {  	v56 =	vor.u32 $0x1E, v6;
	[tilespmem:s28+$0x390] =	vst v13;
	v58 =	vld.idx.msk [tilespmem:v53+s10+$0x0], $0xffff  }
0x399: {  	[tilespmem:s22+$0xFFFFFFB0] =	vst v1;
	v1 =	vor.u32 $0x1E, v5;
	v10 =	vld.idx.msk [tilespmem:v50+s10+$0x0], $0xffff  }
0x39a: {  	v57 =	vor.u32 $0x1E, v7;
	v59 =	vld.idx.msk [tilespmem:v54+s10+$0x0], $0xffff  }
0x39b: {  	v60 =	vor.u32 $0x1F, v4;
	v9 =	vld.idx.msk [tilespmem:v55+s10+$0x0], $0xffff;
	[tilespmem:s25+$0x3B0] =	vst v11  }
0x39c: {  	v61 =	vor.u32 $0x1F, v8;
	v2 =	vld.idx.msk [tilespmem:v2+s10+$0x0], $0xffff;
	[tilespmem:s25+$0xFFFFFFB0] =	vst v12  }
0x39d: {  	v3 =	vor.u32 $0x1F, v3;
	v62 =	vld.idx.msk [tilespmem:v56+s10+$0x0], $0xffff;
	[tilespmem:s28+$0xFFFFFFB0] =	vst v58  }
0x39e: {  	v6 =	vor.u32 $0x1F, v6;
	[tilespmem:s28+$0x3B0] =	vst v10;
	v1 =	vld.idx.msk [tilespmem:v1+s10+$0x0], $0xffff  }
0x39f: {  	[tilespmem:s22+$0x3D0] =	vst v59;
	v5 =	vor.u32 $0x1F, v5;
	v10 =	vld.idx.msk [tilespmem:v57+s10+$0x0], $0xffff  }
0x3a0: {  	v7 =	vor.u32 $0x1F, v7;
	v4 =	vld.idx.msk [tilespmem:v60+s10+$0x0], $0xffff;
	[tilespmem:s22+$0xFFFFFFD0] =	vst v9  }
0x3a1: {  	v8 =	vld.idx.msk [tilespmem:v61+s10+$0x0], $0xffff;
	[tilespmem:s25+$0x3D0] =	vst v2  }
0x3a2: {  	v2 =	vld.idx.msk [tilespmem:v3+s10+$0x0], $0xffff;
	[tilespmem:s25+$0xFFFFFFD0] =	vst v62  }
0x3a3: {  	v3 =	vld.idx.msk [tilespmem:v6+s10+$0x0], $0xffff;
	[tilespmem:s28+$0xFFFFFFD0] =	vst v1  }
0x3a4: {  	[tilespmem:s28+$0x3D0] =	vst v10;
	v1 =	vld.idx.msk [tilespmem:v5+s10+$0x0], $0xffff  }
0x3a5: {  	[tilespmem:s22+$0x3F0] =	vst v4;
	v63 =	vld.idx.msk [tilespmem:v7+s10+$0x0], $0xffff  }
0x3a6: {  	[tilespmem:s22+$0xFFFFFFF0] =	vst v8  }
0x3a7: {  	s29 =	sshll.u32 s19, $0x6;
	s30 =	sshll.u32 s19, $0x3;
	[tilespmem:s25+$0x3F0] =	vst v2  }
0x3a8: {  	s21 =	sand.u32 $0x180, s29;
	s22 =	sand.u32 $0x8, s30;
	[tilespmem:s25+$0xFFFFFFF0] =	vst v3  }
0x3a9: {  	s21 =	sor.u32 s6, s21;
	s22 =	sadd.s32 s2, s22;
	[tilespmem:s28+$0xFFFFFFF0] =	vst v1  }
0x3aa: {  	s23 =	simm.s32 $0x400;
	s31 =	simm.s32 $0x10400;
	s22 =	sadd.s32 s21, s22;
	[tilespmem:s28+$0x3F0] =	vst v63  }
0x3ab: {  	[hbm4b:s22+s13] =	stream.strided.scatter [tilespmem:s31], [sflag:$0x3], $0x100, s14, s13, $0x38;
	[tilespmem:$0x1D400] =	vst v63  }
.LBB2_5:
0x3ac: {  	p1 =	sne.s32 s23, $0x19C00  }
.Ltmp1:
0x3ad: {  	_ = 	snop;
	(pc) =	sbr.rel @p1 .LBB2_5-.Ltmp1, $4  }
0x3ae: {  	_ = 	snop  }
0x3af: {  	s24 =	sshra.s32 s23, $0x2;
	s23 =	sadd.s32 $0x400, s23  }
0x3b0: {  	s22 =	sadd.s32 $0x4000, s22;
	s24 =	sadd.s32 $0x10400, s24  }
0x3b1: {  	[hbm4b:s22+s13] =	stream.strided.scatter [tilespmem:s24], [sflag:$0x3], $0x100, s14, s13, $0x38;
	[tilespmem:$0x1D400] =	vst v63  }
0x3b2: {  	p1 =	sne.s32 s19, $0x7  }
.Ltmp2:
0x3b3: {  	_ = 	snop;
	(pc) =	sbr.rel @p1 .LBB2_8-.Ltmp2, $1  }
0x3b4: {  	_ =	sdelay $0x3  }
.Ltmp3:
0x3b5: {  	(pc) =	sbr.rel .LBB2_9-.Ltmp3, $4  }
0x3b6: {  	_ = 	snop  }
0x3b7: {  	_ =	swait.ge [sflag:s15], $0x6800  }
0x3b8: {  	[sflag:s15] =	ssyncset.done $0x0  }
0x3b9: {  	[sflag:s15] =	ssyncadd.s32 $0xFFFF9800  }
.LBB2_8:
0x3ba: {  	s22 =	smul.u32 $0x1A00, s19;
	_ =	sdelay $0x1  }
0x3bb: {  	s22 =	sshra.s32 s22, $0x2  }
.Ltmp4:
0x3bc: {  	s22 =	sadd.s32 $0x680, s22;
	(pc) =	sbr.rel @p0 .LBB2_10-.Ltmp4, $4  }
0x3bd: {  	[tilespmem:s10], [sflag:$0x1] =	stream.indirect.gather [hbm4b:s4+s9], $0x20, s22, s9, $0xb8;
	[tilespmem:$0x1D400] =	vst v63  }
0x3be: {  	_ =	swait.ge [sflag:s15], $0x6800  }
0x3bf: {  	[sflag:s15] =	ssyncset.done $0x0  }
0x3c0: {  	[sflag:s15] =	ssyncadd.s32 $0xFFFF9800  }
.LBB2_9:
0x3c1: {  	_ =	swait.ge [sflag:s16], $0x6800  }
0x3c2: {  	[sflag:s16] =	ssyncset.done $0x0  }
0x3c3: {  	[sflag:s16] =	ssyncadd.s32 $0xFFFF9800  }
.LBB2_10:
0x3c4: {  	s22 =	simm.s32 $0x1  }
0x3c5: {  	v1 =	vmov s22  }
0x3c6: {  	v1 =	vshll.u32 v1, $0x5  }
0x3c7: {  	v5 =	vadd.s32 v0, v1;
	_ =	sdelay $0x1  }
0x3c8: {  	s26 =	simm.s32 $0x0  }
0x3c9: {  	v1 =	vmov s26  }
0x3ca: {  	v1 =	vshll.u32 v1, $0x5  }
0x3cb: {  	v3 =	vadd.s32 v0, v1;
	v1 =	vld.idx.msk [tilespmem:v5+s12+$0x0], $0xffff  }
0x3cc: {  	v2 =	vor.u32 $0x1, v5;
	_ =	sdelay $0x2  }
0x3cd: {  	s24 =	simm.s32 $0x17000  }
0x3ce: {  	v4 =	vld.idx.msk [tilespmem:v3+s12+$0x0], $0xffff;
	[tilespmem:s24+$0x0] =	vst v1  }
0x3cf: {  	v1 =	vor.u32 $0x1, v3;
	v2 =	vld.idx.msk [tilespmem:v2+s12+$0x0], $0xffff  }
0x3d0: {  	v6 =	vor.u32 $0x2, v5;
	_ =	sdelay $0x2  }
0x3d1: {  	[tilespmem:s24+$0xFFFFFC00] =	vst v4  }
0x3d2: {  	v1 =	vld.idx.msk [tilespmem:v1+s12+$0x0], $0xffff;
	[tilespmem:s24+$0x20] =	vst v2  }
0x3d3: {  	v2 =	vor.u32 $0x2, v3;
	v4 =	vld.idx.msk [tilespmem:v6+s12+$0x0], $0xffff  }
0x3d4: {  	v6 =	vor.u32 $0x3, v5;
	_ =	sdelay $0x2  }
0x3d5: {  	[tilespmem:s24+$0xFFFFFC20] =	vst v1  }
0x3d6: {  	v1 =	vld.idx.msk [tilespmem:v2+s12+$0x0], $0xffff;
	[tilespmem:s24+$0x40] =	vst v4  }
0x3d7: {  	v2 =	vor.u32 $0x3, v3;
	v4 =	vld.idx.msk [tilespmem:v6+s12+$0x0], $0xffff  }
0x3d8: {  	v6 =	vor.u32 $0x4, v5;
	_ =	sdelay $0x2  }
0x3d9: {  	[tilespmem:s24+$0xFFFFFC40] =	vst v1  }
0x3da: {  	v1 =	vld.idx.msk [tilespmem:v2+s12+$0x0], $0xffff;
	[tilespmem:s24+$0x60] =	vst v4  }
0x3db: {  	v2 =	vor.u32 $0x4, v3;
	v4 =	vld.idx.msk [tilespmem:v6+s12+$0x0], $0xffff  }
0x3dc: {  	v6 =	vor.u32 $0x5, v5;
	_ =	sdelay $0x2  }
0x3dd: {  	[tilespmem:s24+$0xFFFFFC60] =	vst v1  }
0x3de: {  	v1 =	vld.idx.msk [tilespmem:v2+s12+$0x0], $0xffff;
	[tilespmem:s24+$0x80] =	vst v4  }
0x3df: {  	v2 =	vor.u32 $0x5, v3;
	v4 =	vld.idx.msk [tilespmem:v6+s12+$0x0], $0xffff  }
0x3e0: {  	v6 =	vor.u32 $0x6, v5;
	_ =	sdelay $0x2  }
0x3e1: {  	[tilespmem:s24+$0xFFFFFC80] =	vst v1  }
0x3e2: {  	v1 =	vld.idx.msk [tilespmem:v2+s12+$0x0], $0xffff;
	[tilespmem:s24+$0xA0] =	vst v4  }
0x3e3: {  	v2 =	vor.u32 $0x6, v3;
	v4 =	vld.idx.msk [tilespmem:v6+s12+$0x0], $0xffff  }
0x3e4: {  	v6 =	vor.u32 $0x7, v5;
	_ =	sdelay $0x2  }
0x3e5: {  	[tilespmem:s24+$0xFFFFFCA0] =	vst v1  }
0x3e6: {  	v1 =	vld.idx.msk [tilespmem:v2+s12+$0x0], $0xffff;
	[tilespmem:s24+$0xC0] =	vst v4  }
0x3e7: {  	v2 =	vor.u32 $0x7, v3;
	v4 =	vld.idx.msk [tilespmem:v6+s12+$0x0], $0xffff  }
0x3e8: {  	v6 =	vor.u32 $0x8, v5;
	_ =	sdelay $0x2  }
0x3e9: {  	[tilespmem:s24+$0xFFFFFCC0] =	vst v1  }
0x3ea: {  	v1 =	vld.idx.msk [tilespmem:v2+s12+$0x0], $0xffff;
	[tilespmem:s24+$0xE0] =	vst v4  }
0x3eb: {  	v2 =	vor.u32 $0x8, v3;
	v4 =	vld.idx.msk [tilespmem:v6+s12+$0x0], $0xffff  }
0x3ec: {  	v6 =	vor.u32 $0x9, v5;
	_ =	sdelay $0x2  }
0x3ed: {  	[tilespmem:s24+$0xFFFFFCE0] =	vst v1  }
0x3ee: {  	v1 =	vld.idx.msk [tilespmem:v2+s12+$0x0], $0xffff;
	[tilespmem:s24+$0x100] =	vst v4  }
0x3ef: {  	v2 =	vor.u32 $0x9, v3;
	v4 =	vld.idx.msk [tilespmem:v6+s12+$0x0], $0xffff  }
0x3f0: {  	v6 =	vor.u32 $0xA, v5;
	_ =	sdelay $0x2  }
0x3f1: {  	[tilespmem:s24+$0xFFFFFD00] =	vst v1  }
0x3f2: {  	v1 =	vld.idx.msk [tilespmem:v2+s12+$0x0], $0xffff;
	[tilespmem:s24+$0x120] =	vst v4  }
0x3f3: {  	v2 =	vor.u32 $0xA, v3;
	v4 =	vld.idx.msk [tilespmem:v6+s12+$0x0], $0xffff  }
0x3f4: {  	v6 =	vor.u32 $0xB, v5;
	_ =	sdelay $0x2  }
0x3f5: {  	[tilespmem:s24+$0xFFFFFD20] =	vst v1  }
0x3f6: {  	v1 =	vld.idx.msk [tilespmem:v2+s12+$0x0], $0xffff;
	[tilespmem:s24+$0x140] =	vst v4  }
0x3f7: {  	v2 =	vor.u32 $0xB, v3;
	v4 =	vld.idx.msk [tilespmem:v6+s12+$0x0], $0xffff  }
0x3f8: {  	v6 =	vor.u32 $0xC, v5;
	_ =	sdelay $0x2  }
0x3f9: {  	[tilespmem:s24+$0xFFFFFD40] =	vst v1  }
0x3fa: {  	v1 =	vld.idx.msk [tilespmem:v2+s12+$0x0], $0xffff;
	[tilespmem:s24+$0x160] =	vst v4  }
0x3fb: {  	v2 =	vor.u32 $0xC, v3;
	v4 =	vld.idx.msk [tilespmem:v6+s12+$0x0], $0xffff  }
0x3fc: {  	v6 =	vor.u32 $0xD, v5;
	_ =	sdelay $0x2  }
0x3fd: {  	[tilespmem:s24+$0xFFFFFD60] =	vst v1  }
0x3fe: {  	v1 =	vld.idx.msk [tilespmem:v2+s12+$0x0], $0xffff;
	[tilespmem:s24+$0x180] =	vst v4  }
0x3ff: {  	v2 =	vor.u32 $0xD, v3;
	v4 =	vld.idx.msk [tilespmem:v6+s12+$0x0], $0xffff  }
0x400: {  	v6 =	vor.u32 $0xE, v5;
	_ =	sdelay $0x2  }
0x401: {  	[tilespmem:s24+$0xFFFFFD80] =	vst v1  }
0x402: {  	v1 =	vld.idx.msk [tilespmem:v2+s12+$0x0], $0xffff;
	[tilespmem:s24+$0x1A0] =	vst v4  }
0x403: {  	v2 =	vor.u32 $0xE, v3;
	v4 =	vld.idx.msk [tilespmem:v6+s12+$0x0], $0xffff  }
0x404: {  	v6 =	vor.u32 $0xF, v5;
	_ =	sdelay $0x2  }
0x405: {  	[tilespmem:s24+$0xFFFFFDA0] =	vst v1  }
0x406: {  	v1 =	vld.idx.msk [tilespmem:v2+s12+$0x0], $0xffff;
	[tilespmem:s24+$0x1C0] =	vst v4  }
0x407: {  	v2 =	vor.u32 $0xF, v3;
	v4 =	vld.idx.msk [tilespmem:v6+s12+$0x0], $0xffff  }
0x408: {  	v6 =	vor.u32 $0x10, v5;
	_ =	sdelay $0x2  }
0x409: {  	[tilespmem:s24+$0xFFFFFDC0] =	vst v1  }
0x40a: {  	v1 =	vld.idx.msk [tilespmem:v2+s12+$0x0], $0xffff;
	[tilespmem:s24+$0x1E0] =	vst v4  }
0x40b: {  	v2 =	vor.u32 $0x10, v3;
	v4 =	vld.idx.msk [tilespmem:v6+s12+$0x0], $0xffff  }
0x40c: {  	v6 =	vor.u32 $0x11, v5;
	_ =	sdelay $0x2  }
0x40d: {  	[tilespmem:s24+$0xFFFFFDE0] =	vst v1  }
0x40e: {  	v1 =	vld.idx.msk [tilespmem:v2+s12+$0x0], $0xffff;
	[tilespmem:s24+$0x200] =	vst v4  }
0x40f: {  	s23 =	simm.s32 $0x3;
	v4 =	vor.u32 $0x11, v3;
	v6 =	vld.idx.msk [tilespmem:v6+s12+$0x0], $0xffff  }
0x410: {  	v7 =	vor.u32 $0x12, v5;
	v2 =	vmov s23  }
0x411: {  	s25 =	simm.s32 $0x2;
	v2 =	vshll.u32 v2, $0x5  }
0x412: {  	v8 =	vmov s25;
	v2 =	vadd.s32 v0, v2  }
0x413: {  	v8 =	vshll.u32 v8, $0x5;
	[tilespmem:s24+$0xFFFFFE00] =	vst v1  }
0x414: {  	v1 =	vadd.s32 v0, v8;
	v4 =	vld.idx.msk [tilespmem:v4+s12+$0x0], $0xffff;
	[tilespmem:s24+$0x220] =	vst v6  }
0x415: {  	v6 =	vor.u32 $0x12, v3;
	v7 =	vld.idx.msk [tilespmem:v7+s12+$0x0], $0xffff  }
0x416: {  	v8 =	vor.u32 $0x13, v5  }
0x417: {  	v9 =	vld.idx.msk [tilespmem:v2+s12+$0x0], $0xffff  }
0x418: {  	v10 =	vor.u32 $0x1, v2  }
0x419: {  	v11 =	vld.idx.msk [tilespmem:v1+s12+$0x0], $0xffff;
	[tilespmem:s24+$0xFFFFFE20] =	vst v4  }
0x41a: {  	v4 =	vld.idx.msk [tilespmem:v6+s12+$0x0], $0xffff;
	v6 =	vor.u32 $0x1, v1;
	[tilespmem:s24+$0x240] =	vst v7  }
0x41b: {  	s22 =	simm.s32 $0x17800;
	v7 =	vld.idx.msk [tilespmem:v8+s12+$0x0], $0xffff;
	v8 =	vor.u32 $0x13, v3  }
0x41c: {  	[tilespmem:s22+$0x0] =	vst v9;
	v9 =	vor.u32 $0x14, v5  }
0x41d: {  	v10 =	vld.idx.msk [tilespmem:v10+s12+$0x0], $0xffff  }
0x41e: {  	[tilespmem:s22+$0xFFFFFC00] =	vst v11;
	v11 =	vor.u32 $0x2, v2  }
0x41f: {  	v6 =	vld.idx.msk [tilespmem:v6+s12+$0x0], $0xffff;
	[tilespmem:s24+$0xFFFFFE40] =	vst v4  }
0x420: {  	v4 =	vor.u32 $0x2, v1;
	v8 =	vld.idx.msk [tilespmem:v8+s12+$0x0], $0xffff;
	[tilespmem:s24+$0x260] =	vst v7  }
0x421: {  	v7 =	vld.idx.msk [tilespmem:v9+s12+$0x0], $0xffff;
	v9 =	vor.u32 $0x14, v3  }
0x422: {  	[tilespmem:s22+$0x20] =	vst v10;
	v10 =	vor.u32 $0x15, v5  }
0x423: {  	v11 =	vld.idx.msk [tilespmem:v11+s12+$0x0], $0xffff  }
0x424: {  	[tilespmem:s22+$0xFFFFFC20] =	vst v6;
	v6 =	vor.u32 $0x3, v2  }
0x425: {  	v4 =	vld.idx.msk [tilespmem:v4+s12+$0x0], $0xffff;
	[tilespmem:s24+$0xFFFFFE60] =	vst v8  }
0x426: {  	v8 =	vor.u32 $0x3, v1;
	v9 =	vld.idx.msk [tilespmem:v9+s12+$0x0], $0xffff;
	[tilespmem:s24+$0x280] =	vst v7  }
0x427: {  	v7 =	vld.idx.msk [tilespmem:v10+s12+$0x0], $0xffff;
	v10 =	vor.u32 $0x15, v3  }
0x428: {  	[tilespmem:s22+$0x40] =	vst v11;
	v11 =	vor.u32 $0x16, v5  }
0x429: {  	v6 =	vld.idx.msk [tilespmem:v6+s12+$0x0], $0xffff  }
0x42a: {  	[tilespmem:s22+$0xFFFFFC40] =	vst v4;
	v4 =	vor.u32 $0x4, v2  }
0x42b: {  	v8 =	vld.idx.msk [tilespmem:v8+s12+$0x0], $0xffff;
	[tilespmem:s24+$0xFFFFFE80] =	vst v9  }
0x42c: {  	v9 =	vor.u32 $0x4, v1;
	v10 =	vld.idx.msk [tilespmem:v10+s12+$0x0], $0xffff;
	[tilespmem:s24+$0x2A0] =	vst v7  }
0x42d: {  	v7 =	vld.idx.msk [tilespmem:v11+s12+$0x0], $0xffff;
	v11 =	vor.u32 $0x16, v3  }
0x42e: {  	[tilespmem:s22+$0x60] =	vst v6;
	v6 =	vor.u32 $0x17, v5  }
0x42f: {  	v4 =	vld.idx.msk [tilespmem:v4+s12+$0x0], $0xffff  }
0x430: {  	[tilespmem:s22+$0xFFFFFC60] =	vst v8;
	v8 =	vor.u32 $0x5, v2  }
0x431: {  	v9 =	vld.idx.msk [tilespmem:v9+s12+$0x0], $0xffff;
	[tilespmem:s24+$0xFFFFFEA0] =	vst v10  }
0x432: {  	v10 =	vor.u32 $0x5, v1;
	v11 =	vld.idx.msk [tilespmem:v11+s12+$0x0], $0xffff;
	[tilespmem:s24+$0x2C0] =	vst v7  }
0x433: {  	v7 =	vor.u32 $0x17, v3;
	v6 =	vld.idx.msk [tilespmem:v6+s12+$0x0], $0xffff  }
0x434: {  	[tilespmem:s22+$0x80] =	vst v4;
	v4 =	vor.u32 $0x18, v5  }
0x435: {  	v8 =	vld.idx.msk [tilespmem:v8+s12+$0x0], $0xffff  }
0x436: {  	[tilespmem:s22+$0xFFFFFC80] =	vst v9;
	v9 =	vor.u32 $0x6, v2  }
0x437: {  	v10 =	vld.idx.msk [tilespmem:v10+s12+$0x0], $0xffff;
	[tilespmem:s24+$0xFFFFFEC0] =	vst v11  }
0x438: {  	v11 =	vor.u32 $0x6, v1;
	v7 =	vld.idx.msk [tilespmem:v7+s12+$0x0], $0xffff;
	[tilespmem:s24+$0x2E0] =	vst v6  }
0x439: {  	v6 =	vor.u32 $0x18, v3;
	v4 =	vld.idx.msk [tilespmem:v4+s12+$0x0], $0xffff  }
0x43a: {  	[tilespmem:s22+$0xA0] =	vst v8;
	v8 =	vor.u32 $0x19, v5  }
0x43b: {  	v9 =	vld.idx.msk [tilespmem:v9+s12+$0x0], $0xffff  }
0x43c: {  	[tilespmem:s22+$0xFFFFFCA0] =	vst v10;
	v10 =	vor.u32 $0x7, v2  }
0x43d: {  	v11 =	vld.idx.msk [tilespmem:v11+s12+$0x0], $0xffff;
	[tilespmem:s24+$0xFFFFFEE0] =	vst v7  }
0x43e: {  	v7 =	vor.u32 $0x7, v1;
	v6 =	vld.idx.msk [tilespmem:v6+s12+$0x0], $0xffff;
	[tilespmem:s24+$0x300] =	vst v4  }
0x43f: {  	v4 =	vld.idx.msk [tilespmem:v8+s12+$0x0], $0xffff;
	v8 =	vor.u32 $0x19, v3  }
0x440: {  	[tilespmem:s22+$0xC0] =	vst v9;
	v9 =	vor.u32 $0x1A, v5  }
0x441: {  	v10 =	vld.idx.msk [tilespmem:v10+s12+$0x0], $0xffff  }
0x442: {  	[tilespmem:s22+$0xFFFFFCC0] =	vst v11;
	v11 =	vor.u32 $0x8, v2  }
0x443: {  	v7 =	vld.idx.msk [tilespmem:v7+s12+$0x0], $0xffff;
	[tilespmem:s24+$0xFFFFFF00] =	vst v6  }
0x444: {  	v6 =	vor.u32 $0x8, v1;
	v8 =	vld.idx.msk [tilespmem:v8+s12+$0x0], $0xffff;
	[tilespmem:s24+$0x320] =	vst v4  }
0x445: {  	v4 =	vld.idx.msk [tilespmem:v9+s12+$0x0], $0xffff;
	v9 =	vor.u32 $0x1A, v3  }
0x446: {  	[tilespmem:s22+$0xE0] =	vst v10;
	v10 =	vor.u32 $0x1B, v5  }
0x447: {  	v11 =	vld.idx.msk [tilespmem:v11+s12+$0x0], $0xffff  }
0x448: {  	[tilespmem:s22+$0xFFFFFCE0] =	vst v7;
	v7 =	vor.u32 $0x9, v2  }
0x449: {  	v6 =	vld.idx.msk [tilespmem:v6+s12+$0x0], $0xffff;
	[tilespmem:s24+$0xFFFFFF20] =	vst v8  }
0x44a: {  	v8 =	vor.u32 $0x9, v1;
	v9 =	vld.idx.msk [tilespmem:v9+s12+$0x0], $0xffff;
	[tilespmem:s24+$0x340] =	vst v4  }
0x44b: {  	v4 =	vld.idx.msk [tilespmem:v10+s12+$0x0], $0xffff;
	v10 =	vor.u32 $0x1B, v3  }
0x44c: {  	[tilespmem:s22+$0x100] =	vst v11;
	v11 =	vor.u32 $0x1C, v5  }
0x44d: {  	v7 =	vld.idx.msk [tilespmem:v7+s12+$0x0], $0xffff  }
0x44e: {  	[tilespmem:s22+$0xFFFFFD00] =	vst v6;
	v6 =	vor.u32 $0xA, v2  }
0x44f: {  	v8 =	vld.idx.msk [tilespmem:v8+s12+$0x0], $0xffff;
	[tilespmem:s24+$0xFFFFFF40] =	vst v9  }
0x450: {  	v9 =	vor.u32 $0xA, v1;
	v10 =	vld.idx.msk [tilespmem:v10+s12+$0x0], $0xffff;
	[tilespmem:s24+$0x360] =	vst v4  }
0x451: {  	v4 =	vld.idx.msk [tilespmem:v11+s12+$0x0], $0xffff  }
0x452: {  	[tilespmem:s22+$0x120] =	vst v7;
	v7 =	vor.u32 $0x1D, v5  }
0x453: {  	v11 =	vor.u32 $0x1C, v3;
	v6 =	vld.idx.msk [tilespmem:v6+s12+$0x0], $0xffff  }
0x454: {  	[tilespmem:s22+$0xFFFFFD20] =	vst v8;
	v8 =	vor.u32 $0xB, v2  }
0x455: {  	v9 =	vld.idx.msk [tilespmem:v9+s12+$0x0], $0xffff;
	[tilespmem:s24+$0xFFFFFF60] =	vst v10  }
0x456: {  	v10 =	vor.u32 $0xB, v1;
	[tilespmem:s24+$0x380] =	vst v4  }
0x457: {  	v7 =	vld.idx.msk [tilespmem:v7+s12+$0x0], $0xffff  }
0x458: {  	v11 =	vld.idx.msk [tilespmem:v11+s12+$0x0], $0xffff;
	[tilespmem:s22+$0x140] =	vst v6;
	v6 =	vor.u32 $0x1E, v5  }
0x459: {  	v12 =	vor.u32 $0x1D, v3;
	s23 =	simm.s32 $0x4;
	v8 =	vld.idx.msk [tilespmem:v8+s12+$0x0], $0xffff  }
0x45a: {  	v4 =	vmov s23;
	[tilespmem:s22+$0xFFFFFD40] =	vst v9;
	v9 =	vor.u32 $0xC, v2  }
0x45b: {  	v4 =	vshll.u32 v4, $0x5;
	v10 =	vld.idx.msk [tilespmem:v10+s12+$0x0], $0xffff  }
0x45c: {  	v4 =	vadd.s32 v0, v4;
	[tilespmem:s24+$0x3A0] =	vst v7  }
0x45d: {  	[tilespmem:s24+$0xFFFFFF80] =	vst v11;
	v11 =	vor.u32 $0xC, v1;
	v6 =	vld.idx.msk [tilespmem:v6+s12+$0x0], $0xffff  }
0x45e: {  	v5 =	vor.u32 $0x1F, v5;
	v12 =	vld.idx.msk [tilespmem:v12+s12+$0x0], $0xffff;
	[tilespmem:s22+$0x160] =	vst v8  }
0x45f: {  	v7 =	vor.u32 $0x1E, v3;
	v8 =	vld.idx.msk [tilespmem:v9+s12+$0x0], $0xffff  }
0x460: {  	[tilespmem:s22+$0xFFFFFD60] =	vst v10;
	v10 =	vor.u32 $0xD, v2  }
0x461: {  	s26 =	simm.s32 $0x1A1;
	v9 =	vld.idx.msk [tilespmem:v4+s12+$0x0], $0xffff  }
0x462: {  	v11 =	vld.idx.msk [tilespmem:v11+s12+$0x0], $0xffff;
	[tilespmem:s24+$0x3C0] =	vst v6;
	v6 =	vmov s26  }
0x463: {  	[tilespmem:s24+$0xFFFFFFA0] =	vst v12;
	v5 =	vld.idx.msk [tilespmem:v5+s12+$0x0], $0xffff;
	v6 =	vshll.u32 v6, $0x5  }
0x464: {  	v12 =	vld.idx.msk [tilespmem:v7+s12+$0x0], $0xffff;
	[tilespmem:s22+$0x180] =	vst v8;
	v7 =	vadd.s32 v0, v6  }
0x465: {  	v6 =	vor.u32 $0xD, v1;
	v8 =	vld.idx.msk [tilespmem:v10+s12+$0x0], $0xffff  }
0x466: {  	v10 =	vor.u32 $0xE, v2  }
0x467: {  	v3 =	vor.u32 $0x1F, v3  }
0x468: {  	[tilespmem:s24+$0x3E0] =	vst v5  }
0x469: {  	[tilespmem:s22+$0xFFFFFD80] =	vst v11;
	v11 =	vld.idx.msk [tilespmem:v7+s12+$0x0], $0xffff  }
0x46a: {  	s25 =	simm.s32 $0x1A0;
	v6 =	vld.idx.msk [tilespmem:v6+s12+$0x0], $0xffff;
	[tilespmem:s22+$0x1A0] =	vst v8;
	v8 =	vor.u32 $0x1, v7  }
0x46b: {  	[tilespmem:s24+$0xFFFFFFC0] =	vst v12;
	v12 =	vor.u32 $0xE, v1;
	v5 =	vmov s25;
	v10 =	vld.idx.msk [tilespmem:v10+s12+$0x0], $0xffff  }
0x46c: {  	v13 =	vor.u32 $0xF, v2;
	v3 =	vld.idx.msk [tilespmem:v3+s12+$0x0], $0xffff;
	v5 =	vshll.u32 v5, $0x5  }
0x46d: {  	v5 =	vadd.s32 v0, v5  }
0x46e: {  	[tilespmem:s24+$0x10] =	vst v11  }
0x46f: {  	[tilespmem:s22+$0xFFFFFDA0] =	vst v6;
	v6 =	vld.idx.msk [tilespmem:v8+s12+$0x0], $0xffff  }
0x470: {  	v8 =	vld.idx.msk [tilespmem:v12+s12+$0x0], $0xffff;
	[tilespmem:s22+$0x1C0] =	vst v10;
	v10 =	vor.u32 $0x2, v7  }
0x471: {  	[tilespmem:s24+$0xFFFFFFE0] =	vst v3;
	v3 =	vor.u32 $0xF, v1;
	v11 =	vld.idx.msk [tilespmem:v13+s12+$0x0], $0xffff  }
0x472: {  	v12 =	vld.idx.msk [tilespmem:v5+s12+$0x0], $0xffff;
	v13 =	vor.u32 $0x10, v2  }
0x473: {  	v14 =	vor.u32 $0x1, v5  }
0x474: {  	[tilespmem:s24+$0x30] =	vst v6  }
0x475: {  	[tilespmem:s22+$0xFFFFFDC0] =	vst v8;
	v6 =	vld.idx.msk [tilespmem:v10+s12+$0x0], $0xffff  }
0x476: {  	v8 =	vor.u32 $0x3, v7;
	v3 =	vld.idx.msk [tilespmem:v3+s12+$0x0], $0xffff;
	[tilespmem:s22+$0x1E0] =	vst v11  }
0x477: {  	[tilespmem:s24+$0xFFFFFC10] =	vst v12;
	v10 =	vor.u32 $0x10, v1;
	v11 =	vld.idx.msk [tilespmem:v13+s12+$0x0], $0xffff  }
0x478: {  	v12 =	vld.idx.msk [tilespmem:v14+s12+$0x0], $0xffff;
	v13 =	vor.u32 $0x11, v2  }
0x479: {  	v14 =	vor.u32 $0x2, v5  }
0x47a: {  	[tilespmem:s24+$0x50] =	vst v6  }
0x47b: {  	[tilespmem:s22+$0xFFFFFDE0] =	vst v3;
	v3 =	vld.idx.msk [tilespmem:v8+s12+$0x0], $0xffff  }
0x47c: {  	v6 =	vld.idx.msk [tilespmem:v10+s12+$0x0], $0xffff;
	[tilespmem:s22+$0x200] =	vst v11;
	v10 =	vor.u32 $0x4, v7  }
0x47d: {  	s26 =	simm.s32 $0x5;
	[tilespmem:s24+$0xFFFFFC30] =	vst v12;
	v11 =	vor.u32 $0x11, v1;
	v12 =	vld.idx.msk [tilespmem:v13+s12+$0x0], $0xffff  }
0x47e: {  	v8 =	vmov s26;
	v13 =	vld.idx.msk [tilespmem:v14+s12+$0x0], $0xffff;
	v14 =	vor.u32 $0x12, v2  }
0x47f: {  	v15 =	vor.u32 $0x3, v5;
	v8 =	vshll.u32 v8, $0x5  }
0x480: {  	v8 =	vadd.s32 v0, v8;
	[tilespmem:s24+$0x70] =	vst v3  }
0x481: {  	[tilespmem:s22+$0xFFFFFE00] =	vst v6;
	v3 =	vld.idx.msk [tilespmem:v10+s12+$0x0], $0xffff  }
0x482: {  	v6 =	vld.idx.msk [tilespmem:v11+s12+$0x0], $0xffff;
	[tilespmem:s22+$0x220] =	vst v12;
	v10 =	vor.u32 $0x5, v7  }
0x483: {  	[tilespmem:s24+$0xFFFFFC50] =	vst v13;
	v11 =	vor.u32 $0x12, v1;
	v12 =	vld.idx.msk [tilespmem:v14+s12+$0x0], $0xffff  }
0x484: {  	v13 =	vld.idx.msk [tilespmem:v15+s12+$0x0], $0xffff;
	v14 =	vor.u32 $0x13, v2  }
0x485: {  	v15 =	vor.u32 $0x4, v5;
	v16 =	vld.idx.msk [tilespmem:v8+s12+$0x0], $0xffff  }
0x486: {  	v17 =	vor.u32 $0x1, v8;
	[tilespmem:s24+$0x90] =	vst v3  }
0x487: {  	[tilespmem:s22+$0xFFFFFE20] =	vst v6;
	v6 =	vor.u32 $0x1, v4;
	v3 =	vld.idx.msk [tilespmem:v10+s12+$0x0], $0xffff  }
0x488: {  	v10 =	vld.idx.msk [tilespmem:v11+s12+$0x0], $0xffff;
	[tilespmem:s22+$0x240] =	vst v12;
	v11 =	vor.u32 $0x6, v7  }
0x489: {  	s23 =	simm.s32 $0x18000;
	[tilespmem:s24+$0xFFFFFC70] =	vst v13;
	v13 =	vor.u32 $0x13, v1;
	v12 =	vld.idx.msk [tilespmem:v14+s12+$0x0], $0xffff  }
0x48a: {  	[tilespmem:s23+$0x0] =	vst v16;
	v14 =	vld.idx.msk [tilespmem:v15+s12+$0x0], $0xffff;
	v15 =	vor.u32 $0x14, v2  }
0x48b: {  	[tilespmem:s23+$0xFFFFFC00] =	vst v9;
	v9 =	vor.u32 $0x5, v5;
	v16 =	vld.idx.msk [tilespmem:v17+s12+$0x0], $0xffff  }
0x48c: {  	v17 =	vor.u32 $0x2, v8;
	v6 =	vld.idx.msk [tilespmem:v6+s12+$0x0], $0xffff;
	[tilespmem:s24+$0xB0] =	vst v3  }
0x48d: {  	[tilespmem:s22+$0xFFFFFE40] =	vst v10;
	v3 =	vld.idx.msk [tilespmem:v11+s12+$0x0], $0xffff  }
0x48e: {  	v10 =	vor.u32 $0x2, v4;
	v11 =	vld.idx.msk [tilespmem:v13+s12+$0x0], $0xffff;
	[tilespmem:s22+$0x260] =	vst v12  }
0x48f: {  	v12 =	vor.u32 $0x7, v7;
	[tilespmem:s24+$0xFFFFFC90] =	vst v14;
	v13 =	vld.idx.msk [tilespmem:v15+s12+$0x0], $0xffff  }
0x490: {  	v14 =	vor.u32 $0x14, v1;
	[tilespmem:s23+$0x20] =	vst v16;
	v9 =	vld.idx.msk [tilespmem:v9+s12+$0x0], $0xffff  }
0x491: {  	v15 =	vor.u32 $0x15, v2;
	v16 =	vld.idx.msk [tilespmem:v17+s12+$0x0], $0xffff;
	[tilespmem:s23+$0xFFFFFC20] =	vst v6  }
0x492: {  	v17 =	vor.u32 $0x3, v8;
	[tilespmem:s24+$0xD0] =	vst v3  }
0x493: {  	v6 =	vor.u32 $0x6, v5;
	v10 =	vld.idx.msk [tilespmem:v10+s12+$0x0], $0xffff;
	[tilespmem:s22+$0xFFFFFE60] =	vst v11  }
0x494: {  	v11 =	vor.u32 $0x3, v4;
	v3 =	vld.idx.msk [tilespmem:v12+s12+$0x0], $0xffff;
	[tilespmem:s22+$0x280] =	vst v13  }
0x495: {  	v12 =	vld.idx.msk [tilespmem:v14+s12+$0x0], $0xffff;
	v13 =	vor.u32 $0x8, v7;
	[tilespmem:s24+$0xFFFFFCB0] =	vst v9  }
0x496: {  	v9 =	vor.u32 $0x15, v1;
	[tilespmem:s23+$0x40] =	vst v16;
	v14 =	vld.idx.msk [tilespmem:v15+s12+$0x0], $0xffff  }
0x497: {  	v15 =	vor.u32 $0x16, v2;
	v16 =	vld.idx.msk [tilespmem:v17+s12+$0x0], $0xffff  }
0x498: {  	v17 =	vor.u32 $0x4, v8;
	v6 =	vld.idx.msk [tilespmem:v6+s12+$0x0], $0xffff;
	[tilespmem:s23+$0xFFFFFC40] =	vst v10  }
0x499: {  	v10 =	vor.u32 $0x7, v5;
	v11 =	vld.idx.msk [tilespmem:v11+s12+$0x0], $0xffff;
	[tilespmem:s24+$0xF0] =	vst v3  }
0x49a: {  	[tilespmem:s22+$0xFFFFFE80] =	vst v12;
	v3 =	vld.idx.msk [tilespmem:v13+s12+$0x0], $0xffff  }
0x49b: {  	v12 =	vor.u32 $0x4, v4;
	v9 =	vld.idx.msk [tilespmem:v9+s12+$0x0], $0xffff;
	[tilespmem:s22+$0x2A0] =	vst v14  }
0x49c: {  	v13 =	vor.u32 $0x9, v7;
	[tilespmem:s23+$0x60] =	vst v16;
	v14 =	vld.idx.msk [tilespmem:v15+s12+$0x0], $0xffff  }
0x49d: {  	[tilespmem:s24+$0xFFFFFCD0] =	vst v6;
	v6 =	vor.u32 $0x16, v1;
	v16 =	vld.idx.msk [tilespmem:v17+s12+$0x0], $0xffff  }
0x49e: {  	v15 =	vor.u32 $0x17, v2;
	v10 =	vld.idx.msk [tilespmem:v10+s12+$0x0], $0xffff;
	[tilespmem:s23+$0xFFFFFC60] =	vst v11  }
0x49f: {  	v17 =	vor.u32 $0x5, v8;
	[tilespmem:s24+$0x110] =	vst v3  }
0x4a0: {  	v11 =	vor.u32 $0x8, v5;
	v12 =	vld.idx.msk [tilespmem:v12+s12+$0x0], $0xffff;
	[tilespmem:s22+$0xFFFFFEA0] =	vst v9  }
0x4a1: {  	v9 =	vor.u32 $0x5, v4;
	v3 =	vld.idx.msk [tilespmem:v13+s12+$0x0], $0xffff;
	[tilespmem:s22+$0x2C0] =	vst v14  }
0x4a2: {  	v6 =	vld.idx.msk [tilespmem:v6+s12+$0x0], $0xffff;
	v13 =	vor.u32 $0xA, v7;
	[tilespmem:s23+$0x80] =	vst v16  }
0x4a3: {  	v14 =	vld.idx.msk [tilespmem:v15+s12+$0x0], $0xffff;
	[tilespmem:s24+$0xFFFFFCF0] =	vst v10;
	v10 =	vor.u32 $0x17, v1  }
0x4a4: {  	v15 =	vor.u32 $0x18, v2;
	v16 =	vld.idx.msk [tilespmem:v17+s12+$0x0], $0xffff  }
0x4a5: {  	v17 =	vor.u32 $0x6, v8;
	v11 =	vld.idx.msk [tilespmem:v11+s12+$0x0], $0xffff;
	[tilespmem:s23+$0xFFFFFC80] =	vst v12  }
0x4a6: {  	v12 =	vor.u32 $0x9, v5;
	v9 =	vld.idx.msk [tilespmem:v9+s12+$0x0], $0xffff;
	[tilespmem:s24+$0x130] =	vst v3  }
0x4a7: {  	[tilespmem:s22+$0xFFFFFEC0] =	vst v6;
	v3 =	vld.idx.msk [tilespmem:v13+s12+$0x0], $0xffff  }
0x4a8: {  	v6 =	vor.u32 $0x6, v4;
	v10 =	vld.idx.msk [tilespmem:v10+s12+$0x0], $0xffff;
	[tilespmem:s22+$0x2E0] =	vst v14  }
0x4a9: {  	v13 =	vor.u32 $0xB, v7;
	[tilespmem:s23+$0xA0] =	vst v16;
	v14 =	vld.idx.msk [tilespmem:v15+s12+$0x0], $0xffff  }
0x4aa: {  	[tilespmem:s24+$0xFFFFFD10] =	vst v11;
	v11 =	vor.u32 $0x18, v1;
	v16 =	vld.idx.msk [tilespmem:v17+s12+$0x0], $0xffff  }
0x4ab: {  	v15 =	vor.u32 $0x19, v2;
	v12 =	vld.idx.msk [tilespmem:v12+s12+$0x0], $0xffff;
	[tilespmem:s23+$0xFFFFFCA0] =	vst v9  }
0x4ac: {  	v17 =	vor.u32 $0x7, v8;
	[tilespmem:s24+$0x150] =	vst v3  }
0x4ad: {  	v9 =	vor.u32 $0xA, v5;
	v6 =	vld.idx.msk [tilespmem:v6+s12+$0x0], $0xffff;
	[tilespmem:s22+$0xFFFFFEE0] =	vst v10  }
0x4ae: {  	v10 =	vor.u32 $0x7, v4;
	v3 =	vld.idx.msk [tilespmem:v13+s12+$0x0], $0xffff;
	[tilespmem:s22+$0x300] =	vst v14  }
0x4af: {  	v11 =	vld.idx.msk [tilespmem:v11+s12+$0x0], $0xffff;
	v13 =	vor.u32 $0xC, v7;
	[tilespmem:s23+$0xC0] =	vst v16  }
0x4b0: {  	v14 =	vld.idx.msk [tilespmem:v15+s12+$0x0], $0xffff;
	[tilespmem:s24+$0xFFFFFD30] =	vst v12;
	v12 =	vor.u32 $0x19, v1  }
0x4b1: {  	v15 =	vor.u32 $0x1A, v2;
	v16 =	vld.idx.msk [tilespmem:v17+s12+$0x0], $0xffff  }
0x4b2: {  	v17 =	vor.u32 $0x8, v8;
	v9 =	vld.idx.msk [tilespmem:v9+s12+$0x0], $0xffff;
	[tilespmem:s23+$0xFFFFFCC0] =	vst v6  }
0x4b3: {  	v6 =	vor.u32 $0xB, v5;
	v10 =	vld.idx.msk [tilespmem:v10+s12+$0x0], $0xffff;
	[tilespmem:s24+$0x170] =	vst v3  }
0x4b4: {  	[tilespmem:s22+$0xFFFFFF00] =	vst v11;
	v3 =	vld.idx.msk [tilespmem:v13+s12+$0x0], $0xffff  }
0x4b5: {  	v11 =	vor.u32 $0x8, v4;
	v12 =	vld.idx.msk [tilespmem:v12+s12+$0x0], $0xffff;
	[tilespmem:s22+$0x320] =	vst v14  }
0x4b6: {  	v13 =	vor.u32 $0xD, v7;
	[tilespmem:s23+$0xE0] =	vst v16;
	v14 =	vld.idx.msk [tilespmem:v15+s12+$0x0], $0xffff  }
0x4b7: {  	[tilespmem:s24+$0xFFFFFD50] =	vst v9;
	v9 =	vor.u32 $0x1A, v1;
	v16 =	vld.idx.msk [tilespmem:v17+s12+$0x0], $0xffff  }
0x4b8: {  	s25 =	simm.s32 $0x6;
	v15 =	vor.u32 $0x1B, v2;
	v6 =	vld.idx.msk [tilespmem:v6+s12+$0x0], $0xffff;
	[tilespmem:s23+$0xFFFFFCE0] =	vst v10  }
0x4b9: {  	v18 =	vor.u32 $0x9, v8;
	v17 =	vmov s25;
	[tilespmem:s24+$0x190] =	vst v3  }
0x4ba: {  	v17 =	vshll.u32 v17, $0x5;
	v10 =	vor.u32 $0xC, v5;
	v11 =	vld.idx.msk [tilespmem:v11+s12+$0x0], $0xffff;
	[tilespmem:s22+$0xFFFFFF20] =	vst v12  }
0x4bb: {  	v3 =	vadd.s32 v0, v17;
	v12 =	vld.idx.msk [tilespmem:v13+s12+$0x0], $0xffff;
	[tilespmem:s22+$0x340] =	vst v14  }
0x4bc: {  	v13 =	vor.u32 $0x9, v4;
	v17 =	vld.idx.msk [tilespmem:v9+s12+$0x0], $0xffff;
	[tilespmem:s23+$0x100] =	vst v16  }
0x4bd: {  	v14 =	vld.idx.msk [tilespmem:v15+s12+$0x0], $0xffff;
	[tilespmem:s24+$0xFFFFFD70] =	vst v6;
	v6 =	vor.u32 $0xE, v7  }
0x4be: {  	v15 =	vor.u32 $0x1B, v1;
	v16 =	vld.idx.msk [tilespmem:v18+s12+$0x0], $0xffff  }
0x4bf: {  	v18 =	vor.u32 $0x1C, v2;
	v10 =	vld.idx.msk [tilespmem:v10+s12+$0x0], $0xffff  }
0x4c0: {  	[tilespmem:s23+$0xFFFFFD00] =	vst v11;
	v11 =	vor.u32 $0xD, v5;
	v9 =	vld.idx.msk [tilespmem:v3+s12+$0x0], $0xffff  }
0x4c1: {  	v19 =	vor.u32 $0xA, v8;
	v13 =	vld.idx.msk [tilespmem:v13+s12+$0x0], $0xffff;
	[tilespmem:s24+$0x1B0] =	vst v12  }
0x4c2: {  	[tilespmem:s22+$0xFFFFFF40] =	vst v17;
	v12 =	vor.u32 $0xA, v4;
	v6 =	vld.idx.msk [tilespmem:v6+s12+$0x0], $0xffff  }
0x4c3: {  	v15 =	vld.idx.msk [tilespmem:v15+s12+$0x0], $0xffff;
	[tilespmem:s22+$0x360] =	vst v14;
	v14 =	vor.u32 $0xF, v7  }
0x4c4: {  	v17 =	vld.idx.msk [tilespmem:v18+s12+$0x0], $0xffff;
	[tilespmem:s24+$0xFFFFFD90] =	vst v10;
	v10 =	vor.u32 $0x1C, v1  }
0x4c5: {  	[tilespmem:s23+$0x120] =	vst v16;
	v16 =	vor.u32 $0x1D, v2;
	v11 =	vld.idx.msk [tilespmem:v11+s12+$0x0], $0xffff  }
0x4c6: {  	v18 =	vld.idx.msk [tilespmem:v19+s12+$0x0], $0xffff;
	[tilespmem:s23+$0xFFFFFD20] =	vst v13;
	v13 =	vor.u32 $0xE, v5  }
0x4c7: {  	v19 =	vor.u32 $0xB, v8;
	v12 =	vld.idx.msk [tilespmem:v12+s12+$0x0], $0xffff;
	[tilespmem:s24+$0x1D0] =	vst v6  }
0x4c8: {  	[tilespmem:s22+$0xFFFFFF60] =	vst v15;
	v6 =	vld.idx.msk [tilespmem:v14+s12+$0x0], $0xffff;
	v14 =	vor.u32 $0xB, v4  }
0x4c9: {  	v15 =	vor.u32 $0x10, v7;
	v10 =	vld.idx.msk [tilespmem:v10+s12+$0x0], $0xffff;
	[tilespmem:s22+$0x380] =	vst v17  }
0x4ca: {  	v16 =	vld.idx.msk [tilespmem:v16+s12+$0x0], $0xffff;
	[tilespmem:s24+$0xFFFFFDB0] =	vst v11;
	v11 =	vor.u32 $0x1D, v1  }
0x4cb: {  	[tilespmem:s23+$0x140] =	vst v18;
	v17 =	vor.u32 $0x1E, v2;
	v13 =	vld.idx.msk [tilespmem:v13+s12+$0x0], $0xffff  }
0x4cc: {  	v18 =	vld.idx.msk [tilespmem:v19+s12+$0x0], $0xffff;
	[tilespmem:s23+$0xFFFFFD40] =	vst v12;
	v12 =	vor.u32 $0xF, v5  }
0x4cd: {  	v19 =	vor.u32 $0xC, v8;
	v14 =	vld.idx.msk [tilespmem:v14+s12+$0x0], $0xffff;
	[tilespmem:s24+$0x1F0] =	vst v6  }
0x4ce: {  	[tilespmem:s22+$0xFFFFFF80] =	vst v10;
	v10 =	vor.u32 $0xC, v4;
	v6 =	vld.idx.msk [tilespmem:v15+s12+$0x0], $0xffff  }
0x4cf: {  	v11 =	vld.idx.msk [tilespmem:v11+s12+$0x0], $0xffff;
	[tilespmem:s22+$0x3A0] =	vst v16;
	v15 =	vor.u32 $0x11, v7  }
0x4d0: {  	v16 =	vld.idx.msk [tilespmem:v17+s12+$0x0], $0xffff;
	[tilespmem:s24+$0xFFFFFDD0] =	vst v13;
	v13 =	vor.u32 $0x1E, v1  }
0x4d1: {  	v2 =	vor.u32 $0x1F, v2;
	[tilespmem:s23+$0x160] =	vst v18;
	v12 =	vld.idx.msk [tilespmem:v12+s12+$0x0], $0xffff  }
0x4d2: {  	v17 =	vld.idx.msk [tilespmem:v19+s12+$0x0], $0xffff;
	[tilespmem:s23+$0xFFFFFD60] =	vst v14;
	v14 =	vor.u32 $0x10, v5  }
0x4d3: {  	v18 =	vor.u32 $0xD, v8;
	v10 =	vld.idx.msk [tilespmem:v10+s12+$0x0], $0xffff;
	[tilespmem:s24+$0x210] =	vst v6  }
0x4d4: {  	s26 =	simm.s32 $0x1A3;
	[tilespmem:s22+$0xFFFFFFA0] =	vst v11;
	v11 =	vor.u32 $0xD, v4;
	v6 =	vld.idx.msk [tilespmem:v15+s12+$0x0], $0xffff  }
0x4d5: {  	[tilespmem:s22+$0x3C0] =	vst v16;
	v15 =	vmov s26;
	v16 =	vor.u32 $0x12, v7;
	v13 =	vld.idx.msk [tilespmem:v13+s12+$0x0], $0xffff  }
0x4d6: {  	v1 =	vor.u32 $0x1F, v1;
	v19 =	vld.idx.msk [tilespmem:v2+s12+$0x0], $0xffff;
	v2 =	vshll.u32 v15, $0x5;
	[tilespmem:s24+$0xFFFFFDF0] =	vst v12  }
0x4d7: {  	[tilespmem:s23+$0x180] =	vst v17;
	v2 =	vadd.s32 v0, v2;
	v12 =	vld.idx.msk [tilespmem:v14+s12+$0x0], $0xffff  }
0x4d8: {  	v14 =	vld.idx.msk [tilespmem:v18+s12+$0x0], $0xffff;
	[tilespmem:s23+$0xFFFFFD80] =	vst v10;
	v10 =	vor.u32 $0x11, v5  }
0x4d9: {  	s26 =	simm.s32 $0x1A2;
	v15 =	vor.u32 $0xE, v8;
	v11 =	vld.idx.msk [tilespmem:v11+s12+$0x0], $0xffff;
	[tilespmem:s24+$0x230] =	vst v6  }
0x4da: {  	[tilespmem:s22+$0xFFFFFFC0] =	vst v13;
	v6 =	vld.idx.msk [tilespmem:v16+s12+$0x0], $0xffff;
	v13 =	vor.u32 $0xE, v4;
	v16 =	vmov s26  }
0x4db: {  	[tilespmem:s22+$0x3E0] =	vst v19;
	v17 =	vld.idx.msk [tilespmem:v1+s12+$0x0], $0xffff;
	v1 =	vshll.u32 v16, $0x5;
	v16 =	vor.u32 $0x13, v7  }
0x4dc: {  	v18 =	vld.idx.msk [tilespmem:v2+s12+$0x0], $0xffff;
	[tilespmem:s24+$0xFFFFFE10] =	vst v12;
	v1 =	vadd.s32 v0, v1  }
0x4dd: {  	[tilespmem:s23+$0x1A0] =	vst v14;
	v12 =	vor.u32 $0x1, v2;
	v10 =	vld.idx.msk [tilespmem:v10+s12+$0x0], $0xffff  }
0x4de: {  	v14 =	vld.idx.msk [tilespmem:v15+s12+$0x0], $0xffff;
	[tilespmem:s23+$0xFFFFFDA0] =	vst v11;
	v11 =	vor.u32 $0x12, v5  }
0x4df: {  	v15 =	vor.u32 $0xF, v8;
	v13 =	vld.idx.msk [tilespmem:v13+s12+$0x0], $0xffff;
	[tilespmem:s24+$0x250] =	vst v6  }
0x4e0: {  	[tilespmem:s22+$0xFFFFFFE0] =	vst v17;
	v6 =	vld.idx.msk [tilespmem:v16+s12+$0x0], $0xffff;
	v16 =	vor.u32 $0xF, v4  }
0x4e1: {  	[tilespmem:s22+$0x10] =	vst v18;
	v18 =	vor.u32 $0x14, v7;
	v17 =	vld.idx.msk [tilespmem:v1+s12+$0x0], $0xffff  }
0x4e2: {  	v12 =	vld.idx.msk [tilespmem:v12+s12+$0x0], $0xffff;
	[tilespmem:s24+$0xFFFFFE30] =	vst v10;
	v10 =	vor.u32 $0x1, v1  }
0x4e3: {  	[tilespmem:s23+$0x1C0] =	vst v14;
	v14 =	vor.u32 $0x2, v2;
	v11 =	vld.idx.msk [tilespmem:v11+s12+$0x0], $0xffff  }
0x4e4: {  	v15 =	vld.idx.msk [tilespmem:v15+s12+$0x0], $0xffff;
	[tilespmem:s23+$0xFFFFFDC0] =	vst v13;
	v13 =	vor.u32 $0x13, v5  }
0x4e5: {  	v19 =	vor.u32 $0x10, v8;
	v16 =	vld.idx.msk [tilespmem:v16+s12+$0x0], $0xffff;
	[tilespmem:s24+$0x270] =	vst v6  }
0x4e6: {  	[tilespmem:s22+$0xFFFFFC10] =	vst v17;
	v6 =	vld.idx.msk [tilespmem:v18+s12+$0x0], $0xffff;
	v17 =	vor.u32 $0x10, v4  }
0x4e7: {  	[tilespmem:s22+$0x30] =	vst v12;
	v12 =	vor.u32 $0x15, v7;
	v10 =	vld.idx.msk [tilespmem:v10+s12+$0x0], $0xffff  }
0x4e8: {  	v14 =	vld.idx.msk [tilespmem:v14+s12+$0x0], $0xffff;
	[tilespmem:s24+$0xFFFFFE50] =	vst v11;
	v11 =	vor.u32 $0x2, v1  }
0x4e9: {  	[tilespmem:s23+$0x1E0] =	vst v15;
	v15 =	vor.u32 $0x3, v2;
	v13 =	vld.idx.msk [tilespmem:v13+s12+$0x0], $0xffff  }
0x4ea: {  	v18 =	vld.idx.msk [tilespmem:v19+s12+$0x0], $0xffff;
	[tilespmem:s23+$0xFFFFFDE0] =	vst v16;
	v16 =	vor.u32 $0x14, v5  }
0x4eb: {  	v19 =	vor.u32 $0x11, v8;
	v17 =	vld.idx.msk [tilespmem:v17+s12+$0x0], $0xffff;
	[tilespmem:s24+$0x290] =	vst v6  }
0x4ec: {  	[tilespmem:s22+$0xFFFFFC30] =	vst v10;
	v6 =	vld.idx.msk [tilespmem:v12+s12+$0x0], $0xffff;
	v10 =	vor.u32 $0x11, v4  }
0x4ed: {  	[tilespmem:s22+$0x50] =	vst v14;
	v12 =	vor.u32 $0x16, v7;
	v11 =	vld.idx.msk [tilespmem:v11+s12+$0x0], $0xffff  }
0x4ee: {  	v14 =	vld.idx.msk [tilespmem:v15+s12+$0x0], $0xffff;
	[tilespmem:s24+$0xFFFFFE70] =	vst v13;
	v13 =	vor.u32 $0x3, v1  }
0x4ef: {  	s26 =	simm.s32 $0x7;
	[tilespmem:s23+$0x200] =	vst v18;
	v15 =	vld.idx.msk [tilespmem:v16+s12+$0x0], $0xffff;
	v16 =	vor.u32 $0x4, v2  }
0x4f0: {  	v18 =	vld.idx.msk [tilespmem:v19+s12+$0x0], $0xffff;
	v19 =	vmov s26;
	[tilespmem:s23+$0xFFFFFE00] =	vst v17;
	v17 =	vor.u32 $0x15, v5  }
0x4f1: {  	v20 =	vor.u32 $0x12, v8;
	v10 =	vld.idx.msk [tilespmem:v10+s12+$0x0], $0xffff;
	[tilespmem:s24+$0x2B0] =	vst v6;
	v6 =	vshll.u32 v19, $0x5  }
0x4f2: {  	[tilespmem:s22+$0xFFFFFC50] =	vst v11;
	v11 =	vld.idx.msk [tilespmem:v12+s12+$0x0], $0xffff;
	v6 =	vadd.s32 v0, v6  }
0x4f3: {  	[tilespmem:s22+$0x70] =	vst v14;
	v12 =	vld.idx.msk [tilespmem:v13+s12+$0x0], $0xffff;
	v13 =	vor.u32 $0x17, v7  }
0x4f4: {  	v14 =	vld.idx.msk [tilespmem:v16+s12+$0x0], $0xffff;
	[tilespmem:s24+$0xFFFFFE90] =	vst v15;
	v15 =	vor.u32 $0x12, v4  }
0x4f5: {  	s29 =	simm.s32 $0x18800;
	[tilespmem:s23+$0x220] =	vst v18;
	v16 =	vld.idx.msk [tilespmem:v17+s12+$0x0], $0xffff;
	v17 =	vor.u32 $0x5, v2  }
0x4f6: {  	[tilespmem:s29+$0xFFFFFC00] =	vst v9;
	v19 =	vor.u32 $0x4, v1;
	v18 =	vld.idx.msk [tilespmem:v20+s12+$0x0], $0xffff  }
0x4f7: {  	v21 =	vor.u32 $0x13, v8;
	v20 =	vld.idx.msk [tilespmem:v6+s12+$0x0], $0xffff;
	[tilespmem:s24+$0x2D0] =	vst v11  }
0x4f8: {  	[tilespmem:s23+$0xFFFFFE20] =	vst v10;
	v10 =	vor.u32 $0x16, v5;
	v11 =	vld.idx.msk [tilespmem:v13+s12+$0x0], $0xffff  }
0x4f9: {  	v13 =	vor.u32 $0x1, v6;
	v15 =	vld.idx.msk [tilespmem:v15+s12+$0x0], $0xffff;
	[tilespmem:s22+$0x90] =	vst v14  }
0x4fa: {  	[tilespmem:s22+$0xFFFFFC70] =	vst v12;
	v14 =	vor.u32 $0x18, v7;
	v12 =	vld.idx.msk [tilespmem:v17+s12+$0x0], $0xffff  }
0x4fb: {  	v17 =	vor.u32 $0x1, v3;
	[tilespmem:s23+$0x240] =	vst v18;
	v18 =	vld.idx.msk [tilespmem:v19+s12+$0x0], $0xffff  }
0x4fc: {  	[tilespmem:s24+$0xFFFFFEB0] =	vst v16;
	v19 =	vor.u32 $0x6, v2;
	v16 =	vld.idx.msk [tilespmem:v21+s12+$0x0], $0xffff  }
0x4fd: {  	v9 =	vor.u32 $0x5, v1;
	v10 =	vld.idx.msk [tilespmem:v10+s12+$0x0], $0xffff;
	[tilespmem:s29+$0x0] =	vst v20  }
0x4fe: {  	v20 =	vor.u32 $0x13, v4;
	v13 =	vld.idx.msk [tilespmem:v13+s12+$0x0], $0xffff;
	[tilespmem:s24+$0x2F0] =	vst v11  }
0x4ff: {  	v21 =	vor.u32 $0x14, v8;
	v11 =	vld.idx.msk [tilespmem:v14+s12+$0x0], $0xffff;
	[tilespmem:s23+$0xFFFFFE40] =	vst v15  }
0x500: {  	v14 =	vld.idx.msk [tilespmem:v17+s12+$0x0], $0xffff;
	v17 =	vor.u32 $0x2, v6;
	[tilespmem:s22+$0xB0] =	vst v12  }
0x501: {  	v15 =	vor.u32 $0x19, v7;
	[tilespmem:s22+$0xFFFFFC90] =	vst v18;
	v12 =	vld.idx.msk [tilespmem:v19+s12+$0x0], $0xffff  }
0x502: {  	v19 =	vor.u32 $0x2, v3;
	[tilespmem:s23+$0x260] =	vst v16;
	v9 =	vld.idx.msk [tilespmem:v9+s12+$0x0], $0xffff  }
0x503: {  	v18 =	vor.u32 $0x7, v2;
	[tilespmem:s24+$0xFFFFFED0] =	vst v10;
	v20 =	vld.idx.msk [tilespmem:v20+s12+$0x0], $0xffff  }
0x504: {  	v16 =	vld.idx.msk [tilespmem:v21+s12+$0x0], $0xffff;
	[tilespmem:s29+$0x20] =	vst v13;
	v13 =	vor.u32 $0x14, v4  }
0x505: {  	v21 =	vor.u32 $0x15, v8;
	[tilespmem:s24+$0x310] =	vst v11;
	v17 =	vld.idx.msk [tilespmem:v17+s12+$0x0], $0xffff  }
0x506: {  	v11 =	vor.u32 $0x6, v1;
	[tilespmem:s29+$0xFFFFFC20] =	vst v14;
	v14 =	vld.idx.msk [tilespmem:v15+s12+$0x0], $0xffff  }
0x507: {  	v15 =	vld.idx.msk [tilespmem:v19+s12+$0x0], $0xffff;
	v19 =	vor.u32 $0x3, v6;
	[tilespmem:s22+$0xD0] =	vst v12  }
0x508: {  	[tilespmem:s23+$0xFFFFFE60] =	vst v20;
	v12 =	vld.idx.msk [tilespmem:v18+s12+$0x0], $0xffff;
	v18 =	vor.u32 $0x1A, v7  }
0x509: {  	v20 =	vor.u32 $0x3, v3;
	[tilespmem:s23+$0x280] =	vst v16;
	v13 =	vld.idx.msk [tilespmem:v13+s12+$0x0], $0xffff  }
0x50a: {  	[tilespmem:s22+$0xFFFFFCB0] =	vst v9;
	v9 =	vor.u32 $0x8, v2;
	v16 =	vld.idx.msk [tilespmem:v21+s12+$0x0], $0xffff  }
0x50b: {  	v21 =	vor.u32 $0x16, v8;
	v11 =	vld.idx.msk [tilespmem:v11+s12+$0x0], $0xffff;
	[tilespmem:s29+$0x40] =	vst v17  }
0x50c: {  	v17 =	vor.u32 $0x15, v4;
	[tilespmem:s24+$0x330] =	vst v14;
	v19 =	vld.idx.msk [tilespmem:v19+s12+$0x0], $0xffff  }
0x50d: {  	v14 =	vor.u32 $0x7, v1;
	[tilespmem:s29+$0xFFFFFC40] =	vst v15;
	v15 =	vld.idx.msk [tilespmem:v18+s12+$0x0], $0xffff  }
0x50e: {  	v18 =	vld.idx.msk [tilespmem:v20+s12+$0x0], $0xffff;
	v20 =	vor.u32 $0x4, v6;
	[tilespmem:s22+$0xF0] =	vst v12  }
0x50f: {  	v12 =	vor.u32 $0x1B, v7;
	v9 =	vld.idx.msk [tilespmem:v9+s12+$0x0], $0xffff;
	[tilespmem:s23+$0x2A0] =	vst v16  }
0x510: {  	[tilespmem:s23+$0xFFFFFE80] =	vst v13;
	v13 =	vor.u32 $0x4, v3;
	v16 =	vld.idx.msk [tilespmem:v21+s12+$0x0], $0xffff  }
0x511: {  	[tilespmem:s22+$0xFFFFFCD0] =	vst v11;
	v11 =	vor.u32 $0x9, v2;
	v17 =	vld.idx.msk [tilespmem:v17+s12+$0x0], $0xffff  }
0x512: {  	v21 =	vor.u32 $0x17, v8;
	v14 =	vld.idx.msk [tilespmem:v14+s12+$0x0], $0xffff;
	[tilespmem:s29+$0x60] =	vst v19  }
0x513: {  	v19 =	vor.u32 $0x16, v4;
	v20 =	vld.idx.msk [tilespmem:v20+s12+$0x0], $0xffff;
	[tilespmem:s24+$0x350] =	vst v15  }
0x514: {  	[tilespmem:s29+$0xFFFFFC60] =	vst v18;
	v15 =	vor.u32 $0x8, v1;
	v12 =	vld.idx.msk [tilespmem:v12+s12+$0x0], $0xffff  }
0x515: {  	v18 =	vor.u32 $0x5, v6;
	v13 =	vld.idx.msk [tilespmem:v13+s12+$0x0], $0xffff;
	[tilespmem:s22+$0x110] =	vst v9  }
0x516: {  	v9 =	vld.idx.msk [tilespmem:v11+s12+$0x0], $0xffff;
	v11 =	vor.u32 $0x1C, v7;
	[tilespmem:s23+$0x2C0] =	vst v16  }
0x517: {  	[tilespmem:s23+$0xFFFFFEA0] =	vst v17;
	v17 =	vor.u32 $0x5, v3;
	v16 =	vld.idx.msk [tilespmem:v21+s12+$0x0], $0xffff  }
0x518: {  	[tilespmem:s22+$0xFFFFFCF0] =	vst v14;
	v14 =	vor.u32 $0xA, v2;
	v19 =	vld.idx.msk [tilespmem:v19+s12+$0x0], $0xffff  }
0x519: {  	v21 =	vor.u32 $0x18, v8;
	[tilespmem:s29+$0x80] =	vst v20;
	v15 =	vld.idx.msk [tilespmem:v15+s12+$0x0], $0xffff  }
0x51a: {  	v20 =	vor.u32 $0x17, v4;
	v18 =	vld.idx.msk [tilespmem:v18+s12+$0x0], $0xffff;
	[tilespmem:s24+$0x370] =	vst v12  }
0x51b: {  	[tilespmem:s29+$0xFFFFFC80] =	vst v13;
	v12 =	vor.u32 $0x9, v1;
	v11 =	vld.idx.msk [tilespmem:v11+s12+$0x0], $0xffff  }
0x51c: {  	[tilespmem:s22+$0x130] =	vst v9;
	v13 =	vld.idx.msk [tilespmem:v17+s12+$0x0], $0xffff;
	v17 =	vor.u32 $0x6, v6  }
0x51d: {  	v9 =	vld.idx.msk [tilespmem:v14+s12+$0x0], $0xffff;
	v14 =	vor.u32 $0x1D, v7;
	[tilespmem:s23+$0x2E0] =	vst v16  }
0x51e: {  	[tilespmem:s23+$0xFFFFFEC0] =	vst v19;
	v19 =	vor.u32 $0x6, v3;
	v16 =	vld.idx.msk [tilespmem:v21+s12+$0x0], $0xffff  }
0x51f: {  	v20 =	vld.idx.msk [tilespmem:v20+s12+$0x0], $0xffff;
	[tilespmem:s22+$0xFFFFFD10] =	vst v15;
	v15 =	vor.u32 $0xB, v2  }
0x520: {  	v21 =	vor.u32 $0x19, v8;
	[tilespmem:s29+$0xA0] =	vst v18;
	v12 =	vld.idx.msk [tilespmem:v12+s12+$0x0], $0xffff  }
0x521: {  	v18 =	vor.u32 $0x18, v4;
	[tilespmem:s24+$0x390] =	vst v11;
	v17 =	vld.idx.msk [tilespmem:v17+s12+$0x0], $0xffff  }
0x522: {  	v11 =	vor.u32 $0xA, v1;
	[tilespmem:s29+$0xFFFFFCA0] =	vst v13;
	v13 =	vld.idx.msk [tilespmem:v14+s12+$0x0], $0xffff  }
0x523: {  	[tilespmem:s22+$0x150] =	vst v9;
	v14 =	vld.idx.msk [tilespmem:v19+s12+$0x0], $0xffff;
	v19 =	vor.u32 $0x7, v6  }
0x524: {  	[tilespmem:s23+$0x300] =	vst v16;
	v9 =	vld.idx.msk [tilespmem:v15+s12+$0x0], $0xffff;
	v15 =	vor.u32 $0x1E, v7  }
0x525: {  	[tilespmem:s23+$0xFFFFFEE0] =	vst v20;
	v20 =	vor.u32 $0x7, v3;
	v16 =	vld.idx.msk [tilespmem:v21+s12+$0x0], $0xffff  }
0x526: {  	v18 =	vld.idx.msk [tilespmem:v18+s12+$0x0], $0xffff;
	[tilespmem:s22+$0xFFFFFD30] =	vst v12;
	v12 =	vor.u32 $0xC, v2  }
0x527: {  	v21 =	vor.u32 $0x1A, v8;
	v11 =	vld.idx.msk [tilespmem:v11+s12+$0x0], $0xffff;
	[tilespmem:s29+$0xC0] =	vst v17  }
0x528: {  	v17 =	vor.u32 $0x19, v4;
	[tilespmem:s24+$0x3B0] =	vst v13;
	v19 =	vld.idx.msk [tilespmem:v19+s12+$0x0], $0xffff  }
0x529: {  	v13 =	vor.u32 $0xB, v1;
	[tilespmem:s29+$0xFFFFFCC0] =	vst v14;
	v14 =	vld.idx.msk [tilespmem:v15+s12+$0x0], $0xffff  }
0x52a: {  	v15 =	vld.idx.msk [tilespmem:v20+s12+$0x0], $0xffff;
	v20 =	vor.u32 $0x8, v6;
	[tilespmem:s22+$0x170] =	vst v9  }
0x52b: {  	v7 =	vor.u32 $0x1F, v7;
	[tilespmem:s23+$0x320] =	vst v16;
	v9 =	vld.idx.msk [tilespmem:v12+s12+$0x0], $0xffff  }
0x52c: {  	[tilespmem:s23+$0xFFFFFF00] =	vst v18;
	v12 =	vor.u32 $0x8, v3;
	v16 =	vld.idx.msk [tilespmem:v21+s12+$0x0], $0xffff  }
0x52d: {  	[tilespmem:s22+$0xFFFFFD50] =	vst v11;
	v11 =	vor.u32 $0xD, v2;
	v17 =	vld.idx.msk [tilespmem:v17+s12+$0x0], $0xffff  }
0x52e: {  	v18 =	vor.u32 $0x1A, v4;
	v13 =	vld.idx.msk [tilespmem:v13+s12+$0x0], $0xffff;
	[tilespmem:s29+$0xE0] =	vst v19  }
0x52f: {  	s28 =	simm.s32 $0x8;
	v19 =	vld.idx.msk [tilespmem:v20+s12+$0x0], $0xffff;
	v20 =	vor.u32 $0x1B, v8;
	[tilespmem:s24+$0x3D0] =	vst v14  }
0x530: {  	v14 =	vmov s28;
	[tilespmem:s29+$0xFFFFFCE0] =	vst v15;
	v15 =	vor.u32 $0xC, v1;
	v21 =	vld.idx.msk [tilespmem:v7+s12+$0x0], $0xffff  }
0x531: {  	v7 =	vshll.u32 v14, $0x5;
	v12 =	vld.idx.msk [tilespmem:v12+s12+$0x0], $0xffff;
	v14 =	vor.u32 $0x9, v6;
	[tilespmem:s22+$0x190] =	vst v9  }
0x532: {  	v7 =	vadd.s32 v0, v7;
	v11 =	vld.idx.msk [tilespmem:v11+s12+$0x0], $0xffff;
	[tilespmem:s23+$0xFFFFFF20] =	vst v17  }
0x533: {  	[tilespmem:s23+$0x340] =	vst v16;
	v17 =	vor.u32 $0x9, v3;
	v18 =	vld.idx.msk [tilespmem:v18+s12+$0x0], $0xffff  }
0x534: {  	[tilespmem:s22+$0xFFFFFD70] =	vst v13;
	v13 =	vor.u32 $0xE, v2;
	v16 =	vld.idx.msk [tilespmem:v20+s12+$0x0], $0xffff  }
0x535: {  	[tilespmem:s29+$0x100] =	vst v19;
	v19 =	vor.u32 $0x1B, v4;
	v15 =	vld.idx.msk [tilespmem:v15+s12+$0x0], $0xffff  }
0x536: {  	v20 =	vor.u32 $0x1C, v8;
	v14 =	vld.idx.msk [tilespmem:v14+s12+$0x0], $0xffff;
	[tilespmem:s24+$0x3F0] =	vst v21  }
0x537: {  	[tilespmem:s29+$0xFFFFFD00] =	vst v12;
	v12 =	vor.u32 $0xD, v1;
	v9 =	vld.idx.msk [tilespmem:v7+s12+$0x0], $0xffff  }
0x538: {  	v21 =	vor.u32 $0xA, v6;
	[tilespmem:s22+$0x1B0] =	vst v11;
	v17 =	vld.idx.msk [tilespmem:v17+s12+$0x0], $0xffff  }
0x539: {  	v11 =	vld.idx.msk [tilespmem:v13+s12+$0x0], $0xffff;
	v13 =	vor.u32 $0x17, v5;
	[tilespmem:s23+$0xFFFFFF40] =	vst v18  }
0x53a: {  	v18 =	vor.u32 $0xA, v3;
	v19 =	vld.idx.msk [tilespmem:v19+s12+$0x0], $0xffff;
	[tilespmem:s23+$0x360] =	vst v16  }
0x53b: {  	[tilespmem:s22+$0xFFFFFD90] =	vst v15;
	v15 =	vor.u32 $0xF, v2;
	v16 =	vld.idx.msk [tilespmem:v20+s12+$0x0], $0xffff  }
0x53c: {  	[tilespmem:s29+$0x120] =	vst v14;
	v14 =	vor.u32 $0x1C, v4;
	v12 =	vld.idx.msk [tilespmem:v12+s12+$0x0], $0xffff  }
0x53d: {  	v20 =	vld.idx.msk [tilespmem:v21+s12+$0x0], $0xffff;
	v21 =	vor.u32 $0x1D, v8;
	[tilespmem:s29+$0xFFFFFD20] =	vst v17  }
0x53e: {  	v10 =	vor.u32 $0xE, v1;
	v13 =	vld.idx.msk [tilespmem:v13+s12+$0x0], $0xffff;
	[tilespmem:s22+$0x1D0] =	vst v11  }
0x53f: {  	v17 =	vld.idx.msk [tilespmem:v18+s12+$0x0], $0xffff;
	v18 =	vor.u32 $0xB, v6;
	[tilespmem:s23+$0xFFFFFF60] =	vst v19  }
0x540: {  	v11 =	vld.idx.msk [tilespmem:v15+s12+$0x0], $0xffff;
	v15 =	vor.u32 $0x18, v5;
	[tilespmem:s23+$0x380] =	vst v16  }
0x541: {  	v19 =	vor.u32 $0xB, v3;
	v14 =	vld.idx.msk [tilespmem:v14+s12+$0x0], $0xffff;
	[tilespmem:s22+$0xFFFFFDB0] =	vst v12  }
0x542: {  	v12 =	vor.u32 $0x10, v2;
	v16 =	vld.idx.msk [tilespmem:v21+s12+$0x0], $0xffff;
	[tilespmem:s29+$0x140] =	vst v20  }
0x543: {  	v20 =	vor.u32 $0x1D, v4;
	v10 =	vld.idx.msk [tilespmem:v10+s12+$0x0], $0xffff;
	[tilespmem:s24+$0xFFFFFEF0] =	vst v13  }
0x544: {  	v21 =	vor.u32 $0x1E, v8;
	v18 =	vld.idx.msk [tilespmem:v18+s12+$0x0], $0xffff;
	[tilespmem:s29+$0xFFFFFD40] =	vst v17  }
0x545: {  	v13 =	vor.u32 $0xF, v1;
	v15 =	vld.idx.msk [tilespmem:v15+s12+$0x0], $0xffff;
	[tilespmem:s22+$0x1F0] =	vst v11  }
0x546: {  	v17 =	vld.idx.msk [tilespmem:v19+s12+$0x0], $0xffff;
	v19 =	vor.u32 $0xC, v6;
	[tilespmem:s23+$0xFFFFFF80] =	vst v14  }
0x547: {  	v11 =	vld.idx.msk [tilespmem:v12+s12+$0x0], $0xffff;
	v12 =	vor.u32 $0x19, v5;
	[tilespmem:s23+$0x3A0] =	vst v16  }
0x548: {  	v14 =	vor.u32 $0xC, v3;
	v20 =	vld.idx.msk [tilespmem:v20+s12+$0x0], $0xffff;
	[tilespmem:s22+$0xFFFFFDD0] =	vst v10  }
0x549: {  	v10 =	vor.u32 $0x11, v2;
	v16 =	vld.idx.msk [tilespmem:v21+s12+$0x0], $0xffff;
	[tilespmem:s29+$0x160] =	vst v18  }
0x54a: {  	v13 =	vld.idx.msk [tilespmem:v13+s12+$0x0], $0xffff;
	v18 =	vor.u32 $0x1E, v4;
	[tilespmem:s24+$0xFFFFFF10] =	vst v15  }
0x54b: {  	v8 =	vor.u32 $0x1F, v8;
	v19 =	vld.idx.msk [tilespmem:v19+s12+$0x0], $0xffff;
	[tilespmem:s29+$0xFFFFFD60] =	vst v17  }
0x54c: {  	v15 =	vor.u32 $0x10, v1;
	v12 =	vld.idx.msk [tilespmem:v12+s12+$0x0], $0xffff;
	[tilespmem:s22+$0x210] =	vst v11  }
0x54d: {  	v17 =	vor.u32 $0xD, v6;
	v14 =	vld.idx.msk [tilespmem:v14+s12+$0x0], $0xffff;
	[tilespmem:s23+$0xFFFFFFA0] =	vst v20  }
0x54e: {  	v11 =	vor.u32 $0x1A, v5;
	v10 =	vld.idx.msk [tilespmem:v10+s12+$0x0], $0xffff;
	[tilespmem:s23+$0x3C0] =	vst v16  }
0x54f: {  	s26 =	simm.s32 $0x1A5;
	v20 =	vor.u32 $0xD, v3;
	[tilespmem:s22+$0xFFFFFDF0] =	vst v13;
	v18 =	vld.idx.msk [tilespmem:v18+s12+$0x0], $0xffff  }
0x550: {  	v16 =	vmov s26;
	v13 =	vor.u32 $0x12, v2;
	v8 =	vld.idx.msk [tilespmem:v8+s12+$0x0], $0xffff;
	[tilespmem:s29+$0x180] =	vst v19  }
0x551: {  	v19 =	vor.u32 $0x1F, v4;
	v4 =	vshll.u32 v16, $0x5;
	v15 =	vld.idx.msk [tilespmem:v15+s12+$0x0], $0xffff;
	[tilespmem:s24+$0xFFFFFF30] =	vst v12  }
0x552: {  	v16 =	vld.idx.msk [tilespmem:v17+s12+$0x0], $0xffff;
	v4 =	vadd.s32 v0, v4;
	[tilespmem:s29+$0xFFFFFD80] =	vst v14  }
0x553: {  	v12 =	vor.u32 $0x11, v1;
	v11 =	vld.idx.msk [tilespmem:v11+s12+$0x0], $0xffff;
	[tilespmem:s22+$0x230] =	vst v10  }
0x554: {  	v17 =	vor.u32 $0xE, v6;
	v14 =	vld.idx.msk [tilespmem:v20+s12+$0x0], $0xffff;
	[tilespmem:s23+$0xFFFFFFC0] =	vst v18  }
0x555: {  	s26 =	simm.s32 $0x1A4;
	v10 =	vld.idx.msk [tilespmem:v13+s12+$0x0], $0xffff;
	v13 =	vor.u32 $0x1B, v5;
	[tilespmem:s23+$0x3E0] =	vst v8  }
0x556: {  	v20 =	vmov s26;
	v18 =	vor.u32 $0xE, v3;
	v19 =	vld.idx.msk [tilespmem:v19+s12+$0x0], $0xffff;
	[tilespmem:s22+$0xFFFFFE10] =	vst v15  }
0x557: {  	v8 =	vshll.u32 v20, $0x5;
	v15 =	vor.u32 $0x13, v2;
	v20 =	vld.idx.msk [tilespmem:v4+s12+$0x0], $0xffff;
	[tilespmem:s29+$0x1A0] =	vst v16  }
0x558: {  	v8 =	vadd.s32 v0, v8;
	v12 =	vld.idx.msk [tilespmem:v12+s12+$0x0], $0xffff;
	[tilespmem:s24+$0xFFFFFF50] =	vst v11  }
0x559: {  	v16 =	vld.idx.msk [tilespmem:v17+s12+$0x0], $0xffff;
	v17 =	vor.u32 $0x1, v4;
	[tilespmem:s29+$0xFFFFFDA0] =	vst v14  }
0x55a: {  	v11 =	vor.u32 $0x12, v1;
	v13 =	vld.idx.msk [tilespmem:v13+s12+$0x0], $0xffff;
	[tilespmem:s22+$0x250] =	vst v10  }
0x55b: {  	v14 =	vld.idx.msk [tilespmem:v18+s12+$0x0], $0xffff;
	v18 =	vor.u32 $0xF, v6;
	[tilespmem:s23+$0xFFFFFFE0] =	vst v19  }
0x55c: {  	v10 =	vld.idx.msk [tilespmem:v15+s12+$0x0], $0xffff;
	v15 =	vor.u32 $0x1C, v5;
	[tilespmem:s23+$0x10] =	vst v20  }
0x55d: {  	v19 =	vor.u32 $0xF, v3;
	v21 =	vld.idx.msk [tilespmem:v8+s12+$0x0], $0xffff;
	[tilespmem:s22+$0xFFFFFE30] =	vst v12  }
0x55e: {  	v12 =	vor.u32 $0x14, v2;
	v17 =	vld.idx.msk [tilespmem:v17+s12+$0x0], $0xffff;
	[tilespmem:s29+$0x1C0] =	vst v16  }
0x55f: {  	v16 =	vor.u32 $0x1, v8;
	v11 =	vld.idx.msk [tilespmem:v11+s12+$0x0], $0xffff;
	[tilespmem:s24+$0xFFFFFF70] =	vst v13  }
0x560: {  	v20 =	vor.u32 $0x2, v4;
	v18 =	vld.idx.msk [tilespmem:v18+s12+$0x0], $0xffff;
	[tilespmem:s29+$0xFFFFFDC0] =	vst v14  }
0x561: {  	v13 =	vor.u32 $0x13, v1;
	v14 =	vld.idx.msk [tilespmem:v15+s12+$0x0], $0xffff;
	[tilespmem:s22+$0x270] =	vst v10  }
0x562: {  	v15 =	vld.idx.msk [tilespmem:v19+s12+$0x0], $0xffff;
	v19 =	vor.u32 $0x10, v6;
	[tilespmem:s23+$0xFFFFFC10] =	vst v21  }
0x563: {  	v10 =	vld.idx.msk [tilespmem:v12+s12+$0x0], $0xffff;
	v12 =	vor.u32 $0x1D, v5;
	[tilespmem:s23+$0x30] =	vst v17  }
0x564: {  	v21 =	vor.u32 $0x10, v3;
	v16 =	vld.idx.msk [tilespmem:v16+s12+$0x0], $0xffff;
	[tilespmem:s22+$0xFFFFFE50] =	vst v11  }
0x565: {  	v11 =	vor.u32 $0x15, v2;
	v17 =	vld.idx.msk [tilespmem:v20+s12+$0x0], $0xffff;
	[tilespmem:s29+$0x1E0] =	vst v18  }
0x566: {  	v20 =	vld.idx.msk [tilespmem:v13+s12+$0x0], $0xffff;
	v18 =	vor.u32 $0x2, v8;
	[tilespmem:s24+$0xFFFFFF90] =	vst v14  }
0x567: {  	v22 =	vor.u32 $0x3, v4;
	v19 =	vld.idx.msk [tilespmem:v19+s12+$0x0], $0xffff;
	[tilespmem:s29+$0xFFFFFDE0] =	vst v15  }
0x568: {  	v15 =	vor.u32 $0x14, v1;
	v23 =	vld.idx.msk [tilespmem:v12+s12+$0x0], $0xffff;
	[tilespmem:s22+$0x290] =	vst v10  }
0x569: {  	v24 =	vor.u32 $0x11, v6;
	v21 =	vld.idx.msk [tilespmem:v21+s12+$0x0], $0xffff;
	[tilespmem:s23+$0xFFFFFC30] =	vst v16  }
0x56a: {  	v25 =	vor.u32 $0x1E, v5;
	v13 =	vld.idx.msk [tilespmem:v11+s12+$0x0], $0xffff;
	[tilespmem:s23+$0x50] =	vst v17  }
0x56b: {  	[tilespmem:s22+$0xFFFFFE70] =	vst v20;
	v20 =	vor.u32 $0x11, v3;
	v14 =	vld.idx.msk [tilespmem:v18+s12+$0x0], $0xffff  }
0x56c: {  	v10 =	vld.idx.msk [tilespmem:v22+s12+$0x0], $0xffff;
	[tilespmem:s29+$0x200] =	vst v19;
	v19 =	vor.u32 $0x16, v2  }
0x56d: {  	v17 =	vor.u32 $0x3, v8;
	v12 =	vld.idx.msk [tilespmem:v15+s12+$0x0], $0xffff  }
0x56e: {  	v18 =	vor.u32 $0x4, v4;
	v11 =	vld.idx.msk [tilespmem:v24+s12+$0x0], $0xffff;
	[tilespmem:s24+$0xFFFFFFB0] =	vst v23  }
0x56f: {  	s31 =	simm.s32 $0x9;
	s30 =	simm.s32 $0xA;
	s26 =	simm.s32 $0x18800;
	v16 =	vor.u32 $0x15, v1;
	[tilespmem:s29+$0xFFFFFE00] =	vst v21;
	v15 =	vld.idx.msk [tilespmem:v25+s12+$0x0], $0xffff  }
.LBB2_11:
0x570: {  	p0 =	slt.u32 s30, $0x18;
	v21 =	vmov s31;
	v20 =	vld.idx.msk [tilespmem:v20+s12+$0x0], $0xffff;
	v22 =	vor.u32 $0x12, v6;
	[tilespmem:s22+$0x2B0] =	vst v13  }
0x571: {  	v13 =	vshll.u32 v21, $0x5;
	[tilespmem:s23+$0xFFFFFC50] =	vst v14;
	v14 =	vld.idx.msk [tilespmem:v19+s12+$0x0], $0xffff;
	v19 =	vor.u32 $0x1F, v5;
	v5 =	vmovc v1;
	v1 =	vmov v8  }
0x572: {  	v8 =	vadd.s32 v0, v13;
	v13 =	vld.idx.msk [tilespmem:v17+s12+$0x0], $0xffff;
	[tilespmem:s23+$0x70] =	vst v10  }
0x573: {  	v10 =	vld.idx.msk [tilespmem:v18+s12+$0x0], $0xffff;
	[tilespmem:s22+$0xFFFFFE90] =	vst v12;
	v12 =	vor.u32 $0x17, v2  }
0x574: {  	v17 =	vor.u32 $0x12, v3;
	[tilespmem:s29+$0x220] =	vst v11;
	v11 =	vld.idx.msk [tilespmem:v16+s12+$0x0], $0xffff  }
0x575: {  	v18 =	vor.u32 $0x5, v4;
	v16 =	vld.idx.msk [tilespmem:v22+s12+$0x0], $0xffff;
	[tilespmem:s24+$0xFFFFFFD0] =	vst v15  }
0x576: {  	v15 =	vor.u32 $0x4, v1;
	[tilespmem:s29+$0xFFFFFE20] =	vst v20;
	v19 =	vld.idx.msk [tilespmem:v19+s12+$0x0], $0xffff  }
0x577: {  	v21 =	vor.u32 $0x13, v6;
	v20 =	vld.idx.msk [tilespmem:v8+s12+$0x0], $0xffff;
	[tilespmem:s22+$0x2D0] =	vst v14  }
0x578: {  	[tilespmem:s23+$0xFFFFFC70] =	vst v13;
	v13 =	vor.u32 $0x16, v5;
	v12 =	vld.idx.msk [tilespmem:v12+s12+$0x0], $0xffff  }
0x579: {  	v14 =	vor.u32 $0x1, v8;
	v17 =	vld.idx.msk [tilespmem:v17+s12+$0x0], $0xffff;
	[tilespmem:s23+$0x90] =	vst v10  }
0x57a: {  	v18 =	vld.idx.msk [tilespmem:v18+s12+$0x0], $0xffff;
	[tilespmem:s22+$0xFFFFFEB0] =	vst v11;
	v11 =	vor.u32 $0x18, v2  }
0x57b: {  	v22 =	vor.u32 $0x1, v7;
	[tilespmem:s29+$0x240] =	vst v16;
	v15 =	vld.idx.msk [tilespmem:v15+s12+$0x0], $0xffff  }
0x57c: {  	s29 =	sadd.s32 $0x800, s29;
	v16 =	vld.idx.msk [tilespmem:v21+s12+$0x0], $0xffff;
	v21 =	vor.u32 $0x6, v4;
	[tilespmem:s24+$0xFFFFFFF0] =	vst v19;
	s24 =	smov.u32 s22;
	s22 =	smov.u32 s23  }
0x57d: {  	v19 =	vor.u32 $0x13, v3;
	s23 =	smov.u32 s26;
	s26 =	smov.u32 s29;
	[tilespmem:s29+$0x0] =	vst v20;
	v10 =	vld.idx.msk [tilespmem:v13+s12+$0x0], $0xffff  }
0x57e: {  	v13 =	vld.idx.msk [tilespmem:v14+s12+$0x0], $0xffff;
	v14 =	vor.u32 $0x14, v6;
	[tilespmem:s24+$0x2F0] =	vst v12  }
0x57f: {  	[tilespmem:s29+$0xFFFFFC00] =	vst v9;
	v9 =	vor.u32 $0x5, v1;
	v11 =	vld.idx.msk [tilespmem:v11+s12+$0x0], $0xffff  }
0x580: {  	v20 =	vor.u32 $0x2, v8;
	v12 =	vld.idx.msk [tilespmem:v22+s12+$0x0], $0xffff;
	[tilespmem:s22+$0xB0] =	vst v18  }
0x581: {  	v18 =	vor.u32 $0x19, v2;
	[tilespmem:s23+$0xFFFFFE40] =	vst v17;
	v17 =	vld.idx.msk [tilespmem:v21+s12+$0x0], $0xffff  }
0x582: {  	v21 =	vor.u32 $0x2, v7;
	v19 =	vld.idx.msk [tilespmem:v19+s12+$0x0], $0xffff;
	[tilespmem:s23+$0x260] =	vst v16  }
0x583: {  	v14 =	vld.idx.msk [tilespmem:v14+s12+$0x0], $0xffff;
	[tilespmem:s22+$0xFFFFFC90] =	vst v15;
	v15 =	vor.u32 $0x7, v4  }
0x584: {  	[tilespmem:s29+$0x20] =	vst v13;
	v13 =	vor.u32 $0x14, v3;
	v9 =	vld.idx.msk [tilespmem:v9+s12+$0x0], $0xffff  }
0x585: {  	v16 =	vld.idx.msk [tilespmem:v20+s12+$0x0], $0xffff;
	v20 =	vor.u32 $0x15, v6;
	[tilespmem:s24+$0x310] =	vst v11  }
0x586: {  	v11 =	vor.u32 $0x6, v1;
	[tilespmem:s29+$0xFFFFFC20] =	vst v12;
	v12 =	vld.idx.msk [tilespmem:v18+s12+$0x0], $0xffff  }
0x587: {  	v18 =	vld.idx.msk [tilespmem:v21+s12+$0x0], $0xffff;
	v21 =	vor.u32 $0x3, v8;
	[tilespmem:s22+$0xD0] =	vst v17  }
0x588: {  	v17 =	vor.u32 $0x1A, v2;
	[tilespmem:s23+$0xFFFFFE60] =	vst v19;
	v15 =	vld.idx.msk [tilespmem:v15+s12+$0x0], $0xffff  }
0x589: {  	v19 =	vor.u32 $0x3, v7;
	v13 =	vld.idx.msk [tilespmem:v13+s12+$0x0], $0xffff;
	[tilespmem:s23+$0x280] =	vst v14  }
0x58a: {  	v14 =	vld.idx.msk [tilespmem:v20+s12+$0x0], $0xffff;
	[tilespmem:s22+$0xFFFFFCB0] =	vst v9;
	v9 =	vor.u32 $0x8, v4  }
0x58b: {  	[tilespmem:s29+$0x40] =	vst v16;
	v16 =	vor.u32 $0x15, v3;
	v11 =	vld.idx.msk [tilespmem:v11+s12+$0x0], $0xffff  }
0x58c: {  	v20 =	vld.idx.msk [tilespmem:v21+s12+$0x0], $0xffff;
	v21 =	vor.u32 $0x16, v6;
	[tilespmem:s24+$0x330] =	vst v12  }
0x58d: {  	v12 =	vor.u32 $0x7, v1;
	[tilespmem:s29+$0xFFFFFC40] =	vst v18;
	v17 =	vld.idx.msk [tilespmem:v17+s12+$0x0], $0xffff  }
0x58e: {  	v18 =	vld.idx.msk [tilespmem:v19+s12+$0x0], $0xffff;
	v19 =	vor.u32 $0x4, v8;
	[tilespmem:s22+$0xF0] =	vst v15  }
0x58f: {  	[tilespmem:s23+$0xFFFFFE80] =	vst v13;
	v9 =	vld.idx.msk [tilespmem:v9+s12+$0x0], $0xffff;
	v13 =	vor.u32 $0x1B, v2  }
0x590: {  	v15 =	vor.u32 $0x4, v7;
	v16 =	vld.idx.msk [tilespmem:v16+s12+$0x0], $0xffff;
	[tilespmem:s23+$0x2A0] =	vst v14  }
0x591: {  	v14 =	vld.idx.msk [tilespmem:v21+s12+$0x0], $0xffff;
	[tilespmem:s22+$0xFFFFFCD0] =	vst v11;
	v11 =	vor.u32 $0x9, v4  }
0x592: {  	[tilespmem:s29+$0x60] =	vst v20;
	v20 =	vor.u32 $0x16, v3;
	v12 =	vld.idx.msk [tilespmem:v12+s12+$0x0], $0xffff  }
0x593: {  	v21 =	vor.u32 $0x17, v6;
	v19 =	vld.idx.msk [tilespmem:v19+s12+$0x0], $0xffff;
	[tilespmem:s24+$0x350] =	vst v17  }
0x594: {  	v17 =	vor.u32 $0x8, v1;
	[tilespmem:s29+$0xFFFFFC60] =	vst v18;
	v13 =	vld.idx.msk [tilespmem:v13+s12+$0x0], $0xffff  }
0x595: {  	v18 =	vor.u32 $0x5, v8;
	v15 =	vld.idx.msk [tilespmem:v15+s12+$0x0], $0xffff;
	[tilespmem:s22+$0x110] =	vst v9  }
0x596: {  	[tilespmem:s23+$0xFFFFFEA0] =	vst v16;
	v9 =	vld.idx.msk [tilespmem:v11+s12+$0x0], $0xffff;
	v11 =	vor.u32 $0x1C, v2  }
0x597: {  	v16 =	vor.u32 $0x5, v7;
	v20 =	vld.idx.msk [tilespmem:v20+s12+$0x0], $0xffff;
	[tilespmem:s23+$0x2C0] =	vst v14  }
0x598: {  	v14 =	vld.idx.msk [tilespmem:v21+s12+$0x0], $0xffff;
	[tilespmem:s22+$0xFFFFFCF0] =	vst v12;
	v12 =	vor.u32 $0xA, v4  }
0x599: {  	[tilespmem:s29+$0x80] =	vst v19;
	v19 =	vor.u32 $0x17, v3;
	v17 =	vld.idx.msk [tilespmem:v17+s12+$0x0], $0xffff  }
0x59a: {  	v21 =	vor.u32 $0x18, v6;
	v18 =	vld.idx.msk [tilespmem:v18+s12+$0x0], $0xffff;
	[tilespmem:s24+$0x370] =	vst v13  }
0x59b: {  	v13 =	vor.u32 $0x9, v1;
	[tilespmem:s29+$0xFFFFFC80] =	vst v15;
	v11 =	vld.idx.msk [tilespmem:v11+s12+$0x0], $0xffff  }
0x59c: {  	v15 =	vld.idx.msk [tilespmem:v16+s12+$0x0], $0xffff;
	v16 =	vor.u32 $0x6, v8;
	[tilespmem:s22+$0x130] =	vst v9  }
0x59d: {  	[tilespmem:s23+$0xFFFFFEC0] =	vst v20;
	v9 =	vld.idx.msk [tilespmem:v12+s12+$0x0], $0xffff;
	v12 =	vor.u32 $0x1D, v2  }
0x59e: {  	v20 =	vor.u32 $0x6, v7;
	v19 =	vld.idx.msk [tilespmem:v19+s12+$0x0], $0xffff;
	[tilespmem:s23+$0x2E0] =	vst v14  }
0x59f: {  	v14 =	vld.idx.msk [tilespmem:v21+s12+$0x0], $0xffff;
	[tilespmem:s22+$0xFFFFFD10] =	vst v17;
	v17 =	vor.u32 $0xB, v4  }
0x5a0: {  	[tilespmem:s29+$0xA0] =	vst v18;
	v18 =	vor.u32 $0x18, v3;
	v13 =	vld.idx.msk [tilespmem:v13+s12+$0x0], $0xffff  }
0x5a1: {  	v21 =	vor.u32 $0x19, v6;
	v16 =	vld.idx.msk [tilespmem:v16+s12+$0x0], $0xffff;
	[tilespmem:s24+$0x390] =	vst v11  }
0x5a2: {  	v11 =	vor.u32 $0xA, v1;
	[tilespmem:s29+$0xFFFFFCA0] =	vst v15;
	v12 =	vld.idx.msk [tilespmem:v12+s12+$0x0], $0xffff  }
0x5a3: {  	v15 =	vld.idx.msk [tilespmem:v20+s12+$0x0], $0xffff;
	v20 =	vor.u32 $0x7, v8;
	[tilespmem:s22+$0x150] =	vst v9  }
0x5a4: {  	[tilespmem:s23+$0xFFFFFEE0] =	vst v19;
	v9 =	vld.idx.msk [tilespmem:v17+s12+$0x0], $0xffff;
	v17 =	vor.u32 $0x1E, v2  }
0x5a5: {  	v19 =	vor.u32 $0x7, v7;
	v18 =	vld.idx.msk [tilespmem:v18+s12+$0x0], $0xffff;
	[tilespmem:s23+$0x300] =	vst v14  }
0x5a6: {  	v14 =	vld.idx.msk [tilespmem:v21+s12+$0x0], $0xffff;
	[tilespmem:s22+$0xFFFFFD30] =	vst v13;
	v13 =	vor.u32 $0xC, v4  }
0x5a7: {  	[tilespmem:s29+$0xC0] =	vst v16;
	v16 =	vor.u32 $0x19, v3;
	v11 =	vld.idx.msk [tilespmem:v11+s12+$0x0], $0xffff  }
0x5a8: {  	v21 =	vor.u32 $0x1A, v6;
	v20 =	vld.idx.msk [tilespmem:v20+s12+$0x0], $0xffff;
	[tilespmem:s24+$0x3B0] =	vst v12  }
0x5a9: {  	v12 =	vor.u32 $0xB, v1;
	[tilespmem:s29+$0xFFFFFCC0] =	vst v15;
	v15 =	vld.idx.msk [tilespmem:v17+s12+$0x0], $0xffff  }
0x5aa: {  	v17 =	vld.idx.msk [tilespmem:v19+s12+$0x0], $0xffff;
	v19 =	vor.u32 $0x8, v8;
	[tilespmem:s22+$0x170] =	vst v9  }
0x5ab: {  	[tilespmem:s23+$0xFFFFFF00] =	vst v18;
	v9 =	vld.idx.msk [tilespmem:v13+s12+$0x0], $0xffff;
	v13 =	vor.u32 $0x1F, v2;
	v2 =	vmov v4  }
0x5ac: {  	v4 =	vor.u32 $0x8, v7;
	v16 =	vld.idx.msk [tilespmem:v16+s12+$0x0], $0xffff;
	[tilespmem:s23+$0x320] =	vst v14  }
0x5ad: {  	v14 =	vld.idx.msk [tilespmem:v21+s12+$0x0], $0xffff;
	[tilespmem:s22+$0xFFFFFD50] =	vst v11;
	v11 =	vor.u32 $0xD, v2  }
0x5ae: {  	v18 =	vor.u32 $0x1A, v3;
	[tilespmem:s29+$0xE0] =	vst v20;
	v12 =	vld.idx.msk [tilespmem:v12+s12+$0x0], $0xffff  }
0x5af: {  	v20 =	vor.u32 $0x1B, v6;
	v19 =	vld.idx.msk [tilespmem:v19+s12+$0x0], $0xffff;
	[tilespmem:s24+$0x3D0] =	vst v15  }
0x5b0: {  	v15 =	vmov s30;
	[tilespmem:s29+$0xFFFFFCE0] =	vst v17;
	v17 =	vor.u32 $0xC, v1;
	v13 =	vld.idx.msk [tilespmem:v13+s12+$0x0], $0xffff  }
0x5b1: {  	v22 =	vor.u32 $0x9, v8;
	v15 =	vshll.u32 v15, $0x5;
	v21 =	vld.idx.msk [tilespmem:v4+s12+$0x0], $0xffff;
	[tilespmem:s22+$0x190] =	vst v9  }
0x5b2: {  	v4 =	vadd.s32 v0, v15;
	[tilespmem:s23+$0xFFFFFF20] =	vst v16;
	v11 =	vld.idx.msk [tilespmem:v11+s12+$0x0], $0xffff  }
0x5b3: {  	v15 =	vor.u32 $0x9, v7;
	v16 =	vld.idx.msk [tilespmem:v18+s12+$0x0], $0xffff;
	[tilespmem:s23+$0x340] =	vst v14  }
0x5b4: {  	v14 =	vld.idx.msk [tilespmem:v20+s12+$0x0], $0xffff;
	[tilespmem:s22+$0xFFFFFD70] =	vst v12;
	v12 =	vor.u32 $0xE, v2  }
0x5b5: {  	v18 =	vor.u32 $0x1B, v3;
	[tilespmem:s29+$0x100] =	vst v19;
	v17 =	vld.idx.msk [tilespmem:v17+s12+$0x0], $0xffff  }
0x5b6: {  	v20 =	vor.u32 $0x1C, v6;
	v19 =	vld.idx.msk [tilespmem:v22+s12+$0x0], $0xffff;
	[tilespmem:s24+$0x3F0] =	vst v13  }
0x5b7: {  	v13 =	vor.u32 $0xD, v1;
	v9 =	vld.idx.msk [tilespmem:v4+s12+$0x0], $0xffff;
	[tilespmem:s29+$0xFFFFFD00] =	vst v21  }
0x5b8: {  	v21 =	vor.u32 $0xA, v8;
	v15 =	vld.idx.msk [tilespmem:v15+s12+$0x0], $0xffff;
	[tilespmem:s22+$0x1B0] =	vst v11  }
0x5b9: {  	[tilespmem:s23+$0xFFFFFF40] =	vst v16;
	v11 =	vld.idx.msk [tilespmem:v12+s12+$0x0], $0xffff;
	v12 =	vor.u32 $0x17, v5  }
0x5ba: {  	v16 =	vor.u32 $0xA, v7;
	v18 =	vld.idx.msk [tilespmem:v18+s12+$0x0], $0xffff;
	[tilespmem:s23+$0x360] =	vst v14  }
0x5bb: {  	v14 =	vld.idx.msk [tilespmem:v20+s12+$0x0], $0xffff;
	[tilespmem:s22+$0xFFFFFD90] =	vst v17;
	v17 =	vor.u32 $0xF, v2  }
0x5bc: {  	[tilespmem:s29+$0x120] =	vst v19;
	v19 =	vor.u32 $0x1C, v3;
	v13 =	vld.idx.msk [tilespmem:v13+s12+$0x0], $0xffff  }
0x5bd: {  	v20 =	vld.idx.msk [tilespmem:v21+s12+$0x0], $0xffff;
	v21 =	vor.u32 $0x1D, v6;
	[tilespmem:s24+$0xFFFFFED0] =	vst v10  }
0x5be: {  	v10 =	vor.u32 $0xE, v1;
	[tilespmem:s29+$0xFFFFFD20] =	vst v15;
	v12 =	vld.idx.msk [tilespmem:v12+s12+$0x0], $0xffff  }
0x5bf: {  	v15 =	vld.idx.msk [tilespmem:v16+s12+$0x0], $0xffff;
	v16 =	vor.u32 $0xB, v8;
	[tilespmem:s22+$0x1D0] =	vst v11  }
0x5c0: {  	[tilespmem:s23+$0xFFFFFF60] =	vst v18;
	v11 =	vld.idx.msk [tilespmem:v17+s12+$0x0], $0xffff;
	v17 =	vor.u32 $0x18, v5  }
0x5c1: {  	v18 =	vor.u32 $0xB, v7;
	v19 =	vld.idx.msk [tilespmem:v19+s12+$0x0], $0xffff;
	[tilespmem:s23+$0x380] =	vst v14  }
0x5c2: {  	v14 =	vld.idx.msk [tilespmem:v21+s12+$0x0], $0xffff;
	[tilespmem:s22+$0xFFFFFDB0] =	vst v13;
	v13 =	vor.u32 $0x10, v2  }
0x5c3: {  	[tilespmem:s29+$0x140] =	vst v20;
	v20 =	vor.u32 $0x1D, v3;
	v10 =	vld.idx.msk [tilespmem:v10+s12+$0x0], $0xffff  }
0x5c4: {  	v21 =	vor.u32 $0x1E, v6;
	v16 =	vld.idx.msk [tilespmem:v16+s12+$0x0], $0xffff;
	[tilespmem:s24+$0xFFFFFEF0] =	vst v12  }
0x5c5: {  	v12 =	vor.u32 $0xF, v1;
	[tilespmem:s29+$0xFFFFFD40] =	vst v15;
	v15 =	vld.idx.msk [tilespmem:v17+s12+$0x0], $0xffff  }
0x5c6: {  	v17 =	vld.idx.msk [tilespmem:v18+s12+$0x0], $0xffff;
	v18 =	vor.u32 $0xC, v8;
	[tilespmem:s22+$0x1F0] =	vst v11  }
0x5c7: {  	[tilespmem:s23+$0xFFFFFF80] =	vst v19;
	v11 =	vld.idx.msk [tilespmem:v13+s12+$0x0], $0xffff;
	v13 =	vor.u32 $0x19, v5  }
0x5c8: {  	v19 =	vor.u32 $0xC, v7;
	v20 =	vld.idx.msk [tilespmem:v20+s12+$0x0], $0xffff;
	[tilespmem:s23+$0x3A0] =	vst v14  }
0x5c9: {  	v14 =	vld.idx.msk [tilespmem:v21+s12+$0x0], $0xffff;
	[tilespmem:s22+$0xFFFFFDD0] =	vst v10;
	v10 =	vor.u32 $0x11, v2  }
0x5ca: {  	[tilespmem:s29+$0x160] =	vst v16;
	v16 =	vor.u32 $0x1E, v3;
	v12 =	vld.idx.msk [tilespmem:v12+s12+$0x0], $0xffff  }
0x5cb: {  	v21 =	vor.u32 $0x1F, v6;
	v6 =	vmov v8;
	v18 =	vld.idx.msk [tilespmem:v18+s12+$0x0], $0xffff;
	[tilespmem:s24+$0xFFFFFF10] =	vst v15  }
0x5cc: {  	v8 =	vor.u32 $0x10, v1;
	[tilespmem:s29+$0xFFFFFD60] =	vst v17;
	v13 =	vld.idx.msk [tilespmem:v13+s12+$0x0], $0xffff  }
0x5cd: {  	v17 =	vor.u32 $0xD, v6;
	v15 =	vld.idx.msk [tilespmem:v19+s12+$0x0], $0xffff;
	[tilespmem:s22+$0x210] =	vst v11  }
0x5ce: {  	v11 =	vor.u32 $0x1A, v5;
	[tilespmem:s23+$0xFFFFFFA0] =	vst v20;
	v10 =	vld.idx.msk [tilespmem:v10+s12+$0x0], $0xffff  }
0x5cf: {  	s31 =	sadd.s32 $0x1A1, s25;
	v19 =	vor.u32 $0xD, v7;
	v16 =	vld.idx.msk [tilespmem:v16+s12+$0x0], $0xffff;
	[tilespmem:s23+$0x3C0] =	vst v14  }
0x5d0: {  	v20 =	vmov s31;
	v14 =	vld.idx.msk [tilespmem:v21+s12+$0x0], $0xffff;
	[tilespmem:s22+$0xFFFFFDF0] =	vst v12;
	v12 =	vor.u32 $0x12, v2  }
0x5d1: {  	v20 =	vshll.u32 v20, $0x5;
	[tilespmem:s29+$0x180] =	vst v18;
	v18 =	vor.u32 $0x1F, v3;
	v8 =	vld.idx.msk [tilespmem:v8+s12+$0x0], $0xffff;
	v3 =	vmovc v7;
	v7 =	vmov v4  }
0x5d2: {  	v4 =	vadd.s32 v0, v20;
	v17 =	vld.idx.msk [tilespmem:v17+s12+$0x0], $0xffff;
	[tilespmem:s24+$0xFFFFFF30] =	vst v13  }
0x5d3: {  	v13 =	vor.u32 $0x11, v1;
	[tilespmem:s29+$0xFFFFFD80] =	vst v15;
	v11 =	vld.idx.msk [tilespmem:v11+s12+$0x0], $0xffff  }
0x5d4: {  	v15 =	vld.idx.msk [tilespmem:v19+s12+$0x0], $0xffff;
	v19 =	vor.u32 $0xE, v6;
	[tilespmem:s22+$0x230] =	vst v10  }
0x5d5: {  	s31 =	sadd.s32 $0x1A0, s25;
	s25 =	smov.u32 s28;
	s28 =	smov.u32 s30;
	[tilespmem:s23+$0xFFFFFFC0] =	vst v16;
	v10 =	vld.idx.msk [tilespmem:v12+s12+$0x0], $0xffff;
	v12 =	vor.u32 $0x1B, v5  }
0x5d6: {  	v20 =	vmov s31;
	v16 =	vor.u32 $0xE, v3;
	v18 =	vld.idx.msk [tilespmem:v18+s12+$0x0], $0xffff;
	[tilespmem:s23+$0x3E0] =	vst v14  }
0x5d7: {  	v21 =	vor.u32 $0x13, v2;
	v14 =	vshll.u32 v20, $0x5;
	v20 =	vld.idx.msk [tilespmem:v4+s12+$0x0], $0xffff;
	[tilespmem:s22+$0xFFFFFE10] =	vst v8  }
0x5d8: {  	v8 =	vadd.s32 v0, v14;
	[tilespmem:s29+$0x1A0] =	vst v17;
	v13 =	vld.idx.msk [tilespmem:v13+s12+$0x0], $0xffff  }
0x5d9: {  	v17 =	vor.u32 $0x1, v4;
	v14 =	vld.idx.msk [tilespmem:v19+s12+$0x0], $0xffff;
	[tilespmem:s24+$0xFFFFFF50] =	vst v11  }
0x5da: {  	v11 =	vor.u32 $0x12, v1;
	[tilespmem:s29+$0xFFFFFDA0] =	vst v15;
	v12 =	vld.idx.msk [tilespmem:v12+s12+$0x0], $0xffff  }
0x5db: {  	v15 =	vld.idx.msk [tilespmem:v16+s12+$0x0], $0xffff;
	v16 =	vor.u32 $0xF, v6;
	[tilespmem:s22+$0x250] =	vst v10  }
0x5dc: {  	[tilespmem:s23+$0xFFFFFFE0] =	vst v18;
	v10 =	vld.idx.msk [tilespmem:v21+s12+$0x0], $0xffff;
	v18 =	vor.u32 $0x1C, v5  }
0x5dd: {  	v19 =	vor.u32 $0xF, v3;
	v21 =	vld.idx.msk [tilespmem:v8+s12+$0x0], $0xffff;
	[tilespmem:s23+$0x10] =	vst v20  }
0x5de: {  	v17 =	vld.idx.msk [tilespmem:v17+s12+$0x0], $0xffff;
	[tilespmem:s22+$0xFFFFFE30] =	vst v13;
	v13 =	vor.u32 $0x14, v2  }
0x5df: {  	[tilespmem:s29+$0x1C0] =	vst v14;
	v14 =	vor.u32 $0x1, v8;
	v11 =	vld.idx.msk [tilespmem:v11+s12+$0x0], $0xffff  }
0x5e0: {  	v20 =	vor.u32 $0x2, v4;
	v16 =	vld.idx.msk [tilespmem:v16+s12+$0x0], $0xffff;
	[tilespmem:s24+$0xFFFFFF70] =	vst v12  }
0x5e1: {  	v12 =	vor.u32 $0x13, v1;
	[tilespmem:s29+$0xFFFFFDC0] =	vst v15;
	v15 =	vld.idx.msk [tilespmem:v18+s12+$0x0], $0xffff  }
0x5e2: {  	v18 =	vld.idx.msk [tilespmem:v19+s12+$0x0], $0xffff;
	v19 =	vor.u32 $0x10, v6;
	[tilespmem:s22+$0x270] =	vst v10  }
0x5e3: {  	[tilespmem:s23+$0xFFFFFC10] =	vst v21;
	v10 =	vld.idx.msk [tilespmem:v13+s12+$0x0], $0xffff;
	v13 =	vor.u32 $0x1D, v5  }
0x5e4: {  	v21 =	vor.u32 $0x10, v3;
	v14 =	vld.idx.msk [tilespmem:v14+s12+$0x0], $0xffff;
	[tilespmem:s23+$0x30] =	vst v17  }
0x5e5: {  	v17 =	vld.idx.msk [tilespmem:v20+s12+$0x0], $0xffff;
	[tilespmem:s22+$0xFFFFFE50] =	vst v11;
	v11 =	vor.u32 $0x15, v2  }
0x5e6: {  	[tilespmem:s29+$0x1E0] =	vst v16;
	v16 =	vor.u32 $0x2, v8;
	v12 =	vld.idx.msk [tilespmem:v12+s12+$0x0], $0xffff  }
0x5e7: {  	v22 =	vld.idx.msk [tilespmem:v19+s12+$0x0], $0xffff;
	v19 =	vor.u32 $0x3, v4;
	[tilespmem:s24+$0xFFFFFF90] =	vst v15  }
0x5e8: {  	v15 =	vor.u32 $0x14, v1;
	[tilespmem:s29+$0xFFFFFDE0] =	vst v18;
	v23 =	vld.idx.msk [tilespmem:v13+s12+$0x0], $0xffff  }
0x5e9: {  	v18 =	vor.u32 $0x11, v6;
	v21 =	vld.idx.msk [tilespmem:v21+s12+$0x0], $0xffff;
	[tilespmem:s22+$0x290] =	vst v10  }
0x5ea: {  	v24 =	vor.u32 $0x1E, v5;
	[tilespmem:s23+$0xFFFFFC30] =	vst v14;
	v13 =	vld.idx.msk [tilespmem:v11+s12+$0x0], $0xffff  }
.Ltmp5:
0x5eb: {  	v20 =	vor.u32 $0x11, v3;
	v14 =	vld.idx.msk [tilespmem:v16+s12+$0x0], $0xffff;
	[tilespmem:s23+$0x50] =	vst v17;
	(pc) =	sbr.rel @p0 .LBB2_11-.Ltmp5, $4  }
0x5ec: {  	v10 =	vld.idx.msk [tilespmem:v19+s12+$0x0], $0xffff;
	[tilespmem:s22+$0xFFFFFE70] =	vst v12;
	v19 =	vor.u32 $0x16, v2  }
0x5ed: {  	v17 =	vor.u32 $0x3, v8;
	[tilespmem:s29+$0x200] =	vst v22;
	v12 =	vld.idx.msk [tilespmem:v15+s12+$0x0], $0xffff  }
0x5ee: {  	v11 =	vld.idx.msk [tilespmem:v18+s12+$0x0], $0xffff;
	v18 =	vor.u32 $0x4, v4;
	[tilespmem:s24+$0xFFFFFFB0] =	vst v23  }
0x5ef: {  	s30 =	sadd.s32 $0x2, s30;
	s31 =	sadd.s32 $0x1, s28;
	v16 =	vor.u32 $0x15, v1;
	[tilespmem:s29+$0xFFFFFE00] =	vst v21;
	v15 =	vld.idx.msk [tilespmem:v24+s12+$0x0], $0xffff  }
0x5f0: {  	_ =	sdelay $0x3  }
0x5f1: {  	v20 =	vld.idx.msk [tilespmem:v20+s12+$0x0], $0xffff;
	v22 =	vor.u32 $0x12, v6;
	[tilespmem:s22+$0x2B0] =	vst v13  }
0x5f2: {  	v21 =	vmov s31;
	[tilespmem:s23+$0xFFFFFC50] =	vst v14;
	v37 =	vor.u32 $0x1F, v5;
	v36 =	vld.idx.msk [tilespmem:v19+s12+$0x0], $0xffff  }
0x5f3: {  	v40 =	vor.u32 $0x12, v3;
	v35 =	vshll.u32 v21, $0x5;
	v38 =	vld.idx.msk [tilespmem:v17+s12+$0x0], $0xffff;
	[tilespmem:s23+$0x70] =	vst v10  }
0x5f4: {  	v5 =	vadd.s32 v0, v35;
	v10 =	vld.idx.msk [tilespmem:v18+s12+$0x0], $0xffff;
	[tilespmem:s22+$0xFFFFFE90] =	vst v12  }
0x5f5: {  	v39 =	vor.u32 $0x17, v2;
	[tilespmem:s29+$0x220] =	vst v11;
	v41 =	vld.idx.msk [tilespmem:v16+s12+$0x0], $0xffff  }
0x5f6: {  	v44 =	vor.u32 $0x4, v8;
	[tilespmem:s24+$0xFFFFFFD0] =	vst v15;
	v42 =	vld.idx.msk [tilespmem:v22+s12+$0x0], $0xffff  }
0x5f7: {  	v43 =	vor.u32 $0x5, v4;
	[tilespmem:s29+$0xFFFFFE20] =	vst v20;
	v19 =	vld.idx.msk [tilespmem:v37+s12+$0x0], $0xffff  }
0x5f8: {  	v47 =	vor.u32 $0x16, v1;
	[tilespmem:s22+$0x2D0] =	vst v36;
	v17 =	vld.idx.msk [tilespmem:v40+s12+$0x0], $0xffff  }
0x5f9: {  	v46 =	vor.u32 $0x13, v6;
	[tilespmem:s23+$0xFFFFFC70] =	vst v38;
	v45 =	vld.idx.msk [tilespmem:v5+s12+$0x0], $0xffff  }
0x5fa: {  	v50 =	vor.u32 $0x1, v7;
	v12 =	vld.idx.msk [tilespmem:v39+s12+$0x0], $0xffff;
	[tilespmem:s23+$0x90] =	vst v10  }
0x5fb: {  	v52 =	vor.u32 $0x13, v3;
	v15 =	vld.idx.msk [tilespmem:v44+s12+$0x0], $0xffff;
	[tilespmem:s22+$0xFFFFFEB0] =	vst v41  }
0x5fc: {  	v48 =	vor.u32 $0x1, v5;
	v18 =	vld.idx.msk [tilespmem:v43+s12+$0x0], $0xffff;
	[tilespmem:s29+$0x240] =	vst v42  }
0x5fd: {  	v49 =	vor.u32 $0x18, v2;
	v10 =	vld.idx.msk [tilespmem:v47+s12+$0x0], $0xffff;
	s29 =	sadd.s32 $0x800, s29;
	[tilespmem:s24+$0xFFFFFFF0] =	vst v19  }
0x5fe: {  	v55 =	vor.u32 $0x5, v8;
	v16 =	vld.idx.msk [tilespmem:v46+s12+$0x0], $0xffff;
	[tilespmem:s29+$0xFFFFFC00] =	vst v9  }
0x5ff: {  	v51 =	vor.u32 $0x6, v4;
	[tilespmem:s26+$0xFFFFFE40] =	vst v17;
	v56 =	vld.idx.msk [tilespmem:v50+s12+$0x0], $0xffff  }
0x600: {  	v54 =	vor.u32 $0x14, v6;
	[tilespmem:s29+$0x0] =	vst v45;
	v19 =	vld.idx.msk [tilespmem:v52+s12+$0x0], $0xffff  }
0x601: {  	v60 =	vor.u32 $0x2, v7;
	[tilespmem:s22+$0x2F0] =	vst v12;
	v53 =	vld.idx.msk [tilespmem:v48+s12+$0x0], $0xffff  }
0x602: {  	v62 =	vor.u32 $0x14, v3;
	[tilespmem:s23+$0xFFFFFC90] =	vst v15;
	v11 =	vld.idx.msk [tilespmem:v49+s12+$0x0], $0xffff  }
0x603: {  	v57 =	vor.u32 $0x2, v5;
	[tilespmem:s23+$0xB0] =	vst v18;
	v9 =	vld.idx.msk [tilespmem:v55+s12+$0x0], $0xffff  }
0x604: {  	v59 =	vor.u32 $0x19, v2;
	v58 =	vld.idx.msk [tilespmem:v51+s12+$0x0], $0xffff;
	[tilespmem:s26+$0x260] =	vst v16  }
0x605: {  	v25 =	vor.u32 $0x6, v8;
	v14 =	vld.idx.msk [tilespmem:v54+s12+$0x0], $0xffff;
	[tilespmem:s29+$0xFFFFFC20] =	vst v56  }
0x606: {  	v61 =	vor.u32 $0x7, v4;
	[tilespmem:s26+$0xFFFFFE60] =	vst v19;
	v27 =	vld.idx.msk [tilespmem:v60+s12+$0x0], $0xffff  }
0x607: {  	v24 =	vor.u32 $0x15, v6;
	[tilespmem:s29+$0x20] =	vst v53;
	v13 =	vld.idx.msk [tilespmem:v62+s12+$0x0], $0xffff  }
0x608: {  	v30 =	vor.u32 $0x3, v7;
	[tilespmem:s22+$0x310] =	vst v11;
	v63 =	vld.idx.msk [tilespmem:v57+s12+$0x0], $0xffff  }
0x609: {  	v32 =	vor.u32 $0x15, v3;
	[tilespmem:s23+$0xFFFFFCB0] =	vst v9;
	v26 =	vld.idx.msk [tilespmem:v59+s12+$0x0], $0xffff  }
0x60a: {  	v28 =	vor.u32 $0x3, v5;
	[tilespmem:s23+$0xD0] =	vst v58;
	v11 =	vld.idx.msk [tilespmem:v25+s12+$0x0], $0xffff  }
0x60b: {  	v29 =	vor.u32 $0x1A, v2;
	v15 =	vld.idx.msk [tilespmem:v61+s12+$0x0], $0xffff;
	[tilespmem:s26+$0x280] =	vst v14  }
0x60c: {  	v35 =	vor.u32 $0x7, v8;
	v14 =	vld.idx.msk [tilespmem:v24+s12+$0x0], $0xffff;
	[tilespmem:s29+$0xFFFFFC40] =	vst v27  }
0x60d: {  	v31 =	vor.u32 $0x8, v4;
	[tilespmem:s26+$0xFFFFFE80] =	vst v13;
	v18 =	vld.idx.msk [tilespmem:v30+s12+$0x0], $0xffff  }
0x60e: {  	v34 =	vor.u32 $0x16, v6;
	[tilespmem:s29+$0x40] =	vst v63;
	v16 =	vld.idx.msk [tilespmem:v32+s12+$0x0], $0xffff  }
0x60f: {  	v38 =	vor.u32 $0x4, v7;
	[tilespmem:s22+$0x330] =	vst v26;
	v33 =	vld.idx.msk [tilespmem:v28+s12+$0x0], $0xffff  }
0x610: {  	v40 =	vor.u32 $0x16, v3;
	[tilespmem:s23+$0xFFFFFCD0] =	vst v11;
	v17 =	vld.idx.msk [tilespmem:v29+s12+$0x0], $0xffff  }
0x611: {  	v36 =	vor.u32 $0x4, v5;
	[tilespmem:s23+$0xF0] =	vst v15;
	v12 =	vld.idx.msk [tilespmem:v35+s12+$0x0], $0xffff  }
0x612: {  	v37 =	vor.u32 $0x1B, v2;
	v9 =	vld.idx.msk [tilespmem:v31+s12+$0x0], $0xffff;
	[tilespmem:s26+$0x2A0] =	vst v14  }
0x613: {  	v42 =	vor.u32 $0x8, v8;
	v14 =	vld.idx.msk [tilespmem:v34+s12+$0x0], $0xffff;
	[tilespmem:s29+$0xFFFFFC60] =	vst v18  }
0x614: {  	v39 =	vor.u32 $0x9, v4;
	[tilespmem:s26+$0xFFFFFEA0] =	vst v16;
	v15 =	vld.idx.msk [tilespmem:v38+s12+$0x0], $0xffff  }
0x615: {  	v41 =	vor.u32 $0x17, v6;
	[tilespmem:s29+$0x60] =	vst v33;
	v20 =	vld.idx.msk [tilespmem:v40+s12+$0x0], $0xffff  }
0x616: {  	v45 =	vor.u32 $0x5, v7;
	[tilespmem:s22+$0x350] =	vst v17;
	v19 =	vld.idx.msk [tilespmem:v36+s12+$0x0], $0xffff  }
0x617: {  	v43 =	vor.u32 $0x5, v5;
	[tilespmem:s23+$0xFFFFFCF0] =	vst v12;
	v13 =	vld.idx.msk [tilespmem:v37+s12+$0x0], $0xffff  }
0x618: {  	v47 =	vor.u32 $0x17, v3;
	[tilespmem:s23+$0x110] =	vst v9;
	v17 =	vld.idx.msk [tilespmem:v42+s12+$0x0], $0xffff  }
0x619: {  	v44 =	vor.u32 $0x1C, v2;
	v9 =	vld.idx.msk [tilespmem:v39+s12+$0x0], $0xffff;
	[tilespmem:s26+$0x2C0] =	vst v14  }
0x61a: {  	v46 =	vor.u32 $0xA, v4;
	v14 =	vld.idx.msk [tilespmem:v41+s12+$0x0], $0xffff;
	[tilespmem:s29+$0xFFFFFC80] =	vst v15  }
0x61b: {  	v49 =	vor.u32 $0x9, v8;
	[tilespmem:s29+$0x80] =	vst v19;
	v15 =	vld.idx.msk [tilespmem:v45+s12+$0x0], $0xffff  }
0x61c: {  	v52 =	vor.u32 $0x6, v7;
	[tilespmem:s26+$0xFFFFFEC0] =	vst v20;
	v18 =	vld.idx.msk [tilespmem:v43+s12+$0x0], $0xffff  }
0x61d: {  	v50 =	vor.u32 $0x6, v5;
	[tilespmem:s22+$0x370] =	vst v13;
	v19 =	vld.idx.msk [tilespmem:v47+s12+$0x0], $0xffff  }
0x61e: {  	v48 =	vor.u32 $0x18, v6;
	v11 =	vld.idx.msk [tilespmem:v44+s12+$0x0], $0xffff;
	[tilespmem:s23+$0x130] =	vst v9  }
0x61f: {  	v53 =	vor.u32 $0x1D, v2;
	[tilespmem:s23+$0xFFFFFD10] =	vst v17;
	v51 =	vld.idx.msk [tilespmem:v46+s12+$0x0], $0xffff  }
0x620: {  	v54 =	vor.u32 $0xB, v4;
	v12 =	vld.idx.msk [tilespmem:v49+s12+$0x0], $0xffff;
	[tilespmem:s29+$0xFFFFFCA0] =	vst v15  }
0x621: {  	v55 =	vor.u32 $0x18, v3;
	[tilespmem:s29+$0xA0] =	vst v18;
	v15 =	vld.idx.msk [tilespmem:v52+s12+$0x0], $0xffff  }
0x622: {  	v58 =	vor.u32 $0x7, v7;
	[tilespmem:s26+$0x2E0] =	vst v14;
	v56 =	vld.idx.msk [tilespmem:v50+s12+$0x0], $0xffff  }
0x623: {  	v57 =	vor.u32 $0x7, v5;
	v14 =	vld.idx.msk [tilespmem:v48+s12+$0x0], $0xffff;
	[tilespmem:s22+$0x390] =	vst v11  }
0x624: {  	v9 =	vld.idx.msk [tilespmem:v53+s12+$0x0], $0xffff;
	[tilespmem:s23+$0x150] =	vst v51  }
0x625: {  	[tilespmem:s26+$0xFFFFFEE0] =	vst v19;
	v11 =	vld.idx.msk [tilespmem:v54+s12+$0x0], $0xffff  }
0x626: {  	v17 =	vld.idx.msk [tilespmem:v55+s12+$0x0], $0xffff;
	[tilespmem:s29+$0xFFFFFCC0] =	vst v15  }
0x627: {  	[tilespmem:s29+$0xC0] =	vst v56;
	v15 =	vld.idx.msk [tilespmem:v58+s12+$0x0], $0xffff  }
0x628: {  	v60 =	vor.u32 $0x8, v7;
	v13 =	vld.idx.msk [tilespmem:v57+s12+$0x0], $0xffff  }
0x629: {  	v59 =	vor.u32 $0x8, v5;
	_ =	sdelay $0x2  }
0x62a: {  	[tilespmem:s29+$0xFFFFFCE0] =	vst v15  }
0x62b: {  	[tilespmem:s29+$0xE0] =	vst v13;
	v15 =	vld.idx.msk [tilespmem:v60+s12+$0x0], $0xffff  }
0x62c: {  	v62 =	vor.u32 $0x9, v7;
	v13 =	vld.idx.msk [tilespmem:v59+s12+$0x0], $0xffff  }
0x62d: {  	v61 =	vor.u32 $0x9, v5;
	_ =	sdelay $0x2  }
0x62e: {  	[tilespmem:s29+$0xFFFFFD00] =	vst v15  }
0x62f: {  	[tilespmem:s29+$0x100] =	vst v13;
	v15 =	vld.idx.msk [tilespmem:v62+s12+$0x0], $0xffff  }
0x630: {  	v21 =	vor.u32 $0xA, v7;
	v13 =	vld.idx.msk [tilespmem:v61+s12+$0x0], $0xffff  }
0x631: {  	v63 =	vor.u32 $0xA, v5;
	_ =	sdelay $0x2  }
0x632: {  	[tilespmem:s29+$0xFFFFFD20] =	vst v15  }
0x633: {  	[tilespmem:s29+$0x120] =	vst v13;
	v15 =	vld.idx.msk [tilespmem:v21+s12+$0x0], $0xffff  }
0x634: {  	v23 =	vor.u32 $0xB, v7;
	v13 =	vld.idx.msk [tilespmem:v63+s12+$0x0], $0xffff  }
0x635: {  	v22 =	vor.u32 $0xB, v5;
	_ =	sdelay $0x2  }
0x636: {  	[tilespmem:s29+$0xFFFFFD40] =	vst v15  }
0x637: {  	[tilespmem:s29+$0x140] =	vst v13;
	v15 =	vld.idx.msk [tilespmem:v23+s12+$0x0], $0xffff  }
0x638: {  	v25 =	vor.u32 $0xC, v7;
	v13 =	vld.idx.msk [tilespmem:v22+s12+$0x0], $0xffff  }
0x639: {  	v24 =	vor.u32 $0xC, v5;
	_ =	sdelay $0x2  }
0x63a: {  	[tilespmem:s29+$0xFFFFFD60] =	vst v15  }
0x63b: {  	[tilespmem:s29+$0x160] =	vst v13;
	v15 =	vld.idx.msk [tilespmem:v25+s12+$0x0], $0xffff  }
0x63c: {  	v27 =	vor.u32 $0xD, v7;
	v13 =	vld.idx.msk [tilespmem:v24+s12+$0x0], $0xffff  }
0x63d: {  	v26 =	vor.u32 $0xD, v5;
	_ =	sdelay $0x2  }
0x63e: {  	[tilespmem:s29+$0xFFFFFD80] =	vst v15  }
0x63f: {  	[tilespmem:s29+$0x180] =	vst v13;
	v15 =	vld.idx.msk [tilespmem:v27+s12+$0x0], $0xffff  }
0x640: {  	v29 =	vor.u32 $0xE, v7;
	v13 =	vld.idx.msk [tilespmem:v26+s12+$0x0], $0xffff  }
0x641: {  	v28 =	vor.u32 $0xE, v5;
	_ =	sdelay $0x2  }
0x642: {  	[tilespmem:s29+$0xFFFFFDA0] =	vst v15  }
0x643: {  	[tilespmem:s29+$0x1A0] =	vst v13;
	v15 =	vld.idx.msk [tilespmem:v29+s12+$0x0], $0xffff  }
0x644: {  	v31 =	vor.u32 $0xF, v7;
	v13 =	vld.idx.msk [tilespmem:v28+s12+$0x0], $0xffff  }
0x645: {  	v30 =	vor.u32 $0xF, v5;
	_ =	sdelay $0x2  }
0x646: {  	[tilespmem:s29+$0xFFFFFDC0] =	vst v15  }
0x647: {  	[tilespmem:s29+$0x1C0] =	vst v13;
	v15 =	vld.idx.msk [tilespmem:v31+s12+$0x0], $0xffff  }
0x648: {  	v33 =	vor.u32 $0x10, v7;
	v13 =	vld.idx.msk [tilespmem:v30+s12+$0x0], $0xffff  }
0x649: {  	v32 =	vor.u32 $0x10, v5;
	_ =	sdelay $0x2  }
0x64a: {  	[tilespmem:s29+$0xFFFFFDE0] =	vst v15  }
0x64b: {  	[tilespmem:s29+$0x1E0] =	vst v13;
	v15 =	vld.idx.msk [tilespmem:v33+s12+$0x0], $0xffff  }
0x64c: {  	v35 =	vor.u32 $0x11, v7;
	v13 =	vld.idx.msk [tilespmem:v32+s12+$0x0], $0xffff  }
0x64d: {  	v34 =	vor.u32 $0x11, v5;
	_ =	sdelay $0x2  }
0x64e: {  	[tilespmem:s29+$0xFFFFFE00] =	vst v15  }
0x64f: {  	[tilespmem:s29+$0x200] =	vst v13;
	v15 =	vld.idx.msk [tilespmem:v35+s12+$0x0], $0xffff  }
0x650: {  	v37 =	vor.u32 $0x12, v7;
	v13 =	vld.idx.msk [tilespmem:v34+s12+$0x0], $0xffff  }
0x651: {  	v36 =	vor.u32 $0x12, v5;
	_ =	sdelay $0x2  }
0x652: {  	[tilespmem:s29+$0xFFFFFE20] =	vst v15  }
0x653: {  	[tilespmem:s29+$0x220] =	vst v13;
	v39 =	vld.idx.msk [tilespmem:v37+s12+$0x0], $0xffff  }
0x654: {  	v40 =	vor.u32 $0x13, v7;
	v13 =	vld.idx.msk [tilespmem:v36+s12+$0x0], $0xffff  }
0x655: {  	v38 =	vor.u32 $0x13, v5;
	_ =	sdelay $0x2  }
0x656: {  	[tilespmem:s29+$0xFFFFFE40] =	vst v39  }
0x657: {  	[tilespmem:s29+$0x240] =	vst v13;
	v16 =	vld.idx.msk [tilespmem:v40+s12+$0x0], $0xffff  }
0x658: {  	v42 =	vor.u32 $0x14, v7;
	v13 =	vld.idx.msk [tilespmem:v38+s12+$0x0], $0xffff  }
0x659: {  	v41 =	vor.u32 $0x14, v5;
	_ =	sdelay $0x2  }
0x65a: {  	[tilespmem:s29+$0xFFFFFE60] =	vst v16  }
0x65b: {  	[tilespmem:s29+$0x260] =	vst v13;
	v16 =	vld.idx.msk [tilespmem:v42+s12+$0x0], $0xffff  }
0x65c: {  	v44 =	vor.u32 $0x15, v7;
	v13 =	vld.idx.msk [tilespmem:v41+s12+$0x0], $0xffff  }
0x65d: {  	v43 =	vor.u32 $0x15, v5;
	_ =	sdelay $0x2  }
0x65e: {  	[tilespmem:s29+$0xFFFFFE80] =	vst v16  }
0x65f: {  	[tilespmem:s29+$0x280] =	vst v13;
	v16 =	vld.idx.msk [tilespmem:v44+s12+$0x0], $0xffff  }
0x660: {  	v46 =	vor.u32 $0x16, v7;
	v13 =	vld.idx.msk [tilespmem:v43+s12+$0x0], $0xffff  }
0x661: {  	v45 =	vor.u32 $0x16, v5;
	_ =	sdelay $0x2  }
0x662: {  	[tilespmem:s29+$0xFFFFFEA0] =	vst v16  }
0x663: {  	[tilespmem:s29+$0x2A0] =	vst v13;
	v16 =	vld.idx.msk [tilespmem:v46+s12+$0x0], $0xffff  }
0x664: {  	v48 =	vor.u32 $0x17, v7;
	v13 =	vld.idx.msk [tilespmem:v45+s12+$0x0], $0xffff  }
0x665: {  	v47 =	vor.u32 $0x17, v5;
	_ =	sdelay $0x2  }
0x666: {  	[tilespmem:s29+$0xFFFFFEC0] =	vst v16  }
0x667: {  	[tilespmem:s29+$0x2C0] =	vst v13;
	v16 =	vld.idx.msk [tilespmem:v48+s12+$0x0], $0xffff  }
0x668: {  	v50 =	vor.u32 $0x18, v7;
	v13 =	vld.idx.msk [tilespmem:v47+s12+$0x0], $0xffff  }
0x669: {  	v49 =	vor.u32 $0x18, v5;
	_ =	sdelay $0x2  }
0x66a: {  	v51 =	vor.u32 $0x19, v6;
	[tilespmem:s29+$0xFFFFFEE0] =	vst v16  }
0x66b: {  	v52 =	vor.u32 $0x19, v3;
	[tilespmem:s29+$0x2E0] =	vst v13;
	v18 =	vld.idx.msk [tilespmem:v50+s12+$0x0], $0xffff  }
0x66c: {  	v54 =	vor.u32 $0x19, v7;
	v15 =	vld.idx.msk [tilespmem:v49+s12+$0x0], $0xffff  }
0x66d: {  	v53 =	vor.u32 $0x19, v5  }
0x66e: {  	[tilespmem:s26+$0x300] =	vst v14  }
0x66f: {  	v14 =	vld.idx.msk [tilespmem:v51+s12+$0x0], $0xffff;
	[tilespmem:s26+$0xFFFFFF00] =	vst v17  }
0x670: {  	v55 =	vor.u32 $0x1A, v6;
	v13 =	vld.idx.msk [tilespmem:v52+s12+$0x0], $0xffff;
	[tilespmem:s29+$0xFFFFFF00] =	vst v18  }
0x671: {  	v56 =	vor.u32 $0x1A, v3;
	[tilespmem:s29+$0x300] =	vst v15;
	v58 =	vld.idx.msk [tilespmem:v54+s12+$0x0], $0xffff  }
0x672: {  	v59 =	vor.u32 $0x1A, v7;
	v16 =	vld.idx.msk [tilespmem:v53+s12+$0x0], $0xffff  }
0x673: {  	v57 =	vor.u32 $0x1A, v5  }
0x674: {  	[tilespmem:s26+$0x320] =	vst v14  }
0x675: {  	v14 =	vld.idx.msk [tilespmem:v55+s12+$0x0], $0xffff;
	[tilespmem:s26+$0xFFFFFF20] =	vst v13  }
0x676: {  	v60 =	vor.u32 $0x1B, v6;
	v15 =	vld.idx.msk [tilespmem:v56+s12+$0x0], $0xffff;
	[tilespmem:s29+$0xFFFFFF20] =	vst v58  }
0x677: {  	v61 =	vor.u32 $0x1B, v3;
	[tilespmem:s29+$0x320] =	vst v16;
	v19 =	vld.idx.msk [tilespmem:v59+s12+$0x0], $0xffff  }
0x678: {  	v24 =	vor.u32 $0x1B, v7;
	v62 =	vld.idx.msk [tilespmem:v57+s12+$0x0], $0xffff  }
0x679: {  	v63 =	vor.u32 $0x1B, v5  }
0x67a: {  	[tilespmem:s26+$0x340] =	vst v14  }
0x67b: {  	v13 =	vld.idx.msk [tilespmem:v60+s12+$0x0], $0xffff;
	[tilespmem:s26+$0xFFFFFF40] =	vst v15  }
0x67c: {  	v25 =	vor.u32 $0x1C, v6;
	v15 =	vld.idx.msk [tilespmem:v61+s12+$0x0], $0xffff;
	[tilespmem:s29+$0xFFFFFF40] =	vst v19  }
0x67d: {  	v26 =	vor.u32 $0x1C, v3;
	[tilespmem:s29+$0x340] =	vst v62;
	v19 =	vld.idx.msk [tilespmem:v24+s12+$0x0], $0xffff  }
0x67e: {  	v28 =	vor.u32 $0x1C, v7;
	v17 =	vld.idx.msk [tilespmem:v63+s12+$0x0], $0xffff  }
0x67f: {  	v27 =	vor.u32 $0x1C, v5  }
0x680: {  	[tilespmem:s26+$0x360] =	vst v13  }
0x681: {  	v13 =	vld.idx.msk [tilespmem:v25+s12+$0x0], $0xffff;
	[tilespmem:s26+$0xFFFFFF60] =	vst v15  }
0x682: {  	v29 =	vor.u32 $0x1D, v6;
	v15 =	vld.idx.msk [tilespmem:v26+s12+$0x0], $0xffff;
	[tilespmem:s29+$0xFFFFFF60] =	vst v19  }
0x683: {  	v30 =	vor.u32 $0x1D, v3;
	[tilespmem:s29+$0x360] =	vst v17;
	v19 =	vld.idx.msk [tilespmem:v28+s12+$0x0], $0xffff  }
0x684: {  	v32 =	vor.u32 $0x1D, v7;
	v17 =	vld.idx.msk [tilespmem:v27+s12+$0x0], $0xffff  }
0x685: {  	v31 =	vor.u32 $0x1D, v5  }
0x686: {  	[tilespmem:s26+$0x380] =	vst v13  }
0x687: {  	v13 =	vld.idx.msk [tilespmem:v29+s12+$0x0], $0xffff;
	[tilespmem:s26+$0xFFFFFF80] =	vst v15  }
0x688: {  	v33 =	vor.u32 $0x1E, v6;
	v15 =	vld.idx.msk [tilespmem:v30+s12+$0x0], $0xffff;
	[tilespmem:s29+$0xFFFFFF80] =	vst v19  }
0x689: {  	v34 =	vor.u32 $0x1E, v3;
	[tilespmem:s29+$0x380] =	vst v17;
	v19 =	vld.idx.msk [tilespmem:v32+s12+$0x0], $0xffff  }
0x68a: {  	v36 =	vor.u32 $0x1E, v7;
	v17 =	vld.idx.msk [tilespmem:v31+s12+$0x0], $0xffff  }
0x68b: {  	v35 =	vor.u32 $0x1E, v5  }
0x68c: {  	[tilespmem:s26+$0x3A0] =	vst v13  }
0x68d: {  	v13 =	vld.idx.msk [tilespmem:v33+s12+$0x0], $0xffff;
	[tilespmem:s26+$0xFFFFFFA0] =	vst v15  }
0x68e: {  	v37 =	vor.u32 $0x1F, v6;
	v38 =	vld.idx.msk [tilespmem:v34+s12+$0x0], $0xffff;
	[tilespmem:s29+$0xFFFFFFA0] =	vst v19  }
0x68f: {  	v39 =	vor.u32 $0x1F, v3;
	[tilespmem:s29+$0x3A0] =	vst v17;
	v41 =	vld.idx.msk [tilespmem:v36+s12+$0x0], $0xffff  }
0x690: {  	v42 =	vor.u32 $0x1F, v7;
	v40 =	vld.idx.msk [tilespmem:v35+s12+$0x0], $0xffff  }
0x691: {  	s30 =	sadd.s32 $0x1A1, s25;
	v5 =	vor.u32 $0x1F, v5  }
0x692: {  	s31 =	sadd.s32 $0x1A0, s25;
	v3 =	vmov s30;
	[tilespmem:s26+$0x3C0] =	vst v13  }
0x693: {  	s30 =	sadd.s32 $0x1A0, s28;
	v3 =	vshll.u32 v3, $0x5;
	v43 =	vmov s31;
	v13 =	vld.idx.msk [tilespmem:v37+s12+$0x0], $0xffff;
	[tilespmem:s26+$0xFFFFFFC0] =	vst v38  }
0x694: {  	s25 =	sadd.s32 $0x1A1, s28;
	v3 =	vadd.s32 v0, v3;
	v6 =	vshll.u32 v43, $0x5;
	v47 =	vmov s30;
	v14 =	vld.idx.msk [tilespmem:v39+s12+$0x0], $0xffff;
	[tilespmem:s29+$0xFFFFFFC0] =	vst v41  }
0x695: {  	v44 =	vmov s25;
	v6 =	vadd.s32 v0, v6;
	v48 =	vshll.u32 v47, $0x5;
	[tilespmem:s29+$0x3C0] =	vst v40;
	v17 =	vld.idx.msk [tilespmem:v42+s12+$0x0], $0xffff  }
0x696: {  	v46 =	vshll.u32 v44, $0x5;
	v45 =	vld.idx.msk [tilespmem:v5+s12+$0x0], $0xffff;
	v5 =	vadd.s32 v0, v48  }
0x697: {  	v7 =	vadd.s32 v0, v46  }
0x698: {  	[tilespmem:s26+$0x3E0] =	vst v13  }
0x699: {  	v13 =	vld.idx.msk [tilespmem:v3+s12+$0x0], $0xffff;
	[tilespmem:s26+$0xFFFFFFE0] =	vst v14  }
0x69a: {  	v49 =	vor.u32 $0x1, v3;
	v50 =	vld.idx.msk [tilespmem:v6+s12+$0x0], $0xffff;
	[tilespmem:s29+$0xFFFFFFE0] =	vst v17  }
0x69b: {  	v51 =	vor.u32 $0x1, v6;
	[tilespmem:s29+$0x3E0] =	vst v45;
	v19 =	vld.idx.msk [tilespmem:v5+s12+$0x0], $0xffff  }
0x69c: {  	v54 =	vor.u32 $0x1, v5;
	v52 =	vld.idx.msk [tilespmem:v7+s12+$0x0], $0xffff  }
0x69d: {  	v53 =	vor.u32 $0x1, v7  }
0x69e: {  	[tilespmem:s26+$0x10] =	vst v13  }
0x69f: {  	v13 =	vld.idx.msk [tilespmem:v49+s12+$0x0], $0xffff;
	[tilespmem:s26+$0xFFFFFC10] =	vst v50  }
0x6a0: {  	v55 =	vor.u32 $0x2, v3;
	v15 =	vld.idx.msk [tilespmem:v51+s12+$0x0], $0xffff;
	[tilespmem:s29+$0xFFFFFC10] =	vst v19  }
0x6a1: {  	v56 =	vor.u32 $0x2, v6;
	[tilespmem:s29+$0x10] =	vst v52;
	v19 =	vld.idx.msk [tilespmem:v54+s12+$0x0], $0xffff  }
0x6a2: {  	v58 =	vor.u32 $0x2, v5;
	v17 =	vld.idx.msk [tilespmem:v53+s12+$0x0], $0xffff  }
0x6a3: {  	v57 =	vor.u32 $0x2, v7  }
0x6a4: {  	[tilespmem:s26+$0x30] =	vst v13  }
0x6a5: {  	v13 =	vld.idx.msk [tilespmem:v55+s12+$0x0], $0xffff;
	[tilespmem:s26+$0xFFFFFC30] =	vst v15  }
0x6a6: {  	v59 =	vor.u32 $0x3, v3;
	v15 =	vld.idx.msk [tilespmem:v56+s12+$0x0], $0xffff;
	[tilespmem:s29+$0xFFFFFC30] =	vst v19  }
0x6a7: {  	v60 =	vor.u32 $0x3, v6;
	[tilespmem:s29+$0x30] =	vst v17;
	v19 =	vld.idx.msk [tilespmem:v58+s12+$0x0], $0xffff  }
0x6a8: {  	v62 =	vor.u32 $0x3, v5;
	v17 =	vld.idx.msk [tilespmem:v57+s12+$0x0], $0xffff  }
0x6a9: {  	v61 =	vor.u32 $0x3, v7  }
0x6aa: {  	[tilespmem:s26+$0x50] =	vst v13  }
0x6ab: {  	v13 =	vld.idx.msk [tilespmem:v59+s12+$0x0], $0xffff;
	[tilespmem:s26+$0xFFFFFC50] =	vst v15  }
0x6ac: {  	v63 =	vor.u32 $0x4, v3;
	v15 =	vld.idx.msk [tilespmem:v60+s12+$0x0], $0xffff;
	[tilespmem:s29+$0xFFFFFC50] =	vst v19  }
0x6ad: {  	v24 =	vor.u32 $0x4, v6;
	[tilespmem:s29+$0x50] =	vst v17;
	v19 =	vld.idx.msk [tilespmem:v62+s12+$0x0], $0xffff  }
0x6ae: {  	[tilespmem:s23+$0xFFFFFD30] =	vst v12;
	v26 =	vor.u32 $0x4, v5;
	v17 =	vld.idx.msk [tilespmem:v61+s12+$0x0], $0xffff  }
0x6af: {  	[tilespmem:s22+$0xFFFFFED0] =	vst v10;
	v25 =	vor.u32 $0x4, v7  }
0x6b0: {  	v27 =	vor.u32 $0xA, v8;
	[tilespmem:s26+$0x70] =	vst v13  }
0x6b1: {  	v28 =	vor.u32 $0x1E, v2;
	v14 =	vld.idx.msk [tilespmem:v63+s12+$0x0], $0xffff;
	[tilespmem:s26+$0xFFFFFC70] =	vst v15  }
0x6b2: {  	v29 =	vor.u32 $0x5, v3;
	v16 =	vld.idx.msk [tilespmem:v24+s12+$0x0], $0xffff;
	[tilespmem:s29+$0xFFFFFC70] =	vst v19  }
0x6b3: {  	v30 =	vor.u32 $0x5, v6;
	[tilespmem:s29+$0x70] =	vst v17;
	v12 =	vld.idx.msk [tilespmem:v26+s12+$0x0], $0xffff  }
0x6b4: {  	[tilespmem:s22+$0x3B0] =	vst v9;
	v33 =	vor.u32 $0x5, v5;
	v18 =	vld.idx.msk [tilespmem:v25+s12+$0x0], $0xffff  }
0x6b5: {  	[tilespmem:s23+$0x170] =	vst v11;
	v32 =	vld.idx.msk [tilespmem:v27+s12+$0x0], $0xffff;
	v31 =	vor.u32 $0x5, v7  }
0x6b6: {  	v34 =	vor.u32 $0xC, v4;
	v13 =	vld.idx.msk [tilespmem:v28+s12+$0x0], $0xffff;
	[tilespmem:s26+$0x90] =	vst v14  }
0x6b7: {  	v59 =	vor.u32 $0x17, v1;
	v15 =	vld.idx.msk [tilespmem:v29+s12+$0x0], $0xffff;
	[tilespmem:s26+$0xFFFFFC90] =	vst v16  }
0x6b8: {  	v36 =	vor.u32 $0x6, v3;
	v17 =	vld.idx.msk [tilespmem:v30+s12+$0x0], $0xffff;
	[tilespmem:s29+$0xFFFFFC90] =	vst v12  }
0x6b9: {  	v37 =	vor.u32 $0x6, v6;
	[tilespmem:s29+$0x90] =	vst v18;
	v11 =	vld.idx.msk [tilespmem:v33+s12+$0x0], $0xffff  }
0x6ba: {  	[tilespmem:s23+$0xFFFFFD50] =	vst v32;
	v40 =	vor.u32 $0x6, v5;
	v9 =	vld.idx.msk [tilespmem:v31+s12+$0x0], $0xffff  }
0x6bb: {  	v38 =	vor.u32 $0x6, v7;
	v39 =	vld.idx.msk [tilespmem:v34+s12+$0x0], $0xffff;
	[tilespmem:s22+$0x3D0] =	vst v13  }
0x6bc: {  	v35 =	vor.u32 $0xB, v8;
	v63 =	vld.idx.msk [tilespmem:v59+s12+$0x0], $0xffff;
	[tilespmem:s26+$0xB0] =	vst v15  }
0x6bd: {  	v2 =	vor.u32 $0x1F, v2;
	v16 =	vld.idx.msk [tilespmem:v36+s12+$0x0], $0xffff;
	[tilespmem:s26+$0xFFFFFCB0] =	vst v17  }
0x6be: {  	v42 =	vor.u32 $0x7, v3;
	v18 =	vld.idx.msk [tilespmem:v37+s12+$0x0], $0xffff;
	[tilespmem:s29+$0xFFFFFCB0] =	vst v11  }
0x6bf: {  	v43 =	vor.u32 $0x7, v6;
	[tilespmem:s29+$0xB0] =	vst v9;
	v13 =	vld.idx.msk [tilespmem:v40+s12+$0x0], $0xffff  }
0x6c0: {  	[tilespmem:s23+$0x190] =	vst v39;
	v45 =	vor.u32 $0x7, v5;
	v12 =	vld.idx.msk [tilespmem:v38+s12+$0x0], $0xffff  }
0x6c1: {  	v44 =	vor.u32 $0x7, v7;
	v14 =	vld.idx.msk [tilespmem:v35+s12+$0x0], $0xffff;
	[tilespmem:s22+$0xFFFFFEF0] =	vst v63  }
0x6c2: {  	v41 =	vor.u32 $0xD, v4;
	v2 =	vld.idx.msk [tilespmem:v2+s12+$0x0], $0xffff;
	[tilespmem:s26+$0xD0] =	vst v16  }
0x6c3: {  	v46 =	vor.u32 $0xC, v8;
	v16 =	vld.idx.msk [tilespmem:v42+s12+$0x0], $0xffff;
	[tilespmem:s26+$0xFFFFFCD0] =	vst v18  }
0x6c4: {  	v47 =	vor.u32 $0x8, v3;
	v9 =	vld.idx.msk [tilespmem:v43+s12+$0x0], $0xffff;
	[tilespmem:s29+$0xFFFFFCD0] =	vst v13  }
0x6c5: {  	v48 =	vor.u32 $0x8, v6;
	[tilespmem:s29+$0xD0] =	vst v12;
	v13 =	vld.idx.msk [tilespmem:v45+s12+$0x0], $0xffff  }
0x6c6: {  	v50 =	vor.u32 $0x8, v5;
	[tilespmem:s23+$0xFFFFFD70] =	vst v14;
	v11 =	vld.idx.msk [tilespmem:v44+s12+$0x0], $0xffff  }
0x6c7: {  	[tilespmem:s22+$0x3F0] =	vst v2;
	v2 =	vor.u32 $0x8, v7;
	v15 =	vld.idx.msk [tilespmem:v41+s12+$0x0], $0xffff  }
0x6c8: {  	v51 =	vor.u32 $0xE, v4;
	v49 =	vld.idx.msk [tilespmem:v46+s12+$0x0], $0xffff;
	[tilespmem:s26+$0xF0] =	vst v16  }
0x6c9: {  	v52 =	vor.u32 $0xD, v8;
	v17 =	vld.idx.msk [tilespmem:v47+s12+$0x0], $0xffff;
	[tilespmem:s26+$0xFFFFFCF0] =	vst v9  }
0x6ca: {  	v53 =	vor.u32 $0x9, v3;
	v12 =	vld.idx.msk [tilespmem:v48+s12+$0x0], $0xffff;
	[tilespmem:s29+$0xFFFFFCF0] =	vst v13  }
0x6cb: {  	v54 =	vor.u32 $0x9, v6;
	[tilespmem:s29+$0xF0] =	vst v11;
	v56 =	vld.idx.msk [tilespmem:v50+s12+$0x0], $0xffff  }
0x6cc: {  	v58 =	vor.u32 $0x9, v5;
	[tilespmem:s23+$0x1B0] =	vst v15;
	v2 =	vld.idx.msk [tilespmem:v2+s12+$0x0], $0xffff  }
0x6cd: {  	v55 =	vor.u32 $0x9, v7;
	[tilespmem:s23+$0xFFFFFD90] =	vst v49;
	v57 =	vld.idx.msk [tilespmem:v51+s12+$0x0], $0xffff  }
0x6ce: {  	v60 =	vor.u32 $0xF, v4;
	v16 =	vld.idx.msk [tilespmem:v52+s12+$0x0], $0xffff;
	[tilespmem:s26+$0x110] =	vst v17  }
0x6cf: {  	v22 =	vor.u32 $0xE, v8;
	v9 =	vld.idx.msk [tilespmem:v53+s12+$0x0], $0xffff;
	[tilespmem:s26+$0xFFFFFD10] =	vst v12  }
0x6d0: {  	v61 =	vor.u32 $0xA, v3;
	v11 =	vld.idx.msk [tilespmem:v54+s12+$0x0], $0xffff;
	[tilespmem:s29+$0xFFFFFD10] =	vst v56  }
0x6d1: {  	[tilespmem:s29+$0x110] =	vst v2;
	v2 =	vor.u32 $0xA, v6;
	v10 =	vld.idx.msk [tilespmem:v58+s12+$0x0], $0xffff  }
0x6d2: {  	v21 =	vor.u32 $0xA, v5;
	[tilespmem:s23+$0x1D0] =	vst v57;
	v13 =	vld.idx.msk [tilespmem:v55+s12+$0x0], $0xffff  }
0x6d3: {  	v62 =	vor.u32 $0xA, v7;
	[tilespmem:s23+$0xFFFFFDB0] =	vst v16;
	v17 =	vld.idx.msk [tilespmem:v60+s12+$0x0], $0xffff  }
0x6d4: {  	v23 =	vor.u32 $0x18, v1;
	v28 =	vld.idx.msk [tilespmem:v22+s12+$0x0], $0xffff;
	[tilespmem:s26+$0x130] =	vst v9  }
0x6d5: {  	v30 =	vor.u32 $0x10, v4;
	v12 =	vld.idx.msk [tilespmem:v61+s12+$0x0], $0xffff;
	[tilespmem:s26+$0xFFFFFD30] =	vst v11  }
0x6d6: {  	v24 =	vor.u32 $0xB, v3;
	v2 =	vld.idx.msk [tilespmem:v2+s12+$0x0], $0xffff;
	[tilespmem:s29+$0xFFFFFD30] =	vst v10  }
0x6d7: {  	v25 =	vor.u32 $0xB, v6;
	[tilespmem:s29+$0x130] =	vst v13;
	v27 =	vld.idx.msk [tilespmem:v21+s12+$0x0], $0xffff  }
0x6d8: {  	v29 =	vor.u32 $0xB, v5;
	[tilespmem:s23+$0x1F0] =	vst v17;
	v14 =	vld.idx.msk [tilespmem:v62+s12+$0x0], $0xffff  }
0x6d9: {  	v26 =	vor.u32 $0xB, v7;
	[tilespmem:s23+$0xFFFFFDD0] =	vst v28;
	v9 =	vld.idx.msk [tilespmem:v23+s12+$0x0], $0xffff  }
0x6da: {  	v31 =	vor.u32 $0xF, v8;
	v35 =	vld.idx.msk [tilespmem:v30+s12+$0x0], $0xffff;
	[tilespmem:s26+$0x150] =	vst v12  }
0x6db: {  	v37 =	vor.u32 $0x19, v1;
	v11 =	vld.idx.msk [tilespmem:v24+s12+$0x0], $0xffff;
	[tilespmem:s26+$0xFFFFFD50] =	vst v2  }
0x6dc: {  	v2 =	vor.u32 $0xC, v3;
	v13 =	vld.idx.msk [tilespmem:v25+s12+$0x0], $0xffff;
	[tilespmem:s29+$0xFFFFFD50] =	vst v27  }
0x6dd: {  	v32 =	vor.u32 $0xC, v6;
	[tilespmem:s29+$0x150] =	vst v14;
	v34 =	vld.idx.msk [tilespmem:v29+s12+$0x0], $0xffff  }
0x6de: {  	v36 =	vor.u32 $0xC, v5;
	[tilespmem:s22+$0xFFFFFF10] =	vst v9;
	v10 =	vld.idx.msk [tilespmem:v26+s12+$0x0], $0xffff  }
0x6df: {  	v33 =	vor.u32 $0xC, v7;
	[tilespmem:s23+$0x210] =	vst v35;
	v12 =	vld.idx.msk [tilespmem:v31+s12+$0x0], $0xffff  }
0x6e0: {  	v38 =	vor.u32 $0x11, v4;
	v42 =	vld.idx.msk [tilespmem:v37+s12+$0x0], $0xffff;
	[tilespmem:s26+$0x170] =	vst v11  }
0x6e1: {  	v44 =	vor.u32 $0x10, v8;
	v2 =	vld.idx.msk [tilespmem:v2+s12+$0x0], $0xffff;
	[tilespmem:s26+$0xFFFFFD70] =	vst v13  }
0x6e2: {  	v39 =	vor.u32 $0xD, v3;
	v14 =	vld.idx.msk [tilespmem:v32+s12+$0x0], $0xffff;
	[tilespmem:s29+$0xFFFFFD70] =	vst v34  }
0x6e3: {  	v40 =	vor.u32 $0xD, v6;
	[tilespmem:s29+$0x170] =	vst v10;
	v9 =	vld.idx.msk [tilespmem:v36+s12+$0x0], $0xffff  }
0x6e4: {  	v43 =	vor.u32 $0xD, v5;
	[tilespmem:s23+$0xFFFFFDF0] =	vst v12;
	v15 =	vld.idx.msk [tilespmem:v33+s12+$0x0], $0xffff  }
0x6e5: {  	v41 =	vor.u32 $0xD, v7;
	[tilespmem:s22+$0xFFFFFF30] =	vst v42;
	v11 =	vld.idx.msk [tilespmem:v38+s12+$0x0], $0xffff  }
0x6e6: {  	v48 =	vld.idx.msk [tilespmem:v44+s12+$0x0], $0xffff;
	[tilespmem:s26+$0x190] =	vst v2;
	v2 =	vor.u32 $0x1A, v1  }
0x6e7: {  	v50 =	vor.u32 $0x12, v4;
	v13 =	vld.idx.msk [tilespmem:v39+s12+$0x0], $0xffff;
	[tilespmem:s26+$0xFFFFFD90] =	vst v14  }
0x6e8: {  	v45 =	vor.u32 $0xE, v3;
	v10 =	vld.idx.msk [tilespmem:v40+s12+$0x0], $0xffff;
	[tilespmem:s29+$0xFFFFFD90] =	vst v9  }
0x6e9: {  	v46 =	vor.u32 $0xE, v6;
	[tilespmem:s29+$0x190] =	vst v15;
	v12 =	vld.idx.msk [tilespmem:v43+s12+$0x0], $0xffff  }
0x6ea: {  	v49 =	vor.u32 $0xE, v5;
	[tilespmem:s23+$0x230] =	vst v11;
	v16 =	vld.idx.msk [tilespmem:v41+s12+$0x0], $0xffff  }
0x6eb: {  	v47 =	vor.u32 $0xE, v7;
	[tilespmem:s23+$0xFFFFFE10] =	vst v48;
	v2 =	vld.idx.msk [tilespmem:v2+s12+$0x0], $0xffff  }
0x6ec: {  	v51 =	vor.u32 $0x11, v8;
	v55 =	vld.idx.msk [tilespmem:v50+s12+$0x0], $0xffff;
	[tilespmem:s26+$0x1B0] =	vst v13  }
0x6ed: {  	v56 =	vor.u32 $0x1B, v1;
	v14 =	vld.idx.msk [tilespmem:v45+s12+$0x0], $0xffff;
	[tilespmem:s26+$0xFFFFFDB0] =	vst v10  }
0x6ee: {  	v52 =	vor.u32 $0xF, v3;
	v15 =	vld.idx.msk [tilespmem:v46+s12+$0x0], $0xffff;
	[tilespmem:s29+$0xFFFFFDB0] =	vst v12  }
0x6ef: {  	v53 =	vor.u32 $0xF, v6;
	[tilespmem:s29+$0x1B0] =	vst v16;
	v11 =	vld.idx.msk [tilespmem:v49+s12+$0x0], $0xffff  }
0x6f0: {  	[tilespmem:s22+$0xFFFFFF50] =	vst v2;
	v2 =	vor.u32 $0xF, v5;
	v9 =	vld.idx.msk [tilespmem:v47+s12+$0x0], $0xffff  }
0x6f1: {  	v54 =	vor.u32 $0xF, v7;
	[tilespmem:s23+$0x250] =	vst v55;
	v13 =	vld.idx.msk [tilespmem:v51+s12+$0x0], $0xffff  }
0x6f2: {  	v57 =	vor.u32 $0x13, v4;
	v61 =	vld.idx.msk [tilespmem:v56+s12+$0x0], $0xffff;
	[tilespmem:s26+$0x1D0] =	vst v14  }
0x6f3: {  	v63 =	vor.u32 $0x12, v8;
	v10 =	vld.idx.msk [tilespmem:v52+s12+$0x0], $0xffff;
	[tilespmem:s26+$0xFFFFFDD0] =	vst v15  }
0x6f4: {  	v58 =	vor.u32 $0x10, v3;
	v16 =	vld.idx.msk [tilespmem:v53+s12+$0x0], $0xffff;
	[tilespmem:s29+$0xFFFFFDD0] =	vst v11  }
0x6f5: {  	v59 =	vor.u32 $0x10, v6;
	[tilespmem:s29+$0x1D0] =	vst v9;
	v2 =	vld.idx.msk [tilespmem:v2+s12+$0x0], $0xffff  }
0x6f6: {  	v62 =	vor.u32 $0x10, v5;
	[tilespmem:s23+$0xFFFFFE30] =	vst v13;
	v12 =	vld.idx.msk [tilespmem:v54+s12+$0x0], $0xffff  }
0x6f7: {  	v60 =	vor.u32 $0x10, v7;
	v14 =	vld.idx.msk [tilespmem:v57+s12+$0x0], $0xffff;
	[tilespmem:s22+$0xFFFFFF70] =	vst v61  }
0x6f8: {  	v21 =	vor.u32 $0x1C, v1;
	v24 =	vld.idx.msk [tilespmem:v63+s12+$0x0], $0xffff;
	[tilespmem:s26+$0x1F0] =	vst v10  }
0x6f9: {  	v26 =	vor.u32 $0x14, v4;
	v15 =	vld.idx.msk [tilespmem:v58+s12+$0x0], $0xffff;
	[tilespmem:s26+$0xFFFFFDF0] =	vst v16  }
0x6fa: {  	v22 =	vor.u32 $0x11, v3;
	v9 =	vld.idx.msk [tilespmem:v59+s12+$0x0], $0xffff;
	[tilespmem:s29+$0xFFFFFDF0] =	vst v2  }
0x6fb: {  	v23 =	vor.u32 $0x11, v6;
	[tilespmem:s29+$0x1F0] =	vst v12;
	v13 =	vld.idx.msk [tilespmem:v62+s12+$0x0], $0xffff  }
0x6fc: {  	v25 =	vor.u32 $0x11, v5;
	[tilespmem:s23+$0x270] =	vst v14;
	v11 =	vld.idx.msk [tilespmem:v60+s12+$0x0], $0xffff  }
0x6fd: {  	[tilespmem:s23+$0xFFFFFE50] =	vst v24;
	v10 =	vld.idx.msk [tilespmem:v21+s12+$0x0], $0xffff;
	v2 =	vor.u32 $0x11, v7  }
0x6fe: {  	v27 =	vor.u32 $0x13, v8;
	v31 =	vld.idx.msk [tilespmem:v26+s12+$0x0], $0xffff;
	[tilespmem:s26+$0x210] =	vst v15  }
0x6ff: {  	v33 =	vor.u32 $0x1D, v1;
	v16 =	vld.idx.msk [tilespmem:v22+s12+$0x0], $0xffff;
	[tilespmem:s26+$0xFFFFFE10] =	vst v9  }
0x700: {  	v28 =	vor.u32 $0x12, v3;
	v12 =	vld.idx.msk [tilespmem:v23+s12+$0x0], $0xffff;
	[tilespmem:s29+$0xFFFFFE10] =	vst v13  }
0x701: {  	v29 =	vor.u32 $0x12, v6;
	[tilespmem:s29+$0x210] =	vst v11;
	v14 =	vld.idx.msk [tilespmem:v25+s12+$0x0], $0xffff  }
0x702: {  	v32 =	vor.u32 $0x12, v5;
	[tilespmem:s22+$0xFFFFFF90] =	vst v10;
	v2 =	vld.idx.msk [tilespmem:v2+s12+$0x0], $0xffff  }
0x703: {  	v30 =	vor.u32 $0x12, v7;
	[tilespmem:s23+$0x290] =	vst v31;
	v15 =	vld.idx.msk [tilespmem:v27+s12+$0x0], $0xffff  }
0x704: {  	v34 =	vor.u32 $0x15, v4;
	v37 =	vld.idx.msk [tilespmem:v33+s12+$0x0], $0xffff;
	[tilespmem:s26+$0x230] =	vst v16  }
0x705: {  	v39 =	vor.u32 $0x14, v8;
	v9 =	vld.idx.msk [tilespmem:v28+s12+$0x0], $0xffff;
	[tilespmem:s26+$0xFFFFFE30] =	vst v12  }
0x706: {  	v35 =	vor.u32 $0x13, v3;
	v11 =	vld.idx.msk [tilespmem:v29+s12+$0x0], $0xffff;
	[tilespmem:s29+$0xFFFFFE30] =	vst v14  }
0x707: {  	[tilespmem:s29+$0x230] =	vst v2;
	v2 =	vor.u32 $0x13, v6;
	v10 =	vld.idx.msk [tilespmem:v32+s12+$0x0], $0xffff  }
0x708: {  	v38 =	vor.u32 $0x13, v5;
	[tilespmem:s23+$0xFFFFFE70] =	vst v15;
	v13 =	vld.idx.msk [tilespmem:v30+s12+$0x0], $0xffff  }
0x709: {  	v36 =	vor.u32 $0x13, v7;
	[tilespmem:s22+$0xFFFFFFB0] =	vst v37;
	v16 =	vld.idx.msk [tilespmem:v34+s12+$0x0], $0xffff  }
0x70a: {  	v40 =	vor.u32 $0x1E, v1;
	v44 =	vld.idx.msk [tilespmem:v39+s12+$0x0], $0xffff;
	[tilespmem:s26+$0x250] =	vst v9  }
0x70b: {  	v46 =	vor.u32 $0x16, v4;
	v12 =	vld.idx.msk [tilespmem:v35+s12+$0x0], $0xffff;
	[tilespmem:s26+$0xFFFFFE50] =	vst v11  }
0x70c: {  	v41 =	vor.u32 $0x14, v3;
	v2 =	vld.idx.msk [tilespmem:v2+s12+$0x0], $0xffff;
	[tilespmem:s29+$0xFFFFFE50] =	vst v10  }
0x70d: {  	v42 =	vor.u32 $0x14, v6;
	[tilespmem:s29+$0x250] =	vst v13;
	v15 =	vld.idx.msk [tilespmem:v38+s12+$0x0], $0xffff  }
0x70e: {  	v45 =	vor.u32 $0x14, v5;
	[tilespmem:s23+$0x2B0] =	vst v16;
	v14 =	vld.idx.msk [tilespmem:v36+s12+$0x0], $0xffff  }
0x70f: {  	v43 =	vor.u32 $0x14, v7;
	[tilespmem:s23+$0xFFFFFE90] =	vst v44;
	v9 =	vld.idx.msk [tilespmem:v40+s12+$0x0], $0xffff  }
0x710: {  	v47 =	vor.u32 $0x15, v8;
	v50 =	vld.idx.msk [tilespmem:v46+s12+$0x0], $0xffff;
	[tilespmem:s26+$0x270] =	vst v12  }
0x711: {  	v1 =	vor.u32 $0x1F, v1;
	v11 =	vld.idx.msk [tilespmem:v41+s12+$0x0], $0xffff;
	[tilespmem:s26+$0xFFFFFE70] =	vst v2  }
0x712: {  	v2 =	vor.u32 $0x15, v3;
	v13 =	vld.idx.msk [tilespmem:v42+s12+$0x0], $0xffff;
	[tilespmem:s29+$0xFFFFFE70] =	vst v15  }
0x713: {  	v48 =	vor.u32 $0x15, v6;
	[tilespmem:s29+$0x270] =	vst v14;
	v16 =	vld.idx.msk [tilespmem:v45+s12+$0x0], $0xffff  }
0x714: {  	v51 =	vor.u32 $0x15, v5;
	[tilespmem:s22+$0xFFFFFFD0] =	vst v9;
	v10 =	vld.idx.msk [tilespmem:v43+s12+$0x0], $0xffff  }
0x715: {  	v49 =	vor.u32 $0x15, v7;
	[tilespmem:s23+$0x2D0] =	vst v50;
	v12 =	vld.idx.msk [tilespmem:v47+s12+$0x0], $0xffff  }
0x716: {  	v52 =	vor.u32 $0x16, v8;
	v1 =	vld.idx.msk [tilespmem:v1+s12+$0x0], $0xffff;
	[tilespmem:s26+$0x290] =	vst v11  }
0x717: {  	v57 =	vor.u32 $0x17, v4;
	v2 =	vld.idx.msk [tilespmem:v2+s12+$0x0], $0xffff;
	[tilespmem:s26+$0xFFFFFE90] =	vst v13  }
0x718: {  	v53 =	vor.u32 $0x16, v3;
	v14 =	vld.idx.msk [tilespmem:v48+s12+$0x0], $0xffff;
	[tilespmem:s29+$0xFFFFFE90] =	vst v16  }
0x719: {  	v54 =	vor.u32 $0x16, v6;
	[tilespmem:s29+$0x290] =	vst v10;
	v9 =	vld.idx.msk [tilespmem:v51+s12+$0x0], $0xffff  }
0x71a: {  	v56 =	vor.u32 $0x16, v5;
	[tilespmem:s23+$0xFFFFFEB0] =	vst v12;
	v15 =	vld.idx.msk [tilespmem:v49+s12+$0x0], $0xffff  }
0x71b: {  	v55 =	vor.u32 $0x16, v7;
	[tilespmem:s22+$0xFFFFFFF0] =	vst v1;
	v11 =	vld.idx.msk [tilespmem:v52+s12+$0x0], $0xffff  }
0x71c: {  	v60 =	vld.idx.msk [tilespmem:v57+s12+$0x0], $0xffff;
	[tilespmem:s26+$0x2B0] =	vst v2;
	v2 =	vor.u32 $0x17, v8  }
0x71d: {  	v62 =	vor.u32 $0x18, v4;
	v13 =	vld.idx.msk [tilespmem:v53+s12+$0x0], $0xffff;
	[tilespmem:s26+$0xFFFFFEB0] =	vst v14  }
0x71e: {  	v58 =	vor.u32 $0x17, v3;
	v10 =	vld.idx.msk [tilespmem:v54+s12+$0x0], $0xffff;
	[tilespmem:s29+$0xFFFFFEB0] =	vst v9  }
0x71f: {  	v59 =	vor.u32 $0x17, v6;
	[tilespmem:s29+$0x2B0] =	vst v15;
	v9 =	vld.idx.msk [tilespmem:v56+s12+$0x0], $0xffff  }
0x720: {  	v61 =	vor.u32 $0x17, v5;
	[tilespmem:s23+$0xFFFFFED0] =	vst v11;
	v16 =	vld.idx.msk [tilespmem:v55+s12+$0x0], $0xffff  }
0x721: {  	v1 =	vor.u32 $0x17, v7;
	[tilespmem:s23+$0x2F0] =	vst v60;
	v2 =	vld.idx.msk [tilespmem:v2+s12+$0x0], $0xffff  }
0x722: {  	v63 =	vor.u32 $0x18, v8;
	v12 =	vld.idx.msk [tilespmem:v62+s12+$0x0], $0xffff;
	[tilespmem:s26+$0x2D0] =	vst v13  }
0x723: {  	v23 =	vor.u32 $0x19, v4;
	v14 =	vld.idx.msk [tilespmem:v58+s12+$0x0], $0xffff;
	[tilespmem:s26+$0xFFFFFED0] =	vst v10  }
0x724: {  	v20 =	vor.u32 $0x18, v3;
	v15 =	vld.idx.msk [tilespmem:v59+s12+$0x0], $0xffff;
	[tilespmem:s29+$0xFFFFFED0] =	vst v9  }
0x725: {  	v21 =	vor.u32 $0x18, v6;
	[tilespmem:s29+$0x2D0] =	vst v16;
	v11 =	vld.idx.msk [tilespmem:v61+s12+$0x0], $0xffff  }
0x726: {  	[tilespmem:s23+$0xFFFFFEF0] =	vst v2;
	v2 =	vor.u32 $0x18, v5;
	v1 =	vld.idx.msk [tilespmem:v1+s12+$0x0], $0xffff  }
0x727: {  	v22 =	vor.u32 $0x18, v7;
	[tilespmem:s23+$0x310] =	vst v12;
	v13 =	vld.idx.msk [tilespmem:v63+s12+$0x0], $0xffff  }
0x728: {  	v24 =	vor.u32 $0x19, v8;
	v12 =	vld.idx.msk [tilespmem:v23+s12+$0x0], $0xffff;
	[tilespmem:s26+$0x2F0] =	vst v14  }
0x729: {  	v28 =	vor.u32 $0x1A, v4;
	v10 =	vld.idx.msk [tilespmem:v20+s12+$0x0], $0xffff;
	[tilespmem:s26+$0xFFFFFEF0] =	vst v15  }
0x72a: {  	v25 =	vor.u32 $0x19, v3;
	v16 =	vld.idx.msk [tilespmem:v21+s12+$0x0], $0xffff;
	[tilespmem:s29+$0xFFFFFEF0] =	vst v11  }
0x72b: {  	[tilespmem:s29+$0x2F0] =	vst v1;
	v1 =	vor.u32 $0x19, v6;
	v2 =	vld.idx.msk [tilespmem:v2+s12+$0x0], $0xffff  }
0x72c: {  	v27 =	vor.u32 $0x19, v5;
	[tilespmem:s23+$0xFFFFFF10] =	vst v13;
	v9 =	vld.idx.msk [tilespmem:v22+s12+$0x0], $0xffff  }
0x72d: {  	v26 =	vor.u32 $0x19, v7;
	[tilespmem:s23+$0x330] =	vst v12;
	v14 =	vld.idx.msk [tilespmem:v24+s12+$0x0], $0xffff  }
0x72e: {  	v29 =	vor.u32 $0x1A, v8;
	v33 =	vld.idx.msk [tilespmem:v28+s12+$0x0], $0xffff;
	[tilespmem:s26+$0x310] =	vst v10  }
0x72f: {  	v35 =	vor.u32 $0x1B, v4;
	v15 =	vld.idx.msk [tilespmem:v25+s12+$0x0], $0xffff;
	[tilespmem:s26+$0xFFFFFF10] =	vst v16  }
0x730: {  	v30 =	vor.u32 $0x1A, v3;
	v1 =	vld.idx.msk [tilespmem:v1+s12+$0x0], $0xffff;
	[tilespmem:s29+$0xFFFFFF10] =	vst v2  }
0x731: {  	v31 =	vor.u32 $0x1A, v6;
	[tilespmem:s29+$0x310] =	vst v9;
	v32 =	vld.idx.msk [tilespmem:v27+s12+$0x0], $0xffff  }
0x732: {  	v34 =	vor.u32 $0x1A, v5;
	[tilespmem:s23+$0xFFFFFF30] =	vst v14;
	v11 =	vld.idx.msk [tilespmem:v26+s12+$0x0], $0xffff  }
0x733: {  	[tilespmem:s23+$0x350] =	vst v33;
	v2 =	vor.u32 $0x1A, v7;
	v10 =	vld.idx.msk [tilespmem:v29+s12+$0x0], $0xffff  }
0x734: {  	v36 =	vor.u32 $0x1B, v8;
	v40 =	vld.idx.msk [tilespmem:v35+s12+$0x0], $0xffff;
	[tilespmem:s26+$0x330] =	vst v15  }
0x735: {  	v42 =	vor.u32 $0x1C, v4;
	v16 =	vld.idx.msk [tilespmem:v30+s12+$0x0], $0xffff;
	[tilespmem:s26+$0xFFFFFF30] =	vst v1  }
0x736: {  	v1 =	vor.u32 $0x1B, v3;
	v9 =	vld.idx.msk [tilespmem:v31+s12+$0x0], $0xffff;
	[tilespmem:s29+$0xFFFFFF30] =	vst v32  }
0x737: {  	v37 =	vor.u32 $0x1B, v6;
	[tilespmem:s29+$0x330] =	vst v11;
	v39 =	vld.idx.msk [tilespmem:v34+s12+$0x0], $0xffff  }
0x738: {  	v41 =	vor.u32 $0x1B, v5;
	[tilespmem:s23+$0xFFFFFF50] =	vst v10;
	v2 =	vld.idx.msk [tilespmem:v2+s12+$0x0], $0xffff  }
0x739: {  	v38 =	vor.u32 $0x1B, v7;
	[tilespmem:s23+$0x370] =	vst v40;
	v15 =	vld.idx.msk [tilespmem:v36+s12+$0x0], $0xffff  }
0x73a: {  	v43 =	vor.u32 $0x1C, v8;
	v14 =	vld.idx.msk [tilespmem:v42+s12+$0x0], $0xffff;
	[tilespmem:s26+$0x350] =	vst v16  }
0x73b: {  	v47 =	vor.u32 $0x1D, v4;
	v1 =	vld.idx.msk [tilespmem:v1+s12+$0x0], $0xffff;
	[tilespmem:s26+$0xFFFFFF50] =	vst v9  }
0x73c: {  	v44 =	vor.u32 $0x1C, v3;
	v11 =	vld.idx.msk [tilespmem:v37+s12+$0x0], $0xffff;
	[tilespmem:s29+$0xFFFFFF50] =	vst v39  }
0x73d: {  	[tilespmem:s29+$0x350] =	vst v2;
	v2 =	vor.u32 $0x1C, v6;
	v10 =	vld.idx.msk [tilespmem:v41+s12+$0x0], $0xffff  }
0x73e: {  	v46 =	vor.u32 $0x1C, v5;
	[tilespmem:s23+$0xFFFFFF70] =	vst v15;
	v12 =	vld.idx.msk [tilespmem:v38+s12+$0x0], $0xffff  }
0x73f: {  	v45 =	vor.u32 $0x1C, v7;
	[tilespmem:s23+$0x390] =	vst v14;
	v16 =	vld.idx.msk [tilespmem:v43+s12+$0x0], $0xffff  }
0x740: {  	v52 =	vld.idx.msk [tilespmem:v47+s12+$0x0], $0xffff;
	[tilespmem:s26+$0x370] =	vst v1;
	v1 =	vor.u32 $0x1D, v8  }
0x741: {  	v9 =	vld.idx.msk [tilespmem:v44+s12+$0x0], $0xffff;
	[tilespmem:s26+$0xFFFFFF70] =	vst v11  }
0x742: {  	v48 =	vor.u32 $0x1D, v3;
	v2 =	vld.idx.msk [tilespmem:v2+s12+$0x0], $0xffff;
	[tilespmem:s29+$0xFFFFFF70] =	vst v10  }
0x743: {  	v49 =	vor.u32 $0x1D, v6;
	[tilespmem:s29+$0x370] =	vst v12;
	v51 =	vld.idx.msk [tilespmem:v46+s12+$0x0], $0xffff  }
0x744: {  	v53 =	vor.u32 $0x1D, v5;
	[tilespmem:s23+$0xFFFFFF90] =	vst v16;
	v13 =	vld.idx.msk [tilespmem:v45+s12+$0x0], $0xffff  }
0x745: {  	v50 =	vor.u32 $0x1D, v7;
	[tilespmem:s23+$0x3B0] =	vst v52;
	v1 =	vld.idx.msk [tilespmem:v1+s12+$0x0], $0xffff  }
0x746: {  	v54 =	vor.u32 $0x1E, v4;
	[tilespmem:s26+$0x390] =	vst v9  }
0x747: {  	v55 =	vor.u32 $0x1E, v8;
	v11 =	vld.idx.msk [tilespmem:v48+s12+$0x0], $0xffff;
	[tilespmem:s26+$0xFFFFFF90] =	vst v2  }
0x748: {  	v2 =	vor.u32 $0x1E, v3;
	v12 =	vld.idx.msk [tilespmem:v49+s12+$0x0], $0xffff;
	[tilespmem:s29+$0xFFFFFF90] =	vst v51  }
0x749: {  	v56 =	vor.u32 $0x1E, v6;
	[tilespmem:s29+$0x390] =	vst v13;
	v58 =	vld.idx.msk [tilespmem:v53+s12+$0x0], $0xffff  }
0x74a: {  	[tilespmem:s23+$0xFFFFFFB0] =	vst v1;
	v1 =	vor.u32 $0x1E, v5;
	v10 =	vld.idx.msk [tilespmem:v50+s12+$0x0], $0xffff  }
0x74b: {  	v57 =	vor.u32 $0x1E, v7;
	v59 =	vld.idx.msk [tilespmem:v54+s12+$0x0], $0xffff  }
0x74c: {  	v60 =	vor.u32 $0x1F, v4;
	v9 =	vld.idx.msk [tilespmem:v55+s12+$0x0], $0xffff;
	[tilespmem:s26+$0x3B0] =	vst v11  }
0x74d: {  	v61 =	vor.u32 $0x1F, v8;
	v2 =	vld.idx.msk [tilespmem:v2+s12+$0x0], $0xffff;
	[tilespmem:s26+$0xFFFFFFB0] =	vst v12  }
0x74e: {  	v3 =	vor.u32 $0x1F, v3;
	v62 =	vld.idx.msk [tilespmem:v56+s12+$0x0], $0xffff;
	[tilespmem:s29+$0xFFFFFFB0] =	vst v58  }
0x74f: {  	v6 =	vor.u32 $0x1F, v6;
	[tilespmem:s29+$0x3B0] =	vst v10;
	v1 =	vld.idx.msk [tilespmem:v1+s12+$0x0], $0xffff  }
0x750: {  	[tilespmem:s23+$0x3D0] =	vst v59;
	v5 =	vor.u32 $0x1F, v5;
	v10 =	vld.idx.msk [tilespmem:v57+s12+$0x0], $0xffff  }
0x751: {  	v7 =	vor.u32 $0x1F, v7;
	v4 =	vld.idx.msk [tilespmem:v60+s12+$0x0], $0xffff;
	[tilespmem:s23+$0xFFFFFFD0] =	vst v9  }
0x752: {  	v8 =	vld.idx.msk [tilespmem:v61+s12+$0x0], $0xffff;
	[tilespmem:s26+$0x3D0] =	vst v2  }
0x753: {  	v2 =	vld.idx.msk [tilespmem:v3+s12+$0x0], $0xffff;
	[tilespmem:s26+$0xFFFFFFD0] =	vst v62  }
0x754: {  	v3 =	vld.idx.msk [tilespmem:v6+s12+$0x0], $0xffff;
	[tilespmem:s29+$0xFFFFFFD0] =	vst v1  }
0x755: {  	[tilespmem:s29+$0x3D0] =	vst v10;
	v1 =	vld.idx.msk [tilespmem:v5+s12+$0x0], $0xffff  }
0x756: {  	[tilespmem:s23+$0x3F0] =	vst v4;
	v63 =	vld.idx.msk [tilespmem:v7+s12+$0x0], $0xffff  }
0x757: {  	[tilespmem:s23+$0xFFFFFFF0] =	vst v8  }
0x758: {  	[tilespmem:s26+$0x3F0] =	vst v2  }
0x759: {  	s20 =	sshll.u32 s20, $0x2;
	[tilespmem:s26+$0xFFFFFFF0] =	vst v3  }
0x75a: {  	s21 =	sadd.s32 s2, s21;
	s20 =	sand.u32 $0xC, s20;
	[tilespmem:s29+$0xFFFFFFF0] =	vst v1  }
0x75b: {  	s20 =	sadd.s32 s20, s21;
	s21 =	simm.s32 $0x400;
	s31 =	simm.s32 $0x16C00;
	[tilespmem:s29+$0x3F0] =	vst v63  }
0x75c: {  	[hbm4b:s20+s13] =	stream.strided.scatter [tilespmem:s31], [sflag:$0x4], $0x100, s14, s13, $0x38;
	[tilespmem:$0x1D400] =	vst v63  }
.LBB2_13:
0x75d: {  	p0 =	sne.s32 s21, $0x19C00  }
.Ltmp6:
0x75e: {  	_ = 	snop;
	(pc) =	sbr.rel @p0 .LBB2_13-.Ltmp6, $4  }
0x75f: {  	_ = 	snop  }
0x760: {  	s22 =	sshra.s32 s21, $0x2;
	s21 =	sadd.s32 $0x400, s21  }
0x761: {  	s20 =	sadd.s32 $0x4000, s20;
	s22 =	sadd.s32 $0x16C00, s22  }
0x762: {  	[hbm4b:s20+s13] =	stream.strided.scatter [tilespmem:s22], [sflag:$0x4], $0x100, s14, s13, $0x38;
	[tilespmem:$0x1D400] =	vst v63  }
0x763: {  	s19 =	sadd.s32 $0x1, s19  }
0x764: {  	p0 =	sne.s32 s19, $0x8  }
.Ltmp7:
0x765: {  	_ = 	snop;
	(pc) =	sbr.rel @p0 .LBB2_2-.Ltmp7, $1  }
0x766: {  	_ =	sdelay $0x3  }
0x767: {  	s18 =	sadd.s32 $0x1, s18  }
0x768: {  	_ =	swait.ge [sflag:s17], $0x6800;
	p0 =	sne.s32 s18, s7  }
.Ltmp8:
0x769: {  	[sflag:s17] =	ssyncset.done $0x0;
	(pc) =	sbr.rel @p0 .LBB2_1-.Ltmp8, $4  }
0x76a: {  	[sflag:s17] =	ssyncadd.s32 $0xFFFF9800  }
0x76b: {  	_ =	swait.ge [sflag:s16], $0x6800  }
0x76c: {  	[sflag:s16] =	ssyncset.done $0x0  }
0x76d: {  	[sflag:s16] =	ssyncadd.s32 $0xFFFF9800  }
0x76e: {  	_ =	sfence.sel $0x180000  }
0x76f: {  	[bflag:$0x0] =	sbarrier.arrive $0xFFFF  }
0x770: {  	p0 =	sne.s32 s0, $0x0;
	_ =	strace $0x90000047  }
0x771: {  	s0 =	sadd.s32 @!p0 $0x100000, s1;
	[bflag:$0x2] =	sbarrier.arrive $0xFFFF  }
0x772: {  	[sflag:s0] =	ssyncadd.tile.s32 @!p0 $0x1;
	_ =	shalt  }
.Lfunc_end2:
_tile_overlayer_lowered:
.L_overlay_start_2:
0x773: {  	(tag) =	ssettag $0x2  }
0x774: {  	s0 =	rddreg [dreg:$0x0];
	s2 =	stileid.u32  }
0x775: {  	s1 =	rddreg [dreg:$0x1];
	p0 =	sne.s32 s2, $0x0  }
0x776: {  	s3 =	rddreg [dreg:$0x2];
	[bflag:$0x3] =	sbarrier.arrive $0xFFFF;
	s2 =	simm.s32 @!p0 $0x1C05  }
0x777: {  	[timem:s3], [sflag:s2] =	dma.local @!p0 [hbm:s0], s1  }
0x778: {  	s0 =	simm.s32 @!p0 $0x5  }
0x779: {  	_ =	swait.ge @!p0 [sflag:s0], s1  }
0x77a: {  	s1 =	ssub.s32 @!p0 $0x0, s1;
	[sflag:s0] =	ssyncset.done @!p0 $0x0  }
0x77b: {  	[sflag:s0] =	ssyncadd.s32 @!p0 s1  }
0x77c: {  	[bflag:$0x3] =	sbarrier.arrive $0xFFFF  }
0x77d: {  	_ =	shalt  }

</sc_bundles>
